<compile_context>
chip_gen: v7x
topology: tpu7x:2x2x1
jax: 0.10.2.dev20260603
libtpu: 0.0.44.dev20260713+nightly
codegen_flags: <defaults>
</compile_context>

<pallas_src>
import functools

import jax
import jax.numpy as jnp
from jax import lax
from jax.experimental import pallas as pl
from jax.experimental.pallas import tpu as pltpu
from jax.experimental.pallas import tpu_sc as plsc

B = 16384
D = 128
H = 128
G = 4 * H
BLK = 2048
HB = B // 2
NBH = HB // BLK
MROWS = 128
MCOLS = B // MROWS


def _sigmoid(z):
    return 0.5 * jnp.tanh(z * 0.5) + 0.5


def _tc_body_a(x_r, h_r, c_r, mblk_r, m2d_r, wih_r, whh_r, b1_r, b2_r, xo_al_r,
               xo_r, hc_r, pos_r, validv_r, valid_s):
    i = pl.program_id(0)

    @pl.when(i == 0)
    def _compute_pos():
        mf = m2d_r[...].astype(jnp.float32)
        row = lax.broadcasted_iota(jnp.int32, (MROWS, MCOLS), 0).astype(jnp.float32)
        col = lax.broadcasted_iota(jnp.int32, (MROWS, MCOLS), 1).astype(jnp.float32)
        lt = (row <= col).astype(jnp.float32)
        sl = (col < row).astype(jnp.float32)
        t = lax.dot_general(mf, lt, (((1,), (0,)), ((), ())),
                            preferred_element_type=jnp.float32)
        rowsum = t[:, MCOLS - 1:MCOLS]
        rowoff = lax.dot_general(sl, rowsum, (((1,), (0,)), ((), ())),
                                 preferred_element_type=jnp.float32)
        a = t + rowoff
        valid = jnp.sum(mf)
        valid_s[0] = valid
        validv_r[...] = jnp.reshape(valid, (1, 1))
        bidx = row * float(MCOLS) + col
        posf = jnp.where(mf > 0.0, a - 1.0, valid + bidx - a)
        pos_r[...] = posf.astype(jnp.int32)

    _lstm_block(x_r, h_r, c_r, mblk_r, wih_r, whh_r, b1_r, b2_r,
                xo_r, hc_r, valid_s[0])


def _tc_body_b(x_r, h_r, c_r, mblk_r, wih_r, whh_r, b1_r, b2_r, validv_r,
               xo_al_r, xo_r, hc_r):
    _lstm_block(x_r, h_r, c_r, mblk_r, wih_r, whh_r, b1_r, b2_r,
                xo_r, hc_r, validv_r[...])


def _lstm_block(x_r, h_r, c_r, mblk_r, wih_r, whh_r, b1_r, b2_r,
                xo_r, hc_r, valid):
    special = jnp.logical_or(valid == 0.0, valid == float(B))
    x = x_r[...]
    h = h_r[...]
    c = c_r[...]
    gates = (lax.dot_general(x, wih_r[...], (((1,), (1,)), ((), ())),
                             preferred_element_type=jnp.float32)
             + lax.dot_general(h, whh_r[...], (((1,), (1,)), ((), ())),
                               preferred_element_type=jnp.float32)
             + b1_r[...] + b2_r[...])
    ig = _sigmoid(gates[:, 0:H])
    fg = _sigmoid(gates[:, H:2 * H])
    gg = jnp.tanh(gates[:, 2 * H:3 * H])
    og = _sigmoid(gates[:, 3 * H:4 * H])
    c1 = fg * c + ig * gg
    h1 = og * jnp.tanh(c1)

    mt = jnp.transpose(mblk_r[...], (1, 0))
    nsub = BLK // 128
    for j in range(nsub):
        sl = slice(j * 128, (j + 1) * 128)
        m = mt[:, j:j + 1] > 0
        xo_r[sl, :] = jnp.where(special, x[sl, :],
                                jnp.where(m, h1[sl, :], 0.0))
        hmv = jnp.where(m, h1[sl, :], h[sl, :])
        cmv = jnp.where(m, c1[sl, :], c[sl, :])
        hbv = lax.bitcast_convert_type(hmv.astype(jnp.bfloat16),
                                       jnp.uint16).astype(jnp.uint32)
        cbv = lax.bitcast_convert_type(cmv.astype(jnp.bfloat16),
                                       jnp.uint16).astype(jnp.uint32)
        hc_r[sl, :] = (hbv << 16) | cbv


def _tc_half(half, x2, h2, c2, m2d, wih, whh, b1, b2, xo_in, validv=None):
    off = half * NBH
    full = lambda shape: pl.BlockSpec(shape, lambda i: (0, 0))
    gblk = pl.BlockSpec((BLK, 128), lambda i: (i + off, 0))
    hblk = pl.BlockSpec((BLK, 128), lambda i: (i, 0))
    mblk = pl.BlockSpec((BLK // 128, MCOLS), lambda i: (i + off, 0))
    half_out = [
        jax.ShapeDtypeStruct((B, H), jnp.float32),
        jax.ShapeDtypeStruct((HB, H), jnp.uint32),
    ]
    anyspec = pl.BlockSpec(memory_space=pl.ANY)
    if half == 0:
        return pl.pallas_call(
            _tc_body_a,
            grid=(NBH,),
            in_specs=[gblk, gblk, gblk, mblk, full((MROWS, MCOLS)),
                      full((G, D)), full((G, H)), full((1, G)), full((1, G)),
                      anyspec],
            out_specs=[gblk, hblk, full((MROWS, MCOLS)), full((1, 1))],
            out_shape=half_out + [
                jax.ShapeDtypeStruct((MROWS, MCOLS), jnp.int32),
                jax.ShapeDtypeStruct((1, 1), jnp.float32),
            ],
            input_output_aliases={9: 0},
            scratch_shapes=[pltpu.SMEM((1,), jnp.float32)],
        )(x2, h2, c2, m2d, m2d, wih, whh, b1, b2, xo_in)
    return pl.pallas_call(
        _tc_body_b,
        grid=(NBH,),
        in_specs=[gblk, gblk, gblk, mblk,
                  full((G, D)), full((G, H)), full((1, G)), full((1, G)),
                  full((1, 1)), anyspec],
        out_specs=[gblk, hblk],
        out_shape=half_out,
        input_output_aliases={9: 0},
    )(x2, h2, c2, m2d, wih, whh, b1, b2, validv, xo_in)


def _sc_scatter_half(half, hc, pos2d, h_ref, c_ref):
    mesh = plsc.VectorSubcoreMesh(core_axis_name="c", subcore_axis_name="s")
    nw = mesh.num_cores * mesh.num_subcores
    rpw = HB // nw
    chunks = rpw // 128
    prow_off = half * (HB // MCOLS)

    @functools.partial(
        pl.kernel,
        out_type=(),
        mesh=mesh,
        scratch_types=[
            pltpu.VMEM((chunks, 128), jnp.int32),
            pltpu.VMEM((chunks, 128, H), jnp.uint32),
            pltpu.VMEM((chunks, 128, H), jnp.float32),
            pltpu.VMEM((chunks, 128, H), jnp.float32),
            pltpu.SemaphoreType.DMA,
            pltpu.SemaphoreType.DMA,
        ],
    )
    def scatter(hc_hbm, pos_hbm, hout_hbm, cout_hbm,
                pos_v, inb, hb, cb, sem_in, sem_out):
        wid = lax.axis_index("s") * mesh.num_cores + lax.axis_index("c")
        base = wid * rpw
        pltpu.sync_copy(pos_hbm.at[pl.ds(prow_off + wid * chunks, chunks)],
                        pos_v)
        loads = [pltpu.async_copy(hc_hbm.at[pl.ds(base + j * 128, 128)],
                                  inb.at[j], sem_in)
                 for j in range(chunks)]
        outs = []
        for j in range(chunks):
            loads[j].wait()

            def row_body(r, _, j=j):
                for g in range(H // 16):
                    v = inb[j, r, pl.ds(g * 16, 16)]
                    hb[j, r, pl.ds(g * 16, 16)] = lax.bitcast_convert_type(
                        v & jnp.uint32(0xFFFF0000), jnp.float32)
                    cb[j, r, pl.ds(g * 16, 16)] = lax.bitcast_convert_type(
                        v << 16, jnp.float32)
                return 0

            lax.fori_loop(0, 128, row_body, 0)
            outs.append(pltpu.async_copy(hb.at[j], hout_hbm.at[pos_v.at[j]],
                                         sem_out))
            outs.append(pltpu.async_copy(cb.at[j], cout_hbm.at[pos_v.at[j]],
                                         sem_out))
        for cp in outs:
            cp.wait()

    scatter(hc, pos2d, h_ref, c_ref)


def kernel(x, mask, h0, c0, W_ih, W_hh, b_ih, b_hh):
    x2 = x.reshape(B, D)
    h2 = h0.reshape(B, H)
    c2 = c0.reshape(B, H)
    m2d = mask.reshape(MROWS, MCOLS)
    b1 = b_ih.reshape(1, G)
    b2 = b_hh.reshape(1, G)

    xo0 = pl.empty((B, H), jnp.float32)
    xo1, hc_a, pos2d, validv = _tc_half(0, x2, h2, c2, m2d, W_ih, W_hh,
                                        b1, b2, xo0)
    xo, hc_b = _tc_half(1, x2, h2, c2, m2d, W_ih, W_hh, b1, b2, xo1, validv)

    h_ref = jax.new_ref(pl.empty((B, H), jnp.float32))
    c_ref = jax.new_ref(pl.empty((B, H), jnp.float32))
    _sc_scatter_half(0, hc_a, pos2d, h_ref, c_ref)
    _sc_scatter_half(1, hc_b, pos2d, h_ref, c_ref)
    h_out = jax.freeze(h_ref)
    c_out = jax.freeze(c_ref)

    return (xo.reshape(B, 1, H),
            h_out.reshape(1, B, H),
            c_out.reshape(1, B, H))

# --- scband reference (transcript-rebuilt; emitter-appended) ---
"""Pipeline reference for scband-decoder-50079318671630 (READ-ONLY COPY).

The authoritative reference and input builder live on the scoring server;
editing this copy changes nothing except your own understanding.
"""

import jax, jax.numpy as jnp
import numpy as np

B, D, H = 16384, 128, 128


def setup_inputs(seed: int = 0) -> dict:
    key = jax.random.key(seed)
    ks = jax.random.split(key, 8)
    x = jax.random.normal(ks[0], (B, 1, D), dtype=jnp.float32)
    mask = jax.random.randint(ks[1], (B,), 0, 2, dtype=jnp.int32)
    h0 = jax.random.normal(ks[2], (1, B, H), dtype=jnp.float32)
    c0 = jax.random.normal(ks[3], (1, B, H), dtype=jnp.float32)
    W_ih = jax.random.normal(ks[4], (4 * H, D), dtype=jnp.float32) * 0.05
    W_hh = jax.random.normal(ks[5], (4 * H, H), dtype=jnp.float32) * 0.05
    b_ih = jnp.zeros((4 * H,), dtype=jnp.float32)
    b_hh = jnp.zeros((4 * H,), dtype=jnp.float32)
    return {"x": x, "mask": mask, "h0": h0, "c0": c0,
            "W_ih": W_ih, "W_hh": W_hh, "b_ih": b_ih, "b_hh": b_hh}


def reference(x, mask, h0, c0, W_ih, W_hh, b_ih, b_hh):
    # mask: binary {0,1} activity flag per sequence; one decoding step (seq_len == 1).
    Bsz = x.shape[0]
    valid_len = jnp.sum(mask)
    # stable descending sort of mask (matches torch sort + unperm bookkeeping)
    perm = jnp.argsort(-mask)
    unperm = jnp.argsort(perm)
    xs = x[perm]                       # [B, 1, D]
    h_s = h0[:, perm, :]               # [1, B, H]
    c_s = c0[:, perm, :]
    active = mask[perm] > 0            # [B] sorted activity flags
    xa = xs[:, 0, :]                   # [B, D] all rows (active rows lead)
    ha = h_s[0, :, :]                  # [B, H]
    ca = c_s[0, :, :]
    # single LSTM cell step (PyTorch gate order i, f, g, o)
    gates = xa @ W_ih.T + b_ih + ha @ W_hh.T + b_hh
    i, f, g, o = jnp.split(gates, 4, axis=-1)
    i = jax.nn.sigmoid(i)
    f = jax.nn.sigmoid(f)
    g = jnp.tanh(g)
    o = jax.nn.sigmoid(o)
    c1 = f * ca + i * g
    h1 = o * jnp.tanh(c1)
    unpacked = jnp.where(active[:, None, None], h1[:, None, :],
                         jnp.zeros_like(h1[:, None, :]))  # [B, 1, H]
    x_mid = unpacked[unperm]           # dropout in eval mode == identity
    h_mid = jnp.where(active[None, :, None], h1[None, :, :], h_s)  # [1, B, H]
    c_mid = jnp.where(active[None, :, None], c1[None, :, :], c_s)
    all_zero = valid_len == 0
    all_one = valid_len == Bsz
    # torch code leaves x unchanged when nothing is packed out or all rows active;
    # all-active case yields the identity permutation, so h_mid/c_mid already match.
    x_out = jnp.where(jnp.logical_or(all_zero, all_one), x, x_mid)
    h_out = jnp.where(all_zero, h0, h_mid)
    c_out = jnp.where(all_zero, c0, c_mid)
    return x_out, h_out, c_out

if __name__ == "__main__":
    import jax
    _d = setup_inputs()
    print(jax.jit(kernel)(*tuple(_d.values())))

</pallas_src>

<mosaic_0001>
#map = affine_map<(d0, d1) -> (0, 0)>
module attributes {stable_mosaic.version = 14 : i64} {
  func.func @new_body(%arg0: i32, %arg1: i32, %arg2: memref<8192x128xi32, #tpu.memory_space<hbm>>, %arg3: memref<128x128xi32, #tpu.memory_space<hbm>>, %arg4: memref<16384x128xf32, #tpu.memory_space<hbm>>, %arg5: memref<16384x128xf32, #tpu.memory_space<hbm>>, %arg6: memref<16384x128xf32, #tpu.memory_space<hbm>>, %arg7: memref<16384x128xf32, #tpu.memory_space<hbm>>, %arg8: memref<2x128xi32, #tpu.memory_space<vmem>>, %arg9: memref<2x128x128xi32, #tpu.memory_space<vmem>>, %arg10: memref<2x128x128xf32, #tpu.memory_space<vmem>>, %arg11: memref<2x128x128xf32, #tpu.memory_space<vmem>>, %arg12: memref<!tpu.dma_semaphore, #tpu.memory_space<semaphore_mem>>, %arg13: memref<!tpu.dma_semaphore, #tpu.memory_space<semaphore_mem>>) attributes {dimension_semantics = [#tpu.dimension_semantics<core_parallel>, #tpu.dimension_semantics<subcore_parallel>], iteration_bounds = array<i64: 2, 16>, scalar_prefetch = 0 : i64, scratch_operands = 6 : i64, tpu.core_type = #tpu.core_type<sc_vector_subcore>, window_params = [{transform_indices = #map}, {transform_indices = #map}, {transform_indices = #map}, {transform_indices = #map}, {transform_indices = #map}, {transform_indices = #map}]} {
    %mul3A = arith.constant 2 : i32
    %mul3A_0 = arith.muli %arg1, %mul3A : i32
    %add3A = arith.addi %mul3A_0, %arg0 : i32
    %mul3A_1 = arith.constant 256 : i32
    %mul3A_2 = arith.muli %add3A, %mul3A_1 : i32
    %mul3A_3 = arith.constant 2 : i32
    %mul3A_4 = arith.muli %add3A, %mul3A_3 : i32
    %add3A_5 = arith.constant 0 : i32
    %add3A_6 = arith.addi %add3A_5, %mul3A_4 : i32
    "tpu.region"() ({
      %run_scoped3A = tpu.sem_alloc : memref<!tpu.dma_semaphore, #tpu.memory_space<semaphore_mem>>
      %dma_start3A_170 = arith.constant 0 : i32
      %dma_start3A_171 = tpu.memref_slice %arg3[%add3A_6, %dma_start3A_170] : memref<128x128xi32, #tpu.memory_space<hbm>> -> memref<2x128xi32, #tpu.memory_space<hbm>>
      %dma_start3A_172 = arith.constant 0 : i32
      %dma_start3A_173 = tpu.memref_slice %arg3[%add3A_6, %dma_start3A_172] : memref<128x128xi32, #tpu.memory_space<hbm>> -> memref<2x128xi32, #tpu.memory_space<hbm>>
      tpu.enqueue_dma source(%dma_start3A_173 : memref<2x128xi32, #tpu.memory_space<hbm>>) target(%arg8 : memref<2x128xi32, #tpu.memory_space<vmem>>) target_semaphore(%run_scoped3A : memref<!tpu.dma_semaphore, #tpu.memory_space<semaphore_mem>>)
      %dma_wait3A_174 = arith.constant 0 : i32
      %dma_wait3A_175 = tpu.memref_slice %arg3[%add3A_6, %dma_wait3A_174] : memref<128x128xi32, #tpu.memory_space<hbm>> -> memref<2x128xi32, #tpu.memory_space<hbm>>
      %dma_wait3A_176 = arith.constant 0 : i32
      %dma_wait3A_177 = tpu.memref_slice %arg3[%add3A_6, %dma_wait3A_176] : memref<128x128xi32, #tpu.memory_space<hbm>> -> memref<2x128xi32, #tpu.memory_space<hbm>>
      tpu.wait_dma2 semaphore(%run_scoped3A : memref<!tpu.dma_semaphore, #tpu.memory_space<semaphore_mem>>) src(%dma_wait3A_177 : memref<2x128xi32, #tpu.memory_space<hbm>>) dst(%arg8 : memref<2x128xi32, #tpu.memory_space<vmem>>)
      tpu.yield
    }) : () -> ()
    %add3A_7 = arith.constant 0 : i32
    %add3A_8 = arith.addi %mul3A_2, %add3A_7 : i32
    %dma_start3A = arith.constant 0 : i32
    %dma_start3A_9 = arith.constant 0 : i32
    %dma_start3A_10 = arith.constant 0 : i32
    %dma_start3A_11 = tpu.memref_slice %arg9[%dma_start3A, %dma_start3A_9, %dma_start3A_10] : memref<2x128x128xi32, #tpu.memory_space<vmem>> -> memref<1x128x128xi32, #tpu.memory_space<vmem>>
    %dma_start3A_12 = tpu.memref_squeeze %dma_start3A_11 : memref<1x128x128xi32, #tpu.memory_space<vmem>> -> memref<128x128xi32, #tpu.memory_space<vmem>>
    %dma_start3A_13 = arith.constant 0 : i32
    %dma_start3A_14 = tpu.memref_slice %arg2[%add3A_8, %dma_start3A_13] : memref<8192x128xi32, #tpu.memory_space<hbm>> -> memref<128x128xi32, #tpu.memory_space<hbm>>
    %dma_start3A_15 = arith.constant 0 : i32
    %dma_start3A_16 = arith.constant 0 : i32
    %dma_start3A_17 = tpu.memref_slice %arg9[%dma_start3A, %dma_start3A_15, %dma_start3A_16] : memref<2x128x128xi32, #tpu.memory_space<vmem>> -> memref<1x128x128xi32, #tpu.memory_space<vmem>>
    %dma_start3A_18 = tpu.memref_squeeze %dma_start3A_17 : memref<1x128x128xi32, #tpu.memory_space<vmem>> -> memref<128x128xi32, #tpu.memory_space<vmem>>
    %dma_start3A_19 = arith.constant 0 : i32
    %dma_start3A_20 = tpu.memref_slice %arg2[%add3A_8, %dma_start3A_19] : memref<8192x128xi32, #tpu.memory_space<hbm>> -> memref<128x128xi32, #tpu.memory_space<hbm>>
    tpu.enqueue_dma source(%dma_start3A_20 : memref<128x128xi32, #tpu.memory_space<hbm>>) target(%dma_start3A_18 : memref<128x128xi32, #tpu.memory_space<vmem>>) target_semaphore(%arg12 : memref<!tpu.dma_semaphore, #tpu.memory_space<semaphore_mem>>)
    %add3A_21 = arith.constant 128 : i32
    %add3A_22 = arith.addi %mul3A_2, %add3A_21 : i32
    %dma_start3A_23 = arith.constant 1 : i32
    %dma_start3A_24 = arith.constant 0 : i32
    %dma_start3A_25 = arith.constant 0 : i32
    %dma_start3A_26 = tpu.memref_slice %arg9[%dma_start3A_23, %dma_start3A_24, %dma_start3A_25] : memref<2x128x128xi32, #tpu.memory_space<vmem>> -> memref<1x128x128xi32, #tpu.memory_space<vmem>>
    %dma_start3A_27 = tpu.memref_squeeze %dma_start3A_26 : memref<1x128x128xi32, #tpu.memory_space<vmem>> -> memref<128x128xi32, #tpu.memory_space<vmem>>
    %dma_start3A_28 = arith.constant 0 : i32
    %dma_start3A_29 = tpu.memref_slice %arg2[%add3A_22, %dma_start3A_28] : memref<8192x128xi32, #tpu.memory_space<hbm>> -> memref<128x128xi32, #tpu.memory_space<hbm>>
    %dma_start3A_30 = arith.constant 0 : i32
    %dma_start3A_31 = arith.constant 0 : i32
    %dma_start3A_32 = tpu.memref_slice %arg9[%dma_start3A_23, %dma_start3A_30, %dma_start3A_31] : memref<2x128x128xi32, #tpu.memory_space<vmem>> -> memref<1x128x128xi32, #tpu.memory_space<vmem>>
    %dma_start3A_33 = tpu.memref_squeeze %dma_start3A_32 : memref<1x128x128xi32, #tpu.memory_space<vmem>> -> memref<128x128xi32, #tpu.memory_space<vmem>>
    %dma_start3A_34 = arith.constant 0 : i32
    %dma_start3A_35 = tpu.memref_slice %arg2[%add3A_22, %dma_start3A_34] : memref<8192x128xi32, #tpu.memory_space<hbm>> -> memref<128x128xi32, #tpu.memory_space<hbm>>
    tpu.enqueue_dma source(%dma_start3A_35 : memref<128x128xi32, #tpu.memory_space<hbm>>) target(%dma_start3A_33 : memref<128x128xi32, #tpu.memory_space<vmem>>) target_semaphore(%arg12 : memref<!tpu.dma_semaphore, #tpu.memory_space<semaphore_mem>>)
    %dma_wait3A = arith.constant 0 : i32
    %dma_wait3A_36 = arith.constant 0 : i32
    %dma_wait3A_37 = arith.constant 0 : i32
    %dma_wait3A_38 = tpu.memref_slice %arg9[%dma_wait3A, %dma_wait3A_36, %dma_wait3A_37] : memref<2x128x128xi32, #tpu.memory_space<vmem>> -> memref<1x128x128xi32, #tpu.memory_space<vmem>>
    %dma_wait3A_39 = tpu.memref_squeeze %dma_wait3A_38 : memref<1x128x128xi32, #tpu.memory_space<vmem>> -> memref<128x128xi32, #tpu.memory_space<vmem>>
    %dma_wait3A_40 = arith.constant 0 : i32
    %dma_wait3A_41 = tpu.memref_slice %arg2[%add3A_8, %dma_wait3A_40] : memref<8192x128xi32, #tpu.memory_space<hbm>> -> memref<128x128xi32, #tpu.memory_space<hbm>>
    %dma_wait3A_42 = arith.constant 0 : i32
    %dma_wait3A_43 = arith.constant 0 : i32
    %dma_wait3A_44 = tpu.memref_slice %arg9[%dma_wait3A, %dma_wait3A_42, %dma_wait3A_43] : memref<2x128x128xi32, #tpu.memory_space<vmem>> -> memref<1x128x128xi32, #tpu.memory_space<vmem>>
    %dma_wait3A_45 = tpu.memref_squeeze %dma_wait3A_44 : memref<1x128x128xi32, #tpu.memory_space<vmem>> -> memref<128x128xi32, #tpu.memory_space<vmem>>
    %dma_wait3A_46 = arith.constant 0 : i32
    %dma_wait3A_47 = tpu.memref_slice %arg2[%add3A_8, %dma_wait3A_46] : memref<8192x128xi32, #tpu.memory_space<hbm>> -> memref<128x128xi32, #tpu.memory_space<hbm>>
    tpu.wait_dma2 semaphore(%arg12 : memref<!tpu.dma_semaphore, #tpu.memory_space<semaphore_mem>>) src(%dma_wait3A_47 : memref<128x128xi32, #tpu.memory_space<hbm>>) dst(%dma_wait3A_45 : memref<128x128xi32, #tpu.memory_space<vmem>>)
    %scan3A = arith.constant 0 : i32
    %scan3A_48 = arith.constant 0 : i32
    %scan3A_49 = arith.constant 128 : i32
    %scan3A_50 = arith.addi %scan3A_48, %scan3A_49 : i32
    %scan3A_51 = arith.constant 1 : i32
    %scan3A_52 = scf.for %scan3A_170 = %scan3A_48 to %scan3A_50 step %scan3A_51 iter_args(%scan3A_171 = %scan3A) -> (i32)  : i32 {
      %get3A = arith.constant 0 : i32
      %get3A_172 = arith.index_cast %get3A : i32 to index
      %get3A_173 = arith.index_cast %scan3A_170 : i32 to index
      %get3A_174 = arith.constant 0 : index
      %get3A_175 = tpu.vector_load %arg9[%get3A_172, %get3A_173, %get3A_174] {strides = array<i32>} : memref<2x128x128xi32, #tpu.memory_space<vmem>>, vector<1x1x16xi32>,
      %get3A_176 = vector.shape_cast %get3A_175 : vector<1x1x16xi32> to vector<16xi32>
      %and3A = arith.constant -65536 : i32
      %and3A_177 = vector.broadcast %and3A : i32 to vector<16xi32>
      %and3A_178 = arith.andi %get3A_176, %and3A_177 : vector<16xi32>
      %bitcast_convert_type3A = tpu.bitcast %and3A_178 : vector<16xi32> -> vector<16xf32>
      %swap3A = arith.constant 0 : i32
      %swap3A_179 = arith.index_cast %swap3A : i32 to index
      %swap3A_180 = arith.index_cast %scan3A_170 : i32 to index
      %swap3A_181 = arith.constant 0 : index
      %swap3A_182 = tpu.vector_load %arg10[%swap3A_179, %swap3A_180, %swap3A_181] {strides = array<i32>} : memref<2x128x128xf32, #tpu.memory_space<vmem>>, vector<1x1x16xf32>,
      %swap3A_183 = vector.shape_cast %swap3A_182 : vector<1x1x16xf32> to vector<16xf32>
      %swap3A_184 = vector.shape_cast %bitcast_convert_type3A : vector<16xf32> to vector<1x1x16xf32>
      tpu.vector_store %arg10[%swap3A_179, %swap3A_180, %swap3A_181], %swap3A_184 {strides = array<i32>} : memref<2x128x128xf32, #tpu.memory_space<vmem>>, vector<1x1x16xf32>,
      %shift_left3A = arith.constant 16 : i32
      %shift_left3A_185 = vector.broadcast %shift_left3A : i32 to vector<16xi32>
      %shift_left3A_186 = arith.shli %get3A_176, %shift_left3A_185 : vector<16xi32>
      %bitcast_convert_type3A_187 = tpu.bitcast %shift_left3A_186 : vector<16xi32> -> vector<16xf32>
      %swap3A_188 = arith.constant 0 : i32
      %swap3A_189 = arith.index_cast %swap3A_188 : i32 to index
      %swap3A_190 = arith.index_cast %scan3A_170 : i32 to index
      %swap3A_191 = arith.constant 0 : index
      %swap3A_192 = tpu.vector_load %arg11[%swap3A_189, %swap3A_190, %swap3A_191] {strides = array<i32>} : memref<2x128x128xf32, #tpu.memory_space<vmem>>, vector<1x1x16xf32>,
      %swap3A_193 = vector.shape_cast %swap3A_192 : vector<1x1x16xf32> to vector<16xf32>
      %swap3A_194 = vector.shape_cast %bitcast_convert_type3A_187 : vector<16xf32> to vector<1x1x16xf32>
      tpu.vector_store %arg11[%swap3A_189, %swap3A_190, %swap3A_191], %swap3A_194 {strides = array<i32>} : memref<2x128x128xf32, #tpu.memory_space<vmem>>, vector<1x1x16xf32>,
      %get3A_195 = arith.constant 0 : i32
      %get3A_196 = arith.index_cast %get3A_195 : i32 to index
      %get3A_197 = arith.index_cast %scan3A_170 : i32 to index
      %get3A_198 = arith.constant 16 : index
      %get3A_199 = tpu.vector_load %arg9[%get3A_196, %get3A_197, %get3A_198] {strides = array<i32>} : memref<2x128x128xi32, #tpu.memory_space<vmem>>, vector<1x1x16xi32>,
      %get3A_200 = vector.shape_cast %get3A_199 : vector<1x1x16xi32> to vector<16xi32>
      %and3A_201 = arith.constant -65536 : i32
      %and3A_202 = vector.broadcast %and3A_201 : i32 to vector<16xi32>
      %and3A_203 = arith.andi %get3A_200, %and3A_202 : vector<16xi32>
      %bitcast_convert_type3A_204 = tpu.bitcast %and3A_203 : vector<16xi32> -> vector<16xf32>
      %swap3A_205 = arith.constant 0 : i32
      %swap3A_206 = arith.index_cast %swap3A_205 : i32 to index
      %swap3A_207 = arith.index_cast %scan3A_170 : i32 to index
      %swap3A_208 = arith.constant 16 : index
      %swap3A_209 = tpu.vector_load %arg10[%swap3A_206, %swap3A_207, %swap3A_208] {strides = array<i32>} : memref<2x128x128xf32, #tpu.memory_space<vmem>>, vector<1x1x16xf32>,
      %swap3A_210 = vector.shape_cast %swap3A_209 : vector<1x1x16xf32> to vector<16xf32>
      %swap3A_211 = vector.shape_cast %bitcast_convert_type3A_204 : vector<16xf32> to vector<1x1x16xf32>
      tpu.vector_store %arg10[%swap3A_206, %swap3A_207, %swap3A_208], %swap3A_211 {strides = array<i32>} : memref<2x128x128xf32, #tpu.memory_space<vmem>>, vector<1x1x16xf32>,
      %shift_left3A_212 = arith.constant 16 : i32
      %shift_left3A_213 = vector.broadcast %shift_left3A_212 : i32 to vector<16xi32>
      %shift_left3A_214 = arith.shli %get3A_200, %shift_left3A_213 : vector<16xi32>
      %bitcast_convert_type3A_215 = tpu.bitcast %shift_left3A_214 : vector<16xi32> -> vector<16xf32>
      %swap3A_216 = arith.constant 0 : i32
      %swap3A_217 = arith.index_cast %swap3A_216 : i32 to index
      %swap3A_218 = arith.index_cast %scan3A_170 : i32 to index
      %swap3A_219 = arith.constant 16 : index
      %swap3A_220 = tpu.vector_load %arg11[%swap3A_217, %swap3A_218, %swap3A_219] {strides = array<i32>} : memref<2x128x128xf32, #tpu.memory_space<vmem>>, vector<1x1x16xf32>,
      %swap3A_221 = vector.shape_cast %swap3A_220 : vector<1x1x16xf32> to vector<16xf32>
      %swap3A_222 = vector.shape_cast %bitcast_convert_type3A_215 : vector<16xf32> to vector<1x1x16xf32>
      tpu.vector_store %arg11[%swap3A_217, %swap3A_218, %swap3A_219], %swap3A_222 {strides = array<i32>} : memref<2x128x128xf32, #tpu.memory_space<vmem>>, vector<1x1x16xf32>,
      %get3A_223 = arith.constant 0 : i32
      %get3A_224 = arith.index_cast %get3A_223 : i32 to index
      %get3A_225 = arith.index_cast %scan3A_170 : i32 to index
      %get3A_226 = arith.constant 32 : index
      %get3A_227 = tpu.vector_load %arg9[%get3A_224, %get3A_225, %get3A_226] {strides = array<i32>} : memref<2x128x128xi32, #tpu.memory_space<vmem>>, vector<1x1x16xi32>,
      %get3A_228 = vector.shape_cast %get3A_227 : vector<1x1x16xi32> to vector<16xi32>
      %and3A_229 = arith.constant -65536 : i32
      %and3A_230 = vector.broadcast %and3A_229 : i32 to vector<16xi32>
      %and3A_231 = arith.andi %get3A_228, %and3A_230 : vector<16xi32>
      %bitcast_convert_type3A_232 = tpu.bitcast %and3A_231 : vector<16xi32> -> vector<16xf32>
      %swap3A_233 = arith.constant 0 : i32
      %swap3A_234 = arith.index_cast %swap3A_233 : i32 to index
      %swap3A_235 = arith.index_cast %scan3A_170 : i32 to index
      %swap3A_236 = arith.constant 32 : index
      %swap3A_237 = tpu.vector_load %arg10[%swap3A_234, %swap3A_235, %swap3A_236] {strides = array<i32>} : memref<2x128x128xf32, #tpu.memory_space<vmem>>, vector<1x1x16xf32>,
      %swap3A_238 = vector.shape_cast %swap3A_237 : vector<1x1x16xf32> to vector<16xf32>
      %swap3A_239 = vector.shape_cast %bitcast_convert_type3A_232 : vector<16xf32> to vector<1x1x16xf32>
      tpu.vector_store %arg10[%swap3A_234, %swap3A_235, %swap3A_236], %swap3A_239 {strides = array<i32>} : memref<2x128x128xf32, #tpu.memory_space<vmem>>, vector<1x1x16xf32>,
      %shift_left3A_240 = arith.constant 16 : i32
      %shift_left3A_241 = vector.broadcast %shift_left3A_240 : i32 to vector<16xi32>
      %shift_left3A_242 = arith.shli %get3A_228, %shift_left3A_241 : vector<16xi32>
      %bitcast_convert_type3A_243 = tpu.bitcast %shift_left3A_242 : vector<16xi32> -> vector<16xf32>
      %swap3A_244 = arith.constant 0 : i32
      %swap3A_245 = arith.index_cast %swap3A_244 : i32 to index
      %swap3A_246 = arith.index_cast %scan3A_170 : i32 to index
      %swap3A_247 = arith.constant 32 : index
      %swap3A_248 = tpu.vector_load %arg11[%swap3A_245, %swap3A_246, %swap3A_247] {strides = array<i32>} : memref<2x128x128xf32, #tpu.memory_space<vmem>>, vector<1x1x16xf32>,
      %swap3A_249 = vector.shape_cast %swap3A_248 : vector<1x1x16xf32> to vector<16xf32>
      %swap3A_250 = vector.shape_cast %bitcast_convert_type3A_243 : vector<16xf32> to vector<1x1x16xf32>
      tpu.vector_store %arg11[%swap3A_245, %swap3A_246, %swap3A_247], %swap3A_250 {strides = array<i32>} : memref<2x128x128xf32, #tpu.memory_space<vmem>>, vector<1x1x16xf32>,
      %get3A_251 = arith.constant 0 : i32
      %get3A_252 = arith.index_cast %get3A_251 : i32 to index
      %get3A_253 = arith.index_cast %scan3A_170 : i32 to index
      %get3A_254 = arith.constant 48 : index
      %get3A_255 = tpu.vector_load %arg9[%get3A_252, %get3A_253, %get3A_254] {strides = array<i32>} : memref<2x128x128xi32, #tpu.memory_space<vmem>>, vector<1x1x16xi32>,
      %get3A_256 = vector.shape_cast %get3A_255 : vector<1x1x16xi32> to vector<16xi32>
      %and3A_257 = arith.constant -65536 : i32
      %and3A_258 = vector.broadcast %and3A_257 : i32 to vector<16xi32>
      %and3A_259 = arith.andi %get3A_256, %and3A_258 : vector<16xi32>
      %bitcast_convert_type3A_260 = tpu.bitcast %and3A_259 : vector<16xi32> -> vector<16xf32>
      %swap3A_261 = arith.constant 0 : i32
      %swap3A_262 = arith.index_cast %swap3A_261 : i32 to index
      %swap3A_263 = arith.index_cast %scan3A_170 : i32 to index
      %swap3A_264 = arith.constant 48 : index
      %swap3A_265 = tpu.vector_load %arg10[%swap3A_262, %swap3A_263, %swap3A_264] {strides = array<i32>} : memref<2x128x128xf32, #tpu.memory_space<vmem>>, vector<1x1x16xf32>,
      %swap3A_266 = vector.shape_cast %swap3A_265 : vector<1x1x16xf32> to vector<16xf32>
      %swap3A_267 = vector.shape_cast %bitcast_convert_type3A_260 : vector<16xf32> to vector<1x1x16xf32>
      tpu.vector_store %arg10[%swap3A_262, %swap3A_263, %swap3A_264], %swap3A_267 {strides = array<i32>} : memref<2x128x128xf32, #tpu.memory_space<vmem>>, vector<1x1x16xf32>,
      %shift_left3A_268 = arith.constant 16 : i32
      %shift_left3A_269 = vector.broadcast %shift_left3A_268 : i32 to vector<16xi32>
      %shift_left3A_270 = arith.shli %get3A_256, %shift_left3A_269 : vector<16xi32>
      %bitcast_convert_type3A_271 = tpu.bitcast %shift_left3A_270 : vector<16xi32> -> vector<16xf32>
      %swap3A_272 = arith.constant 0 : i32
      %swap3A_273 = arith.index_cast %swap3A_272 : i32 to index
      %swap3A_274 = arith.index_cast %scan3A_170 : i32 to index
      %swap3A_275 = arith.constant 48 : index
      %swap3A_276 = tpu.vector_load %arg11[%swap3A_273, %swap3A_274, %swap3A_275] {strides = array<i32>} : memref<2x128x128xf32, #tpu.memory_space<vmem>>, vector<1x1x16xf32>,
      %swap3A_277 = vector.shape_cast %swap3A_276 : vector<1x1x16xf32> to vector<16xf32>
      %swap3A_278 = vector.shape_cast %bitcast_convert_type3A_271 : vector<16xf32> to vector<1x1x16xf32>
      tpu.vector_store %arg11[%swap3A_273, %swap3A_274, %swap3A_275], %swap3A_278 {strides = array<i32>} : memref<2x128x128xf32, #tpu.memory_space<vmem>>, vector<1x1x16xf32>,
      %get3A_279 = arith.constant 0 : i32
      %get3A_280 = arith.index_cast %get3A_279 : i32 to index
      %get3A_281 = arith.index_cast %scan3A_170 : i32 to index
      %get3A_282 = arith.constant 64 : index
      %get3A_283 = tpu.vector_load %arg9[%get3A_280, %get3A_281, %get3A_282] {strides = array<i32>} : memref<2x128x128xi32, #tpu.memory_space<vmem>>, vector<1x1x16xi32>,
      %get3A_284 = vector.shape_cast %get3A_283 : vector<1x1x16xi32> to vector<16xi32>
      %and3A_285 = arith.constant -65536 : i32
      %and3A_286 = vector.broadcast %and3A_285 : i32 to vector<16xi32>
      %and3A_287 = arith.andi %get3A_284, %and3A_286 : vector<16xi32>
      %bitcast_convert_type3A_288 = tpu.bitcast %and3A_287 : vector<16xi32> -> vector<16xf32>
      %swap3A_289 = arith.constant 0 : i32
      %swap3A_290 = arith.index_cast %swap3A_289 : i32 to index
      %swap3A_291 = arith.index_cast %scan3A_170 : i32 to index
      %swap3A_292 = arith.constant 64 : index
      %swap3A_293 = tpu.vector_load %arg10[%swap3A_290, %swap3A_291, %swap3A_292] {strides = array<i32>} : memref<2x128x128xf32, #tpu.memory_space<vmem>>, vector<1x1x16xf32>,
      %swap3A_294 = vector.shape_cast %swap3A_293 : vector<1x1x16xf32> to vector<16xf32>
      %swap3A_295 = vector.shape_cast %bitcast_convert_type3A_288 : vector<16xf32> to vector<1x1x16xf32>
      tpu.vector_store %arg10[%swap3A_290, %swap3A_291, %swap3A_292], %swap3A_295 {strides = array<i32>} : memref<2x128x128xf32, #tpu.memory_space<vmem>>, vector<1x1x16xf32>,
      %shift_left3A_296 = arith.constant 16 : i32
      %shift_left3A_297 = vector.broadcast %shift_left3A_296 : i32 to vector<16xi32>
      %shift_left3A_298 = arith.shli %get3A_284, %shift_left3A_297 : vector<16xi32>
      %bitcast_convert_type3A_299 = tpu.bitcast %shift_left3A_298 : vector<16xi32> -> vector<16xf32>
      %swap3A_300 = arith.constant 0 : i32
      %swap3A_301 = arith.index_cast %swap3A_300 : i32 to index
      %swap3A_302 = arith.index_cast %scan3A_170 : i32 to index
      %swap3A_303 = arith.constant 64 : index
      %swap3A_304 = tpu.vector_load %arg11[%swap3A_301, %swap3A_302, %swap3A_303] {strides = array<i32>} : memref<2x128x128xf32, #tpu.memory_space<vmem>>, vector<1x1x16xf32>,
      %swap3A_305 = vector.shape_cast %swap3A_304 : vector<1x1x16xf32> to vector<16xf32>
      %swap3A_306 = vector.shape_cast %bitcast_convert_type3A_299 : vector<16xf32> to vector<1x1x16xf32>
      tpu.vector_store %arg11[%swap3A_301, %swap3A_302, %swap3A_303], %swap3A_306 {strides = array<i32>} : memref<2x128x128xf32, #tpu.memory_space<vmem>>, vector<1x1x16xf32>,
      %get3A_307 = arith.constant 0 : i32
      %get3A_308 = arith.index_cast %get3A_307 : i32 to index
      %get3A_309 = arith.index_cast %scan3A_170 : i32 to index
      %get3A_310 = arith.constant 80 : index
      %get3A_311 = tpu.vector_load %arg9[%get3A_308, %get3A_309, %get3A_310] {strides = array<i32>} : memref<2x128x128xi32, #tpu.memory_space<vmem>>, vector<1x1x16xi32>,
      %get3A_312 = vector.shape_cast %get3A_311 : vector<1x1x16xi32> to vector<16xi32>
      %and3A_313 = arith.constant -65536 : i32
      %and3A_314 = vector.broadcast %and3A_313 : i32 to vector<16xi32>
      %and3A_315 = arith.andi %get3A_312, %and3A_314 : vector<16xi32>
      %bitcast_convert_type3A_316 = tpu.bitcast %and3A_315 : vector<16xi32> -> vector<16xf32>
      %swap3A_317 = arith.constant 0 : i32
      %swap3A_318 = arith.index_cast %swap3A_317 : i32 to index
      %swap3A_319 = arith.index_cast %scan3A_170 : i32 to index
      %swap3A_320 = arith.constant 80 : index
      %swap3A_321 = tpu.vector_load %arg10[%swap3A_318, %swap3A_319, %swap3A_320] {strides = array<i32>} : memref<2x128x128xf32, #tpu.memory_space<vmem>>, vector<1x1x16xf32>,
      %swap3A_322 = vector.shape_cast %swap3A_321 : vector<1x1x16xf32> to vector<16xf32>
      %swap3A_323 = vector.shape_cast %bitcast_convert_type3A_316 : vector<16xf32> to vector<1x1x16xf32>
      tpu.vector_store %arg10[%swap3A_318, %swap3A_319, %swap3A_320], %swap3A_323 {strides = array<i32>} : memref<2x128x128xf32, #tpu.memory_space<vmem>>, vector<1x1x16xf32>,
      %shift_left3A_324 = arith.constant 16 : i32
      %shift_left3A_325 = vector.broadcast %shift_left3A_324 : i32 to vector<16xi32>
      %shift_left3A_326 = arith.shli %get3A_312, %shift_left3A_325 : vector<16xi32>
      %bitcast_convert_type3A_327 = tpu.bitcast %shift_left3A_326 : vector<16xi32> -> vector<16xf32>
      %swap3A_328 = arith.constant 0 : i32
      %swap3A_329 = arith.index_cast %swap3A_328 : i32 to index
      %swap3A_330 = arith.index_cast %scan3A_170 : i32 to index
      %swap3A_331 = arith.constant 80 : index
      %swap3A_332 = tpu.vector_load %arg11[%swap3A_329, %swap3A_330, %swap3A_331] {strides = array<i32>} : memref<2x128x128xf32, #tpu.memory_space<vmem>>, vector<1x1x16xf32>,
      %swap3A_333 = vector.shape_cast %swap3A_332 : vector<1x1x16xf32> to vector<16xf32>
      %swap3A_334 = vector.shape_cast %bitcast_convert_type3A_327 : vector<16xf32> to vector<1x1x16xf32>
      tpu.vector_store %arg11[%swap3A_329, %swap3A_330, %swap3A_331], %swap3A_334 {strides = array<i32>} : memref<2x128x128xf32, #tpu.memory_space<vmem>>, vector<1x1x16xf32>,
      %get3A_335 = arith.constant 0 : i32
      %get3A_336 = arith.index_cast %get3A_335 : i32 to index
      %get3A_337 = arith.index_cast %scan3A_170 : i32 to index
      %get3A_338 = arith.constant 96 : index
      %get3A_339 = tpu.vector_load %arg9[%get3A_336, %get3A_337, %get3A_338] {strides = array<i32>} : memref<2x128x128xi32, #tpu.memory_space<vmem>>, vector<1x1x16xi32>,
      %get3A_340 = vector.shape_cast %get3A_339 : vector<1x1x16xi32> to vector<16xi32>
      %and3A_341 = arith.constant -65536 : i32
      %and3A_342 = vector.broadcast %and3A_341 : i32 to vector<16xi32>
      %and3A_343 = arith.andi %get3A_340, %and3A_342 : vector<16xi32>
      %bitcast_convert_type3A_344 = tpu.bitcast %and3A_343 : vector<16xi32> -> vector<16xf32>
      %swap3A_345 = arith.constant 0 : i32
      %swap3A_346 = arith.index_cast %swap3A_345 : i32 to index
      %swap3A_347 = arith.index_cast %scan3A_170 : i32 to index
      %swap3A_348 = arith.constant 96 : index
      %swap3A_349 = tpu.vector_load %arg10[%swap3A_346, %swap3A_347, %swap3A_348] {strides = array<i32>} : memref<2x128x128xf32, #tpu.memory_space<vmem>>, vector<1x1x16xf32>,
      %swap3A_350 = vector.shape_cast %swap3A_349 : vector<1x1x16xf32> to vector<16xf32>
      %swap3A_351 = vector.shape_cast %bitcast_convert_type3A_344 : vector<16xf32> to vector<1x1x16xf32>
      tpu.vector_store %arg10[%swap3A_346, %swap3A_347, %swap3A_348], %swap3A_351 {strides = array<i32>} : memref<2x128x128xf32, #tpu.memory_space<vmem>>, vector<1x1x16xf32>,
      %shift_left3A_352 = arith.constant 16 : i32
      %shift_left3A_353 = vector.broadcast %shift_left3A_352 : i32 to vector<16xi32>
      %shift_left3A_354 = arith.shli %get3A_340, %shift_left3A_353 : vector<16xi32>
      %bitcast_convert_type3A_355 = tpu.bitcast %shift_left3A_354 : vector<16xi32> -> vector<16xf32>
      %swap3A_356 = arith.constant 0 : i32
      %swap3A_357 = arith.index_cast %swap3A_356 : i32 to index
      %swap3A_358 = arith.index_cast %scan3A_170 : i32 to index
      %swap3A_359 = arith.constant 96 : index
      %swap3A_360 = tpu.vector_load %arg11[%swap3A_357, %swap3A_358, %swap3A_359] {strides = array<i32>} : memref<2x128x128xf32, #tpu.memory_space<vmem>>, vector<1x1x16xf32>,
      %swap3A_361 = vector.shape_cast %swap3A_360 : vector<1x1x16xf32> to vector<16xf32>
      %swap3A_362 = vector.shape_cast %bitcast_convert_type3A_355 : vector<16xf32> to vector<1x1x16xf32>
      tpu.vector_store %arg11[%swap3A_357, %swap3A_358, %swap3A_359], %swap3A_362 {strides = array<i32>} : memref<2x128x128xf32, #tpu.memory_space<vmem>>, vector<1x1x16xf32>,
      %get3A_363 = arith.constant 0 : i32
      %get3A_364 = arith.index_cast %get3A_363 : i32 to index
      %get3A_365 = arith.index_cast %scan3A_170 : i32 to index
      %get3A_366 = arith.constant 112 : index
      %get3A_367 = tpu.vector_load %arg9[%get3A_364, %get3A_365, %get3A_366] {strides = array<i32>} : memref<2x128x128xi32, #tpu.memory_space<vmem>>, vector<1x1x16xi32>,
      %get3A_368 = vector.shape_cast %get3A_367 : vector<1x1x16xi32> to vector<16xi32>
      %and3A_369 = arith.constant -65536 : i32
      %and3A_370 = vector.broadcast %and3A_369 : i32 to vector<16xi32>
      %and3A_371 = arith.andi %get3A_368, %and3A_370 : vector<16xi32>
      %bitcast_convert_type3A_372 = tpu.bitcast %and3A_371 : vector<16xi32> -> vector<16xf32>
      %swap3A_373 = arith.constant 0 : i32
      %swap3A_374 = arith.index_cast %swap3A_373 : i32 to index
      %swap3A_375 = arith.index_cast %scan3A_170 : i32 to index
      %swap3A_376 = arith.constant 112 : index
      %swap3A_377 = tpu.vector_load %arg10[%swap3A_374, %swap3A_375, %swap3A_376] {strides = array<i32>} : memref<2x128x128xf32, #tpu.memory_space<vmem>>, vector<1x1x16xf32>,
      %swap3A_378 = vector.shape_cast %swap3A_377 : vector<1x1x16xf32> to vector<16xf32>
      %swap3A_379 = vector.shape_cast %bitcast_convert_type3A_372 : vector<16xf32> to vector<1x1x16xf32>
      tpu.vector_store %arg10[%swap3A_374, %swap3A_375, %swap3A_376], %swap3A_379 {strides = array<i32>} : memref<2x128x128xf32, #tpu.memory_space<vmem>>, vector<1x1x16xf32>,
      %shift_left3A_380 = arith.constant 16 : i32
      %shift_left3A_381 = vector.broadcast %shift_left3A_380 : i32 to vector<16xi32>
      %shift_left3A_382 = arith.shli %get3A_368, %shift_left3A_381 : vector<16xi32>
      %bitcast_convert_type3A_383 = tpu.bitcast %shift_left3A_382 : vector<16xi32> -> vector<16xf32>
      %swap3A_384 = arith.constant 0 : i32
      %swap3A_385 = arith.index_cast %swap3A_384 : i32 to index
      %swap3A_386 = arith.index_cast %scan3A_170 : i32 to index
      %swap3A_387 = arith.constant 112 : index
      %swap3A_388 = tpu.vector_load %arg11[%swap3A_385, %swap3A_386, %swap3A_387] {strides = array<i32>} : memref<2x128x128xf32, #tpu.memory_space<vmem>>, vector<1x1x16xf32>,
      %swap3A_389 = vector.shape_cast %swap3A_388 : vector<1x1x16xf32> to vector<16xf32>
      %swap3A_390 = vector.shape_cast %bitcast_convert_type3A_383 : vector<16xf32> to vector<1x1x16xf32>
      tpu.vector_store %arg11[%swap3A_385, %swap3A_386, %swap3A_387], %swap3A_390 {strides = array<i32>} : memref<2x128x128xf32, #tpu.memory_space<vmem>>, vector<1x1x16xf32>,
      %scan3A_391 = arith.constant 0 : i32
      scf.yield %scan3A_391 : i32
    }
    %scan3A_53 = arith.constant 128 : i32
    %dma_start3A_54 = arith.constant 0 : i32
    %dma_start3A_55 = arith.constant 0 : i32
    %dma_start3A_56 = arith.constant 0 : i32
    %dma_start3A_57 = arith.constant 0 : i32
    %dma_start3A_58 = tpu.memref_slice %arg10[%dma_start3A_54, %dma_start3A_56, %dma_start3A_57] : memref<2x128x128xf32, #tpu.memory_space<vmem>> -> memref<1x128x128xf32, #tpu.memory_space<vmem>>
    %dma_start3A_59 = tpu.memref_squeeze %dma_start3A_58 : memref<1x128x128xf32, #tpu.memory_space<vmem>> -> memref<128x128xf32, #tpu.memory_space<vmem>>
    %dma_start3A_60 = arith.constant 0 : i32
    %dma_start3A_61 = tpu.memref_slice %arg8[%dma_start3A_55, %dma_start3A_60] : memref<2x128xi32, #tpu.memory_space<vmem>> -> memref<1x128xi32, #tpu.memory_space<vmem>>
    %dma_start3A_62 = tpu.memref_squeeze %dma_start3A_61 : memref<1x128xi32, #tpu.memory_space<vmem>> -> memref<128xi32, #tpu.memory_space<vmem>>
    %dma_start3A_63 = arith.constant 0 : i32
    %dma_start3A_64 = arith.constant 0 : i32
    %dma_start3A_65 = tpu.memref_slice %arg4[%dma_start3A_63, %dma_start3A_64] : memref<16384x128xf32, #tpu.memory_space<hbm>> -> memref<16384x128xf32, #tpu.memory_space<hbm>>
    tpu.enqueue_indirect_dma source(%dma_start3A_59 : memref<128x128xf32, #tpu.memory_space<vmem>>) target(%dma_start3A_65 : memref<16384x128xf32, #tpu.memory_space<hbm>>) offsets(%dma_start3A_62 : memref<128xi32, #tpu.memory_space<vmem>>) semaphore(%arg13 : memref<!tpu.dma_semaphore, #tpu.memory_space<semaphore_mem>>)
    %dma_start3A_66 = arith.constant 0 : i32
    %dma_start3A_67 = arith.constant 0 : i32
    %dma_start3A_68 = arith.constant 0 : i32
    %dma_start3A_69 = arith.constant 0 : i32
    %dma_start3A_70 = tpu.memref_slice %arg11[%dma_start3A_66, %dma_start3A_68, %dma_start3A_69] : memref<2x128x128xf32, #tpu.memory_space<vmem>> -> memref<1x128x128xf32, #tpu.memory_space<vmem>>
    %dma_start3A_71 = tpu.memref_squeeze %dma_start3A_70 : memref<1x128x128xf32, #tpu.memory_space<vmem>> -> memref<128x128xf32, #tpu.memory_space<vmem>>
    %dma_start3A_72 = arith.constant 0 : i32
    %dma_start3A_73 = tpu.memref_slice %arg8[%dma_start3A_67, %dma_start3A_72] : memref<2x128xi32, #tpu.memory_space<vmem>> -> memref<1x128xi32, #tpu.memory_space<vmem>>
    %dma_start3A_74 = tpu.memref_squeeze %dma_start3A_73 : memref<1x128xi32, #tpu.memory_space<vmem>> -> memref<128xi32, #tpu.memory_space<vmem>>
    %dma_start3A_75 = arith.constant 0 : i32
    %dma_start3A_76 = arith.constant 0 : i32
    %dma_start3A_77 = tpu.memref_slice %arg5[%dma_start3A_75, %dma_start3A_76] : memref<16384x128xf32, #tpu.memory_space<hbm>> -> memref<16384x128xf32, #tpu.memory_space<hbm>>
    tpu.enqueue_indirect_dma source(%dma_start3A_71 : memref<128x128xf32, #tpu.memory_space<vmem>>) target(%dma_start3A_77 : memref<16384x128xf32, #tpu.memory_space<hbm>>) offsets(%dma_start3A_74 : memref<128xi32, #tpu.memory_space<vmem>>) semaphore(%arg13 : memref<!tpu.dma_semaphore, #tpu.memory_space<semaphore_mem>>)
    %dma_wait3A_78 = arith.constant 1 : i32
    %dma_wait3A_79 = arith.constant 0 : i32
    %dma_wait3A_80 = arith.constant 0 : i32
    %dma_wait3A_81 = tpu.memref_slice %arg9[%dma_wait3A_78, %dma_wait3A_79, %dma_wait3A_80] : memref<2x128x128xi32, #tpu.memory_space<vmem>> -> memref<1x128x128xi32, #tpu.memory_space<vmem>>
    %dma_wait3A_82 = tpu.memref_squeeze %dma_wait3A_81 : memref<1x128x128xi32, #tpu.memory_space<vmem>> -> memref<128x128xi32, #tpu.memory_space<vmem>>
    %dma_wait3A_83 = arith.constant 0 : i32
    %dma_wait3A_84 = tpu.memref_slice %arg2[%add3A_22, %dma_wait3A_83] : memref<8192x128xi32, #tpu.memory_space<hbm>> -> memref<128x128xi32, #tpu.memory_space<hbm>>
    %dma_wait3A_85 = arith.constant 0 : i32
    %dma_wait3A_86 = arith.constant 0 : i32
    %dma_wait3A_87 = tpu.memref_slice %arg9[%dma_wait3A_78, %dma_wait3A_85, %dma_wait3A_86] : memref<2x128x128xi32, #tpu.memory_space<vmem>> -> memref<1x128x128xi32, #tpu.memory_space<vmem>>
    %dma_wait3A_88 = tpu.memref_squeeze %dma_wait3A_87 : memref<1x128x128xi32, #tpu.memory_space<vmem>> -> memref<128x128xi32, #tpu.memory_space<vmem>>
    %dma_wait3A_89 = arith.constant 0 : i32
    %dma_wait3A_90 = tpu.memref_slice %arg2[%add3A_22, %dma_wait3A_89] : memref<8192x128xi32, #tpu.memory_space<hbm>> -> memref<128x128xi32, #tpu.memory_space<hbm>>
    tpu.wait_dma2 semaphore(%arg12 : memref<!tpu.dma_semaphore, #tpu.memory_space<semaphore_mem>>) src(%dma_wait3A_90 : memref<128x128xi32, #tpu.memory_space<hbm>>) dst(%dma_wait3A_88 : memref<128x128xi32, #tpu.memory_space<vmem>>)
    %scan3A_91 = arith.constant 0 : i32
    %scan3A_92 = arith.constant 0 : i32
    %scan3A_93 = arith.constant 128 : i32
    %scan3A_94 = arith.addi %scan3A_92, %scan3A_93 : i32
    %scan3A_95 = arith.constant 1 : i32
    %scan3A_96 = scf.for %scan3A_170 = %scan3A_92 to %scan3A_94 step %scan3A_95 iter_args(%scan3A_171 = %scan3A_91) -> (i32)  : i32 {
      %get3A = arith.constant 1 : i32
      %get3A_172 = arith.index_cast %get3A : i32 to index
      %get3A_173 = arith.index_cast %scan3A_170 : i32 to index
      %get3A_174 = arith.constant 0 : index
      %get3A_175 = tpu.vector_load %arg9[%get3A_172, %get3A_173, %get3A_174] {strides = array<i32>} : memref<2x128x128xi32, #tpu.memory_space<vmem>>, vector<1x1x16xi32>,
      %get3A_176 = vector.shape_cast %get3A_175 : vector<1x1x16xi32> to vector<16xi32>
      %and3A = arith.constant -65536 : i32
      %and3A_177 = vector.broadcast %and3A : i32 to vector<16xi32>
      %and3A_178 = arith.andi %get3A_176, %and3A_177 : vector<16xi32>
      %bitcast_convert_type3A = tpu.bitcast %and3A_178 : vector<16xi32> -> vector<16xf32>
      %swap3A = arith.constant 1 : i32
      %swap3A_179 = arith.index_cast %swap3A : i32 to index
      %swap3A_180 = arith.index_cast %scan3A_170 : i32 to index
      %swap3A_181 = arith.constant 0 : index
      %swap3A_182 = tpu.vector_load %arg10[%swap3A_179, %swap3A_180, %swap3A_181] {strides = array<i32>} : memref<2x128x128xf32, #tpu.memory_space<vmem>>, vector<1x1x16xf32>,
      %swap3A_183 = vector.shape_cast %swap3A_182 : vector<1x1x16xf32> to vector<16xf32>
      %swap3A_184 = vector.shape_cast %bitcast_convert_type3A : vector<16xf32> to vector<1x1x16xf32>
      tpu.vector_store %arg10[%swap3A_179, %swap3A_180, %swap3A_181], %swap3A_184 {strides = array<i32>} : memref<2x128x128xf32, #tpu.memory_space<vmem>>, vector<1x1x16xf32>,
      %shift_left3A = arith.constant 16 : i32
      %shift_left3A_185 = vector.broadcast %shift_left3A : i32 to vector<16xi32>
      %shift_left3A_186 = arith.shli %get3A_176, %shift_left3A_185 : vector<16xi32>
      %bitcast_convert_type3A_187 = tpu.bitcast %shift_left3A_186 : vector<16xi32> -> vector<16xf32>
      %swap3A_188 = arith.constant 1 : i32
      %swap3A_189 = arith.index_cast %swap3A_188 : i32 to index
      %swap3A_190 = arith.index_cast %scan3A_170 : i32 to index
      %swap3A_191 = arith.constant 0 : index
      %swap3A_192 = tpu.vector_load %arg11[%swap3A_189, %swap3A_190, %swap3A_191] {strides = array<i32>} : memref<2x128x128xf32, #tpu.memory_space<vmem>>, vector<1x1x16xf32>,
      %swap3A_193 = vector.shape_cast %swap3A_192 : vector<1x1x16xf32> to vector<16xf32>
      %swap3A_194 = vector.shape_cast %bitcast_convert_type3A_187 : vector<16xf32> to vector<1x1x16xf32>
      tpu.vector_store %arg11[%swap3A_189, %swap3A_190, %swap3A_191], %swap3A_194 {strides = array<i32>} : memref<2x128x128xf32, #tpu.memory_space<vmem>>, vector<1x1x16xf32>,
      %get3A_195 = arith.constant 1 : i32
      %get3A_196 = arith.index_cast %get3A_195 : i32 to index
      %get3A_197 = arith.index_cast %scan3A_170 : i32 to index
      %get3A_198 = arith.constant 16 : index
      %get3A_199 = tpu.vector_load %arg9[%get3A_196, %get3A_197, %get3A_198] {strides = array<i32>} : memref<2x128x128xi32, #tpu.memory_space<vmem>>, vector<1x1x16xi32>,
      %get3A_200 = vector.shape_cast %get3A_199 : vector<1x1x16xi32> to vector<16xi32>
      %and3A_201 = arith.constant -65536 : i32
      %and3A_202 = vector.broadcast %and3A_201 : i32 to vector<16xi32>
      %and3A_203 = arith.andi %get3A_200, %and3A_202 : vector<16xi32>
      %bitcast_convert_type3A_204 = tpu.bitcast %and3A_203 : vector<16xi32> -> vector<16xf32>
      %swap3A_205 = arith.constant 1 : i32
      %swap3A_206 = arith.index_cast %swap3A_205 : i32 to index
      %swap3A_207 = arith.index_cast %scan3A_170 : i32 to index
      %swap3A_208 = arith.constant 16 : index
      %swap3A_209 = tpu.vector_load %arg10[%swap3A_206, %swap3A_207, %swap3A_208] {strides = array<i32>} : memref<2x128x128xf32, #tpu.memory_space<vmem>>, vector<1x1x16xf32>,
      %swap3A_210 = vector.shape_cast %swap3A_209 : vector<1x1x16xf32> to vector<16xf32>
      %swap3A_211 = vector.shape_cast %bitcast_convert_type3A_204 : vector<16xf32> to vector<1x1x16xf32>
      tpu.vector_store %arg10[%swap3A_206, %swap3A_207, %swap3A_208], %swap3A_211 {strides = array<i32>} : memref<2x128x128xf32, #tpu.memory_space<vmem>>, vector<1x1x16xf32>,
      %shift_left3A_212 = arith.constant 16 : i32
      %shift_left3A_213 = vector.broadcast %shift_left3A_212 : i32 to vector<16xi32>
      %shift_left3A_214 = arith.shli %get3A_200, %shift_left3A_213 : vector<16xi32>
      %bitcast_convert_type3A_215 = tpu.bitcast %shift_left3A_214 : vector<16xi32> -> vector<16xf32>
      %swap3A_216 = arith.constant 1 : i32
      %swap3A_217 = arith.index_cast %swap3A_216 : i32 to index
      %swap3A_218 = arith.index_cast %scan3A_170 : i32 to index
      %swap3A_219 = arith.constant 16 : index
      %swap3A_220 = tpu.vector_load %arg11[%swap3A_217, %swap3A_218, %swap3A_219] {strides = array<i32>} : memref<2x128x128xf32, #tpu.memory_space<vmem>>, vector<1x1x16xf32>,
      %swap3A_221 = vector.shape_cast %swap3A_220 : vector<1x1x16xf32> to vector<16xf32>
      %swap3A_222 = vector.shape_cast %bitcast_convert_type3A_215 : vector<16xf32> to vector<1x1x16xf32>
      tpu.vector_store %arg11[%swap3A_217, %swap3A_218, %swap3A_219], %swap3A_222 {strides = array<i32>} : memref<2x128x128xf32, #tpu.memory_space<vmem>>, vector<1x1x16xf32>,
      %get3A_223 = arith.constant 1 : i32
      %get3A_224 = arith.index_cast %get3A_223 : i32 to index
      %get3A_225 = arith.index_cast %scan3A_170 : i32 to index
      %get3A_226 = arith.constant 32 : index
      %get3A_227 = tpu.vector_load %arg9[%get3A_224, %get3A_225, %get3A_226] {strides = array<i32>} : memref<2x128x128xi32, #tpu.memory_space<vmem>>, vector<1x1x16xi32>,
      %get3A_228 = vector.shape_cast %get3A_227 : vector<1x1x16xi32> to vector<16xi32>
      %and3A_229 = arith.constant -65536 : i32
      %and3A_230 = vector.broadcast %and3A_229 : i32 to vector<16xi32>
      %and3A_231 = arith.andi %get3A_228, %and3A_230 : vector<16xi32>
      %bitcast_convert_type3A_232 = tpu.bitcast %and3A_231 : vector<16xi32> -> vector<16xf32>
      %swap3A_233 = arith.constant 1 : i32
      %swap3A_234 = arith.index_cast %swap3A_233 : i32 to index
      %swap3A_235 = arith.index_cast %scan3A_170 : i32 to index
      %swap3A_236 = arith.constant 32 : index
      %swap3A_237 = tpu.vector_load %arg10[%swap3A_234, %swap3A_235, %swap3A_236] {strides = array<i32>} : memref<2x128x128xf32, #tpu.memory_space<vmem>>, vector<1x1x16xf32>,
      %swap3A_238 = vector.shape_cast %swap3A_237 : vector<1x1x16xf32> to vector<16xf32>
      %swap3A_239 = vector.shape_cast %bitcast_convert_type3A_232 : vector<16xf32> to vector<1x1x16xf32>
      tpu.vector_store %arg10[%swap3A_234, %swap3A_235, %swap3A_236], %swap3A_239 {strides = array<i32>} : memref<2x128x128xf32, #tpu.memory_space<vmem>>, vector<1x1x16xf32>,
      %shift_left3A_240 = arith.constant 16 : i32
      %shift_left3A_241 = vector.broadcast %shift_left3A_240 : i32 to vector<16xi32>
      %shift_left3A_242 = arith.shli %get3A_228, %shift_left3A_241 : vector<16xi32>
      %bitcast_convert_type3A_243 = tpu.bitcast %shift_left3A_242 : vector<16xi32> -> vector<16xf32>
      %swap3A_244 = arith.constant 1 : i32
      %swap3A_245 = arith.index_cast %swap3A_244 : i32 to index
      %swap3A_246 = arith.index_cast %scan3A_170 : i32 to index
      %swap3A_247 = arith.constant 32 : index
      %swap3A_248 = tpu.vector_load %arg11[%swap3A_245, %swap3A_246, %swap3A_247] {strides = array<i32>} : memref<2x128x128xf32, #tpu.memory_space<vmem>>, vector<1x1x16xf32>,
      %swap3A_249 = vector.shape_cast %swap3A_248 : vector<1x1x16xf32> to vector<16xf32>
      %swap3A_250 = vector.shape_cast %bitcast_convert_type3A_243 : vector<16xf32> to vector<1x1x16xf32>
      tpu.vector_store %arg11[%swap3A_245, %swap3A_246, %swap3A_247], %swap3A_250 {strides = array<i32>} : memref<2x128x128xf32, #tpu.memory_space<vmem>>, vector<1x1x16xf32>,
      %get3A_251 = arith.constant 1 : i32
      %get3A_252 = arith.index_cast %get3A_251 : i32 to index
      %get3A_253 = arith.index_cast %scan3A_170 : i32 to index
      %get3A_254 = arith.constant 48 : index
      %get3A_255 = tpu.vector_load %arg9[%get3A_252, %get3A_253, %get3A_254] {strides = array<i32>} : memref<2x128x128xi32, #tpu.memory_space<vmem>>, vector<1x1x16xi32>,
      %get3A_256 = vector.shape_cast %get3A_255 : vector<1x1x16xi32> to vector<16xi32>
      %and3A_257 = arith.constant -65536 : i32
      %and3A_258 = vector.broadcast %and3A_257 : i32 to vector<16xi32>
      %and3A_259 = arith.andi %get3A_256, %and3A_258 : vector<16xi32>
      %bitcast_convert_type3A_260 = tpu.bitcast %and3A_259 : vector<16xi32> -> vector<16xf32>
      %swap3A_261 = arith.constant 1 : i32
      %swap3A_262 = arith.index_cast %swap3A_261 : i32 to index
      %swap3A_263 = arith.index_cast %scan3A_170 : i32 to index
      %swap3A_264 = arith.constant 48 : index
      %swap3A_265 = tpu.vector_load %arg10[%swap3A_262, %swap3A_263, %swap3A_264] {strides = array<i32>} : memref<2x128x128xf32, #tpu.memory_space<vmem>>, vector<1x1x16xf32>,
      %swap3A_266 = vector.shape_cast %swap3A_265 : vector<1x1x16xf32> to vector<16xf32>
      %swap3A_267 = vector.shape_cast %bitcast_convert_type3A_260 : vector<16xf32> to vector<1x1x16xf32>
      tpu.vector_store %arg10[%swap3A_262, %swap3A_263, %swap3A_264], %swap3A_267 {strides = array<i32>} : memref<2x128x128xf32, #tpu.memory_space<vmem>>, vector<1x1x16xf32>,
      %shift_left3A_268 = arith.constant 16 : i32
      %shift_left3A_269 = vector.broadcast %shift_left3A_268 : i32 to vector<16xi32>
      %shift_left3A_270 = arith.shli %get3A_256, %shift_left3A_269 : vector<16xi32>
      %bitcast_convert_type3A_271 = tpu.bitcast %shift_left3A_270 : vector<16xi32> -> vector<16xf32>
      %swap3A_272 = arith.constant 1 : i32
      %swap3A_273 = arith.index_cast %swap3A_272 : i32 to index
      %swap3A_274 = arith.index_cast %scan3A_170 : i32 to index
      %swap3A_275 = arith.constant 48 : index
      %swap3A_276 = tpu.vector_load %arg11[%swap3A_273, %swap3A_274, %swap3A_275] {strides = array<i32>} : memref<2x128x128xf32, #tpu.memory_space<vmem>>, vector<1x1x16xf32>,
      %swap3A_277 = vector.shape_cast %swap3A_276 : vector<1x1x16xf32> to vector<16xf32>
      %swap3A_278 = vector.shape_cast %bitcast_convert_type3A_271 : vector<16xf32> to vector<1x1x16xf32>
      tpu.vector_store %arg11[%swap3A_273, %swap3A_274, %swap3A_275], %swap3A_278 {strides = array<i32>} : memref<2x128x128xf32, #tpu.memory_space<vmem>>, vector<1x1x16xf32>,
      %get3A_279 = arith.constant 1 : i32
      %get3A_280 = arith.index_cast %get3A_279 : i32 to index
      %get3A_281 = arith.index_cast %scan3A_170 : i32 to index
      %get3A_282 = arith.constant 64 : index
      %get3A_283 = tpu.vector_load %arg9[%get3A_280, %get3A_281, %get3A_282] {strides = array<i32>} : memref<2x128x128xi32, #tpu.memory_space<vmem>>, vector<1x1x16xi32>,
      %get3A_284 = vector.shape_cast %get3A_283 : vector<1x1x16xi32> to vector<16xi32>
      %and3A_285 = arith.constant -65536 : i32
      %and3A_286 = vector.broadcast %and3A_285 : i32 to vector<16xi32>
      %and3A_287 = arith.andi %get3A_284, %and3A_286 : vector<16xi32>
      %bitcast_convert_type3A_288 = tpu.bitcast %and3A_287 : vector<16xi32> -> vector<16xf32>
      %swap3A_289 = arith.constant 1 : i32
      %swap3A_290 = arith.index_cast %swap3A_289 : i32 to index
      %swap3A_291 = arith.index_cast %scan3A_170 : i32 to index
      %swap3A_292 = arith.constant 64 : index
      %swap3A_293 = tpu.vector_load %arg10[%swap3A_290, %swap3A_291, %swap3A_292] {strides = array<i32>} : memref<2x128x128xf32, #tpu.memory_space<vmem>>, vector<1x1x16xf32>,
      %swap3A_294 = vector.shape_cast %swap3A_293 : vector<1x1x16xf32> to vector<16xf32>
      %swap3A_295 = vector.shape_cast %bitcast_convert_type3A_288 : vector<16xf32> to vector<1x1x16xf32>
      tpu.vector_store %arg10[%swap3A_290, %swap3A_291, %swap3A_292], %swap3A_295 {strides = array<i32>} : memref<2x128x128xf32, #tpu.memory_space<vmem>>, vector<1x1x16xf32>,
      %shift_left3A_296 = arith.constant 16 : i32
      %shift_left3A_297 = vector.broadcast %shift_left3A_296 : i32 to vector<16xi32>
      %shift_left3A_298 = arith.shli %get3A_284, %shift_left3A_297 : vector<16xi32>
      %bitcast_convert_type3A_299 = tpu.bitcast %shift_left3A_298 : vector<16xi32> -> vector<16xf32>
      %swap3A_300 = arith.constant 1 : i32
      %swap3A_301 = arith.index_cast %swap3A_300 : i32 to index
      %swap3A_302 = arith.index_cast %scan3A_170 : i32 to index
      %swap3A_303 = arith.constant 64 : index
      %swap3A_304 = tpu.vector_load %arg11[%swap3A_301, %swap3A_302, %swap3A_303] {strides = array<i32>} : memref<2x128x128xf32, #tpu.memory_space<vmem>>, vector<1x1x16xf32>,
      %swap3A_305 = vector.shape_cast %swap3A_304 : vector<1x1x16xf32> to vector<16xf32>
      %swap3A_306 = vector.shape_cast %bitcast_convert_type3A_299 : vector<16xf32> to vector<1x1x16xf32>
      tpu.vector_store %arg11[%swap3A_301, %swap3A_302, %swap3A_303], %swap3A_306 {strides = array<i32>} : memref<2x128x128xf32, #tpu.memory_space<vmem>>, vector<1x1x16xf32>,
      %get3A_307 = arith.constant 1 : i32
      %get3A_308 = arith.index_cast %get3A_307 : i32 to index
      %get3A_309 = arith.index_cast %scan3A_170 : i32 to index
      %get3A_310 = arith.constant 80 : index
      %get3A_311 = tpu.vector_load %arg9[%get3A_308, %get3A_309, %get3A_310] {strides = array<i32>} : memref<2x128x128xi32, #tpu.memory_space<vmem>>, vector<1x1x16xi32>,
      %get3A_312 = vector.shape_cast %get3A_311 : vector<1x1x16xi32> to vector<16xi32>
      %and3A_313 = arith.constant -65536 : i32
      %and3A_314 = vector.broadcast %and3A_313 : i32 to vector<16xi32>
      %and3A_315 = arith.andi %get3A_312, %and3A_314 : vector<16xi32>
      %bitcast_convert_type3A_316 = tpu.bitcast %and3A_315 : vector<16xi32> -> vector<16xf32>
      %swap3A_317 = arith.constant 1 : i32
      %swap3A_318 = arith.index_cast %swap3A_317 : i32 to index
      %swap3A_319 = arith.index_cast %scan3A_170 : i32 to index
      %swap3A_320 = arith.constant 80 : index
      %swap3A_321 = tpu.vector_load %arg10[%swap3A_318, %swap3A_319, %swap3A_320] {strides = array<i32>} : memref<2x128x128xf32, #tpu.memory_space<vmem>>, vector<1x1x16xf32>,
      %swap3A_322 = vector.shape_cast %swap3A_321 : vector<1x1x16xf32> to vector<16xf32>
      %swap3A_323 = vector.shape_cast %bitcast_convert_type3A_316 : vector<16xf32> to vector<1x1x16xf32>
      tpu.vector_store %arg10[%swap3A_318, %swap3A_319, %swap3A_320], %swap3A_323 {strides = array<i32>} : memref<2x128x128xf32, #tpu.memory_space<vmem>>, vector<1x1x16xf32>,
      %shift_left3A_324 = arith.constant 16 : i32
      %shift_left3A_325 = vector.broadcast %shift_left3A_324 : i32 to vector<16xi32>
      %shift_left3A_326 = arith.shli %get3A_312, %shift_left3A_325 : vector<16xi32>
      %bitcast_convert_type3A_327 = tpu.bitcast %shift_left3A_326 : vector<16xi32> -> vector<16xf32>
      %swap3A_328 = arith.constant 1 : i32
      %swap3A_329 = arith.index_cast %swap3A_328 : i32 to index
      %swap3A_330 = arith.index_cast %scan3A_170 : i32 to index
      %swap3A_331 = arith.constant 80 : index
      %swap3A_332 = tpu.vector_load %arg11[%swap3A_329, %swap3A_330, %swap3A_331] {strides = array<i32>} : memref<2x128x128xf32, #tpu.memory_space<vmem>>, vector<1x1x16xf32>,
      %swap3A_333 = vector.shape_cast %swap3A_332 : vector<1x1x16xf32> to vector<16xf32>
      %swap3A_334 = vector.shape_cast %bitcast_convert_type3A_327 : vector<16xf32> to vector<1x1x16xf32>
      tpu.vector_store %arg11[%swap3A_329, %swap3A_330, %swap3A_331], %swap3A_334 {strides = array<i32>} : memref<2x128x128xf32, #tpu.memory_space<vmem>>, vector<1x1x16xf32>,
      %get3A_335 = arith.constant 1 : i32
      %get3A_336 = arith.index_cast %get3A_335 : i32 to index
      %get3A_337 = arith.index_cast %scan3A_170 : i32 to index
      %get3A_338 = arith.constant 96 : index
      %get3A_339 = tpu.vector_load %arg9[%get3A_336, %get3A_337, %get3A_338] {strides = array<i32>} : memref<2x128x128xi32, #tpu.memory_space<vmem>>, vector<1x1x16xi32>,
      %get3A_340 = vector.shape_cast %get3A_339 : vector<1x1x16xi32> to vector<16xi32>
      %and3A_341 = arith.constant -65536 : i32
      %and3A_342 = vector.broadcast %and3A_341 : i32 to vector<16xi32>
      %and3A_343 = arith.andi %get3A_340, %and3A_342 : vector<16xi32>
      %bitcast_convert_type3A_344 = tpu.bitcast %and3A_343 : vector<16xi32> -> vector<16xf32>
      %swap3A_345 = arith.constant 1 : i32
      %swap3A_346 = arith.index_cast %swap3A_345 : i32 to index
      %swap3A_347 = arith.index_cast %scan3A_170 : i32 to index
      %swap3A_348 = arith.constant 96 : index
      %swap3A_349 = tpu.vector_load %arg10[%swap3A_346, %swap3A_347, %swap3A_348] {strides = array<i32>} : memref<2x128x128xf32, #tpu.memory_space<vmem>>, vector<1x1x16xf32>,
      %swap3A_350 = vector.shape_cast %swap3A_349 : vector<1x1x16xf32> to vector<16xf32>
      %swap3A_351 = vector.shape_cast %bitcast_convert_type3A_344 : vector<16xf32> to vector<1x1x16xf32>
      tpu.vector_store %arg10[%swap3A_346, %swap3A_347, %swap3A_348], %swap3A_351 {strides = array<i32>} : memref<2x128x128xf32, #tpu.memory_space<vmem>>, vector<1x1x16xf32>,
      %shift_left3A_352 = arith.constant 16 : i32
      %shift_left3A_353 = vector.broadcast %shift_left3A_352 : i32 to vector<16xi32>
      %shift_left3A_354 = arith.shli %get3A_340, %shift_left3A_353 : vector<16xi32>
      %bitcast_convert_type3A_355 = tpu.bitcast %shift_left3A_354 : vector<16xi32> -> vector<16xf32>
      %swap3A_356 = arith.constant 1 : i32
      %swap3A_357 = arith.index_cast %swap3A_356 : i32 to index
      %swap3A_358 = arith.index_cast %scan3A_170 : i32 to index
      %swap3A_359 = arith.constant 96 : index
      %swap3A_360 = tpu.vector_load %arg11[%swap3A_357, %swap3A_358, %swap3A_359] {strides = array<i32>} : memref<2x128x128xf32, #tpu.memory_space<vmem>>, vector<1x1x16xf32>,
      %swap3A_361 = vector.shape_cast %swap3A_360 : vector<1x1x16xf32> to vector<16xf32>
      %swap3A_362 = vector.shape_cast %bitcast_convert_type3A_355 : vector<16xf32> to vector<1x1x16xf32>
      tpu.vector_store %arg11[%swap3A_357, %swap3A_358, %swap3A_359], %swap3A_362 {strides = array<i32>} : memref<2x128x128xf32, #tpu.memory_space<vmem>>, vector<1x1x16xf32>,
      %get3A_363 = arith.constant 1 : i32
      %get3A_364 = arith.index_cast %get3A_363 : i32 to index
      %get3A_365 = arith.index_cast %scan3A_170 : i32 to index
      %get3A_366 = arith.constant 112 : index
      %get3A_367 = tpu.vector_load %arg9[%get3A_364, %get3A_365, %get3A_366] {strides = array<i32>} : memref<2x128x128xi32, #tpu.memory_space<vmem>>, vector<1x1x16xi32>,
      %get3A_368 = vector.shape_cast %get3A_367 : vector<1x1x16xi32> to vector<16xi32>
      %and3A_369 = arith.constant -65536 : i32
      %and3A_370 = vector.broadcast %and3A_369 : i32 to vector<16xi32>
      %and3A_371 = arith.andi %get3A_368, %and3A_370 : vector<16xi32>
      %bitcast_convert_type3A_372 = tpu.bitcast %and3A_371 : vector<16xi32> -> vector<16xf32>
      %swap3A_373 = arith.constant 1 : i32
      %swap3A_374 = arith.index_cast %swap3A_373 : i32 to index
      %swap3A_375 = arith.index_cast %scan3A_170 : i32 to index
      %swap3A_376 = arith.constant 112 : index
      %swap3A_377 = tpu.vector_load %arg10[%swap3A_374, %swap3A_375, %swap3A_376] {strides = array<i32>} : memref<2x128x128xf32, #tpu.memory_space<vmem>>, vector<1x1x16xf32>,
      %swap3A_378 = vector.shape_cast %swap3A_377 : vector<1x1x16xf32> to vector<16xf32>
      %swap3A_379 = vector.shape_cast %bitcast_convert_type3A_372 : vector<16xf32> to vector<1x1x16xf32>
      tpu.vector_store %arg10[%swap3A_374, %swap3A_375, %swap3A_376], %swap3A_379 {strides = array<i32>} : memref<2x128x128xf32, #tpu.memory_space<vmem>>, vector<1x1x16xf32>,
      %shift_left3A_380 = arith.constant 16 : i32
      %shift_left3A_381 = vector.broadcast %shift_left3A_380 : i32 to vector<16xi32>
      %shift_left3A_382 = arith.shli %get3A_368, %shift_left3A_381 : vector<16xi32>
      %bitcast_convert_type3A_383 = tpu.bitcast %shift_left3A_382 : vector<16xi32> -> vector<16xf32>
      %swap3A_384 = arith.constant 1 : i32
      %swap3A_385 = arith.index_cast %swap3A_384 : i32 to index
      %swap3A_386 = arith.index_cast %scan3A_170 : i32 to index
      %swap3A_387 = arith.constant 112 : index
      %swap3A_388 = tpu.vector_load %arg11[%swap3A_385, %swap3A_386, %swap3A_387] {strides = array<i32>} : memref<2x128x128xf32, #tpu.memory_space<vmem>>, vector<1x1x16xf32>,
      %swap3A_389 = vector.shape_cast %swap3A_388 : vector<1x1x16xf32> to vector<16xf32>
      %swap3A_390 = vector.shape_cast %bitcast_convert_type3A_383 : vector<16xf32> to vector<1x1x16xf32>
      tpu.vector_store %arg11[%swap3A_385, %swap3A_386, %swap3A_387], %swap3A_390 {strides = array<i32>} : memref<2x128x128xf32, #tpu.memory_space<vmem>>, vector<1x1x16xf32>,
      %scan3A_391 = arith.constant 0 : i32
      scf.yield %scan3A_391 : i32
    }
    %scan3A_97 = arith.constant 128 : i32
    %dma_start3A_98 = arith.constant 1 : i32
    %dma_start3A_99 = arith.constant 1 : i32
    %dma_start3A_100 = arith.constant 0 : i32
    %dma_start3A_101 = arith.constant 0 : i32
    %dma_start3A_102 = tpu.memref_slice %arg10[%dma_start3A_98, %dma_start3A_100, %dma_start3A_101] : memref<2x128x128xf32, #tpu.memory_space<vmem>> -> memref<1x128x128xf32, #tpu.memory_space<vmem>>
    %dma_start3A_103 = tpu.memref_squeeze %dma_start3A_102 : memref<1x128x128xf32, #tpu.memory_space<vmem>> -> memref<128x128xf32, #tpu.memory_space<vmem>>
    %dma_start3A_104 = arith.constant 0 : i32
    %dma_start3A_105 = tpu.memref_slice %arg8[%dma_start3A_99, %dma_start3A_104] : memref<2x128xi32, #tpu.memory_space<vmem>> -> memref<1x128xi32, #tpu.memory_space<vmem>>
    %dma_start3A_106 = tpu.memref_squeeze %dma_start3A_105 : memref<1x128xi32, #tpu.memory_space<vmem>> -> memref<128xi32, #tpu.memory_space<vmem>>
    %dma_start3A_107 = arith.constant 0 : i32
    %dma_start3A_108 = arith.constant 0 : i32
    %dma_start3A_109 = tpu.memref_slice %arg4[%dma_start3A_107, %dma_start3A_108] : memref<16384x128xf32, #tpu.memory_space<hbm>> -> memref<16384x128xf32, #tpu.memory_space<hbm>>
    tpu.enqueue_indirect_dma source(%dma_start3A_103 : memref<128x128xf32, #tpu.memory_space<vmem>>) target(%dma_start3A_109 : memref<16384x128xf32, #tpu.memory_space<hbm>>) offsets(%dma_start3A_106 : memref<128xi32, #tpu.memory_space<vmem>>) semaphore(%arg13 : memref<!tpu.dma_semaphore, #tpu.memory_space<semaphore_mem>>)
    %dma_start3A_110 = arith.constant 1 : i32
    %dma_start3A_111 = arith.constant 1 : i32
    %dma_start3A_112 = arith.constant 0 : i32
    %dma_start3A_113 = arith.constant 0 : i32
    %dma_start3A_114 = tpu.memref_slice %arg11[%dma_start3A_110, %dma_start3A_112, %dma_start3A_113] : memref<2x128x128xf32, #tpu.memory_space<vmem>> -> memref<1x128x128xf32, #tpu.memory_space<vmem>>
    %dma_start3A_115 = tpu.memref_squeeze %dma_start3A_114 : memref<1x128x128xf32, #tpu.memory_space<vmem>> -> memref<128x128xf32, #tpu.memory_space<vmem>>
    %dma_start3A_116 = arith.constant 0 : i32
    %dma_start3A_117 = tpu.memref_slice %arg8[%dma_start3A_111, %dma_start3A_116] : memref<2x128xi32, #tpu.memory_space<vmem>> -> memref<1x128xi32, #tpu.memory_space<vmem>>
    %dma_start3A_118 = tpu.memref_squeeze %dma_start3A_117 : memref<1x128xi32, #tpu.memory_space<vmem>> -> memref<128xi32, #tpu.memory_space<vmem>>
    %dma_start3A_119 = arith.constant 0 : i32
    %dma_start3A_120 = arith.constant 0 : i32
    %dma_start3A_121 = tpu.memref_slice %arg5[%dma_start3A_119, %dma_start3A_120] : memref<16384x128xf32, #tpu.memory_space<hbm>> -> memref<16384x128xf32, #tpu.memory_space<hbm>>
    tpu.enqueue_indirect_dma source(%dma_start3A_115 : memref<128x128xf32, #tpu.memory_space<vmem>>) target(%dma_start3A_121 : memref<16384x128xf32, #tpu.memory_space<hbm>>) offsets(%dma_start3A_118 : memref<128xi32, #tpu.memory_space<vmem>>) semaphore(%arg13 : memref<!tpu.dma_semaphore, #tpu.memory_space<semaphore_mem>>)
    %dma_wait3A_122 = arith.constant 0 : i32
    %dma_wait3A_123 = arith.constant 0 : i32
    %dma_wait3A_124 = arith.constant 0 : i32
    %dma_wait3A_125 = arith.constant 0 : i32
    %dma_wait3A_126 = tpu.memref_slice %arg10[%dma_wait3A_122, %dma_wait3A_124, %dma_wait3A_125] : memref<2x128x128xf32, #tpu.memory_space<vmem>> -> memref<1x128x128xf32, #tpu.memory_space<vmem>>
    %dma_wait3A_127 = tpu.memref_squeeze %dma_wait3A_126 : memref<1x128x128xf32, #tpu.memory_space<vmem>> -> memref<128x128xf32, #tpu.memory_space<vmem>>
    %dma_wait3A_128 = arith.constant 0 : i32
    %dma_wait3A_129 = tpu.memref_slice %arg8[%dma_wait3A_123, %dma_wait3A_128] : memref<2x128xi32, #tpu.memory_space<vmem>> -> memref<1x128xi32, #tpu.memory_space<vmem>>
    %dma_wait3A_130 = tpu.memref_squeeze %dma_wait3A_129 : memref<1x128xi32, #tpu.memory_space<vmem>> -> memref<128xi32, #tpu.memory_space<vmem>>
    %dma_wait3A_131 = arith.constant 0 : i32
    %dma_wait3A_132 = arith.constant 0 : i32
    %dma_wait3A_133 = tpu.memref_slice %arg4[%dma_wait3A_131, %dma_wait3A_132] : memref<16384x128xf32, #tpu.memory_space<hbm>> -> memref<16384x128xf32, #tpu.memory_space<hbm>>
    tpu.wait_indirect_dma semaphore(%arg13 : memref<!tpu.dma_semaphore, #tpu.memory_space<semaphore_mem>>) src(%dma_wait3A_127 : memref<128x128xf32, #tpu.memory_space<vmem>>) dst(%dma_wait3A_133 : memref<16384x128xf32, #tpu.memory_space<hbm>>)
    %dma_wait3A_134 = arith.constant 0 : i32
    %dma_wait3A_135 = arith.constant 0 : i32
    %dma_wait3A_136 = arith.constant 0 : i32
    %dma_wait3A_137 = arith.constant 0 : i32
    %dma_wait3A_138 = tpu.memref_slice %arg11[%dma_wait3A_134, %dma_wait3A_136, %dma_wait3A_137] : memref<2x128x128xf32, #tpu.memory_space<vmem>> -> memref<1x128x128xf32, #tpu.memory_space<vmem>>
    %dma_wait3A_139 = tpu.memref_squeeze %dma_wait3A_138 : memref<1x128x128xf32, #tpu.memory_space<vmem>> -> memref<128x128xf32, #tpu.memory_space<vmem>>
    %dma_wait3A_140 = arith.constant 0 : i32
    %dma_wait3A_141 = tpu.memref_slice %arg8[%dma_wait3A_135, %dma_wait3A_140] : memref<2x128xi32, #tpu.memory_space<vmem>> -> memref<1x128xi32, #tpu.memory_space<vmem>>
    %dma_wait3A_142 = tpu.memref_squeeze %dma_wait3A_141 : memref<1x128xi32, #tpu.memory_space<vmem>> -> memref<128xi32, #tpu.memory_space<vmem>>
    %dma_wait3A_143 = arith.constant 0 : i32
    %dma_wait3A_144 = arith.constant 0 : i32
    %dma_wait3A_145 = tpu.memref_slice %arg5[%dma_wait3A_143, %dma_wait3A_144] : memref<16384x128xf32, #tpu.memory_space<hbm>> -> memref<16384x128xf32, #tpu.memory_space<hbm>>
    tpu.wait_indirect_dma semaphore(%arg13 : memref<!tpu.dma_semaphore, #tpu.memory_space<semaphore_mem>>) src(%dma_wait3A_139 : memref<128x128xf32, #tpu.memory_space<vmem>>) dst(%dma_wait3A_145 : memref<16384x128xf32, #tpu.memory_space<hbm>>)
    %dma_wait3A_146 = arith.constant 1 : i32
    %dma_wait3A_147 = arith.constant 1 : i32
    %dma_wait3A_148 = arith.constant 0 : i32
    %dma_wait3A_149 = arith.constant 0 : i32
    %dma_wait3A_150 = tpu.memref_slice %arg10[%dma_wait3A_146, %dma_wait3A_148, %dma_wait3A_149] : memref<2x128x128xf32, #tpu.memory_space<vmem>> -> memref<1x128x128xf32, #tpu.memory_space<vmem>>
    %dma_wait3A_151 = tpu.memref_squeeze %dma_wait3A_150 : memref<1x128x128xf32, #tpu.memory_space<vmem>> -> memref<128x128xf32, #tpu.memory_space<vmem>>
    %dma_wait3A_152 = arith.constant 0 : i32
    %dma_wait3A_153 = tpu.memref_slice %arg8[%dma_wait3A_147, %dma_wait3A_152] : memref<2x128xi32, #tpu.memory_space<vmem>> -> memref<1x128xi32, #tpu.memory_space<vmem>>
    %dma_wait3A_154 = tpu.memref_squeeze %dma_wait3A_153 : memref<1x128xi32, #tpu.memory_space<vmem>> -> memref<128xi32, #tpu.memory_space<vmem>>
    %dma_wait3A_155 = arith.constant 0 : i32
    %dma_wait3A_156 = arith.constant 0 : i32
    %dma_wait3A_157 = tpu.memref_slice %arg4[%dma_wait3A_155, %dma_wait3A_156] : memref<16384x128xf32, #tpu.memory_space<hbm>> -> memref<16384x128xf32, #tpu.memory_space<hbm>>
    tpu.wait_indirect_dma semaphore(%arg13 : memref<!tpu.dma_semaphore, #tpu.memory_space<semaphore_mem>>) src(%dma_wait3A_151 : memref<128x128xf32, #tpu.memory_space<vmem>>) dst(%dma_wait3A_157 : memref<16384x128xf32, #tpu.memory_space<hbm>>)
    %dma_wait3A_158 = arith.constant 1 : i32
    %dma_wait3A_159 = arith.constant 1 : i32
    %dma_wait3A_160 = arith.constant 0 : i32
    %dma_wait3A_161 = arith.constant 0 : i32
    %dma_wait3A_162 = tpu.memref_slice %arg11[%dma_wait3A_158, %dma_wait3A_160, %dma_wait3A_161] : memref<2x128x128xf32, #tpu.memory_space<vmem>> -> memref<1x128x128xf32, #tpu.memory_space<vmem>>
    %dma_wait3A_163 = tpu.memref_squeeze %dma_wait3A_162 : memref<1x128x128xf32, #tpu.memory_space<vmem>> -> memref<128x128xf32, #tpu.memory_space<vmem>>
    %dma_wait3A_164 = arith.constant 0 : i32
    %dma_wait3A_165 = tpu.memref_slice %arg8[%dma_wait3A_159, %dma_wait3A_164] : memref<2x128xi32, #tpu.memory_space<vmem>> -> memref<1x128xi32, #tpu.memory_space<vmem>>
    %dma_wait3A_166 = tpu.memref_squeeze %dma_wait3A_165 : memref<1x128xi32, #tpu.memory_space<vmem>> -> memref<128xi32, #tpu.memory_space<vmem>>
    %dma_wait3A_167 = arith.constant 0 : i32
    %dma_wait3A_168 = arith.constant 0 : i32
    %dma_wait3A_169 = tpu.memref_slice %arg5[%dma_wait3A_167, %dma_wait3A_168] : memref<16384x128xf32, #tpu.memory_space<hbm>> -> memref<16384x128xf32, #tpu.memory_space<hbm>>
    tpu.wait_indirect_dma semaphore(%arg13 : memref<!tpu.dma_semaphore, #tpu.memory_space<semaphore_mem>>) src(%dma_wait3A_163 : memref<128x128xf32, #tpu.memory_space<vmem>>) dst(%dma_wait3A_169 : memref<16384x128xf32, #tpu.memory_space<hbm>>)
    return
  }
}

#map = affine_map<(d0, d1) -> (0, 0)>
module attributes {stable_mosaic.version = 14 : i64} {
  func.func @new_body(%arg0: i32, %arg1: i32, %arg2: memref<8192x128xi32, #tpu.memory_space<hbm>>, %arg3: memref<128x128xi32, #tpu.memory_space<hbm>>, %arg4: memref<16384x128xf32, #tpu.memory_space<hbm>>, %arg5: memref<16384x128xf32, #tpu.memory_space<hbm>>, %arg6: memref<16384x128xf32, #tpu.memory_space<hbm>>, %arg7: memref<16384x128xf32, #tpu.memory_space<hbm>>, %arg8: memref<2x128xi32, #tpu.memory_space<vmem>>, %arg9: memref<2x128x128xi32, #tpu.memory_space<vmem>>, %arg10: memref<2x128x128xf32, #tpu.memory_space<vmem>>, %arg11: memref<2x128x128xf32, #tpu.memory_space<vmem>>, %arg12: memref<!tpu.dma_semaphore, #tpu.memory_space<semaphore_mem>>, %arg13: memref<!tpu.dma_semaphore, #tpu.memory_space<semaphore_mem>>) attributes {dimension_semantics = [#tpu.dimension_semantics<core_parallel>, #tpu.dimension_semantics<subcore_parallel>], iteration_bounds = array<i64: 2, 16>, scalar_prefetch = 0 : i64, scratch_operands = 6 : i64, tpu.core_type = #tpu.core_type<sc_vector_subcore>, window_params = [{transform_indices = #map}, {transform_indices = #map}, {transform_indices = #map}, {transform_indices = #map}, {transform_indices = #map}, {transform_indices = #map}]} {
    %mul3A = arith.constant 2 : i32
    %mul3A_0 = arith.muli %arg1, %mul3A : i32
    %add3A = arith.addi %mul3A_0, %arg0 : i32
    %mul3A_1 = arith.constant 256 : i32
    %mul3A_2 = arith.muli %add3A, %mul3A_1 : i32
    %mul3A_3 = arith.constant 2 : i32
    %mul3A_4 = arith.muli %add3A, %mul3A_3 : i32
    %add3A_5 = arith.constant 64 : i32
    %add3A_6 = arith.addi %add3A_5, %mul3A_4 : i32
    "tpu.region"() ({
      %run_scoped3A = tpu.sem_alloc : memref<!tpu.dma_semaphore, #tpu.memory_space<semaphore_mem>>
      %dma_start3A_170 = arith.constant 0 : i32
      %dma_start3A_171 = tpu.memref_slice %arg3[%add3A_6, %dma_start3A_170] : memref<128x128xi32, #tpu.memory_space<hbm>> -> memref<2x128xi32, #tpu.memory_space<hbm>>
      %dma_start3A_172 = arith.constant 0 : i32
      %dma_start3A_173 = tpu.memref_slice %arg3[%add3A_6, %dma_start3A_172] : memref<128x128xi32, #tpu.memory_space<hbm>> -> memref<2x128xi32, #tpu.memory_space<hbm>>
      tpu.enqueue_dma source(%dma_start3A_173 : memref<2x128xi32, #tpu.memory_space<hbm>>) target(%arg8 : memref<2x128xi32, #tpu.memory_space<vmem>>) target_semaphore(%run_scoped3A : memref<!tpu.dma_semaphore, #tpu.memory_space<semaphore_mem>>)
      %dma_wait3A_174 = arith.constant 0 : i32
      %dma_wait3A_175 = tpu.memref_slice %arg3[%add3A_6, %dma_wait3A_174] : memref<128x128xi32, #tpu.memory_space<hbm>> -> memref<2x128xi32, #tpu.memory_space<hbm>>
      %dma_wait3A_176 = arith.constant 0 : i32
      %dma_wait3A_177 = tpu.memref_slice %arg3[%add3A_6, %dma_wait3A_176] : memref<128x128xi32, #tpu.memory_space<hbm>> -> memref<2x128xi32, #tpu.memory_space<hbm>>
      tpu.wait_dma2 semaphore(%run_scoped3A : memref<!tpu.dma_semaphore, #tpu.memory_space<semaphore_mem>>) src(%dma_wait3A_177 : memref<2x128xi32, #tpu.memory_space<hbm>>) dst(%arg8 : memref<2x128xi32, #tpu.memory_space<vmem>>)
      tpu.yield
    }) : () -> ()
    %add3A_7 = arith.constant 0 : i32
    %add3A_8 = arith.addi %mul3A_2, %add3A_7 : i32
    %dma_start3A = arith.constant 0 : i32
    %dma_start3A_9 = arith.constant 0 : i32
    %dma_start3A_10 = arith.constant 0 : i32
    %dma_start3A_11 = tpu.memref_slice %arg9[%dma_start3A, %dma_start3A_9, %dma_start3A_10] : memref<2x128x128xi32, #tpu.memory_space<vmem>> -> memref<1x128x128xi32, #tpu.memory_space<vmem>>
    %dma_start3A_12 = tpu.memref_squeeze %dma_start3A_11 : memref<1x128x128xi32, #tpu.memory_space<vmem>> -> memref<128x128xi32, #tpu.memory_space<vmem>>
    %dma_start3A_13 = arith.constant 0 : i32
    %dma_start3A_14 = tpu.memref_slice %arg2[%add3A_8, %dma_start3A_13] : memref<8192x128xi32, #tpu.memory_space<hbm>> -> memref<128x128xi32, #tpu.memory_space<hbm>>
    %dma_start3A_15 = arith.constant 0 : i32
    %dma_start3A_16 = arith.constant 0 : i32
    %dma_start3A_17 = tpu.memref_slice %arg9[%dma_start3A, %dma_start3A_15, %dma_start3A_16] : memref<2x128x128xi32, #tpu.memory_space<vmem>> -> memref<1x128x128xi32, #tpu.memory_space<vmem>>
    %dma_start3A_18 = tpu.memref_squeeze %dma_start3A_17 : memref<1x128x128xi32, #tpu.memory_space<vmem>> -> memref<128x128xi32, #tpu.memory_space<vmem>>
    %dma_start3A_19 = arith.constant 0 : i32
    %dma_start3A_20 = tpu.memref_slice %arg2[%add3A_8, %dma_start3A_19] : memref<8192x128xi32, #tpu.memory_space<hbm>> -> memref<128x128xi32, #tpu.memory_space<hbm>>
    tpu.enqueue_dma source(%dma_start3A_20 : memref<128x128xi32, #tpu.memory_space<hbm>>) target(%dma_start3A_18 : memref<128x128xi32, #tpu.memory_space<vmem>>) target_semaphore(%arg12 : memref<!tpu.dma_semaphore, #tpu.memory_space<semaphore_mem>>)
    %add3A_21 = arith.constant 128 : i32
    %add3A_22 = arith.addi %mul3A_2, %add3A_21 : i32
    %dma_start3A_23 = arith.constant 1 : i32
    %dma_start3A_24 = arith.constant 0 : i32
    %dma_start3A_25 = arith.constant 0 : i32
    %dma_start3A_26 = tpu.memref_slice %arg9[%dma_start3A_23, %dma_start3A_24, %dma_start3A_25] : memref<2x128x128xi32, #tpu.memory_space<vmem>> -> memref<1x128x128xi32, #tpu.memory_space<vmem>>
    %dma_start3A_27 = tpu.memref_squeeze %dma_start3A_26 : memref<1x128x128xi32, #tpu.memory_space<vmem>> -> memref<128x128xi32, #tpu.memory_space<vmem>>
    %dma_start3A_28 = arith.constant 0 : i32
    %dma_start3A_29 = tpu.memref_slice %arg2[%add3A_22, %dma_start3A_28] : memref<8192x128xi32, #tpu.memory_space<hbm>> -> memref<128x128xi32, #tpu.memory_space<hbm>>
    %dma_start3A_30 = arith.constant 0 : i32
    %dma_start3A_31 = arith.constant 0 : i32
    %dma_start3A_32 = tpu.memref_slice %arg9[%dma_start3A_23, %dma_start3A_30, %dma_start3A_31] : memref<2x128x128xi32, #tpu.memory_space<vmem>> -> memref<1x128x128xi32, #tpu.memory_space<vmem>>
    %dma_start3A_33 = tpu.memref_squeeze %dma_start3A_32 : memref<1x128x128xi32, #tpu.memory_space<vmem>> -> memref<128x128xi32, #tpu.memory_space<vmem>>
    %dma_start3A_34 = arith.constant 0 : i32
    %dma_start3A_35 = tpu.memref_slice %arg2[%add3A_22, %dma_start3A_34] : memref<8192x128xi32, #tpu.memory_space<hbm>> -> memref<128x128xi32, #tpu.memory_space<hbm>>
    tpu.enqueue_dma source(%dma_start3A_35 : memref<128x128xi32, #tpu.memory_space<hbm>>) target(%dma_start3A_33 : memref<128x128xi32, #tpu.memory_space<vmem>>) target_semaphore(%arg12 : memref<!tpu.dma_semaphore, #tpu.memory_space<semaphore_mem>>)
    %dma_wait3A = arith.constant 0 : i32
    %dma_wait3A_36 = arith.constant 0 : i32
    %dma_wait3A_37 = arith.constant 0 : i32
    %dma_wait3A_38 = tpu.memref_slice %arg9[%dma_wait3A, %dma_wait3A_36, %dma_wait3A_37] : memref<2x128x128xi32, #tpu.memory_space<vmem>> -> memref<1x128x128xi32, #tpu.memory_space<vmem>>
    %dma_wait3A_39 = tpu.memref_squeeze %dma_wait3A_38 : memref<1x128x128xi32, #tpu.memory_space<vmem>> -> memref<128x128xi32, #tpu.memory_space<vmem>>
    %dma_wait3A_40 = arith.constant 0 : i32
    %dma_wait3A_41 = tpu.memref_slice %arg2[%add3A_8, %dma_wait3A_40] : memref<8192x128xi32, #tpu.memory_space<hbm>> -> memref<128x128xi32, #tpu.memory_space<hbm>>
    %dma_wait3A_42 = arith.constant 0 : i32
    %dma_wait3A_43 = arith.constant 0 : i32
    %dma_wait3A_44 = tpu.memref_slice %arg9[%dma_wait3A, %dma_wait3A_42, %dma_wait3A_43] : memref<2x128x128xi32, #tpu.memory_space<vmem>> -> memref<1x128x128xi32, #tpu.memory_space<vmem>>
    %dma_wait3A_45 = tpu.memref_squeeze %dma_wait3A_44 : memref<1x128x128xi32, #tpu.memory_space<vmem>> -> memref<128x128xi32, #tpu.memory_space<vmem>>
    %dma_wait3A_46 = arith.constant 0 : i32
    %dma_wait3A_47 = tpu.memref_slice %arg2[%add3A_8, %dma_wait3A_46] : memref<8192x128xi32, #tpu.memory_space<hbm>> -> memref<128x128xi32, #tpu.memory_space<hbm>>
    tpu.wait_dma2 semaphore(%arg12 : memref<!tpu.dma_semaphore, #tpu.memory_space<semaphore_mem>>) src(%dma_wait3A_47 : memref<128x128xi32, #tpu.memory_space<hbm>>) dst(%dma_wait3A_45 : memref<128x128xi32, #tpu.memory_space<vmem>>)
    %scan3A = arith.constant 0 : i32
    %scan3A_48 = arith.constant 0 : i32
    %scan3A_49 = arith.constant 128 : i32
    %scan3A_50 = arith.addi %scan3A_48, %scan3A_49 : i32
    %scan3A_51 = arith.constant 1 : i32
    %scan3A_52 = scf.for %scan3A_170 = %scan3A_48 to %scan3A_50 step %scan3A_51 iter_args(%scan3A_171 = %scan3A) -> (i32)  : i32 {
      %get3A = arith.constant 0 : i32
      %get3A_172 = arith.index_cast %get3A : i32 to index
      %get3A_173 = arith.index_cast %scan3A_170 : i32 to index
      %get3A_174 = arith.constant 0 : index
      %get3A_175 = tpu.vector_load %arg9[%get3A_172, %get3A_173, %get3A_174] {strides = array<i32>} : memref<2x128x128xi32, #tpu.memory_space<vmem>>, vector<1x1x16xi32>,
      %get3A_176 = vector.shape_cast %get3A_175 : vector<1x1x16xi32> to vector<16xi32>
      %and3A = arith.constant -65536 : i32
      %and3A_177 = vector.broadcast %and3A : i32 to vector<16xi32>
      %and3A_178 = arith.andi %get3A_176, %and3A_177 : vector<16xi32>
      %bitcast_convert_type3A = tpu.bitcast %and3A_178 : vector<16xi32> -> vector<16xf32>
      %swap3A = arith.constant 0 : i32
      %swap3A_179 = arith.index_cast %swap3A : i32 to index
      %swap3A_180 = arith.index_cast %scan3A_170 : i32 to index
      %swap3A_181 = arith.constant 0 : index
      %swap3A_182 = tpu.vector_load %arg10[%swap3A_179, %swap3A_180, %swap3A_181] {strides = array<i32>} : memref<2x128x128xf32, #tpu.memory_space<vmem>>, vector<1x1x16xf32>,
      %swap3A_183 = vector.shape_cast %swap3A_182 : vector<1x1x16xf32> to vector<16xf32>
      %swap3A_184 = vector.shape_cast %bitcast_convert_type3A : vector<16xf32> to vector<1x1x16xf32>
      tpu.vector_store %arg10[%swap3A_179, %swap3A_180, %swap3A_181], %swap3A_184 {strides = array<i32>} : memref<2x128x128xf32, #tpu.memory_space<vmem>>, vector<1x1x16xf32>,
      %shift_left3A = arith.constant 16 : i32
      %shift_left3A_185 = vector.broadcast %shift_left3A : i32 to vector<16xi32>
      %shift_left3A_186 = arith.shli %get3A_176, %shift_left3A_185 : vector<16xi32>
      %bitcast_convert_type3A_187 = tpu.bitcast %shift_left3A_186 : vector<16xi32> -> vector<16xf32>
      %swap3A_188 = arith.constant 0 : i32
      %swap3A_189 = arith.index_cast %swap3A_188 : i32 to index
      %swap3A_190 = arith.index_cast %scan3A_170 : i32 to index
      %swap3A_191 = arith.constant 0 : index
      %swap3A_192 = tpu.vector_load %arg11[%swap3A_189, %swap3A_190, %swap3A_191] {strides = array<i32>} : memref<2x128x128xf32, #tpu.memory_space<vmem>>, vector<1x1x16xf32>,
      %swap3A_193 = vector.shape_cast %swap3A_192 : vector<1x1x16xf32> to vector<16xf32>
      %swap3A_194 = vector.shape_cast %bitcast_convert_type3A_187 : vector<16xf32> to vector<1x1x16xf32>
      tpu.vector_store %arg11[%swap3A_189, %swap3A_190, %swap3A_191], %swap3A_194 {strides = array<i32>} : memref<2x128x128xf32, #tpu.memory_space<vmem>>, vector<1x1x16xf32>,
      %get3A_195 = arith.constant 0 : i32
      %get3A_196 = arith.index_cast %get3A_195 : i32 to index
      %get3A_197 = arith.index_cast %scan3A_170 : i32 to index
      %get3A_198 = arith.constant 16 : index
      %get3A_199 = tpu.vector_load %arg9[%get3A_196, %get3A_197, %get3A_198] {strides = array<i32>} : memref<2x128x128xi32, #tpu.memory_space<vmem>>, vector<1x1x16xi32>,
      %get3A_200 = vector.shape_cast %get3A_199 : vector<1x1x16xi32> to vector<16xi32>
      %and3A_201 = arith.constant -65536 : i32
      %and3A_202 = vector.broadcast %and3A_201 : i32 to vector<16xi32>
      %and3A_203 = arith.andi %get3A_200, %and3A_202 : vector<16xi32>
      %bitcast_convert_type3A_204 = tpu.bitcast %and3A_203 : vector<16xi32> -> vector<16xf32>
      %swap3A_205 = arith.constant 0 : i32
      %swap3A_206 = arith.index_cast %swap3A_205 : i32 to index
      %swap3A_207 = arith.index_cast %scan3A_170 : i32 to index
      %swap3A_208 = arith.constant 16 : index
      %swap3A_209 = tpu.vector_load %arg10[%swap3A_206, %swap3A_207, %swap3A_208] {strides = array<i32>} : memref<2x128x128xf32, #tpu.memory_space<vmem>>, vector<1x1x16xf32>,
      %swap3A_210 = vector.shape_cast %swap3A_209 : vector<1x1x16xf32> to vector<16xf32>
      %swap3A_211 = vector.shape_cast %bitcast_convert_type3A_204 : vector<16xf32> to vector<1x1x16xf32>
      tpu.vector_store %arg10[%swap3A_206, %swap3A_207, %swap3A_208], %swap3A_211 {strides = array<i32>} : memref<2x128x128xf32, #tpu.memory_space<vmem>>, vector<1x1x16xf32>,
      %shift_left3A_212 = arith.constant 16 : i32
      %shift_left3A_213 = vector.broadcast %shift_left3A_212 : i32 to vector<16xi32>
      %shift_left3A_214 = arith.shli %get3A_200, %shift_left3A_213 : vector<16xi32>
      %bitcast_convert_type3A_215 = tpu.bitcast %shift_left3A_214 : vector<16xi32> -> vector<16xf32>
      %swap3A_216 = arith.constant 0 : i32
      %swap3A_217 = arith.index_cast %swap3A_216 : i32 to index
      %swap3A_218 = arith.index_cast %scan3A_170 : i32 to index
      %swap3A_219 = arith.constant 16 : index
      %swap3A_220 = tpu.vector_load %arg11[%swap3A_217, %swap3A_218, %swap3A_219] {strides = array<i32>} : memref<2x128x128xf32, #tpu.memory_space<vmem>>, vector<1x1x16xf32>,
      %swap3A_221 = vector.shape_cast %swap3A_220 : vector<1x1x16xf32> to vector<16xf32>
      %swap3A_222 = vector.shape_cast %bitcast_convert_type3A_215 : vector<16xf32> to vector<1x1x16xf32>
      tpu.vector_store %arg11[%swap3A_217, %swap3A_218, %swap3A_219], %swap3A_222 {strides = array<i32>} : memref<2x128x128xf32, #tpu.memory_space<vmem>>, vector<1x1x16xf32>,
      %get3A_223 = arith.constant 0 : i32
      %get3A_224 = arith.index_cast %get3A_223 : i32 to index
      %get3A_225 = arith.index_cast %scan3A_170 : i32 to index
      %get3A_226 = arith.constant 32 : index
      %get3A_227 = tpu.vector_load %arg9[%get3A_224, %get3A_225, %get3A_226] {strides = array<i32>} : memref<2x128x128xi32, #tpu.memory_space<vmem>>, vector<1x1x16xi32>,
      %get3A_228 = vector.shape_cast %get3A_227 : vector<1x1x16xi32> to vector<16xi32>
      %and3A_229 = arith.constant -65536 : i32
      %and3A_230 = vector.broadcast %and3A_229 : i32 to vector<16xi32>
      %and3A_231 = arith.andi %get3A_228, %and3A_230 : vector<16xi32>
      %bitcast_convert_type3A_232 = tpu.bitcast %and3A_231 : vector<16xi32> -> vector<16xf32>
      %swap3A_233 = arith.constant 0 : i32
      %swap3A_234 = arith.index_cast %swap3A_233 : i32 to index
      %swap3A_235 = arith.index_cast %scan3A_170 : i32 to index
      %swap3A_236 = arith.constant 32 : index
      %swap3A_237 = tpu.vector_load %arg10[%swap3A_234, %swap3A_235, %swap3A_236] {strides = array<i32>} : memref<2x128x128xf32, #tpu.memory_space<vmem>>, vector<1x1x16xf32>,
      %swap3A_238 = vector.shape_cast %swap3A_237 : vector<1x1x16xf32> to vector<16xf32>
      %swap3A_239 = vector.shape_cast %bitcast_convert_type3A_232 : vector<16xf32> to vector<1x1x16xf32>
      tpu.vector_store %arg10[%swap3A_234, %swap3A_235, %swap3A_236], %swap3A_239 {strides = array<i32>} : memref<2x128x128xf32, #tpu.memory_space<vmem>>, vector<1x1x16xf32>,
      %shift_left3A_240 = arith.constant 16 : i32
      %shift_left3A_241 = vector.broadcast %shift_left3A_240 : i32 to vector<16xi32>
      %shift_left3A_242 = arith.shli %get3A_228, %shift_left3A_241 : vector<16xi32>
      %bitcast_convert_type3A_243 = tpu.bitcast %shift_left3A_242 : vector<16xi32> -> vector<16xf32>
      %swap3A_244 = arith.constant 0 : i32
      %swap3A_245 = arith.index_cast %swap3A_244 : i32 to index
      %swap3A_246 = arith.index_cast %scan3A_170 : i32 to index
      %swap3A_247 = arith.constant 32 : index
      %swap3A_248 = tpu.vector_load %arg11[%swap3A_245, %swap3A_246, %swap3A_247] {strides = array<i32>} : memref<2x128x128xf32, #tpu.memory_space<vmem>>, vector<1x1x16xf32>,
      %swap3A_249 = vector.shape_cast %swap3A_248 : vector<1x1x16xf32> to vector<16xf32>
      %swap3A_250 = vector.shape_cast %bitcast_convert_type3A_243 : vector<16xf32> to vector<1x1x16xf32>
      tpu.vector_store %arg11[%swap3A_245, %swap3A_246, %swap3A_247], %swap3A_250 {strides = array<i32>} : memref<2x128x128xf32, #tpu.memory_space<vmem>>, vector<1x1x16xf32>,
      %get3A_251 = arith.constant 0 : i32
      %get3A_252 = arith.index_cast %get3A_251 : i32 to index
      %get3A_253 = arith.index_cast %scan3A_170 : i32 to index
      %get3A_254 = arith.constant 48 : index
      %get3A_255 = tpu.vector_load %arg9[%get3A_252, %get3A_253, %get3A_254] {strides = array<i32>} : memref<2x128x128xi32, #tpu.memory_space<vmem>>, vector<1x1x16xi32>,
      %get3A_256 = vector.shape_cast %get3A_255 : vector<1x1x16xi32> to vector<16xi32>
      %and3A_257 = arith.constant -65536 : i32
      %and3A_258 = vector.broadcast %and3A_257 : i32 to vector<16xi32>
      %and3A_259 = arith.andi %get3A_256, %and3A_258 : vector<16xi32>
      %bitcast_convert_type3A_260 = tpu.bitcast %and3A_259 : vector<16xi32> -> vector<16xf32>
      %swap3A_261 = arith.constant 0 : i32
      %swap3A_262 = arith.index_cast %swap3A_261 : i32 to index
      %swap3A_263 = arith.index_cast %scan3A_170 : i32 to index
      %swap3A_264 = arith.constant 48 : index
      %swap3A_265 = tpu.vector_load %arg10[%swap3A_262, %swap3A_263, %swap3A_264] {strides = array<i32>} : memref<2x128x128xf32, #tpu.memory_space<vmem>>, vector<1x1x16xf32>,
      %swap3A_266 = vector.shape_cast %swap3A_265 : vector<1x1x16xf32> to vector<16xf32>
      %swap3A_267 = vector.shape_cast %bitcast_convert_type3A_260 : vector<16xf32> to vector<1x1x16xf32>
      tpu.vector_store %arg10[%swap3A_262, %swap3A_263, %swap3A_264], %swap3A_267 {strides = array<i32>} : memref<2x128x128xf32, #tpu.memory_space<vmem>>, vector<1x1x16xf32>,
      %shift_left3A_268 = arith.constant 16 : i32
      %shift_left3A_269 = vector.broadcast %shift_left3A_268 : i32 to vector<16xi32>
      %shift_left3A_270 = arith.shli %get3A_256, %shift_left3A_269 : vector<16xi32>
      %bitcast_convert_type3A_271 = tpu.bitcast %shift_left3A_270 : vector<16xi32> -> vector<16xf32>
      %swap3A_272 = arith.constant 0 : i32
      %swap3A_273 = arith.index_cast %swap3A_272 : i32 to index
      %swap3A_274 = arith.index_cast %scan3A_170 : i32 to index
      %swap3A_275 = arith.constant 48 : index
      %swap3A_276 = tpu.vector_load %arg11[%swap3A_273, %swap3A_274, %swap3A_275] {strides = array<i32>} : memref<2x128x128xf32, #tpu.memory_space<vmem>>, vector<1x1x16xf32>,
      %swap3A_277 = vector.shape_cast %swap3A_276 : vector<1x1x16xf32> to vector<16xf32>
      %swap3A_278 = vector.shape_cast %bitcast_convert_type3A_271 : vector<16xf32> to vector<1x1x16xf32>
      tpu.vector_store %arg11[%swap3A_273, %swap3A_274, %swap3A_275], %swap3A_278 {strides = array<i32>} : memref<2x128x128xf32, #tpu.memory_space<vmem>>, vector<1x1x16xf32>,
      %get3A_279 = arith.constant 0 : i32
      %get3A_280 = arith.index_cast %get3A_279 : i32 to index
      %get3A_281 = arith.index_cast %scan3A_170 : i32 to index
      %get3A_282 = arith.constant 64 : index
      %get3A_283 = tpu.vector_load %arg9[%get3A_280, %get3A_281, %get3A_282] {strides = array<i32>} : memref<2x128x128xi32, #tpu.memory_space<vmem>>, vector<1x1x16xi32>,
      %get3A_284 = vector.shape_cast %get3A_283 : vector<1x1x16xi32> to vector<16xi32>
      %and3A_285 = arith.constant -65536 : i32
      %and3A_286 = vector.broadcast %and3A_285 : i32 to vector<16xi32>
      %and3A_287 = arith.andi %get3A_284, %and3A_286 : vector<16xi32>
      %bitcast_convert_type3A_288 = tpu.bitcast %and3A_287 : vector<16xi32> -> vector<16xf32>
      %swap3A_289 = arith.constant 0 : i32
      %swap3A_290 = arith.index_cast %swap3A_289 : i32 to index
      %swap3A_291 = arith.index_cast %scan3A_170 : i32 to index
      %swap3A_292 = arith.constant 64 : index
      %swap3A_293 = tpu.vector_load %arg10[%swap3A_290, %swap3A_291, %swap3A_292] {strides = array<i32>} : memref<2x128x128xf32, #tpu.memory_space<vmem>>, vector<1x1x16xf32>,
      %swap3A_294 = vector.shape_cast %swap3A_293 : vector<1x1x16xf32> to vector<16xf32>
      %swap3A_295 = vector.shape_cast %bitcast_convert_type3A_288 : vector<16xf32> to vector<1x1x16xf32>
      tpu.vector_store %arg10[%swap3A_290, %swap3A_291, %swap3A_292], %swap3A_295 {strides = array<i32>} : memref<2x128x128xf32, #tpu.memory_space<vmem>>, vector<1x1x16xf32>,
      %shift_left3A_296 = arith.constant 16 : i32
      %shift_left3A_297 = vector.broadcast %shift_left3A_296 : i32 to vector<16xi32>
      %shift_left3A_298 = arith.shli %get3A_284, %shift_left3A_297 : vector<16xi32>
      %bitcast_convert_type3A_299 = tpu.bitcast %shift_left3A_298 : vector<16xi32> -> vector<16xf32>
      %swap3A_300 = arith.constant 0 : i32
      %swap3A_301 = arith.index_cast %swap3A_300 : i32 to index
      %swap3A_302 = arith.index_cast %scan3A_170 : i32 to index
      %swap3A_303 = arith.constant 64 : index
      %swap3A_304 = tpu.vector_load %arg11[%swap3A_301, %swap3A_302, %swap3A_303] {strides = array<i32>} : memref<2x128x128xf32, #tpu.memory_space<vmem>>, vector<1x1x16xf32>,
      %swap3A_305 = vector.shape_cast %swap3A_304 : vector<1x1x16xf32> to vector<16xf32>
      %swap3A_306 = vector.shape_cast %bitcast_convert_type3A_299 : vector<16xf32> to vector<1x1x16xf32>
      tpu.vector_store %arg11[%swap3A_301, %swap3A_302, %swap3A_303], %swap3A_306 {strides = array<i32>} : memref<2x128x128xf32, #tpu.memory_space<vmem>>, vector<1x1x16xf32>,
      %get3A_307 = arith.constant 0 : i32
      %get3A_308 = arith.index_cast %get3A_307 : i32 to index
      %get3A_309 = arith.index_cast %scan3A_170 : i32 to index
      %get3A_310 = arith.constant 80 : index
      %get3A_311 = tpu.vector_load %arg9[%get3A_308, %get3A_309, %get3A_310] {strides = array<i32>} : memref<2x128x128xi32, #tpu.memory_space<vmem>>, vector<1x1x16xi32>,
      %get3A_312 = vector.shape_cast %get3A_311 : vector<1x1x16xi32> to vector<16xi32>
      %and3A_313 = arith.constant -65536 : i32
      %and3A_314 = vector.broadcast %and3A_313 : i32 to vector<16xi32>
      %and3A_315 = arith.andi %get3A_312, %and3A_314 : vector<16xi32>
      %bitcast_convert_type3A_316 = tpu.bitcast %and3A_315 : vector<16xi32> -> vector<16xf32>
      %swap3A_317 = arith.constant 0 : i32
      %swap3A_318 = arith.index_cast %swap3A_317 : i32 to index
      %swap3A_319 = arith.index_cast %scan3A_170 : i32 to index
      %swap3A_320 = arith.constant 80 : index
      %swap3A_321 = tpu.vector_load %arg10[%swap3A_318, %swap3A_319, %swap3A_320] {strides = array<i32>} : memref<2x128x128xf32, #tpu.memory_space<vmem>>, vector<1x1x16xf32>,
      %swap3A_322 = vector.shape_cast %swap3A_321 : vector<1x1x16xf32> to vector<16xf32>
      %swap3A_323 = vector.shape_cast %bitcast_convert_type3A_316 : vector<16xf32> to vector<1x1x16xf32>
      tpu.vector_store %arg10[%swap3A_318, %swap3A_319, %swap3A_320], %swap3A_323 {strides = array<i32>} : memref<2x128x128xf32, #tpu.memory_space<vmem>>, vector<1x1x16xf32>,
      %shift_left3A_324 = arith.constant 16 : i32
      %shift_left3A_325 = vector.broadcast %shift_left3A_324 : i32 to vector<16xi32>
      %shift_left3A_326 = arith.shli %get3A_312, %shift_left3A_325 : vector<16xi32>
      %bitcast_convert_type3A_327 = tpu.bitcast %shift_left3A_326 : vector<16xi32> -> vector<16xf32>
      %swap3A_328 = arith.constant 0 : i32
      %swap3A_329 = arith.index_cast %swap3A_328 : i32 to index
      %swap3A_330 = arith.index_cast %scan3A_170 : i32 to index
      %swap3A_331 = arith.constant 80 : index
      %swap3A_332 = tpu.vector_load %arg11[%swap3A_329, %swap3A_330, %swap3A_331] {strides = array<i32>} : memref<2x128x128xf32, #tpu.memory_space<vmem>>, vector<1x1x16xf32>,
      %swap3A_333 = vector.shape_cast %swap3A_332 : vector<1x1x16xf32> to vector<16xf32>
      %swap3A_334 = vector.shape_cast %bitcast_convert_type3A_327 : vector<16xf32> to vector<1x1x16xf32>
      tpu.vector_store %arg11[%swap3A_329, %swap3A_330, %swap3A_331], %swap3A_334 {strides = array<i32>} : memref<2x128x128xf32, #tpu.memory_space<vmem>>, vector<1x1x16xf32>,
      %get3A_335 = arith.constant 0 : i32
      %get3A_336 = arith.index_cast %get3A_335 : i32 to index
      %get3A_337 = arith.index_cast %scan3A_170 : i32 to index
      %get3A_338 = arith.constant 96 : index
      %get3A_339 = tpu.vector_load %arg9[%get3A_336, %get3A_337, %get3A_338] {strides = array<i32>} : memref<2x128x128xi32, #tpu.memory_space<vmem>>, vector<1x1x16xi32>,
      %get3A_340 = vector.shape_cast %get3A_339 : vector<1x1x16xi32> to vector<16xi32>
      %and3A_341 = arith.constant -65536 : i32
      %and3A_342 = vector.broadcast %and3A_341 : i32 to vector<16xi32>
      %and3A_343 = arith.andi %get3A_340, %and3A_342 : vector<16xi32>
      %bitcast_convert_type3A_344 = tpu.bitcast %and3A_343 : vector<16xi32> -> vector<16xf32>
      %swap3A_345 = arith.constant 0 : i32
      %swap3A_346 = arith.index_cast %swap3A_345 : i32 to index
      %swap3A_347 = arith.index_cast %scan3A_170 : i32 to index
      %swap3A_348 = arith.constant 96 : index
      %swap3A_349 = tpu.vector_load %arg10[%swap3A_346, %swap3A_347, %swap3A_348] {strides = array<i32>} : memref<2x128x128xf32, #tpu.memory_space<vmem>>, vector<1x1x16xf32>,
      %swap3A_350 = vector.shape_cast %swap3A_349 : vector<1x1x16xf32> to vector<16xf32>
      %swap3A_351 = vector.shape_cast %bitcast_convert_type3A_344 : vector<16xf32> to vector<1x1x16xf32>
      tpu.vector_store %arg10[%swap3A_346, %swap3A_347, %swap3A_348], %swap3A_351 {strides = array<i32>} : memref<2x128x128xf32, #tpu.memory_space<vmem>>, vector<1x1x16xf32>,
      %shift_left3A_352 = arith.constant 16 : i32
      %shift_left3A_353 = vector.broadcast %shift_left3A_352 : i32 to vector<16xi32>
      %shift_left3A_354 = arith.shli %get3A_340, %shift_left3A_353 : vector<16xi32>
      %bitcast_convert_type3A_355 = tpu.bitcast %shift_left3A_354 : vector<16xi32> -> vector<16xf32>
      %swap3A_356 = arith.constant 0 : i32
      %swap3A_357 = arith.index_cast %swap3A_356 : i32 to index
      %swap3A_358 = arith.index_cast %scan3A_170 : i32 to index
      %swap3A_359 = arith.constant 96 : index
      %swap3A_360 = tpu.vector_load %arg11[%swap3A_357, %swap3A_358, %swap3A_359] {strides = array<i32>} : memref<2x128x128xf32, #tpu.memory_space<vmem>>, vector<1x1x16xf32>,
      %swap3A_361 = vector.shape_cast %swap3A_360 : vector<1x1x16xf32> to vector<16xf32>
      %swap3A_362 = vector.shape_cast %bitcast_convert_type3A_355 : vector<16xf32> to vector<1x1x16xf32>
      tpu.vector_store %arg11[%swap3A_357, %swap3A_358, %swap3A_359], %swap3A_362 {strides = array<i32>} : memref<2x128x128xf32, #tpu.memory_space<vmem>>, vector<1x1x16xf32>,
      %get3A_363 = arith.constant 0 : i32
      %get3A_364 = arith.index_cast %get3A_363 : i32 to index
      %get3A_365 = arith.index_cast %scan3A_170 : i32 to index
      %get3A_366 = arith.constant 112 : index
      %get3A_367 = tpu.vector_load %arg9[%get3A_364, %get3A_365, %get3A_366] {strides = array<i32>} : memref<2x128x128xi32, #tpu.memory_space<vmem>>, vector<1x1x16xi32>,
      %get3A_368 = vector.shape_cast %get3A_367 : vector<1x1x16xi32> to vector<16xi32>
      %and3A_369 = arith.constant -65536 : i32
      %and3A_370 = vector.broadcast %and3A_369 : i32 to vector<16xi32>
      %and3A_371 = arith.andi %get3A_368, %and3A_370 : vector<16xi32>
      %bitcast_convert_type3A_372 = tpu.bitcast %and3A_371 : vector<16xi32> -> vector<16xf32>
      %swap3A_373 = arith.constant 0 : i32
      %swap3A_374 = arith.index_cast %swap3A_373 : i32 to index
      %swap3A_375 = arith.index_cast %scan3A_170 : i32 to index
      %swap3A_376 = arith.constant 112 : index
      %swap3A_377 = tpu.vector_load %arg10[%swap3A_374, %swap3A_375, %swap3A_376] {strides = array<i32>} : memref<2x128x128xf32, #tpu.memory_space<vmem>>, vector<1x1x16xf32>,
      %swap3A_378 = vector.shape_cast %swap3A_377 : vector<1x1x16xf32> to vector<16xf32>
      %swap3A_379 = vector.shape_cast %bitcast_convert_type3A_372 : vector<16xf32> to vector<1x1x16xf32>
      tpu.vector_store %arg10[%swap3A_374, %swap3A_375, %swap3A_376], %swap3A_379 {strides = array<i32>} : memref<2x128x128xf32, #tpu.memory_space<vmem>>, vector<1x1x16xf32>,
      %shift_left3A_380 = arith.constant 16 : i32
      %shift_left3A_381 = vector.broadcast %shift_left3A_380 : i32 to vector<16xi32>
      %shift_left3A_382 = arith.shli %get3A_368, %shift_left3A_381 : vector<16xi32>
      %bitcast_convert_type3A_383 = tpu.bitcast %shift_left3A_382 : vector<16xi32> -> vector<16xf32>
      %swap3A_384 = arith.constant 0 : i32
      %swap3A_385 = arith.index_cast %swap3A_384 : i32 to index
      %swap3A_386 = arith.index_cast %scan3A_170 : i32 to index
      %swap3A_387 = arith.constant 112 : index
      %swap3A_388 = tpu.vector_load %arg11[%swap3A_385, %swap3A_386, %swap3A_387] {strides = array<i32>} : memref<2x128x128xf32, #tpu.memory_space<vmem>>, vector<1x1x16xf32>,
      %swap3A_389 = vector.shape_cast %swap3A_388 : vector<1x1x16xf32> to vector<16xf32>
      %swap3A_390 = vector.shape_cast %bitcast_convert_type3A_383 : vector<16xf32> to vector<1x1x16xf32>
      tpu.vector_store %arg11[%swap3A_385, %swap3A_386, %swap3A_387], %swap3A_390 {strides = array<i32>} : memref<2x128x128xf32, #tpu.memory_space<vmem>>, vector<1x1x16xf32>,
      %scan3A_391 = arith.constant 0 : i32
      scf.yield %scan3A_391 : i32
    }
    %scan3A_53 = arith.constant 128 : i32
    %dma_start3A_54 = arith.constant 0 : i32
    %dma_start3A_55 = arith.constant 0 : i32
    %dma_start3A_56 = arith.constant 0 : i32
    %dma_start3A_57 = arith.constant 0 : i32
    %dma_start3A_58 = tpu.memref_slice %arg10[%dma_start3A_54, %dma_start3A_56, %dma_start3A_57] : memref<2x128x128xf32, #tpu.memory_space<vmem>> -> memref<1x128x128xf32, #tpu.memory_space<vmem>>
    %dma_start3A_59 = tpu.memref_squeeze %dma_start3A_58 : memref<1x128x128xf32, #tpu.memory_space<vmem>> -> memref<128x128xf32, #tpu.memory_space<vmem>>
    %dma_start3A_60 = arith.constant 0 : i32
    %dma_start3A_61 = tpu.memref_slice %arg8[%dma_start3A_55, %dma_start3A_60] : memref<2x128xi32, #tpu.memory_space<vmem>> -> memref<1x128xi32, #tpu.memory_space<vmem>>
    %dma_start3A_62 = tpu.memref_squeeze %dma_start3A_61 : memref<1x128xi32, #tpu.memory_space<vmem>> -> memref<128xi32, #tpu.memory_space<vmem>>
    %dma_start3A_63 = arith.constant 0 : i32
    %dma_start3A_64 = arith.constant 0 : i32
    %dma_start3A_65 = tpu.memref_slice %arg4[%dma_start3A_63, %dma_start3A_64] : memref<16384x128xf32, #tpu.memory_space<hbm>> -> memref<16384x128xf32, #tpu.memory_space<hbm>>
    tpu.enqueue_indirect_dma source(%dma_start3A_59 : memref<128x128xf32, #tpu.memory_space<vmem>>) target(%dma_start3A_65 : memref<16384x128xf32, #tpu.memory_space<hbm>>) offsets(%dma_start3A_62 : memref<128xi32, #tpu.memory_space<vmem>>) semaphore(%arg13 : memref<!tpu.dma_semaphore, #tpu.memory_space<semaphore_mem>>)
    %dma_start3A_66 = arith.constant 0 : i32
    %dma_start3A_67 = arith.constant 0 : i32
    %dma_start3A_68 = arith.constant 0 : i32
    %dma_start3A_69 = arith.constant 0 : i32
    %dma_start3A_70 = tpu.memref_slice %arg11[%dma_start3A_66, %dma_start3A_68, %dma_start3A_69] : memref<2x128x128xf32, #tpu.memory_space<vmem>> -> memref<1x128x128xf32, #tpu.memory_space<vmem>>
    %dma_start3A_71 = tpu.memref_squeeze %dma_start3A_70 : memref<1x128x128xf32, #tpu.memory_space<vmem>> -> memref<128x128xf32, #tpu.memory_space<vmem>>
    %dma_start3A_72 = arith.constant 0 : i32
    %dma_start3A_73 = tpu.memref_slice %arg8[%dma_start3A_67, %dma_start3A_72] : memref<2x128xi32, #tpu.memory_space<vmem>> -> memref<1x128xi32, #tpu.memory_space<vmem>>
    %dma_start3A_74 = tpu.memref_squeeze %dma_start3A_73 : memref<1x128xi32, #tpu.memory_space<vmem>> -> memref<128xi32, #tpu.memory_space<vmem>>
    %dma_start3A_75 = arith.constant 0 : i32
    %dma_start3A_76 = arith.constant 0 : i32
    %dma_start3A_77 = tpu.memref_slice %arg5[%dma_start3A_75, %dma_start3A_76] : memref<16384x128xf32, #tpu.memory_space<hbm>> -> memref<16384x128xf32, #tpu.memory_space<hbm>>
    tpu.enqueue_indirect_dma source(%dma_start3A_71 : memref<128x128xf32, #tpu.memory_space<vmem>>) target(%dma_start3A_77 : memref<16384x128xf32, #tpu.memory_space<hbm>>) offsets(%dma_start3A_74 : memref<128xi32, #tpu.memory_space<vmem>>) semaphore(%arg13 : memref<!tpu.dma_semaphore, #tpu.memory_space<semaphore_mem>>)
    %dma_wait3A_78 = arith.constant 1 : i32
    %dma_wait3A_79 = arith.constant 0 : i32
    %dma_wait3A_80 = arith.constant 0 : i32
    %dma_wait3A_81 = tpu.memref_slice %arg9[%dma_wait3A_78, %dma_wait3A_79, %dma_wait3A_80] : memref<2x128x128xi32, #tpu.memory_space<vmem>> -> memref<1x128x128xi32, #tpu.memory_space<vmem>>
    %dma_wait3A_82 = tpu.memref_squeeze %dma_wait3A_81 : memref<1x128x128xi32, #tpu.memory_space<vmem>> -> memref<128x128xi32, #tpu.memory_space<vmem>>
    %dma_wait3A_83 = arith.constant 0 : i32
    %dma_wait3A_84 = tpu.memref_slice %arg2[%add3A_22, %dma_wait3A_83] : memref<8192x128xi32, #tpu.memory_space<hbm>> -> memref<128x128xi32, #tpu.memory_space<hbm>>
    %dma_wait3A_85 = arith.constant 0 : i32
    %dma_wait3A_86 = arith.constant 0 : i32
    %dma_wait3A_87 = tpu.memref_slice %arg9[%dma_wait3A_78, %dma_wait3A_85, %dma_wait3A_86] : memref<2x128x128xi32, #tpu.memory_space<vmem>> -> memref<1x128x128xi32, #tpu.memory_space<vmem>>
    %dma_wait3A_88 = tpu.memref_squeeze %dma_wait3A_87 : memref<1x128x128xi32, #tpu.memory_space<vmem>> -> memref<128x128xi32, #tpu.memory_space<vmem>>
    %dma_wait3A_89 = arith.constant 0 : i32
    %dma_wait3A_90 = tpu.memref_slice %arg2[%add3A_22, %dma_wait3A_89] : memref<8192x128xi32, #tpu.memory_space<hbm>> -> memref<128x128xi32, #tpu.memory_space<hbm>>
    tpu.wait_dma2 semaphore(%arg12 : memref<!tpu.dma_semaphore, #tpu.memory_space<semaphore_mem>>) src(%dma_wait3A_90 : memref<128x128xi32, #tpu.memory_space<hbm>>) dst(%dma_wait3A_88 : memref<128x128xi32, #tpu.memory_space<vmem>>)
    %scan3A_91 = arith.constant 0 : i32
    %scan3A_92 = arith.constant 0 : i32
    %scan3A_93 = arith.constant 128 : i32
    %scan3A_94 = arith.addi %scan3A_92, %scan3A_93 : i32
    %scan3A_95 = arith.constant 1 : i32
    %scan3A_96 = scf.for %scan3A_170 = %scan3A_92 to %scan3A_94 step %scan3A_95 iter_args(%scan3A_171 = %scan3A_91) -> (i32)  : i32 {
      %get3A = arith.constant 1 : i32
      %get3A_172 = arith.index_cast %get3A : i32 to index
      %get3A_173 = arith.index_cast %scan3A_170 : i32 to index
      %get3A_174 = arith.constant 0 : index
      %get3A_175 = tpu.vector_load %arg9[%get3A_172, %get3A_173, %get3A_174] {strides = array<i32>} : memref<2x128x128xi32, #tpu.memory_space<vmem>>, vector<1x1x16xi32>,
      %get3A_176 = vector.shape_cast %get3A_175 : vector<1x1x16xi32> to vector<16xi32>
      %and3A = arith.constant -65536 : i32
      %and3A_177 = vector.broadcast %and3A : i32 to vector<16xi32>
      %and3A_178 = arith.andi %get3A_176, %and3A_177 : vector<16xi32>
      %bitcast_convert_type3A = tpu.bitcast %and3A_178 : vector<16xi32> -> vector<16xf32>
      %swap3A = arith.constant 1 : i32
      %swap3A_179 = arith.index_cast %swap3A : i32 to index
      %swap3A_180 = arith.index_cast %scan3A_170 : i32 to index
      %swap3A_181 = arith.constant 0 : index
      %swap3A_182 = tpu.vector_load %arg10[%swap3A_179, %swap3A_180, %swap3A_181] {strides = array<i32>} : memref<2x128x128xf32, #tpu.memory_space<vmem>>, vector<1x1x16xf32>,
      %swap3A_183 = vector.shape_cast %swap3A_182 : vector<1x1x16xf32> to vector<16xf32>
      %swap3A_184 = vector.shape_cast %bitcast_convert_type3A : vector<16xf32> to vector<1x1x16xf32>
      tpu.vector_store %arg10[%swap3A_179, %swap3A_180, %swap3A_181], %swap3A_184 {strides = array<i32>} : memref<2x128x128xf32, #tpu.memory_space<vmem>>, vector<1x1x16xf32>,
      %shift_left3A = arith.constant 16 : i32
      %shift_left3A_185 = vector.broadcast %shift_left3A : i32 to vector<16xi32>
      %shift_left3A_186 = arith.shli %get3A_176, %shift_left3A_185 : vector<16xi32>
      %bitcast_convert_type3A_187 = tpu.bitcast %shift_left3A_186 : vector<16xi32> -> vector<16xf32>
      %swap3A_188 = arith.constant 1 : i32
      %swap3A_189 = arith.index_cast %swap3A_188 : i32 to index
      %swap3A_190 = arith.index_cast %scan3A_170 : i32 to index
      %swap3A_191 = arith.constant 0 : index
      %swap3A_192 = tpu.vector_load %arg11[%swap3A_189, %swap3A_190, %swap3A_191] {strides = array<i32>} : memref<2x128x128xf32, #tpu.memory_space<vmem>>, vector<1x1x16xf32>,
      %swap3A_193 = vector.shape_cast %swap3A_192 : vector<1x1x16xf32> to vector<16xf32>
      %swap3A_194 = vector.shape_cast %bitcast_convert_type3A_187 : vector<16xf32> to vector<1x1x16xf32>
      tpu.vector_store %arg11[%swap3A_189, %swap3A_190, %swap3A_191], %swap3A_194 {strides = array<i32>} : memref<2x128x128xf32, #tpu.memory_space<vmem>>, vector<1x1x16xf32>,
      %get3A_195 = arith.constant 1 : i32
      %get3A_196 = arith.index_cast %get3A_195 : i32 to index
      %get3A_197 = arith.index_cast %scan3A_170 : i32 to index
      %get3A_198 = arith.constant 16 : index
      %get3A_199 = tpu.vector_load %arg9[%get3A_196, %get3A_197, %get3A_198] {strides = array<i32>} : memref<2x128x128xi32, #tpu.memory_space<vmem>>, vector<1x1x16xi32>,
      %get3A_200 = vector.shape_cast %get3A_199 : vector<1x1x16xi32> to vector<16xi32>
      %and3A_201 = arith.constant -65536 : i32
      %and3A_202 = vector.broadcast %and3A_201 : i32 to vector<16xi32>
      %and3A_203 = arith.andi %get3A_200, %and3A_202 : vector<16xi32>
      %bitcast_convert_type3A_204 = tpu.bitcast %and3A_203 : vector<16xi32> -> vector<16xf32>
      %swap3A_205 = arith.constant 1 : i32
      %swap3A_206 = arith.index_cast %swap3A_205 : i32 to index
      %swap3A_207 = arith.index_cast %scan3A_170 : i32 to index
      %swap3A_208 = arith.constant 16 : index
      %swap3A_209 = tpu.vector_load %arg10[%swap3A_206, %swap3A_207, %swap3A_208] {strides = array<i32>} : memref<2x128x128xf32, #tpu.memory_space<vmem>>, vector<1x1x16xf32>,
      %swap3A_210 = vector.shape_cast %swap3A_209 : vector<1x1x16xf32> to vector<16xf32>
      %swap3A_211 = vector.shape_cast %bitcast_convert_type3A_204 : vector<16xf32> to vector<1x1x16xf32>
      tpu.vector_store %arg10[%swap3A_206, %swap3A_207, %swap3A_208], %swap3A_211 {strides = array<i32>} : memref<2x128x128xf32, #tpu.memory_space<vmem>>, vector<1x1x16xf32>,
      %shift_left3A_212 = arith.constant 16 : i32
      %shift_left3A_213 = vector.broadcast %shift_left3A_212 : i32 to vector<16xi32>
      %shift_left3A_214 = arith.shli %get3A_200, %shift_left3A_213 : vector<16xi32>
      %bitcast_convert_type3A_215 = tpu.bitcast %shift_left3A_214 : vector<16xi32> -> vector<16xf32>
      %swap3A_216 = arith.constant 1 : i32
      %swap3A_217 = arith.index_cast %swap3A_216 : i32 to index
      %swap3A_218 = arith.index_cast %scan3A_170 : i32 to index
      %swap3A_219 = arith.constant 16 : index
      %swap3A_220 = tpu.vector_load %arg11[%swap3A_217, %swap3A_218, %swap3A_219] {strides = array<i32>} : memref<2x128x128xf32, #tpu.memory_space<vmem>>, vector<1x1x16xf32>,
      %swap3A_221 = vector.shape_cast %swap3A_220 : vector<1x1x16xf32> to vector<16xf32>
      %swap3A_222 = vector.shape_cast %bitcast_convert_type3A_215 : vector<16xf32> to vector<1x1x16xf32>
      tpu.vector_store %arg11[%swap3A_217, %swap3A_218, %swap3A_219], %swap3A_222 {strides = array<i32>} : memref<2x128x128xf32, #tpu.memory_space<vmem>>, vector<1x1x16xf32>,
      %get3A_223 = arith.constant 1 : i32
      %get3A_224 = arith.index_cast %get3A_223 : i32 to index
      %get3A_225 = arith.index_cast %scan3A_170 : i32 to index
      %get3A_226 = arith.constant 32 : index
      %get3A_227 = tpu.vector_load %arg9[%get3A_224, %get3A_225, %get3A_226] {strides = array<i32>} : memref<2x128x128xi32, #tpu.memory_space<vmem>>, vector<1x1x16xi32>,
      %get3A_228 = vector.shape_cast %get3A_227 : vector<1x1x16xi32> to vector<16xi32>
      %and3A_229 = arith.constant -65536 : i32
      %and3A_230 = vector.broadcast %and3A_229 : i32 to vector<16xi32>
      %and3A_231 = arith.andi %get3A_228, %and3A_230 : vector<16xi32>
      %bitcast_convert_type3A_232 = tpu.bitcast %and3A_231 : vector<16xi32> -> vector<16xf32>
      %swap3A_233 = arith.constant 1 : i32
      %swap3A_234 = arith.index_cast %swap3A_233 : i32 to index
      %swap3A_235 = arith.index_cast %scan3A_170 : i32 to index
      %swap3A_236 = arith.constant 32 : index
      %swap3A_237 = tpu.vector_load %arg10[%swap3A_234, %swap3A_235, %swap3A_236] {strides = array<i32>} : memref<2x128x128xf32, #tpu.memory_space<vmem>>, vector<1x1x16xf32>,
      %swap3A_238 = vector.shape_cast %swap3A_237 : vector<1x1x16xf32> to vector<16xf32>
      %swap3A_239 = vector.shape_cast %bitcast_convert_type3A_232 : vector<16xf32> to vector<1x1x16xf32>
      tpu.vector_store %arg10[%swap3A_234, %swap3A_235, %swap3A_236], %swap3A_239 {strides = array<i32>} : memref<2x128x128xf32, #tpu.memory_space<vmem>>, vector<1x1x16xf32>,
      %shift_left3A_240 = arith.constant 16 : i32
      %shift_left3A_241 = vector.broadcast %shift_left3A_240 : i32 to vector<16xi32>
      %shift_left3A_242 = arith.shli %get3A_228, %shift_left3A_241 : vector<16xi32>
      %bitcast_convert_type3A_243 = tpu.bitcast %shift_left3A_242 : vector<16xi32> -> vector<16xf32>
      %swap3A_244 = arith.constant 1 : i32
      %swap3A_245 = arith.index_cast %swap3A_244 : i32 to index
      %swap3A_246 = arith.index_cast %scan3A_170 : i32 to index
      %swap3A_247 = arith.constant 32 : index
      %swap3A_248 = tpu.vector_load %arg11[%swap3A_245, %swap3A_246, %swap3A_247] {strides = array<i32>} : memref<2x128x128xf32, #tpu.memory_space<vmem>>, vector<1x1x16xf32>,
      %swap3A_249 = vector.shape_cast %swap3A_248 : vector<1x1x16xf32> to vector<16xf32>
      %swap3A_250 = vector.shape_cast %bitcast_convert_type3A_243 : vector<16xf32> to vector<1x1x16xf32>
      tpu.vector_store %arg11[%swap3A_245, %swap3A_246, %swap3A_247], %swap3A_250 {strides = array<i32>} : memref<2x128x128xf32, #tpu.memory_space<vmem>>, vector<1x1x16xf32>,
      %get3A_251 = arith.constant 1 : i32
      %get3A_252 = arith.index_cast %get3A_251 : i32 to index
      %get3A_253 = arith.index_cast %scan3A_170 : i32 to index
      %get3A_254 = arith.constant 48 : index
      %get3A_255 = tpu.vector_load %arg9[%get3A_252, %get3A_253, %get3A_254] {strides = array<i32>} : memref<2x128x128xi32, #tpu.memory_space<vmem>>, vector<1x1x16xi32>,
      %get3A_256 = vector.shape_cast %get3A_255 : vector<1x1x16xi32> to vector<16xi32>
      %and3A_257 = arith.constant -65536 : i32
      %and3A_258 = vector.broadcast %and3A_257 : i32 to vector<16xi32>
      %and3A_259 = arith.andi %get3A_256, %and3A_258 : vector<16xi32>
      %bitcast_convert_type3A_260 = tpu.bitcast %and3A_259 : vector<16xi32> -> vector<16xf32>
      %swap3A_261 = arith.constant 1 : i32
      %swap3A_262 = arith.index_cast %swap3A_261 : i32 to index
      %swap3A_263 = arith.index_cast %scan3A_170 : i32 to index
      %swap3A_264 = arith.constant 48 : index
      %swap3A_265 = tpu.vector_load %arg10[%swap3A_262, %swap3A_263, %swap3A_264] {strides = array<i32>} : memref<2x128x128xf32, #tpu.memory_space<vmem>>, vector<1x1x16xf32>,
      %swap3A_266 = vector.shape_cast %swap3A_265 : vector<1x1x16xf32> to vector<16xf32>
      %swap3A_267 = vector.shape_cast %bitcast_convert_type3A_260 : vector<16xf32> to vector<1x1x16xf32>
      tpu.vector_store %arg10[%swap3A_262, %swap3A_263, %swap3A_264], %swap3A_267 {strides = array<i32>} : memref<2x128x128xf32, #tpu.memory_space<vmem>>, vector<1x1x16xf32>,
      %shift_left3A_268 = arith.constant 16 : i32
      %shift_left3A_269 = vector.broadcast %shift_left3A_268 : i32 to vector<16xi32>
      %shift_left3A_270 = arith.shli %get3A_256, %shift_left3A_269 : vector<16xi32>
      %bitcast_convert_type3A_271 = tpu.bitcast %shift_left3A_270 : vector<16xi32> -> vector<16xf32>
      %swap3A_272 = arith.constant 1 : i32
      %swap3A_273 = arith.index_cast %swap3A_272 : i32 to index
      %swap3A_274 = arith.index_cast %scan3A_170 : i32 to index
      %swap3A_275 = arith.constant 48 : index
      %swap3A_276 = tpu.vector_load %arg11[%swap3A_273, %swap3A_274, %swap3A_275] {strides = array<i32>} : memref<2x128x128xf32, #tpu.memory_space<vmem>>, vector<1x1x16xf32>,
      %swap3A_277 = vector.shape_cast %swap3A_276 : vector<1x1x16xf32> to vector<16xf32>
      %swap3A_278 = vector.shape_cast %bitcast_convert_type3A_271 : vector<16xf32> to vector<1x1x16xf32>
      tpu.vector_store %arg11[%swap3A_273, %swap3A_274, %swap3A_275], %swap3A_278 {strides = array<i32>} : memref<2x128x128xf32, #tpu.memory_space<vmem>>, vector<1x1x16xf32>,
      %get3A_279 = arith.constant 1 : i32
      %get3A_280 = arith.index_cast %get3A_279 : i32 to index
      %get3A_281 = arith.index_cast %scan3A_170 : i32 to index
      %get3A_282 = arith.constant 64 : index
      %get3A_283 = tpu.vector_load %arg9[%get3A_280, %get3A_281, %get3A_282] {strides = array<i32>} : memref<2x128x128xi32, #tpu.memory_space<vmem>>, vector<1x1x16xi32>,
      %get3A_284 = vector.shape_cast %get3A_283 : vector<1x1x16xi32> to vector<16xi32>
      %and3A_285 = arith.constant -65536 : i32
      %and3A_286 = vector.broadcast %and3A_285 : i32 to vector<16xi32>
      %and3A_287 = arith.andi %get3A_284, %and3A_286 : vector<16xi32>
      %bitcast_convert_type3A_288 = tpu.bitcast %and3A_287 : vector<16xi32> -> vector<16xf32>
      %swap3A_289 = arith.constant 1 : i32
      %swap3A_290 = arith.index_cast %swap3A_289 : i32 to index
      %swap3A_291 = arith.index_cast %scan3A_170 : i32 to index
      %swap3A_292 = arith.constant 64 : index
      %swap3A_293 = tpu.vector_load %arg10[%swap3A_290, %swap3A_291, %swap3A_292] {strides = array<i32>} : memref<2x128x128xf32, #tpu.memory_space<vmem>>, vector<1x1x16xf32>,
      %swap3A_294 = vector.shape_cast %swap3A_293 : vector<1x1x16xf32> to vector<16xf32>
      %swap3A_295 = vector.shape_cast %bitcast_convert_type3A_288 : vector<16xf32> to vector<1x1x16xf32>
      tpu.vector_store %arg10[%swap3A_290, %swap3A_291, %swap3A_292], %swap3A_295 {strides = array<i32>} : memref<2x128x128xf32, #tpu.memory_space<vmem>>, vector<1x1x16xf32>,
      %shift_left3A_296 = arith.constant 16 : i32
      %shift_left3A_297 = vector.broadcast %shift_left3A_296 : i32 to vector<16xi32>
      %shift_left3A_298 = arith.shli %get3A_284, %shift_left3A_297 : vector<16xi32>
      %bitcast_convert_type3A_299 = tpu.bitcast %shift_left3A_298 : vector<16xi32> -> vector<16xf32>
      %swap3A_300 = arith.constant 1 : i32
      %swap3A_301 = arith.index_cast %swap3A_300 : i32 to index
      %swap3A_302 = arith.index_cast %scan3A_170 : i32 to index
      %swap3A_303 = arith.constant 64 : index
      %swap3A_304 = tpu.vector_load %arg11[%swap3A_301, %swap3A_302, %swap3A_303] {strides = array<i32>} : memref<2x128x128xf32, #tpu.memory_space<vmem>>, vector<1x1x16xf32>,
      %swap3A_305 = vector.shape_cast %swap3A_304 : vector<1x1x16xf32> to vector<16xf32>
      %swap3A_306 = vector.shape_cast %bitcast_convert_type3A_299 : vector<16xf32> to vector<1x1x16xf32>
      tpu.vector_store %arg11[%swap3A_301, %swap3A_302, %swap3A_303], %swap3A_306 {strides = array<i32>} : memref<2x128x128xf32, #tpu.memory_space<vmem>>, vector<1x1x16xf32>,
      %get3A_307 = arith.constant 1 : i32
      %get3A_308 = arith.index_cast %get3A_307 : i32 to index
      %get3A_309 = arith.index_cast %scan3A_170 : i32 to index
      %get3A_310 = arith.constant 80 : index
      %get3A_311 = tpu.vector_load %arg9[%get3A_308, %get3A_309, %get3A_310] {strides = array<i32>} : memref<2x128x128xi32, #tpu.memory_space<vmem>>, vector<1x1x16xi32>,
      %get3A_312 = vector.shape_cast %get3A_311 : vector<1x1x16xi32> to vector<16xi32>
      %and3A_313 = arith.constant -65536 : i32
      %and3A_314 = vector.broadcast %and3A_313 : i32 to vector<16xi32>
      %and3A_315 = arith.andi %get3A_312, %and3A_314 : vector<16xi32>
      %bitcast_convert_type3A_316 = tpu.bitcast %and3A_315 : vector<16xi32> -> vector<16xf32>
      %swap3A_317 = arith.constant 1 : i32
      %swap3A_318 = arith.index_cast %swap3A_317 : i32 to index
      %swap3A_319 = arith.index_cast %scan3A_170 : i32 to index
      %swap3A_320 = arith.constant 80 : index
      %swap3A_321 = tpu.vector_load %arg10[%swap3A_318, %swap3A_319, %swap3A_320] {strides = array<i32>} : memref<2x128x128xf32, #tpu.memory_space<vmem>>, vector<1x1x16xf32>,
      %swap3A_322 = vector.shape_cast %swap3A_321 : vector<1x1x16xf32> to vector<16xf32>
      %swap3A_323 = vector.shape_cast %bitcast_convert_type3A_316 : vector<16xf32> to vector<1x1x16xf32>
      tpu.vector_store %arg10[%swap3A_318, %swap3A_319, %swap3A_320], %swap3A_323 {strides = array<i32>} : memref<2x128x128xf32, #tpu.memory_space<vmem>>, vector<1x1x16xf32>,
      %shift_left3A_324 = arith.constant 16 : i32
      %shift_left3A_325 = vector.broadcast %shift_left3A_324 : i32 to vector<16xi32>
      %shift_left3A_326 = arith.shli %get3A_312, %shift_left3A_325 : vector<16xi32>
      %bitcast_convert_type3A_327 = tpu.bitcast %shift_left3A_326 : vector<16xi32> -> vector<16xf32>
      %swap3A_328 = arith.constant 1 : i32
      %swap3A_329 = arith.index_cast %swap3A_328 : i32 to index
      %swap3A_330 = arith.index_cast %scan3A_170 : i32 to index
      %swap3A_331 = arith.constant 80 : index
      %swap3A_332 = tpu.vector_load %arg11[%swap3A_329, %swap3A_330, %swap3A_331] {strides = array<i32>} : memref<2x128x128xf32, #tpu.memory_space<vmem>>, vector<1x1x16xf32>,
      %swap3A_333 = vector.shape_cast %swap3A_332 : vector<1x1x16xf32> to vector<16xf32>
      %swap3A_334 = vector.shape_cast %bitcast_convert_type3A_327 : vector<16xf32> to vector<1x1x16xf32>
      tpu.vector_store %arg11[%swap3A_329, %swap3A_330, %swap3A_331], %swap3A_334 {strides = array<i32>} : memref<2x128x128xf32, #tpu.memory_space<vmem>>, vector<1x1x16xf32>,
      %get3A_335 = arith.constant 1 : i32
      %get3A_336 = arith.index_cast %get3A_335 : i32 to index
      %get3A_337 = arith.index_cast %scan3A_170 : i32 to index
      %get3A_338 = arith.constant 96 : index
      %get3A_339 = tpu.vector_load %arg9[%get3A_336, %get3A_337, %get3A_338] {strides = array<i32>} : memref<2x128x128xi32, #tpu.memory_space<vmem>>, vector<1x1x16xi32>,
      %get3A_340 = vector.shape_cast %get3A_339 : vector<1x1x16xi32> to vector<16xi32>
      %and3A_341 = arith.constant -65536 : i32
      %and3A_342 = vector.broadcast %and3A_341 : i32 to vector<16xi32>
      %and3A_343 = arith.andi %get3A_340, %and3A_342 : vector<16xi32>
      %bitcast_convert_type3A_344 = tpu.bitcast %and3A_343 : vector<16xi32> -> vector<16xf32>
      %swap3A_345 = arith.constant 1 : i32
      %swap3A_346 = arith.index_cast %swap3A_345 : i32 to index
      %swap3A_347 = arith.index_cast %scan3A_170 : i32 to index
      %swap3A_348 = arith.constant 96 : index
      %swap3A_349 = tpu.vector_load %arg10[%swap3A_346, %swap3A_347, %swap3A_348] {strides = array<i32>} : memref<2x128x128xf32, #tpu.memory_space<vmem>>, vector<1x1x16xf32>,
      %swap3A_350 = vector.shape_cast %swap3A_349 : vector<1x1x16xf32> to vector<16xf32>
      %swap3A_351 = vector.shape_cast %bitcast_convert_type3A_344 : vector<16xf32> to vector<1x1x16xf32>
      tpu.vector_store %arg10[%swap3A_346, %swap3A_347, %swap3A_348], %swap3A_351 {strides = array<i32>} : memref<2x128x128xf32, #tpu.memory_space<vmem>>, vector<1x1x16xf32>,
      %shift_left3A_352 = arith.constant 16 : i32
      %shift_left3A_353 = vector.broadcast %shift_left3A_352 : i32 to vector<16xi32>
      %shift_left3A_354 = arith.shli %get3A_340, %shift_left3A_353 : vector<16xi32>
      %bitcast_convert_type3A_355 = tpu.bitcast %shift_left3A_354 : vector<16xi32> -> vector<16xf32>
      %swap3A_356 = arith.constant 1 : i32
      %swap3A_357 = arith.index_cast %swap3A_356 : i32 to index
      %swap3A_358 = arith.index_cast %scan3A_170 : i32 to index
      %swap3A_359 = arith.constant 96 : index
      %swap3A_360 = tpu.vector_load %arg11[%swap3A_357, %swap3A_358, %swap3A_359] {strides = array<i32>} : memref<2x128x128xf32, #tpu.memory_space<vmem>>, vector<1x1x16xf32>,
      %swap3A_361 = vector.shape_cast %swap3A_360 : vector<1x1x16xf32> to vector<16xf32>
      %swap3A_362 = vector.shape_cast %bitcast_convert_type3A_355 : vector<16xf32> to vector<1x1x16xf32>
      tpu.vector_store %arg11[%swap3A_357, %swap3A_358, %swap3A_359], %swap3A_362 {strides = array<i32>} : memref<2x128x128xf32, #tpu.memory_space<vmem>>, vector<1x1x16xf32>,
      %get3A_363 = arith.constant 1 : i32
      %get3A_364 = arith.index_cast %get3A_363 : i32 to index
      %get3A_365 = arith.index_cast %scan3A_170 : i32 to index
      %get3A_366 = arith.constant 112 : index
      %get3A_367 = tpu.vector_load %arg9[%get3A_364, %get3A_365, %get3A_366] {strides = array<i32>} : memref<2x128x128xi32, #tpu.memory_space<vmem>>, vector<1x1x16xi32>,
      %get3A_368 = vector.shape_cast %get3A_367 : vector<1x1x16xi32> to vector<16xi32>
      %and3A_369 = arith.constant -65536 : i32
      %and3A_370 = vector.broadcast %and3A_369 : i32 to vector<16xi32>
      %and3A_371 = arith.andi %get3A_368, %and3A_370 : vector<16xi32>
      %bitcast_convert_type3A_372 = tpu.bitcast %and3A_371 : vector<16xi32> -> vector<16xf32>
      %swap3A_373 = arith.constant 1 : i32
      %swap3A_374 = arith.index_cast %swap3A_373 : i32 to index
      %swap3A_375 = arith.index_cast %scan3A_170 : i32 to index
      %swap3A_376 = arith.constant 112 : index
      %swap3A_377 = tpu.vector_load %arg10[%swap3A_374, %swap3A_375, %swap3A_376] {strides = array<i32>} : memref<2x128x128xf32, #tpu.memory_space<vmem>>, vector<1x1x16xf32>,
      %swap3A_378 = vector.shape_cast %swap3A_377 : vector<1x1x16xf32> to vector<16xf32>
      %swap3A_379 = vector.shape_cast %bitcast_convert_type3A_372 : vector<16xf32> to vector<1x1x16xf32>
      tpu.vector_store %arg10[%swap3A_374, %swap3A_375, %swap3A_376], %swap3A_379 {strides = array<i32>} : memref<2x128x128xf32, #tpu.memory_space<vmem>>, vector<1x1x16xf32>,
      %shift_left3A_380 = arith.constant 16 : i32
      %shift_left3A_381 = vector.broadcast %shift_left3A_380 : i32 to vector<16xi32>
      %shift_left3A_382 = arith.shli %get3A_368, %shift_left3A_381 : vector<16xi32>
      %bitcast_convert_type3A_383 = tpu.bitcast %shift_left3A_382 : vector<16xi32> -> vector<16xf32>
      %swap3A_384 = arith.constant 1 : i32
      %swap3A_385 = arith.index_cast %swap3A_384 : i32 to index
      %swap3A_386 = arith.index_cast %scan3A_170 : i32 to index
      %swap3A_387 = arith.constant 112 : index
      %swap3A_388 = tpu.vector_load %arg11[%swap3A_385, %swap3A_386, %swap3A_387] {strides = array<i32>} : memref<2x128x128xf32, #tpu.memory_space<vmem>>, vector<1x1x16xf32>,
      %swap3A_389 = vector.shape_cast %swap3A_388 : vector<1x1x16xf32> to vector<16xf32>
      %swap3A_390 = vector.shape_cast %bitcast_convert_type3A_383 : vector<16xf32> to vector<1x1x16xf32>
      tpu.vector_store %arg11[%swap3A_385, %swap3A_386, %swap3A_387], %swap3A_390 {strides = array<i32>} : memref<2x128x128xf32, #tpu.memory_space<vmem>>, vector<1x1x16xf32>,
      %scan3A_391 = arith.constant 0 : i32
      scf.yield %scan3A_391 : i32
    }
    %scan3A_97 = arith.constant 128 : i32
    %dma_start3A_98 = arith.constant 1 : i32
    %dma_start3A_99 = arith.constant 1 : i32
    %dma_start3A_100 = arith.constant 0 : i32
    %dma_start3A_101 = arith.constant 0 : i32
    %dma_start3A_102 = tpu.memref_slice %arg10[%dma_start3A_98, %dma_start3A_100, %dma_start3A_101] : memref<2x128x128xf32, #tpu.memory_space<vmem>> -> memref<1x128x128xf32, #tpu.memory_space<vmem>>
    %dma_start3A_103 = tpu.memref_squeeze %dma_start3A_102 : memref<1x128x128xf32, #tpu.memory_space<vmem>> -> memref<128x128xf32, #tpu.memory_space<vmem>>
    %dma_start3A_104 = arith.constant 0 : i32
    %dma_start3A_105 = tpu.memref_slice %arg8[%dma_start3A_99, %dma_start3A_104] : memref<2x128xi32, #tpu.memory_space<vmem>> -> memref<1x128xi32, #tpu.memory_space<vmem>>
    %dma_start3A_106 = tpu.memref_squeeze %dma_start3A_105 : memref<1x128xi32, #tpu.memory_space<vmem>> -> memref<128xi32, #tpu.memory_space<vmem>>
    %dma_start3A_107 = arith.constant 0 : i32
    %dma_start3A_108 = arith.constant 0 : i32
    %dma_start3A_109 = tpu.memref_slice %arg4[%dma_start3A_107, %dma_start3A_108] : memref<16384x128xf32, #tpu.memory_space<hbm>> -> memref<16384x128xf32, #tpu.memory_space<hbm>>
    tpu.enqueue_indirect_dma source(%dma_start3A_103 : memref<128x128xf32, #tpu.memory_space<vmem>>) target(%dma_start3A_109 : memref<16384x128xf32, #tpu.memory_space<hbm>>) offsets(%dma_start3A_106 : memref<128xi32, #tpu.memory_space<vmem>>) semaphore(%arg13 : memref<!tpu.dma_semaphore, #tpu.memory_space<semaphore_mem>>)
    %dma_start3A_110 = arith.constant 1 : i32
    %dma_start3A_111 = arith.constant 1 : i32
    %dma_start3A_112 = arith.constant 0 : i32
    %dma_start3A_113 = arith.constant 0 : i32
    %dma_start3A_114 = tpu.memref_slice %arg11[%dma_start3A_110, %dma_start3A_112, %dma_start3A_113] : memref<2x128x128xf32, #tpu.memory_space<vmem>> -> memref<1x128x128xf32, #tpu.memory_space<vmem>>
    %dma_start3A_115 = tpu.memref_squeeze %dma_start3A_114 : memref<1x128x128xf32, #tpu.memory_space<vmem>> -> memref<128x128xf32, #tpu.memory_space<vmem>>
    %dma_start3A_116 = arith.constant 0 : i32
    %dma_start3A_117 = tpu.memref_slice %arg8[%dma_start3A_111, %dma_start3A_116] : memref<2x128xi32, #tpu.memory_space<vmem>> -> memref<1x128xi32, #tpu.memory_space<vmem>>
    %dma_start3A_118 = tpu.memref_squeeze %dma_start3A_117 : memref<1x128xi32, #tpu.memory_space<vmem>> -> memref<128xi32, #tpu.memory_space<vmem>>
    %dma_start3A_119 = arith.constant 0 : i32
    %dma_start3A_120 = arith.constant 0 : i32
    %dma_start3A_121 = tpu.memref_slice %arg5[%dma_start3A_119, %dma_start3A_120] : memref<16384x128xf32, #tpu.memory_space<hbm>> -> memref<16384x128xf32, #tpu.memory_space<hbm>>
    tpu.enqueue_indirect_dma source(%dma_start3A_115 : memref<128x128xf32, #tpu.memory_space<vmem>>) target(%dma_start3A_121 : memref<16384x128xf32, #tpu.memory_space<hbm>>) offsets(%dma_start3A_118 : memref<128xi32, #tpu.memory_space<vmem>>) semaphore(%arg13 : memref<!tpu.dma_semaphore, #tpu.memory_space<semaphore_mem>>)
    %dma_wait3A_122 = arith.constant 0 : i32
    %dma_wait3A_123 = arith.constant 0 : i32
    %dma_wait3A_124 = arith.constant 0 : i32
    %dma_wait3A_125 = arith.constant 0 : i32
    %dma_wait3A_126 = tpu.memref_slice %arg10[%dma_wait3A_122, %dma_wait3A_124, %dma_wait3A_125] : memref<2x128x128xf32, #tpu.memory_space<vmem>> -> memref<1x128x128xf32, #tpu.memory_space<vmem>>
    %dma_wait3A_127 = tpu.memref_squeeze %dma_wait3A_126 : memref<1x128x128xf32, #tpu.memory_space<vmem>> -> memref<128x128xf32, #tpu.memory_space<vmem>>
    %dma_wait3A_128 = arith.constant 0 : i32
    %dma_wait3A_129 = tpu.memref_slice %arg8[%dma_wait3A_123, %dma_wait3A_128] : memref<2x128xi32, #tpu.memory_space<vmem>> -> memref<1x128xi32, #tpu.memory_space<vmem>>
    %dma_wait3A_130 = tpu.memref_squeeze %dma_wait3A_129 : memref<1x128xi32, #tpu.memory_space<vmem>> -> memref<128xi32, #tpu.memory_space<vmem>>
    %dma_wait3A_131 = arith.constant 0 : i32
    %dma_wait3A_132 = arith.constant 0 : i32
    %dma_wait3A_133 = tpu.memref_slice %arg4[%dma_wait3A_131, %dma_wait3A_132] : memref<16384x128xf32, #tpu.memory_space<hbm>> -> memref<16384x128xf32, #tpu.memory_space<hbm>>
    tpu.wait_indirect_dma semaphore(%arg13 : memref<!tpu.dma_semaphore, #tpu.memory_space<semaphore_mem>>) src(%dma_wait3A_127 : memref<128x128xf32, #tpu.memory_space<vmem>>) dst(%dma_wait3A_133 : memref<16384x128xf32, #tpu.memory_space<hbm>>)
    %dma_wait3A_134 = arith.constant 0 : i32
    %dma_wait3A_135 = arith.constant 0 : i32
    %dma_wait3A_136 = arith.constant 0 : i32
    %dma_wait3A_137 = arith.constant 0 : i32
    %dma_wait3A_138 = tpu.memref_slice %arg11[%dma_wait3A_134, %dma_wait3A_136, %dma_wait3A_137] : memref<2x128x128xf32, #tpu.memory_space<vmem>> -> memref<1x128x128xf32, #tpu.memory_space<vmem>>
    %dma_wait3A_139 = tpu.memref_squeeze %dma_wait3A_138 : memref<1x128x128xf32, #tpu.memory_space<vmem>> -> memref<128x128xf32, #tpu.memory_space<vmem>>
    %dma_wait3A_140 = arith.constant 0 : i32
    %dma_wait3A_141 = tpu.memref_slice %arg8[%dma_wait3A_135, %dma_wait3A_140] : memref<2x128xi32, #tpu.memory_space<vmem>> -> memref<1x128xi32, #tpu.memory_space<vmem>>
    %dma_wait3A_142 = tpu.memref_squeeze %dma_wait3A_141 : memref<1x128xi32, #tpu.memory_space<vmem>> -> memref<128xi32, #tpu.memory_space<vmem>>
    %dma_wait3A_143 = arith.constant 0 : i32
    %dma_wait3A_144 = arith.constant 0 : i32
    %dma_wait3A_145 = tpu.memref_slice %arg5[%dma_wait3A_143, %dma_wait3A_144] : memref<16384x128xf32, #tpu.memory_space<hbm>> -> memref<16384x128xf32, #tpu.memory_space<hbm>>
    tpu.wait_indirect_dma semaphore(%arg13 : memref<!tpu.dma_semaphore, #tpu.memory_space<semaphore_mem>>) src(%dma_wait3A_139 : memref<128x128xf32, #tpu.memory_space<vmem>>) dst(%dma_wait3A_145 : memref<16384x128xf32, #tpu.memory_space<hbm>>)
    %dma_wait3A_146 = arith.constant 1 : i32
    %dma_wait3A_147 = arith.constant 1 : i32
    %dma_wait3A_148 = arith.constant 0 : i32
    %dma_wait3A_149 = arith.constant 0 : i32
    %dma_wait3A_150 = tpu.memref_slice %arg10[%dma_wait3A_146, %dma_wait3A_148, %dma_wait3A_149] : memref<2x128x128xf32, #tpu.memory_space<vmem>> -> memref<1x128x128xf32, #tpu.memory_space<vmem>>
    %dma_wait3A_151 = tpu.memref_squeeze %dma_wait3A_150 : memref<1x128x128xf32, #tpu.memory_space<vmem>> -> memref<128x128xf32, #tpu.memory_space<vmem>>
    %dma_wait3A_152 = arith.constant 0 : i32
    %dma_wait3A_153 = tpu.memref_slice %arg8[%dma_wait3A_147, %dma_wait3A_152] : memref<2x128xi32, #tpu.memory_space<vmem>> -> memref<1x128xi32, #tpu.memory_space<vmem>>
    %dma_wait3A_154 = tpu.memref_squeeze %dma_wait3A_153 : memref<1x128xi32, #tpu.memory_space<vmem>> -> memref<128xi32, #tpu.memory_space<vmem>>
    %dma_wait3A_155 = arith.constant 0 : i32
    %dma_wait3A_156 = arith.constant 0 : i32
    %dma_wait3A_157 = tpu.memref_slice %arg4[%dma_wait3A_155, %dma_wait3A_156] : memref<16384x128xf32, #tpu.memory_space<hbm>> -> memref<16384x128xf32, #tpu.memory_space<hbm>>
    tpu.wait_indirect_dma semaphore(%arg13 : memref<!tpu.dma_semaphore, #tpu.memory_space<semaphore_mem>>) src(%dma_wait3A_151 : memref<128x128xf32, #tpu.memory_space<vmem>>) dst(%dma_wait3A_157 : memref<16384x128xf32, #tpu.memory_space<hbm>>)
    %dma_wait3A_158 = arith.constant 1 : i32
    %dma_wait3A_159 = arith.constant 1 : i32
    %dma_wait3A_160 = arith.constant 0 : i32
    %dma_wait3A_161 = arith.constant 0 : i32
    %dma_wait3A_162 = tpu.memref_slice %arg11[%dma_wait3A_158, %dma_wait3A_160, %dma_wait3A_161] : memref<2x128x128xf32, #tpu.memory_space<vmem>> -> memref<1x128x128xf32, #tpu.memory_space<vmem>>
    %dma_wait3A_163 = tpu.memref_squeeze %dma_wait3A_162 : memref<1x128x128xf32, #tpu.memory_space<vmem>> -> memref<128x128xf32, #tpu.memory_space<vmem>>
    %dma_wait3A_164 = arith.constant 0 : i32
    %dma_wait3A_165 = tpu.memref_slice %arg8[%dma_wait3A_159, %dma_wait3A_164] : memref<2x128xi32, #tpu.memory_space<vmem>> -> memref<1x128xi32, #tpu.memory_space<vmem>>
    %dma_wait3A_166 = tpu.memref_squeeze %dma_wait3A_165 : memref<1x128xi32, #tpu.memory_space<vmem>> -> memref<128xi32, #tpu.memory_space<vmem>>
    %dma_wait3A_167 = arith.constant 0 : i32
    %dma_wait3A_168 = arith.constant 0 : i32
    %dma_wait3A_169 = tpu.memref_slice %arg5[%dma_wait3A_167, %dma_wait3A_168] : memref<16384x128xf32, #tpu.memory_space<hbm>> -> memref<16384x128xf32, #tpu.memory_space<hbm>>
    tpu.wait_indirect_dma semaphore(%arg13 : memref<!tpu.dma_semaphore, #tpu.memory_space<semaphore_mem>>) src(%dma_wait3A_163 : memref<128x128xf32, #tpu.memory_space<vmem>>) dst(%dma_wait3A_169 : memref<16384x128xf32, #tpu.memory_space<hbm>>)
    return
  }
}

module attributes {stable_mosaic.version = 14 : i64} {
  func.func @_tc_body_a(%arg0: i32, %arg1: memref<2048x128xf32, #tpu.memory_space<vmem>>, %arg2: memref<2048x128xf32, #tpu.memory_space<vmem>>, %arg3: memref<2048x128xf32, #tpu.memory_space<vmem>>, %arg4: memref<16x128xi32, #tpu.memory_space<vmem>>, %arg5: memref<128x128xi32, #tpu.memory_space<vmem>>, %arg6: memref<512x128xf32, #tpu.memory_space<vmem>>, %arg7: memref<512x128xf32, #tpu.memory_space<vmem>>, %arg8: memref<1x512xf32, #tpu.memory_space<vmem>>, %arg9: memref<1x512xf32, #tpu.memory_space<vmem>>, %arg10: memref<16384x128xf32, #tpu.memory_space<any>>, %arg11: memref<2048x128xf32, #tpu.memory_space<vmem>>, %arg12: memref<2048x128xi32, #tpu.memory_space<vmem>>, %arg13: memref<128x128xi32, #tpu.memory_space<vmem>>, %arg14: memref<1x1xf32, #tpu.memory_space<vmem>>, %arg15: memref<1xf32, #tpu.memory_space<smem>>) attributes {dimension_semantics = [#tpu.dimension_semantics<arbitrary>], iteration_bounds = array<i64: 4>, scalar_prefetch = 0 : i64, scratch_operands = 1 : i64, tpu.core_type = #tpu.core_type<tc>, window_params = [{transform_indices = @transform_0, window_bounds = array<i64: 2048, 128>}, {transform_indices = @transform_1, window_bounds = array<i64: 2048, 128>}, {transform_indices = @transform_2, window_bounds = array<i64: 2048, 128>}, {transform_indices = @transform_3, window_bounds = array<i64: 16, 128>}, {pipeline_mode = #tpu.pipeline_mode<synchronous>, transform_indices = @transform_4, window_bounds = array<i64: 128, 128>}, {pipeline_mode = #tpu.pipeline_mode<synchronous>, transform_indices = @transform_5, window_bounds = array<i64: 512, 128>}, {pipeline_mode = #tpu.pipeline_mode<synchronous>, transform_indices = @transform_6, window_bounds = array<i64: 512, 128>}, {pipeline_mode = #tpu.pipeline_mode<synchronous>, transform_indices = @transform_7, window_bounds = array<i64: 1, 512>}, {pipeline_mode = #tpu.pipeline_mode<synchronous>, transform_indices = @transform_8, window_bounds = array<i64: 1, 512>}, {}, {transform_indices = @transform_10, window_bounds = array<i64: 2048, 128>}, {transform_indices = @transform_11, window_bounds = array<i64: 2048, 128>}, {pipeline_mode = #tpu.pipeline_mode<synchronous>, transform_indices = @transform_12, window_bounds = array<i64: 128, 128>}, {pipeline_mode = #tpu.pipeline_mode<synchronous>, transform_indices = @transform_13, window_bounds = array<i64: 1, 1>}]} {
    %eq3A = arith.constant 0 : i32
    %eq3A_0 = arith.cmpi eq, %arg0, %eq3A : i32
    %convert_element_type3A = arith.extui %eq3A_0 : i1 to i32
    %cond3A = arith.constant 0 : i32
    %cond3A_1 = arith.cmpi ne, %convert_element_type3A, %cond3A : i32
    scf.if %cond3A_1 {
      %get3A_676 = arith.constant 0 : index
      %get3A_677 = arith.constant 0 : index
      %get3A_678 = vector.load %arg5[%get3A_676, %get3A_677] : memref<128x128xi32, #tpu.memory_space<vmem>>, vector<128x128xi32>
      %convert_element_type3A_679 = arith.sitofp %get3A_678 : vector<128x128xi32> to vector<128x128xf32>
      %iota3A = tpu.iota {dimensions = array<i32: 0>} : vector<128x128xi32>
      %convert_element_type3A_680 = arith.sitofp %iota3A : vector<128x128xi32> to vector<128x128xf32>
      %iota3A_681 = tpu.iota {dimensions = array<i32: 1>} : vector<128x128xi32>
      %convert_element_type3A_682 = arith.sitofp %iota3A_681 : vector<128x128xi32> to vector<128x128xf32>
      %le3A = arith.cmpf ole, %convert_element_type3A_680, %convert_element_type3A_682 : vector<128x128xf32>
      %convert_element_type3A_683 = arith.extui %le3A : vector<128x128xi1> to vector<128x128xi32>
      %convert_element_type3A_684 = arith.sitofp %convert_element_type3A_683 : vector<128x128xi32> to vector<128x128xf32>
      %lt3A = arith.cmpf olt, %convert_element_type3A_682, %convert_element_type3A_680 : vector<128x128xf32>
      %convert_element_type3A_685 = arith.extui %lt3A : vector<128x128xi1> to vector<128x128xi32>
      %convert_element_type3A_686 = arith.sitofp %convert_element_type3A_685 : vector<128x128xi32> to vector<128x128xf32>
      %dot_general3A_687 = arith.constant dense<0.000000e+00> : vector<128x128xf32>
      %dot_general3A_688 = tpu.matmul %convert_element_type3A_679, %convert_element_type3A_684, %dot_general3A_687 {dimension_numbers = #tpu.dot_dimension_numbers<[1], [0], [0], [1], [0, 0, 1, 1], [], []>, transpose_lhs_hint = false} : vector<128x128xf32>, vector<128x128xf32>, vector<128x128xf32> -> vector<128x128xf32>
      %slice3A_689 = vector.extract_strided_slice %dot_general3A_688 {offsets = [0, 127], sizes = [128, 1], strides = [1, 1]} : vector<128x128xf32> to vector<128x1xf32>
      %dot_general3A_690 = arith.constant dense<0.000000e+00> : vector<128x1xf32>
      %dot_general3A_691 = tpu.matmul %convert_element_type3A_686, %slice3A_689, %dot_general3A_690 {dimension_numbers = #tpu.dot_dimension_numbers<[1], [0], [0], [1], [0, 0, 1, 1], [], []>, transpose_lhs_hint = false} : vector<128x128xf32>, vector<128x1xf32>, vector<128x1xf32> -> vector<128x1xf32>
      %add3A_692 = vector.broadcast %dot_general3A_691 : vector<128x1xf32> to vector<128x128xf32>
      %add3A_693 = arith.addf %dot_general3A_688, %add3A_692 : vector<128x128xf32>
      %reduce_sum3A = vector.shape_cast %convert_element_type3A_679 : vector<128x128xf32> to vector<1x128x128xf32>
      %reduce_sum3A_694 = arith.constant dense<0.000000e+00> : vector<1xf32>
      %reduce_sum3A_695 = vector.multi_reduction <add>, %reduce_sum3A, %reduce_sum3A_694 [1, 2] : vector<1x128x128xf32> to vector<1xf32>
      %reduce_sum3A_696 = vector.shape_cast %reduce_sum3A_695 : vector<1xf32> to vector<1x1x1xf32>
      %reduce_sum3A_697 = vector.extract %reduce_sum3A_696[0, 0, 0] : f32 from vector<1x1x1xf32>
      %swap3A_698 = arith.constant 0 : index
      %swap3A_699 = memref.load %arg15[%swap3A_698] : memref<1xf32, #tpu.memory_space<smem>>
      memref.store %reduce_sum3A_697, %arg15[%swap3A_698] : memref<1xf32, #tpu.memory_space<smem>>
      %reshape3A = vector.broadcast %reduce_sum3A_697 : f32 to vector<1x1xf32>
      %swap3A_700 = arith.constant 0 : index
      %swap3A_701 = arith.constant 0 : index
      %swap3A_702 = vector.load %arg14[%swap3A_700, %swap3A_701] : memref<1x1xf32, #tpu.memory_space<vmem>>, vector<1x1xf32>
      tpu.vector_store %arg14[%swap3A_700, %swap3A_701], %reshape3A {strides = array<i32>} : memref<1x1xf32, #tpu.memory_space<vmem>>, vector<1x1xf32>,
      %mul3A_703 = arith.constant 1.280000e+02 : f32
      %mul3A_704 = vector.broadcast %mul3A_703 : f32 to vector<128x128xf32>
      %mul3A_705 = arith.mulf %convert_element_type3A_680, %mul3A_704 : vector<128x128xf32>
      %add3A_706 = arith.addf %mul3A_705, %convert_element_type3A_682 : vector<128x128xf32>
      %gt3A_707 = arith.constant 0.000000e+00 : f32
      %gt3A_708 = vector.broadcast %gt3A_707 : f32 to vector<128x128xf32>
      %gt3A_709 = arith.cmpf ogt, %convert_element_type3A_679, %gt3A_708 : vector<128x128xf32>
      %sub3A = arith.constant 1.000000e+00 : f32
      %sub3A_710 = vector.broadcast %sub3A : f32 to vector<128x128xf32>
      %sub3A_711 = arith.subf %add3A_693, %sub3A_710 : vector<128x128xf32>
      %add3A_712 = vector.broadcast %reduce_sum3A_697 : f32 to vector<128x128xf32>
      %add3A_713 = arith.addf %add3A_712, %add3A_706 : vector<128x128xf32>
      %sub3A_714 = arith.subf %add3A_713, %add3A_693 : vector<128x128xf32>
      %select_n3A_715 = arith.select %gt3A_709, %sub3A_711, %sub3A_714 : vector<128x128xi1>, vector<128x128xf32>
      %convert_element_type3A_716 = arith.fptosi %select_n3A_715 : vector<128x128xf32> to vector<128x128xi32>
      %swap3A_717 = arith.constant 0 : index
      %swap3A_718 = arith.constant 0 : index
      %swap3A_719 = vector.load %arg13[%swap3A_717, %swap3A_718] : memref<128x128xi32, #tpu.memory_space<vmem>>, vector<128x128xi32>
      tpu.vector_store %arg13[%swap3A_717, %swap3A_718], %convert_element_type3A_716 {strides = array<i32>} : memref<128x128xi32, #tpu.memory_space<vmem>>, vector<128x128xi32>,
    } else {
    }
    %get3A = arith.constant 0 : index
    %get3A_2 = memref.load %arg15[%get3A] : memref<1xf32, #tpu.memory_space<smem>>
    %eq3A_3 = arith.constant 0.000000e+00 : f32
    %eq3A_4 = arith.cmpf oeq, %get3A_2, %eq3A_3 : f32
    %eq3A_5 = arith.constant 1.638400e+04 : f32
    %eq3A_6 = arith.cmpf oeq, %get3A_2, %eq3A_5 : f32
    %or3A = arith.ori %eq3A_4, %eq3A_6 : i1
    %get3A_7 = arith.constant 0 : index
    %get3A_8 = arith.constant 0 : index
    %get3A_9 = vector.load %arg1[%get3A_7, %get3A_8] : memref<2048x128xf32, #tpu.memory_space<vmem>>, vector<2048x128xf32>
    %get3A_10 = arith.constant 0 : index
    %get3A_11 = arith.constant 0 : index
    %get3A_12 = vector.load %arg2[%get3A_10, %get3A_11] : memref<2048x128xf32, #tpu.memory_space<vmem>>, vector<2048x128xf32>
    %get3A_13 = arith.constant 0 : index
    %get3A_14 = arith.constant 0 : index
    %get3A_15 = vector.load %arg3[%get3A_13, %get3A_14] : memref<2048x128xf32, #tpu.memory_space<vmem>>, vector<2048x128xf32>
    %get3A_16 = arith.constant 0 : index
    %get3A_17 = arith.constant 0 : index
    %get3A_18 = vector.load %arg6[%get3A_16, %get3A_17] : memref<512x128xf32, #tpu.memory_space<vmem>>, vector<512x128xf32>
    %dot_general3A = arith.constant dense<0.000000e+00> : vector<2048x512xf32>
    %dot_general3A_19 = tpu.matmul %get3A_9, %get3A_18, %dot_general3A {dimension_numbers = #tpu.dot_dimension_numbers<[1], [1], [0], [0], [0, 0, 1, 0], [], []>, transpose_lhs_hint = false} : vector<2048x128xf32>, vector<512x128xf32>, vector<2048x512xf32> -> vector<2048x512xf32>
    %get3A_20 = arith.constant 0 : index
    %get3A_21 = arith.constant 0 : index
    %get3A_22 = vector.load %arg7[%get3A_20, %get3A_21] : memref<512x128xf32, #tpu.memory_space<vmem>>, vector<512x128xf32>
    %dot_general3A_23 = arith.constant dense<0.000000e+00> : vector<2048x512xf32>
    %dot_general3A_24 = tpu.matmul %get3A_12, %get3A_22, %dot_general3A_23 {dimension_numbers = #tpu.dot_dimension_numbers<[1], [1], [0], [0], [0, 0, 1, 0], [], []>, transpose_lhs_hint = false} : vector<2048x128xf32>, vector<512x128xf32>, vector<2048x512xf32> -> vector<2048x512xf32>
    %add3A = arith.addf %dot_general3A_19, %dot_general3A_24 : vector<2048x512xf32>
    %get3A_25 = arith.constant 0 : index
    %get3A_26 = arith.constant 0 : index
    %get3A_27 = vector.load %arg8[%get3A_25, %get3A_26] : memref<1x512xf32, #tpu.memory_space<vmem>>, vector<1x512xf32>
    %add3A_28 = vector.broadcast %get3A_27 : vector<1x512xf32> to vector<2048x512xf32>
    %add3A_29 = arith.addf %add3A, %add3A_28 : vector<2048x512xf32>
    %get3A_30 = arith.constant 0 : index
    %get3A_31 = arith.constant 0 : index
    %get3A_32 = vector.load %arg9[%get3A_30, %get3A_31] : memref<1x512xf32, #tpu.memory_space<vmem>>, vector<1x512xf32>
    %add3A_33 = vector.broadcast %get3A_32 : vector<1x512xf32> to vector<2048x512xf32>
    %add3A_34 = arith.addf %add3A_29, %add3A_33 : vector<2048x512xf32>
    %slice3A = vector.extract_strided_slice %add3A_34 {offsets = [0, 0], sizes = [2048, 128], strides = [1, 1]} : vector<2048x512xf32> to vector<2048x128xf32>
    %mul3A = arith.constant 5.000000e-01 : f32
    %mul3A_35 = vector.broadcast %mul3A : f32 to vector<2048x128xf32>
    %mul3A_36 = arith.mulf %slice3A, %mul3A_35 : vector<2048x128xf32>
    %tanh3A = math.tanh %mul3A_36 : vector<2048x128xf32>
    %mul3A_37 = arith.constant 5.000000e-01 : f32
    %mul3A_38 = vector.broadcast %mul3A_37 : f32 to vector<2048x128xf32>
    %mul3A_39 = arith.mulf %mul3A_38, %tanh3A : vector<2048x128xf32>
    %add3A_40 = arith.constant 5.000000e-01 : f32
    %add3A_41 = vector.broadcast %add3A_40 : f32 to vector<2048x128xf32>
    %add3A_42 = arith.addf %mul3A_39, %add3A_41 : vector<2048x128xf32>
    %slice3A_43 = vector.extract_strided_slice %add3A_34 {offsets = [0, 128], sizes = [2048, 128], strides = [1, 1]} : vector<2048x512xf32> to vector<2048x128xf32>
    %mul3A_44 = arith.constant 5.000000e-01 : f32
    %mul3A_45 = vector.broadcast %mul3A_44 : f32 to vector<2048x128xf32>
    %mul3A_46 = arith.mulf %slice3A_43, %mul3A_45 : vector<2048x128xf32>
    %tanh3A_47 = math.tanh %mul3A_46 : vector<2048x128xf32>
    %mul3A_48 = arith.constant 5.000000e-01 : f32
    %mul3A_49 = vector.broadcast %mul3A_48 : f32 to vector<2048x128xf32>
    %mul3A_50 = arith.mulf %mul3A_49, %tanh3A_47 : vector<2048x128xf32>
    %add3A_51 = arith.constant 5.000000e-01 : f32
    %add3A_52 = vector.broadcast %add3A_51 : f32 to vector<2048x128xf32>
    %add3A_53 = arith.addf %mul3A_50, %add3A_52 : vector<2048x128xf32>
    %slice3A_54 = vector.extract_strided_slice %add3A_34 {offsets = [0, 256], sizes = [2048, 128], strides = [1, 1]} : vector<2048x512xf32> to vector<2048x128xf32>
    %tanh3A_55 = math.tanh %slice3A_54 : vector<2048x128xf32>
    %slice3A_56 = vector.extract_strided_slice %add3A_34 {offsets = [0, 384], sizes = [2048, 128], strides = [1, 1]} : vector<2048x512xf32> to vector<2048x128xf32>
    %mul3A_57 = arith.constant 5.000000e-01 : f32
    %mul3A_58 = vector.broadcast %mul3A_57 : f32 to vector<2048x128xf32>
    %mul3A_59 = arith.mulf %slice3A_56, %mul3A_58 : vector<2048x128xf32>
    %tanh3A_60 = math.tanh %mul3A_59 : vector<2048x128xf32>
    %mul3A_61 = arith.constant 5.000000e-01 : f32
    %mul3A_62 = vector.broadcast %mul3A_61 : f32 to vector<2048x128xf32>
    %mul3A_63 = arith.mulf %mul3A_62, %tanh3A_60 : vector<2048x128xf32>
    %add3A_64 = arith.constant 5.000000e-01 : f32
    %add3A_65 = vector.broadcast %add3A_64 : f32 to vector<2048x128xf32>
    %add3A_66 = arith.addf %mul3A_63, %add3A_65 : vector<2048x128xf32>
    %mul3A_67 = arith.mulf %add3A_53, %get3A_15 : vector<2048x128xf32>
    %mul3A_68 = arith.mulf %add3A_42, %tanh3A_55 : vector<2048x128xf32>
    %add3A_69 = arith.addf %mul3A_67, %mul3A_68 : vector<2048x128xf32>
    %tanh3A_70 = math.tanh %add3A_69 : vector<2048x128xf32>
    %mul3A_71 = arith.mulf %add3A_66, %tanh3A_70 : vector<2048x128xf32>
    %get3A_72 = arith.constant 0 : index
    %get3A_73 = arith.constant 0 : index
    %get3A_74 = vector.load %arg4[%get3A_72, %get3A_73] : memref<16x128xi32, #tpu.memory_space<vmem>>, vector<16x128xi32>
    %transpose3A = tpu.transpose %get3A_74, [1, 0] : vector<16x128xi32> -> vector<128x16xi32>
    %slice3A_75 = vector.extract_strided_slice %transpose3A {offsets = [0, 0], sizes = [128, 1], strides = [1, 1]} : vector<128x16xi32> to vector<128x1xi32>
    %gt3A = arith.constant 0 : i32
    %gt3A_76 = vector.broadcast %gt3A : i32 to vector<128x1xi32>
    %gt3A_77 = arith.cmpi sgt, %slice3A_75, %gt3A_76 : vector<128x1xi32>
    %slice3A_78 = vector.extract_strided_slice %get3A_9 {offsets = [0, 0], sizes = [128, 128], strides = [1, 1]} : vector<2048x128xf32> to vector<128x128xf32>
    %slice3A_79 = vector.extract_strided_slice %mul3A_71 {offsets = [0, 0], sizes = [128, 128], strides = [1, 1]} : vector<2048x128xf32> to vector<128x128xf32>
    %jit3A = arith.constant 0.000000e+00 : f32
    %broadcast_in_dim3A = vector.shape_cast %gt3A_77 : vector<128x1xi1> to vector<128x1xi1>
    %broadcast_in_dim3A_80 = vector.broadcast %broadcast_in_dim3A : vector<128x1xi1> to vector<128x128xi1>
    %broadcast_in_dim3A_81 = vector.broadcast %jit3A : f32 to vector<128x128xf32>
    %select_n3A = arith.select %broadcast_in_dim3A_80, %slice3A_79, %broadcast_in_dim3A_81 : vector<128x128xi1>, vector<128x128xf32>
    %select_n3A_82 = arith.select %or3A, %slice3A_78, %select_n3A : vector<128x128xf32>
    %swap3A = arith.constant 0 : index
    %swap3A_83 = arith.constant 0 : index
    %swap3A_84 = vector.load %arg11[%swap3A, %swap3A_83] : memref<2048x128xf32, #tpu.memory_space<vmem>>, vector<128x128xf32>
    tpu.vector_store %arg11[%swap3A, %swap3A_83], %select_n3A_82 {strides = array<i32>} : memref<2048x128xf32, #tpu.memory_space<vmem>>, vector<128x128xf32>,
    %slice3A_85 = vector.extract_strided_slice %mul3A_71 {offsets = [0, 0], sizes = [128, 128], strides = [1, 1]} : vector<2048x128xf32> to vector<128x128xf32>
    %slice3A_86 = vector.extract_strided_slice %get3A_12 {offsets = [0, 0], sizes = [128, 128], strides = [1, 1]} : vector<2048x128xf32> to vector<128x128xf32>
    %broadcast_in_dim3A_87 = vector.shape_cast %gt3A_77 : vector<128x1xi1> to vector<128x1xi1>
    %broadcast_in_dim3A_88 = vector.broadcast %broadcast_in_dim3A_87 : vector<128x1xi1> to vector<128x128xi1>
    %select_n3A_89 = arith.select %broadcast_in_dim3A_88, %slice3A_85, %slice3A_86 : vector<128x128xi1>, vector<128x128xf32>
    %slice3A_90 = vector.extract_strided_slice %add3A_69 {offsets = [0, 0], sizes = [128, 128], strides = [1, 1]} : vector<2048x128xf32> to vector<128x128xf32>
    %slice3A_91 = vector.extract_strided_slice %get3A_15 {offsets = [0, 0], sizes = [128, 128], strides = [1, 1]} : vector<2048x128xf32> to vector<128x128xf32>
    %broadcast_in_dim3A_92 = vector.shape_cast %gt3A_77 : vector<128x1xi1> to vector<128x1xi1>
    %broadcast_in_dim3A_93 = vector.broadcast %broadcast_in_dim3A_92 : vector<128x1xi1> to vector<128x128xi1>
    %select_n3A_94 = arith.select %broadcast_in_dim3A_93, %slice3A_90, %slice3A_91 : vector<128x128xi1>, vector<128x128xf32>
    %convert_element_type3A_95 = arith.truncf %select_n3A_89 : vector<128x128xf32> to vector<128x128xbf16>
    %bitcast_convert_type3A = tpu.bitcast %convert_element_type3A_95 : vector<128x128xbf16> -> vector<128x128xi16>
    %convert_element_type3A_96 = arith.extui %bitcast_convert_type3A : vector<128x128xi16> to vector<128x128xi32>
    %convert_element_type3A_97 = arith.truncf %select_n3A_94 : vector<128x128xf32> to vector<128x128xbf16>
    %bitcast_convert_type3A_98 = tpu.bitcast %convert_element_type3A_97 : vector<128x128xbf16> -> vector<128x128xi16>
    %convert_element_type3A_99 = arith.extui %bitcast_convert_type3A_98 : vector<128x128xi16> to vector<128x128xi32>
    %shift_left3A = arith.constant 16 : i32
    %shift_left3A_100 = vector.broadcast %shift_left3A : i32 to vector<128x128xi32>
    %shift_left3A_101 = arith.shli %convert_element_type3A_96, %shift_left3A_100 : vector<128x128xi32>
    %or3A_102 = arith.ori %shift_left3A_101, %convert_element_type3A_99 : vector<128x128xi32>
    %swap3A_103 = arith.constant 0 : index
    %swap3A_104 = arith.constant 0 : index
    %swap3A_105 = vector.load %arg12[%swap3A_103, %swap3A_104] : memref<2048x128xi32, #tpu.memory_space<vmem>>, vector<128x128xi32>
    tpu.vector_store %arg12[%swap3A_103, %swap3A_104], %or3A_102 {strides = array<i32>} : memref<2048x128xi32, #tpu.memory_space<vmem>>, vector<128x128xi32>,
    %slice3A_106 = vector.extract_strided_slice %transpose3A {offsets = [0, 1], sizes = [128, 1], strides = [1, 1]} : vector<128x16xi32> to vector<128x1xi32>
    %gt3A_107 = arith.constant 0 : i32
    %gt3A_108 = vector.broadcast %gt3A_107 : i32 to vector<128x1xi32>
    %gt3A_109 = arith.cmpi sgt, %slice3A_106, %gt3A_108 : vector<128x1xi32>
    %slice3A_110 = vector.extract_strided_slice %get3A_9 {offsets = [128, 0], sizes = [128, 128], strides = [1, 1]} : vector<2048x128xf32> to vector<128x128xf32>
    %slice3A_111 = vector.extract_strided_slice %mul3A_71 {offsets = [128, 0], sizes = [128, 128], strides = [1, 1]} : vector<2048x128xf32> to vector<128x128xf32>
    %jit3A_112 = arith.constant 0.000000e+00 : f32
    %broadcast_in_dim3A_113 = vector.shape_cast %gt3A_109 : vector<128x1xi1> to vector<128x1xi1>
    %broadcast_in_dim3A_114 = vector.broadcast %broadcast_in_dim3A_113 : vector<128x1xi1> to vector<128x128xi1>
    %broadcast_in_dim3A_115 = vector.broadcast %jit3A_112 : f32 to vector<128x128xf32>
    %select_n3A_116 = arith.select %broadcast_in_dim3A_114, %slice3A_111, %broadcast_in_dim3A_115 : vector<128x128xi1>, vector<128x128xf32>
    %select_n3A_117 = arith.select %or3A, %slice3A_110, %select_n3A_116 : vector<128x128xf32>
    %swap3A_118 = arith.constant 128 : index
    %swap3A_119 = arith.constant 0 : index
    %swap3A_120 = vector.load %arg11[%swap3A_118, %swap3A_119] : memref<2048x128xf32, #tpu.memory_space<vmem>>, vector<128x128xf32>
    tpu.vector_store %arg11[%swap3A_118, %swap3A_119], %select_n3A_117 {strides = array<i32>} : memref<2048x128xf32, #tpu.memory_space<vmem>>, vector<128x128xf32>,
    %slice3A_121 = vector.extract_strided_slice %mul3A_71 {offsets = [128, 0], sizes = [128, 128], strides = [1, 1]} : vector<2048x128xf32> to vector<128x128xf32>
    %slice3A_122 = vector.extract_strided_slice %get3A_12 {offsets = [128, 0], sizes = [128, 128], strides = [1, 1]} : vector<2048x128xf32> to vector<128x128xf32>
    %broadcast_in_dim3A_123 = vector.shape_cast %gt3A_109 : vector<128x1xi1> to vector<128x1xi1>
    %broadcast_in_dim3A_124 = vector.broadcast %broadcast_in_dim3A_123 : vector<128x1xi1> to vector<128x128xi1>
    %select_n3A_125 = arith.select %broadcast_in_dim3A_124, %slice3A_121, %slice3A_122 : vector<128x128xi1>, vector<128x128xf32>
    %slice3A_126 = vector.extract_strided_slice %add3A_69 {offsets = [128, 0], sizes = [128, 128], strides = [1, 1]} : vector<2048x128xf32> to vector<128x128xf32>
    %slice3A_127 = vector.extract_strided_slice %get3A_15 {offsets = [128, 0], sizes = [128, 128], strides = [1, 1]} : vector<2048x128xf32> to vector<128x128xf32>
    %broadcast_in_dim3A_128 = vector.shape_cast %gt3A_109 : vector<128x1xi1> to vector<128x1xi1>
    %broadcast_in_dim3A_129 = vector.broadcast %broadcast_in_dim3A_128 : vector<128x1xi1> to vector<128x128xi1>
    %select_n3A_130 = arith.select %broadcast_in_dim3A_129, %slice3A_126, %slice3A_127 : vector<128x128xi1>, vector<128x128xf32>
    %convert_element_type3A_131 = arith.truncf %select_n3A_125 : vector<128x128xf32> to vector<128x128xbf16>
    %bitcast_convert_type3A_132 = tpu.bitcast %convert_element_type3A_131 : vector<128x128xbf16> -> vector<128x128xi16>
    %convert_element_type3A_133 = arith.extui %bitcast_convert_type3A_132 : vector<128x128xi16> to vector<128x128xi32>
    %convert_element_type3A_134 = arith.truncf %select_n3A_130 : vector<128x128xf32> to vector<128x128xbf16>
    %bitcast_convert_type3A_135 = tpu.bitcast %convert_element_type3A_134 : vector<128x128xbf16> -> vector<128x128xi16>
    %convert_element_type3A_136 = arith.extui %bitcast_convert_type3A_135 : vector<128x128xi16> to vector<128x128xi32>
    %shift_left3A_137 = arith.constant 16 : i32
    %shift_left3A_138 = vector.broadcast %shift_left3A_137 : i32 to vector<128x128xi32>
    %shift_left3A_139 = arith.shli %convert_element_type3A_133, %shift_left3A_138 : vector<128x128xi32>
    %or3A_140 = arith.ori %shift_left3A_139, %convert_element_type3A_136 : vector<128x128xi32>
    %swap3A_141 = arith.constant 128 : index
    %swap3A_142 = arith.constant 0 : index
    %swap3A_143 = vector.load %arg12[%swap3A_141, %swap3A_142] : memref<2048x128xi32, #tpu.memory_space<vmem>>, vector<128x128xi32>
    tpu.vector_store %arg12[%swap3A_141, %swap3A_142], %or3A_140 {strides = array<i32>} : memref<2048x128xi32, #tpu.memory_space<vmem>>, vector<128x128xi32>,
    %slice3A_144 = vector.extract_strided_slice %transpose3A {offsets = [0, 2], sizes = [128, 1], strides = [1, 1]} : vector<128x16xi32> to vector<128x1xi32>
    %gt3A_145 = arith.constant 0 : i32
    %gt3A_146 = vector.broadcast %gt3A_145 : i32 to vector<128x1xi32>
    %gt3A_147 = arith.cmpi sgt, %slice3A_144, %gt3A_146 : vector<128x1xi32>
    %slice3A_148 = vector.extract_strided_slice %get3A_9 {offsets = [256, 0], sizes = [128, 128], strides = [1, 1]} : vector<2048x128xf32> to vector<128x128xf32>
    %slice3A_149 = vector.extract_strided_slice %mul3A_71 {offsets = [256, 0], sizes = [128, 128], strides = [1, 1]} : vector<2048x128xf32> to vector<128x128xf32>
    %jit3A_150 = arith.constant 0.000000e+00 : f32
    %broadcast_in_dim3A_151 = vector.shape_cast %gt3A_147 : vector<128x1xi1> to vector<128x1xi1>
    %broadcast_in_dim3A_152 = vector.broadcast %broadcast_in_dim3A_151 : vector<128x1xi1> to vector<128x128xi1>
    %broadcast_in_dim3A_153 = vector.broadcast %jit3A_150 : f32 to vector<128x128xf32>
    %select_n3A_154 = arith.select %broadcast_in_dim3A_152, %slice3A_149, %broadcast_in_dim3A_153 : vector<128x128xi1>, vector<128x128xf32>
    %select_n3A_155 = arith.select %or3A, %slice3A_148, %select_n3A_154 : vector<128x128xf32>
    %swap3A_156 = arith.constant 256 : index
    %swap3A_157 = arith.constant 0 : index
    %swap3A_158 = vector.load %arg11[%swap3A_156, %swap3A_157] : memref<2048x128xf32, #tpu.memory_space<vmem>>, vector<128x128xf32>
    tpu.vector_store %arg11[%swap3A_156, %swap3A_157], %select_n3A_155 {strides = array<i32>} : memref<2048x128xf32, #tpu.memory_space<vmem>>, vector<128x128xf32>,
    %slice3A_159 = vector.extract_strided_slice %mul3A_71 {offsets = [256, 0], sizes = [128, 128], strides = [1, 1]} : vector<2048x128xf32> to vector<128x128xf32>
    %slice3A_160 = vector.extract_strided_slice %get3A_12 {offsets = [256, 0], sizes = [128, 128], strides = [1, 1]} : vector<2048x128xf32> to vector<128x128xf32>
    %broadcast_in_dim3A_161 = vector.shape_cast %gt3A_147 : vector<128x1xi1> to vector<128x1xi1>
    %broadcast_in_dim3A_162 = vector.broadcast %broadcast_in_dim3A_161 : vector<128x1xi1> to vector<128x128xi1>
    %select_n3A_163 = arith.select %broadcast_in_dim3A_162, %slice3A_159, %slice3A_160 : vector<128x128xi1>, vector<128x128xf32>
    %slice3A_164 = vector.extract_strided_slice %add3A_69 {offsets = [256, 0], sizes = [128, 128], strides = [1, 1]} : vector<2048x128xf32> to vector<128x128xf32>
    %slice3A_165 = vector.extract_strided_slice %get3A_15 {offsets = [256, 0], sizes = [128, 128], strides = [1, 1]} : vector<2048x128xf32> to vector<128x128xf32>
    %broadcast_in_dim3A_166 = vector.shape_cast %gt3A_147 : vector<128x1xi1> to vector<128x1xi1>
    %broadcast_in_dim3A_167 = vector.broadcast %broadcast_in_dim3A_166 : vector<128x1xi1> to vector<128x128xi1>
    %select_n3A_168 = arith.select %broadcast_in_dim3A_167, %slice3A_164, %slice3A_165 : vector<128x128xi1>, vector<128x128xf32>
    %convert_element_type3A_169 = arith.truncf %select_n3A_163 : vector<128x128xf32> to vector<128x128xbf16>
    %bitcast_convert_type3A_170 = tpu.bitcast %convert_element_type3A_169 : vector<128x128xbf16> -> vector<128x128xi16>
    %convert_element_type3A_171 = arith.extui %bitcast_convert_type3A_170 : vector<128x128xi16> to vector<128x128xi32>
    %convert_element_type3A_172 = arith.truncf %select_n3A_168 : vector<128x128xf32> to vector<128x128xbf16>
    %bitcast_convert_type3A_173 = tpu.bitcast %convert_element_type3A_172 : vector<128x128xbf16> -> vector<128x128xi16>
    %convert_element_type3A_174 = arith.extui %bitcast_convert_type3A_173 : vector<128x128xi16> to vector<128x128xi32>
    %shift_left3A_175 = arith.constant 16 : i32
    %shift_left3A_176 = vector.broadcast %shift_left3A_175 : i32 to vector<128x128xi32>
    %shift_left3A_177 = arith.shli %convert_element_type3A_171, %shift_left3A_176 : vector<128x128xi32>
    %or3A_178 = arith.ori %shift_left3A_177, %convert_element_type3A_174 : vector<128x128xi32>
    %swap3A_179 = arith.constant 256 : index
    %swap3A_180 = arith.constant 0 : index
    %swap3A_181 = vector.load %arg12[%swap3A_179, %swap3A_180] : memref<2048x128xi32, #tpu.memory_space<vmem>>, vector<128x128xi32>
    tpu.vector_store %arg12[%swap3A_179, %swap3A_180], %or3A_178 {strides = array<i32>} : memref<2048x128xi32, #tpu.memory_space<vmem>>, vector<128x128xi32>,
    %slice3A_182 = vector.extract_strided_slice %transpose3A {offsets = [0, 3], sizes = [128, 1], strides = [1, 1]} : vector<128x16xi32> to vector<128x1xi32>
    %gt3A_183 = arith.constant 0 : i32
    %gt3A_184 = vector.broadcast %gt3A_183 : i32 to vector<128x1xi32>
    %gt3A_185 = arith.cmpi sgt, %slice3A_182, %gt3A_184 : vector<128x1xi32>
    %slice3A_186 = vector.extract_strided_slice %get3A_9 {offsets = [384, 0], sizes = [128, 128], strides = [1, 1]} : vector<2048x128xf32> to vector<128x128xf32>
    %slice3A_187 = vector.extract_strided_slice %mul3A_71 {offsets = [384, 0], sizes = [128, 128], strides = [1, 1]} : vector<2048x128xf32> to vector<128x128xf32>
    %jit3A_188 = arith.constant 0.000000e+00 : f32
    %broadcast_in_dim3A_189 = vector.shape_cast %gt3A_185 : vector<128x1xi1> to vector<128x1xi1>
    %broadcast_in_dim3A_190 = vector.broadcast %broadcast_in_dim3A_189 : vector<128x1xi1> to vector<128x128xi1>
    %broadcast_in_dim3A_191 = vector.broadcast %jit3A_188 : f32 to vector<128x128xf32>
    %select_n3A_192 = arith.select %broadcast_in_dim3A_190, %slice3A_187, %broadcast_in_dim3A_191 : vector<128x128xi1>, vector<128x128xf32>
    %select_n3A_193 = arith.select %or3A, %slice3A_186, %select_n3A_192 : vector<128x128xf32>
    %swap3A_194 = arith.constant 384 : index
    %swap3A_195 = arith.constant 0 : index
    %swap3A_196 = vector.load %arg11[%swap3A_194, %swap3A_195] : memref<2048x128xf32, #tpu.memory_space<vmem>>, vector<128x128xf32>
    tpu.vector_store %arg11[%swap3A_194, %swap3A_195], %select_n3A_193 {strides = array<i32>} : memref<2048x128xf32, #tpu.memory_space<vmem>>, vector<128x128xf32>,
    %slice3A_197 = vector.extract_strided_slice %mul3A_71 {offsets = [384, 0], sizes = [128, 128], strides = [1, 1]} : vector<2048x128xf32> to vector<128x128xf32>
    %slice3A_198 = vector.extract_strided_slice %get3A_12 {offsets = [384, 0], sizes = [128, 128], strides = [1, 1]} : vector<2048x128xf32> to vector<128x128xf32>
    %broadcast_in_dim3A_199 = vector.shape_cast %gt3A_185 : vector<128x1xi1> to vector<128x1xi1>
    %broadcast_in_dim3A_200 = vector.broadcast %broadcast_in_dim3A_199 : vector<128x1xi1> to vector<128x128xi1>
    %select_n3A_201 = arith.select %broadcast_in_dim3A_200, %slice3A_197, %slice3A_198 : vector<128x128xi1>, vector<128x128xf32>
    %slice3A_202 = vector.extract_strided_slice %add3A_69 {offsets = [384, 0], sizes = [128, 128], strides = [1, 1]} : vector<2048x128xf32> to vector<128x128xf32>
    %slice3A_203 = vector.extract_strided_slice %get3A_15 {offsets = [384, 0], sizes = [128, 128], strides = [1, 1]} : vector<2048x128xf32> to vector<128x128xf32>
    %broadcast_in_dim3A_204 = vector.shape_cast %gt3A_185 : vector<128x1xi1> to vector<128x1xi1>
    %broadcast_in_dim3A_205 = vector.broadcast %broadcast_in_dim3A_204 : vector<128x1xi1> to vector<128x128xi1>
    %select_n3A_206 = arith.select %broadcast_in_dim3A_205, %slice3A_202, %slice3A_203 : vector<128x128xi1>, vector<128x128xf32>
    %convert_element_type3A_207 = arith.truncf %select_n3A_201 : vector<128x128xf32> to vector<128x128xbf16>
    %bitcast_convert_type3A_208 = tpu.bitcast %convert_element_type3A_207 : vector<128x128xbf16> -> vector<128x128xi16>
    %convert_element_type3A_209 = arith.extui %bitcast_convert_type3A_208 : vector<128x128xi16> to vector<128x128xi32>
    %convert_element_type3A_210 = arith.truncf %select_n3A_206 : vector<128x128xf32> to vector<128x128xbf16>
    %bitcast_convert_type3A_211 = tpu.bitcast %convert_element_type3A_210 : vector<128x128xbf16> -> vector<128x128xi16>
    %convert_element_type3A_212 = arith.extui %bitcast_convert_type3A_211 : vector<128x128xi16> to vector<128x128xi32>
    %shift_left3A_213 = arith.constant 16 : i32
    %shift_left3A_214 = vector.broadcast %shift_left3A_213 : i32 to vector<128x128xi32>
    %shift_left3A_215 = arith.shli %convert_element_type3A_209, %shift_left3A_214 : vector<128x128xi32>
    %or3A_216 = arith.ori %shift_left3A_215, %convert_element_type3A_212 : vector<128x128xi32>
    %swap3A_217 = arith.constant 384 : index
    %swap3A_218 = arith.constant 0 : index
    %swap3A_219 = vector.load %arg12[%swap3A_217, %swap3A_218] : memref<2048x128xi32, #tpu.memory_space<vmem>>, vector<128x128xi32>
    tpu.vector_store %arg12[%swap3A_217, %swap3A_218], %or3A_216 {strides = array<i32>} : memref<2048x128xi32, #tpu.memory_space<vmem>>, vector<128x128xi32>,
    %slice3A_220 = vector.extract_strided_slice %transpose3A {offsets = [0, 4], sizes = [128, 1], strides = [1, 1]} : vector<128x16xi32> to vector<128x1xi32>
    %gt3A_221 = arith.constant 0 : i32
    %gt3A_222 = vector.broadcast %gt3A_221 : i32 to vector<128x1xi32>
    %gt3A_223 = arith.cmpi sgt, %slice3A_220, %gt3A_222 : vector<128x1xi32>
    %slice3A_224 = vector.extract_strided_slice %get3A_9 {offsets = [512, 0], sizes = [128, 128], strides = [1, 1]} : vector<2048x128xf32> to vector<128x128xf32>
    %slice3A_225 = vector.extract_strided_slice %mul3A_71 {offsets = [512, 0], sizes = [128, 128], strides = [1, 1]} : vector<2048x128xf32> to vector<128x128xf32>
    %jit3A_226 = arith.constant 0.000000e+00 : f32
    %broadcast_in_dim3A_227 = vector.shape_cast %gt3A_223 : vector<128x1xi1> to vector<128x1xi1>
    %broadcast_in_dim3A_228 = vector.broadcast %broadcast_in_dim3A_227 : vector<128x1xi1> to vector<128x128xi1>
    %broadcast_in_dim3A_229 = vector.broadcast %jit3A_226 : f32 to vector<128x128xf32>
    %select_n3A_230 = arith.select %broadcast_in_dim3A_228, %slice3A_225, %broadcast_in_dim3A_229 : vector<128x128xi1>, vector<128x128xf32>
    %select_n3A_231 = arith.select %or3A, %slice3A_224, %select_n3A_230 : vector<128x128xf32>
    %swap3A_232 = arith.constant 512 : index
    %swap3A_233 = arith.constant 0 : index
    %swap3A_234 = vector.load %arg11[%swap3A_232, %swap3A_233] : memref<2048x128xf32, #tpu.memory_space<vmem>>, vector<128x128xf32>
    tpu.vector_store %arg11[%swap3A_232, %swap3A_233], %select_n3A_231 {strides = array<i32>} : memref<2048x128xf32, #tpu.memory_space<vmem>>, vector<128x128xf32>,
    %slice3A_235 = vector.extract_strided_slice %mul3A_71 {offsets = [512, 0], sizes = [128, 128], strides = [1, 1]} : vector<2048x128xf32> to vector<128x128xf32>
    %slice3A_236 = vector.extract_strided_slice %get3A_12 {offsets = [512, 0], sizes = [128, 128], strides = [1, 1]} : vector<2048x128xf32> to vector<128x128xf32>
    %broadcast_in_dim3A_237 = vector.shape_cast %gt3A_223 : vector<128x1xi1> to vector<128x1xi1>
    %broadcast_in_dim3A_238 = vector.broadcast %broadcast_in_dim3A_237 : vector<128x1xi1> to vector<128x128xi1>
    %select_n3A_239 = arith.select %broadcast_in_dim3A_238, %slice3A_235, %slice3A_236 : vector<128x128xi1>, vector<128x128xf32>
    %slice3A_240 = vector.extract_strided_slice %add3A_69 {offsets = [512, 0], sizes = [128, 128], strides = [1, 1]} : vector<2048x128xf32> to vector<128x128xf32>
    %slice3A_241 = vector.extract_strided_slice %get3A_15 {offsets = [512, 0], sizes = [128, 128], strides = [1, 1]} : vector<2048x128xf32> to vector<128x128xf32>
    %broadcast_in_dim3A_242 = vector.shape_cast %gt3A_223 : vector<128x1xi1> to vector<128x1xi1>
    %broadcast_in_dim3A_243 = vector.broadcast %broadcast_in_dim3A_242 : vector<128x1xi1> to vector<128x128xi1>
    %select_n3A_244 = arith.select %broadcast_in_dim3A_243, %slice3A_240, %slice3A_241 : vector<128x128xi1>, vector<128x128xf32>
    %convert_element_type3A_245 = arith.truncf %select_n3A_239 : vector<128x128xf32> to vector<128x128xbf16>
    %bitcast_convert_type3A_246 = tpu.bitcast %convert_element_type3A_245 : vector<128x128xbf16> -> vector<128x128xi16>
    %convert_element_type3A_247 = arith.extui %bitcast_convert_type3A_246 : vector<128x128xi16> to vector<128x128xi32>
    %convert_element_type3A_248 = arith.truncf %select_n3A_244 : vector<128x128xf32> to vector<128x128xbf16>
    %bitcast_convert_type3A_249 = tpu.bitcast %convert_element_type3A_248 : vector<128x128xbf16> -> vector<128x128xi16>
    %convert_element_type3A_250 = arith.extui %bitcast_convert_type3A_249 : vector<128x128xi16> to vector<128x128xi32>
    %shift_left3A_251 = arith.constant 16 : i32
    %shift_left3A_252 = vector.broadcast %shift_left3A_251 : i32 to vector<128x128xi32>
    %shift_left3A_253 = arith.shli %convert_element_type3A_247, %shift_left3A_252 : vector<128x128xi32>
    %or3A_254 = arith.ori %shift_left3A_253, %convert_element_type3A_250 : vector<128x128xi32>
    %swap3A_255 = arith.constant 512 : index
    %swap3A_256 = arith.constant 0 : index
    %swap3A_257 = vector.load %arg12[%swap3A_255, %swap3A_256] : memref<2048x128xi32, #tpu.memory_space<vmem>>, vector<128x128xi32>
    tpu.vector_store %arg12[%swap3A_255, %swap3A_256], %or3A_254 {strides = array<i32>} : memref<2048x128xi32, #tpu.memory_space<vmem>>, vector<128x128xi32>,
    %slice3A_258 = vector.extract_strided_slice %transpose3A {offsets = [0, 5], sizes = [128, 1], strides = [1, 1]} : vector<128x16xi32> to vector<128x1xi32>
    %gt3A_259 = arith.constant 0 : i32
    %gt3A_260 = vector.broadcast %gt3A_259 : i32 to vector<128x1xi32>
    %gt3A_261 = arith.cmpi sgt, %slice3A_258, %gt3A_260 : vector<128x1xi32>
    %slice3A_262 = vector.extract_strided_slice %get3A_9 {offsets = [640, 0], sizes = [128, 128], strides = [1, 1]} : vector<2048x128xf32> to vector<128x128xf32>
    %slice3A_263 = vector.extract_strided_slice %mul3A_71 {offsets = [640, 0], sizes = [128, 128], strides = [1, 1]} : vector<2048x128xf32> to vector<128x128xf32>
    %jit3A_264 = arith.constant 0.000000e+00 : f32
    %broadcast_in_dim3A_265 = vector.shape_cast %gt3A_261 : vector<128x1xi1> to vector<128x1xi1>
    %broadcast_in_dim3A_266 = vector.broadcast %broadcast_in_dim3A_265 : vector<128x1xi1> to vector<128x128xi1>
    %broadcast_in_dim3A_267 = vector.broadcast %jit3A_264 : f32 to vector<128x128xf32>
    %select_n3A_268 = arith.select %broadcast_in_dim3A_266, %slice3A_263, %broadcast_in_dim3A_267 : vector<128x128xi1>, vector<128x128xf32>
    %select_n3A_269 = arith.select %or3A, %slice3A_262, %select_n3A_268 : vector<128x128xf32>
    %swap3A_270 = arith.constant 640 : index
    %swap3A_271 = arith.constant 0 : index
    %swap3A_272 = vector.load %arg11[%swap3A_270, %swap3A_271] : memref<2048x128xf32, #tpu.memory_space<vmem>>, vector<128x128xf32>
    tpu.vector_store %arg11[%swap3A_270, %swap3A_271], %select_n3A_269 {strides = array<i32>} : memref<2048x128xf32, #tpu.memory_space<vmem>>, vector<128x128xf32>,
    %slice3A_273 = vector.extract_strided_slice %mul3A_71 {offsets = [640, 0], sizes = [128, 128], strides = [1, 1]} : vector<2048x128xf32> to vector<128x128xf32>
    %slice3A_274 = vector.extract_strided_slice %get3A_12 {offsets = [640, 0], sizes = [128, 128], strides = [1, 1]} : vector<2048x128xf32> to vector<128x128xf32>
    %broadcast_in_dim3A_275 = vector.shape_cast %gt3A_261 : vector<128x1xi1> to vector<128x1xi1>
    %broadcast_in_dim3A_276 = vector.broadcast %broadcast_in_dim3A_275 : vector<128x1xi1> to vector<128x128xi1>
    %select_n3A_277 = arith.select %broadcast_in_dim3A_276, %slice3A_273, %slice3A_274 : vector<128x128xi1>, vector<128x128xf32>
    %slice3A_278 = vector.extract_strided_slice %add3A_69 {offsets = [640, 0], sizes = [128, 128], strides = [1, 1]} : vector<2048x128xf32> to vector<128x128xf32>
    %slice3A_279 = vector.extract_strided_slice %get3A_15 {offsets = [640, 0], sizes = [128, 128], strides = [1, 1]} : vector<2048x128xf32> to vector<128x128xf32>
    %broadcast_in_dim3A_280 = vector.shape_cast %gt3A_261 : vector<128x1xi1> to vector<128x1xi1>
    %broadcast_in_dim3A_281 = vector.broadcast %broadcast_in_dim3A_280 : vector<128x1xi1> to vector<128x128xi1>
    %select_n3A_282 = arith.select %broadcast_in_dim3A_281, %slice3A_278, %slice3A_279 : vector<128x128xi1>, vector<128x128xf32>
    %convert_element_type3A_283 = arith.truncf %select_n3A_277 : vector<128x128xf32> to vector<128x128xbf16>
    %bitcast_convert_type3A_284 = tpu.bitcast %convert_element_type3A_283 : vector<128x128xbf16> -> vector<128x128xi16>
    %convert_element_type3A_285 = arith.extui %bitcast_convert_type3A_284 : vector<128x128xi16> to vector<128x128xi32>
    %convert_element_type3A_286 = arith.truncf %select_n3A_282 : vector<128x128xf32> to vector<128x128xbf16>
    %bitcast_convert_type3A_287 = tpu.bitcast %convert_element_type3A_286 : vector<128x128xbf16> -> vector<128x128xi16>
    %convert_element_type3A_288 = arith.extui %bitcast_convert_type3A_287 : vector<128x128xi16> to vector<128x128xi32>
    %shift_left3A_289 = arith.constant 16 : i32
    %shift_left3A_290 = vector.broadcast %shift_left3A_289 : i32 to vector<128x128xi32>
    %shift_left3A_291 = arith.shli %convert_element_type3A_285, %shift_left3A_290 : vector<128x128xi32>
    %or3A_292 = arith.ori %shift_left3A_291, %convert_element_type3A_288 : vector<128x128xi32>
    %swap3A_293 = arith.constant 640 : index
    %swap3A_294 = arith.constant 0 : index
    %swap3A_295 = vector.load %arg12[%swap3A_293, %swap3A_294] : memref<2048x128xi32, #tpu.memory_space<vmem>>, vector<128x128xi32>
    tpu.vector_store %arg12[%swap3A_293, %swap3A_294], %or3A_292 {strides = array<i32>} : memref<2048x128xi32, #tpu.memory_space<vmem>>, vector<128x128xi32>,
    %slice3A_296 = vector.extract_strided_slice %transpose3A {offsets = [0, 6], sizes = [128, 1], strides = [1, 1]} : vector<128x16xi32> to vector<128x1xi32>
    %gt3A_297 = arith.constant 0 : i32
    %gt3A_298 = vector.broadcast %gt3A_297 : i32 to vector<128x1xi32>
    %gt3A_299 = arith.cmpi sgt, %slice3A_296, %gt3A_298 : vector<128x1xi32>
    %slice3A_300 = vector.extract_strided_slice %get3A_9 {offsets = [768, 0], sizes = [128, 128], strides = [1, 1]} : vector<2048x128xf32> to vector<128x128xf32>
    %slice3A_301 = vector.extract_strided_slice %mul3A_71 {offsets = [768, 0], sizes = [128, 128], strides = [1, 1]} : vector<2048x128xf32> to vector<128x128xf32>
    %jit3A_302 = arith.constant 0.000000e+00 : f32
    %broadcast_in_dim3A_303 = vector.shape_cast %gt3A_299 : vector<128x1xi1> to vector<128x1xi1>
    %broadcast_in_dim3A_304 = vector.broadcast %broadcast_in_dim3A_303 : vector<128x1xi1> to vector<128x128xi1>
    %broadcast_in_dim3A_305 = vector.broadcast %jit3A_302 : f32 to vector<128x128xf32>
    %select_n3A_306 = arith.select %broadcast_in_dim3A_304, %slice3A_301, %broadcast_in_dim3A_305 : vector<128x128xi1>, vector<128x128xf32>
    %select_n3A_307 = arith.select %or3A, %slice3A_300, %select_n3A_306 : vector<128x128xf32>
    %swap3A_308 = arith.constant 768 : index
    %swap3A_309 = arith.constant 0 : index
    %swap3A_310 = vector.load %arg11[%swap3A_308, %swap3A_309] : memref<2048x128xf32, #tpu.memory_space<vmem>>, vector<128x128xf32>
    tpu.vector_store %arg11[%swap3A_308, %swap3A_309], %select_n3A_307 {strides = array<i32>} : memref<2048x128xf32, #tpu.memory_space<vmem>>, vector<128x128xf32>,
    %slice3A_311 = vector.extract_strided_slice %mul3A_71 {offsets = [768, 0], sizes = [128, 128], strides = [1, 1]} : vector<2048x128xf32> to vector<128x128xf32>
    %slice3A_312 = vector.extract_strided_slice %get3A_12 {offsets = [768, 0], sizes = [128, 128], strides = [1, 1]} : vector<2048x128xf32> to vector<128x128xf32>
    %broadcast_in_dim3A_313 = vector.shape_cast %gt3A_299 : vector<128x1xi1> to vector<128x1xi1>
    %broadcast_in_dim3A_314 = vector.broadcast %broadcast_in_dim3A_313 : vector<128x1xi1> to vector<128x128xi1>
    %select_n3A_315 = arith.select %broadcast_in_dim3A_314, %slice3A_311, %slice3A_312 : vector<128x128xi1>, vector<128x128xf32>
    %slice3A_316 = vector.extract_strided_slice %add3A_69 {offsets = [768, 0], sizes = [128, 128], strides = [1, 1]} : vector<2048x128xf32> to vector<128x128xf32>
    %slice3A_317 = vector.extract_strided_slice %get3A_15 {offsets = [768, 0], sizes = [128, 128], strides = [1, 1]} : vector<2048x128xf32> to vector<128x128xf32>
    %broadcast_in_dim3A_318 = vector.shape_cast %gt3A_299 : vector<128x1xi1> to vector<128x1xi1>
    %broadcast_in_dim3A_319 = vector.broadcast %broadcast_in_dim3A_318 : vector<128x1xi1> to vector<128x128xi1>
    %select_n3A_320 = arith.select %broadcast_in_dim3A_319, %slice3A_316, %slice3A_317 : vector<128x128xi1>, vector<128x128xf32>
    %convert_element_type3A_321 = arith.truncf %select_n3A_315 : vector<128x128xf32> to vector<128x128xbf16>
    %bitcast_convert_type3A_322 = tpu.bitcast %convert_element_type3A_321 : vector<128x128xbf16> -> vector<128x128xi16>
    %convert_element_type3A_323 = arith.extui %bitcast_convert_type3A_322 : vector<128x128xi16> to vector<128x128xi32>
    %convert_element_type3A_324 = arith.truncf %select_n3A_320 : vector<128x128xf32> to vector<128x128xbf16>
    %bitcast_convert_type3A_325 = tpu.bitcast %convert_element_type3A_324 : vector<128x128xbf16> -> vector<128x128xi16>
    %convert_element_type3A_326 = arith.extui %bitcast_convert_type3A_325 : vector<128x128xi16> to vector<128x128xi32>
    %shift_left3A_327 = arith.constant 16 : i32
    %shift_left3A_328 = vector.broadcast %shift_left3A_327 : i32 to vector<128x128xi32>
    %shift_left3A_329 = arith.shli %convert_element_type3A_323, %shift_left3A_328 : vector<128x128xi32>
    %or3A_330 = arith.ori %shift_left3A_329, %convert_element_type3A_326 : vector<128x128xi32>
    %swap3A_331 = arith.constant 768 : index
    %swap3A_332 = arith.constant 0 : index
    %swap3A_333 = vector.load %arg12[%swap3A_331, %swap3A_332] : memref<2048x128xi32, #tpu.memory_space<vmem>>, vector<128x128xi32>
    tpu.vector_store %arg12[%swap3A_331, %swap3A_332], %or3A_330 {strides = array<i32>} : memref<2048x128xi32, #tpu.memory_space<vmem>>, vector<128x128xi32>,
    %slice3A_334 = vector.extract_strided_slice %transpose3A {offsets = [0, 7], sizes = [128, 1], strides = [1, 1]} : vector<128x16xi32> to vector<128x1xi32>
    %gt3A_335 = arith.constant 0 : i32
    %gt3A_336 = vector.broadcast %gt3A_335 : i32 to vector<128x1xi32>
    %gt3A_337 = arith.cmpi sgt, %slice3A_334, %gt3A_336 : vector<128x1xi32>
    %slice3A_338 = vector.extract_strided_slice %get3A_9 {offsets = [896, 0], sizes = [128, 128], strides = [1, 1]} : vector<2048x128xf32> to vector<128x128xf32>
    %slice3A_339 = vector.extract_strided_slice %mul3A_71 {offsets = [896, 0], sizes = [128, 128], strides = [1, 1]} : vector<2048x128xf32> to vector<128x128xf32>
    %jit3A_340 = arith.constant 0.000000e+00 : f32
    %broadcast_in_dim3A_341 = vector.shape_cast %gt3A_337 : vector<128x1xi1> to vector<128x1xi1>
    %broadcast_in_dim3A_342 = vector.broadcast %broadcast_in_dim3A_341 : vector<128x1xi1> to vector<128x128xi1>
    %broadcast_in_dim3A_343 = vector.broadcast %jit3A_340 : f32 to vector<128x128xf32>
    %select_n3A_344 = arith.select %broadcast_in_dim3A_342, %slice3A_339, %broadcast_in_dim3A_343 : vector<128x128xi1>, vector<128x128xf32>
    %select_n3A_345 = arith.select %or3A, %slice3A_338, %select_n3A_344 : vector<128x128xf32>
    %swap3A_346 = arith.constant 896 : index
    %swap3A_347 = arith.constant 0 : index
    %swap3A_348 = vector.load %arg11[%swap3A_346, %swap3A_347] : memref<2048x128xf32, #tpu.memory_space<vmem>>, vector<128x128xf32>
    tpu.vector_store %arg11[%swap3A_346, %swap3A_347], %select_n3A_345 {strides = array<i32>} : memref<2048x128xf32, #tpu.memory_space<vmem>>, vector<128x128xf32>,
    %slice3A_349 = vector.extract_strided_slice %mul3A_71 {offsets = [896, 0], sizes = [128, 128], strides = [1, 1]} : vector<2048x128xf32> to vector<128x128xf32>
    %slice3A_350 = vector.extract_strided_slice %get3A_12 {offsets = [896, 0], sizes = [128, 128], strides = [1, 1]} : vector<2048x128xf32> to vector<128x128xf32>
    %broadcast_in_dim3A_351 = vector.shape_cast %gt3A_337 : vector<128x1xi1> to vector<128x1xi1>
    %broadcast_in_dim3A_352 = vector.broadcast %broadcast_in_dim3A_351 : vector<128x1xi1> to vector<128x128xi1>
    %select_n3A_353 = arith.select %broadcast_in_dim3A_352, %slice3A_349, %slice3A_350 : vector<128x128xi1>, vector<128x128xf32>
    %slice3A_354 = vector.extract_strided_slice %add3A_69 {offsets = [896, 0], sizes = [128, 128], strides = [1, 1]} : vector<2048x128xf32> to vector<128x128xf32>
    %slice3A_355 = vector.extract_strided_slice %get3A_15 {offsets = [896, 0], sizes = [128, 128], strides = [1, 1]} : vector<2048x128xf32> to vector<128x128xf32>
    %broadcast_in_dim3A_356 = vector.shape_cast %gt3A_337 : vector<128x1xi1> to vector<128x1xi1>
    %broadcast_in_dim3A_357 = vector.broadcast %broadcast_in_dim3A_356 : vector<128x1xi1> to vector<128x128xi1>
    %select_n3A_358 = arith.select %broadcast_in_dim3A_357, %slice3A_354, %slice3A_355 : vector<128x128xi1>, vector<128x128xf32>
    %convert_element_type3A_359 = arith.truncf %select_n3A_353 : vector<128x128xf32> to vector<128x128xbf16>
    %bitcast_convert_type3A_360 = tpu.bitcast %convert_element_type3A_359 : vector<128x128xbf16> -> vector<128x128xi16>
    %convert_element_type3A_361 = arith.extui %bitcast_convert_type3A_360 : vector<128x128xi16> to vector<128x128xi32>
    %convert_element_type3A_362 = arith.truncf %select_n3A_358 : vector<128x128xf32> to vector<128x128xbf16>
    %bitcast_convert_type3A_363 = tpu.bitcast %convert_element_type3A_362 : vector<128x128xbf16> -> vector<128x128xi16>
    %convert_element_type3A_364 = arith.extui %bitcast_convert_type3A_363 : vector<128x128xi16> to vector<128x128xi32>
    %shift_left3A_365 = arith.constant 16 : i32
    %shift_left3A_366 = vector.broadcast %shift_left3A_365 : i32 to vector<128x128xi32>
    %shift_left3A_367 = arith.shli %convert_element_type3A_361, %shift_left3A_366 : vector<128x128xi32>
    %or3A_368 = arith.ori %shift_left3A_367, %convert_element_type3A_364 : vector<128x128xi32>
    %swap3A_369 = arith.constant 896 : index
    %swap3A_370 = arith.constant 0 : index
    %swap3A_371 = vector.load %arg12[%swap3A_369, %swap3A_370] : memref<2048x128xi32, #tpu.memory_space<vmem>>, vector<128x128xi32>
    tpu.vector_store %arg12[%swap3A_369, %swap3A_370], %or3A_368 {strides = array<i32>} : memref<2048x128xi32, #tpu.memory_space<vmem>>, vector<128x128xi32>,
    %slice3A_372 = vector.extract_strided_slice %transpose3A {offsets = [0, 8], sizes = [128, 1], strides = [1, 1]} : vector<128x16xi32> to vector<128x1xi32>
    %gt3A_373 = arith.constant 0 : i32
    %gt3A_374 = vector.broadcast %gt3A_373 : i32 to vector<128x1xi32>
    %gt3A_375 = arith.cmpi sgt, %slice3A_372, %gt3A_374 : vector<128x1xi32>
    %slice3A_376 = vector.extract_strided_slice %get3A_9 {offsets = [1024, 0], sizes = [128, 128], strides = [1, 1]} : vector<2048x128xf32> to vector<128x128xf32>
    %slice3A_377 = vector.extract_strided_slice %mul3A_71 {offsets = [1024, 0], sizes = [128, 128], strides = [1, 1]} : vector<2048x128xf32> to vector<128x128xf32>
    %jit3A_378 = arith.constant 0.000000e+00 : f32
    %broadcast_in_dim3A_379 = vector.shape_cast %gt3A_375 : vector<128x1xi1> to vector<128x1xi1>
    %broadcast_in_dim3A_380 = vector.broadcast %broadcast_in_dim3A_379 : vector<128x1xi1> to vector<128x128xi1>
    %broadcast_in_dim3A_381 = vector.broadcast %jit3A_378 : f32 to vector<128x128xf32>
    %select_n3A_382 = arith.select %broadcast_in_dim3A_380, %slice3A_377, %broadcast_in_dim3A_381 : vector<128x128xi1>, vector<128x128xf32>
    %select_n3A_383 = arith.select %or3A, %slice3A_376, %select_n3A_382 : vector<128x128xf32>
    %swap3A_384 = arith.constant 1024 : index
    %swap3A_385 = arith.constant 0 : index
    %swap3A_386 = vector.load %arg11[%swap3A_384, %swap3A_385] : memref<2048x128xf32, #tpu.memory_space<vmem>>, vector<128x128xf32>
    tpu.vector_store %arg11[%swap3A_384, %swap3A_385], %select_n3A_383 {strides = array<i32>} : memref<2048x128xf32, #tpu.memory_space<vmem>>, vector<128x128xf32>,
    %slice3A_387 = vector.extract_strided_slice %mul3A_71 {offsets = [1024, 0], sizes = [128, 128], strides = [1, 1]} : vector<2048x128xf32> to vector<128x128xf32>
    %slice3A_388 = vector.extract_strided_slice %get3A_12 {offsets = [1024, 0], sizes = [128, 128], strides = [1, 1]} : vector<2048x128xf32> to vector<128x128xf32>
    %broadcast_in_dim3A_389 = vector.shape_cast %gt3A_375 : vector<128x1xi1> to vector<128x1xi1>
    %broadcast_in_dim3A_390 = vector.broadcast %broadcast_in_dim3A_389 : vector<128x1xi1> to vector<128x128xi1>
    %select_n3A_391 = arith.select %broadcast_in_dim3A_390, %slice3A_387, %slice3A_388 : vector<128x128xi1>, vector<128x128xf32>
    %slice3A_392 = vector.extract_strided_slice %add3A_69 {offsets = [1024, 0], sizes = [128, 128], strides = [1, 1]} : vector<2048x128xf32> to vector<128x128xf32>
    %slice3A_393 = vector.extract_strided_slice %get3A_15 {offsets = [1024, 0], sizes = [128, 128], strides = [1, 1]} : vector<2048x128xf32> to vector<128x128xf32>
    %broadcast_in_dim3A_394 = vector.shape_cast %gt3A_375 : vector<128x1xi1> to vector<128x1xi1>
    %broadcast_in_dim3A_395 = vector.broadcast %broadcast_in_dim3A_394 : vector<128x1xi1> to vector<128x128xi1>
    %select_n3A_396 = arith.select %broadcast_in_dim3A_395, %slice3A_392, %slice3A_393 : vector<128x128xi1>, vector<128x128xf32>
    %convert_element_type3A_397 = arith.truncf %select_n3A_391 : vector<128x128xf32> to vector<128x128xbf16>
    %bitcast_convert_type3A_398 = tpu.bitcast %convert_element_type3A_397 : vector<128x128xbf16> -> vector<128x128xi16>
    %convert_element_type3A_399 = arith.extui %bitcast_convert_type3A_398 : vector<128x128xi16> to vector<128x128xi32>
    %convert_element_type3A_400 = arith.truncf %select_n3A_396 : vector<128x128xf32> to vector<128x128xbf16>
    %bitcast_convert_type3A_401 = tpu.bitcast %convert_element_type3A_400 : vector<128x128xbf16> -> vector<128x128xi16>
    %convert_element_type3A_402 = arith.extui %bitcast_convert_type3A_401 : vector<128x128xi16> to vector<128x128xi32>
    %shift_left3A_403 = arith.constant 16 : i32
    %shift_left3A_404 = vector.broadcast %shift_left3A_403 : i32 to vector<128x128xi32>
    %shift_left3A_405 = arith.shli %convert_element_type3A_399, %shift_left3A_404 : vector<128x128xi32>
    %or3A_406 = arith.ori %shift_left3A_405, %convert_element_type3A_402 : vector<128x128xi32>
    %swap3A_407 = arith.constant 1024 : index
    %swap3A_408 = arith.constant 0 : index
    %swap3A_409 = vector.load %arg12[%swap3A_407, %swap3A_408] : memref<2048x128xi32, #tpu.memory_space<vmem>>, vector<128x128xi32>
    tpu.vector_store %arg12[%swap3A_407, %swap3A_408], %or3A_406 {strides = array<i32>} : memref<2048x128xi32, #tpu.memory_space<vmem>>, vector<128x128xi32>,
    %slice3A_410 = vector.extract_strided_slice %transpose3A {offsets = [0, 9], sizes = [128, 1], strides = [1, 1]} : vector<128x16xi32> to vector<128x1xi32>
    %gt3A_411 = arith.constant 0 : i32
    %gt3A_412 = vector.broadcast %gt3A_411 : i32 to vector<128x1xi32>
    %gt3A_413 = arith.cmpi sgt, %slice3A_410, %gt3A_412 : vector<128x1xi32>
    %slice3A_414 = vector.extract_strided_slice %get3A_9 {offsets = [1152, 0], sizes = [128, 128], strides = [1, 1]} : vector<2048x128xf32> to vector<128x128xf32>
    %slice3A_415 = vector.extract_strided_slice %mul3A_71 {offsets = [1152, 0], sizes = [128, 128], strides = [1, 1]} : vector<2048x128xf32> to vector<128x128xf32>
    %jit3A_416 = arith.constant 0.000000e+00 : f32
    %broadcast_in_dim3A_417 = vector.shape_cast %gt3A_413 : vector<128x1xi1> to vector<128x1xi1>
    %broadcast_in_dim3A_418 = vector.broadcast %broadcast_in_dim3A_417 : vector<128x1xi1> to vector<128x128xi1>
    %broadcast_in_dim3A_419 = vector.broadcast %jit3A_416 : f32 to vector<128x128xf32>
    %select_n3A_420 = arith.select %broadcast_in_dim3A_418, %slice3A_415, %broadcast_in_dim3A_419 : vector<128x128xi1>, vector<128x128xf32>
    %select_n3A_421 = arith.select %or3A, %slice3A_414, %select_n3A_420 : vector<128x128xf32>
    %swap3A_422 = arith.constant 1152 : index
    %swap3A_423 = arith.constant 0 : index
    %swap3A_424 = vector.load %arg11[%swap3A_422, %swap3A_423] : memref<2048x128xf32, #tpu.memory_space<vmem>>, vector<128x128xf32>
    tpu.vector_store %arg11[%swap3A_422, %swap3A_423], %select_n3A_421 {strides = array<i32>} : memref<2048x128xf32, #tpu.memory_space<vmem>>, vector<128x128xf32>,
    %slice3A_425 = vector.extract_strided_slice %mul3A_71 {offsets = [1152, 0], sizes = [128, 128], strides = [1, 1]} : vector<2048x128xf32> to vector<128x128xf32>
    %slice3A_426 = vector.extract_strided_slice %get3A_12 {offsets = [1152, 0], sizes = [128, 128], strides = [1, 1]} : vector<2048x128xf32> to vector<128x128xf32>
    %broadcast_in_dim3A_427 = vector.shape_cast %gt3A_413 : vector<128x1xi1> to vector<128x1xi1>
    %broadcast_in_dim3A_428 = vector.broadcast %broadcast_in_dim3A_427 : vector<128x1xi1> to vector<128x128xi1>
    %select_n3A_429 = arith.select %broadcast_in_dim3A_428, %slice3A_425, %slice3A_426 : vector<128x128xi1>, vector<128x128xf32>
    %slice3A_430 = vector.extract_strided_slice %add3A_69 {offsets = [1152, 0], sizes = [128, 128], strides = [1, 1]} : vector<2048x128xf32> to vector<128x128xf32>
    %slice3A_431 = vector.extract_strided_slice %get3A_15 {offsets = [1152, 0], sizes = [128, 128], strides = [1, 1]} : vector<2048x128xf32> to vector<128x128xf32>
    %broadcast_in_dim3A_432 = vector.shape_cast %gt3A_413 : vector<128x1xi1> to vector<128x1xi1>
    %broadcast_in_dim3A_433 = vector.broadcast %broadcast_in_dim3A_432 : vector<128x1xi1> to vector<128x128xi1>
    %select_n3A_434 = arith.select %broadcast_in_dim3A_433, %slice3A_430, %slice3A_431 : vector<128x128xi1>, vector<128x128xf32>
    %convert_element_type3A_435 = arith.truncf %select_n3A_429 : vector<128x128xf32> to vector<128x128xbf16>
    %bitcast_convert_type3A_436 = tpu.bitcast %convert_element_type3A_435 : vector<128x128xbf16> -> vector<128x128xi16>
    %convert_element_type3A_437 = arith.extui %bitcast_convert_type3A_436 : vector<128x128xi16> to vector<128x128xi32>
    %convert_element_type3A_438 = arith.truncf %select_n3A_434 : vector<128x128xf32> to vector<128x128xbf16>
    %bitcast_convert_type3A_439 = tpu.bitcast %convert_element_type3A_438 : vector<128x128xbf16> -> vector<128x128xi16>
    %convert_element_type3A_440 = arith.extui %bitcast_convert_type3A_439 : vector<128x128xi16> to vector<128x128xi32>
    %shift_left3A_441 = arith.constant 16 : i32
    %shift_left3A_442 = vector.broadcast %shift_left3A_441 : i32 to vector<128x128xi32>
    %shift_left3A_443 = arith.shli %convert_element_type3A_437, %shift_left3A_442 : vector<128x128xi32>
    %or3A_444 = arith.ori %shift_left3A_443, %convert_element_type3A_440 : vector<128x128xi32>
    %swap3A_445 = arith.constant 1152 : index
    %swap3A_446 = arith.constant 0 : index
    %swap3A_447 = vector.load %arg12[%swap3A_445, %swap3A_446] : memref<2048x128xi32, #tpu.memory_space<vmem>>, vector<128x128xi32>
    tpu.vector_store %arg12[%swap3A_445, %swap3A_446], %or3A_444 {strides = array<i32>} : memref<2048x128xi32, #tpu.memory_space<vmem>>, vector<128x128xi32>,
    %slice3A_448 = vector.extract_strided_slice %transpose3A {offsets = [0, 10], sizes = [128, 1], strides = [1, 1]} : vector<128x16xi32> to vector<128x1xi32>
    %gt3A_449 = arith.constant 0 : i32
    %gt3A_450 = vector.broadcast %gt3A_449 : i32 to vector<128x1xi32>
    %gt3A_451 = arith.cmpi sgt, %slice3A_448, %gt3A_450 : vector<128x1xi32>
    %slice3A_452 = vector.extract_strided_slice %get3A_9 {offsets = [1280, 0], sizes = [128, 128], strides = [1, 1]} : vector<2048x128xf32> to vector<128x128xf32>
    %slice3A_453 = vector.extract_strided_slice %mul3A_71 {offsets = [1280, 0], sizes = [128, 128], strides = [1, 1]} : vector<2048x128xf32> to vector<128x128xf32>
    %jit3A_454 = arith.constant 0.000000e+00 : f32
    %broadcast_in_dim3A_455 = vector.shape_cast %gt3A_451 : vector<128x1xi1> to vector<128x1xi1>
    %broadcast_in_dim3A_456 = vector.broadcast %broadcast_in_dim3A_455 : vector<128x1xi1> to vector<128x128xi1>
    %broadcast_in_dim3A_457 = vector.broadcast %jit3A_454 : f32 to vector<128x128xf32>
    %select_n3A_458 = arith.select %broadcast_in_dim3A_456, %slice3A_453, %broadcast_in_dim3A_457 : vector<128x128xi1>, vector<128x128xf32>
    %select_n3A_459 = arith.select %or3A, %slice3A_452, %select_n3A_458 : vector<128x128xf32>
    %swap3A_460 = arith.constant 1280 : index
    %swap3A_461 = arith.constant 0 : index
    %swap3A_462 = vector.load %arg11[%swap3A_460, %swap3A_461] : memref<2048x128xf32, #tpu.memory_space<vmem>>, vector<128x128xf32>
    tpu.vector_store %arg11[%swap3A_460, %swap3A_461], %select_n3A_459 {strides = array<i32>} : memref<2048x128xf32, #tpu.memory_space<vmem>>, vector<128x128xf32>,
    %slice3A_463 = vector.extract_strided_slice %mul3A_71 {offsets = [1280, 0], sizes = [128, 128], strides = [1, 1]} : vector<2048x128xf32> to vector<128x128xf32>
    %slice3A_464 = vector.extract_strided_slice %get3A_12 {offsets = [1280, 0], sizes = [128, 128], strides = [1, 1]} : vector<2048x128xf32> to vector<128x128xf32>
    %broadcast_in_dim3A_465 = vector.shape_cast %gt3A_451 : vector<128x1xi1> to vector<128x1xi1>
    %broadcast_in_dim3A_466 = vector.broadcast %broadcast_in_dim3A_465 : vector<128x1xi1> to vector<128x128xi1>
    %select_n3A_467 = arith.select %broadcast_in_dim3A_466, %slice3A_463, %slice3A_464 : vector<128x128xi1>, vector<128x128xf32>
    %slice3A_468 = vector.extract_strided_slice %add3A_69 {offsets = [1280, 0], sizes = [128, 128], strides = [1, 1]} : vector<2048x128xf32> to vector<128x128xf32>
    %slice3A_469 = vector.extract_strided_slice %get3A_15 {offsets = [1280, 0], sizes = [128, 128], strides = [1, 1]} : vector<2048x128xf32> to vector<128x128xf32>
    %broadcast_in_dim3A_470 = vector.shape_cast %gt3A_451 : vector<128x1xi1> to vector<128x1xi1>
    %broadcast_in_dim3A_471 = vector.broadcast %broadcast_in_dim3A_470 : vector<128x1xi1> to vector<128x128xi1>
    %select_n3A_472 = arith.select %broadcast_in_dim3A_471, %slice3A_468, %slice3A_469 : vector<128x128xi1>, vector<128x128xf32>
    %convert_element_type3A_473 = arith.truncf %select_n3A_467 : vector<128x128xf32> to vector<128x128xbf16>
    %bitcast_convert_type3A_474 = tpu.bitcast %convert_element_type3A_473 : vector<128x128xbf16> -> vector<128x128xi16>
    %convert_element_type3A_475 = arith.extui %bitcast_convert_type3A_474 : vector<128x128xi16> to vector<128x128xi32>
    %convert_element_type3A_476 = arith.truncf %select_n3A_472 : vector<128x128xf32> to vector<128x128xbf16>
    %bitcast_convert_type3A_477 = tpu.bitcast %convert_element_type3A_476 : vector<128x128xbf16> -> vector<128x128xi16>
    %convert_element_type3A_478 = arith.extui %bitcast_convert_type3A_477 : vector<128x128xi16> to vector<128x128xi32>
    %shift_left3A_479 = arith.constant 16 : i32
    %shift_left3A_480 = vector.broadcast %shift_left3A_479 : i32 to vector<128x128xi32>
    %shift_left3A_481 = arith.shli %convert_element_type3A_475, %shift_left3A_480 : vector<128x128xi32>
    %or3A_482 = arith.ori %shift_left3A_481, %convert_element_type3A_478 : vector<128x128xi32>
    %swap3A_483 = arith.constant 1280 : index
    %swap3A_484 = arith.constant 0 : index
    %swap3A_485 = vector.load %arg12[%swap3A_483, %swap3A_484] : memref<2048x128xi32, #tpu.memory_space<vmem>>, vector<128x128xi32>
    tpu.vector_store %arg12[%swap3A_483, %swap3A_484], %or3A_482 {strides = array<i32>} : memref<2048x128xi32, #tpu.memory_space<vmem>>, vector<128x128xi32>,
    %slice3A_486 = vector.extract_strided_slice %transpose3A {offsets = [0, 11], sizes = [128, 1], strides = [1, 1]} : vector<128x16xi32> to vector<128x1xi32>
    %gt3A_487 = arith.constant 0 : i32
    %gt3A_488 = vector.broadcast %gt3A_487 : i32 to vector<128x1xi32>
    %gt3A_489 = arith.cmpi sgt, %slice3A_486, %gt3A_488 : vector<128x1xi32>
    %slice3A_490 = vector.extract_strided_slice %get3A_9 {offsets = [1408, 0], sizes = [128, 128], strides = [1, 1]} : vector<2048x128xf32> to vector<128x128xf32>
    %slice3A_491 = vector.extract_strided_slice %mul3A_71 {offsets = [1408, 0], sizes = [128, 128], strides = [1, 1]} : vector<2048x128xf32> to vector<128x128xf32>
    %jit3A_492 = arith.constant 0.000000e+00 : f32
    %broadcast_in_dim3A_493 = vector.shape_cast %gt3A_489 : vector<128x1xi1> to vector<128x1xi1>
    %broadcast_in_dim3A_494 = vector.broadcast %broadcast_in_dim3A_493 : vector<128x1xi1> to vector<128x128xi1>
    %broadcast_in_dim3A_495 = vector.broadcast %jit3A_492 : f32 to vector<128x128xf32>
    %select_n3A_496 = arith.select %broadcast_in_dim3A_494, %slice3A_491, %broadcast_in_dim3A_495 : vector<128x128xi1>, vector<128x128xf32>
    %select_n3A_497 = arith.select %or3A, %slice3A_490, %select_n3A_496 : vector<128x128xf32>
    %swap3A_498 = arith.constant 1408 : index
    %swap3A_499 = arith.constant 0 : index
    %swap3A_500 = vector.load %arg11[%swap3A_498, %swap3A_499] : memref<2048x128xf32, #tpu.memory_space<vmem>>, vector<128x128xf32>
    tpu.vector_store %arg11[%swap3A_498, %swap3A_499], %select_n3A_497 {strides = array<i32>} : memref<2048x128xf32, #tpu.memory_space<vmem>>, vector<128x128xf32>,
    %slice3A_501 = vector.extract_strided_slice %mul3A_71 {offsets = [1408, 0], sizes = [128, 128], strides = [1, 1]} : vector<2048x128xf32> to vector<128x128xf32>
    %slice3A_502 = vector.extract_strided_slice %get3A_12 {offsets = [1408, 0], sizes = [128, 128], strides = [1, 1]} : vector<2048x128xf32> to vector<128x128xf32>
    %broadcast_in_dim3A_503 = vector.shape_cast %gt3A_489 : vector<128x1xi1> to vector<128x1xi1>
    %broadcast_in_dim3A_504 = vector.broadcast %broadcast_in_dim3A_503 : vector<128x1xi1> to vector<128x128xi1>
    %select_n3A_505 = arith.select %broadcast_in_dim3A_504, %slice3A_501, %slice3A_502 : vector<128x128xi1>, vector<128x128xf32>
    %slice3A_506 = vector.extract_strided_slice %add3A_69 {offsets = [1408, 0], sizes = [128, 128], strides = [1, 1]} : vector<2048x128xf32> to vector<128x128xf32>
    %slice3A_507 = vector.extract_strided_slice %get3A_15 {offsets = [1408, 0], sizes = [128, 128], strides = [1, 1]} : vector<2048x128xf32> to vector<128x128xf32>
    %broadcast_in_dim3A_508 = vector.shape_cast %gt3A_489 : vector<128x1xi1> to vector<128x1xi1>
    %broadcast_in_dim3A_509 = vector.broadcast %broadcast_in_dim3A_508 : vector<128x1xi1> to vector<128x128xi1>
    %select_n3A_510 = arith.select %broadcast_in_dim3A_509, %slice3A_506, %slice3A_507 : vector<128x128xi1>, vector<128x128xf32>
    %convert_element_type3A_511 = arith.truncf %select_n3A_505 : vector<128x128xf32> to vector<128x128xbf16>
    %bitcast_convert_type3A_512 = tpu.bitcast %convert_element_type3A_511 : vector<128x128xbf16> -> vector<128x128xi16>
    %convert_element_type3A_513 = arith.extui %bitcast_convert_type3A_512 : vector<128x128xi16> to vector<128x128xi32>
    %convert_element_type3A_514 = arith.truncf %select_n3A_510 : vector<128x128xf32> to vector<128x128xbf16>
    %bitcast_convert_type3A_515 = tpu.bitcast %convert_element_type3A_514 : vector<128x128xbf16> -> vector<128x128xi16>
    %convert_element_type3A_516 = arith.extui %bitcast_convert_type3A_515 : vector<128x128xi16> to vector<128x128xi32>
    %shift_left3A_517 = arith.constant 16 : i32
    %shift_left3A_518 = vector.broadcast %shift_left3A_517 : i32 to vector<128x128xi32>
    %shift_left3A_519 = arith.shli %convert_element_type3A_513, %shift_left3A_518 : vector<128x128xi32>
    %or3A_520 = arith.ori %shift_left3A_519, %convert_element_type3A_516 : vector<128x128xi32>
    %swap3A_521 = arith.constant 1408 : index
    %swap3A_522 = arith.constant 0 : index
    %swap3A_523 = vector.load %arg12[%swap3A_521, %swap3A_522] : memref<2048x128xi32, #tpu.memory_space<vmem>>, vector<128x128xi32>
    tpu.vector_store %arg12[%swap3A_521, %swap3A_522], %or3A_520 {strides = array<i32>} : memref<2048x128xi32, #tpu.memory_space<vmem>>, vector<128x128xi32>,
    %slice3A_524 = vector.extract_strided_slice %transpose3A {offsets = [0, 12], sizes = [128, 1], strides = [1, 1]} : vector<128x16xi32> to vector<128x1xi32>
    %gt3A_525 = arith.constant 0 : i32
    %gt3A_526 = vector.broadcast %gt3A_525 : i32 to vector<128x1xi32>
    %gt3A_527 = arith.cmpi sgt, %slice3A_524, %gt3A_526 : vector<128x1xi32>
    %slice3A_528 = vector.extract_strided_slice %get3A_9 {offsets = [1536, 0], sizes = [128, 128], strides = [1, 1]} : vector<2048x128xf32> to vector<128x128xf32>
    %slice3A_529 = vector.extract_strided_slice %mul3A_71 {offsets = [1536, 0], sizes = [128, 128], strides = [1, 1]} : vector<2048x128xf32> to vector<128x128xf32>
    %jit3A_530 = arith.constant 0.000000e+00 : f32
    %broadcast_in_dim3A_531 = vector.shape_cast %gt3A_527 : vector<128x1xi1> to vector<128x1xi1>
    %broadcast_in_dim3A_532 = vector.broadcast %broadcast_in_dim3A_531 : vector<128x1xi1> to vector<128x128xi1>
    %broadcast_in_dim3A_533 = vector.broadcast %jit3A_530 : f32 to vector<128x128xf32>
    %select_n3A_534 = arith.select %broadcast_in_dim3A_532, %slice3A_529, %broadcast_in_dim3A_533 : vector<128x128xi1>, vector<128x128xf32>
    %select_n3A_535 = arith.select %or3A, %slice3A_528, %select_n3A_534 : vector<128x128xf32>
    %swap3A_536 = arith.constant 1536 : index
    %swap3A_537 = arith.constant 0 : index
    %swap3A_538 = vector.load %arg11[%swap3A_536, %swap3A_537] : memref<2048x128xf32, #tpu.memory_space<vmem>>, vector<128x128xf32>
    tpu.vector_store %arg11[%swap3A_536, %swap3A_537], %select_n3A_535 {strides = array<i32>} : memref<2048x128xf32, #tpu.memory_space<vmem>>, vector<128x128xf32>,
    %slice3A_539 = vector.extract_strided_slice %mul3A_71 {offsets = [1536, 0], sizes = [128, 128], strides = [1, 1]} : vector<2048x128xf32> to vector<128x128xf32>
    %slice3A_540 = vector.extract_strided_slice %get3A_12 {offsets = [1536, 0], sizes = [128, 128], strides = [1, 1]} : vector<2048x128xf32> to vector<128x128xf32>
    %broadcast_in_dim3A_541 = vector.shape_cast %gt3A_527 : vector<128x1xi1> to vector<128x1xi1>
    %broadcast_in_dim3A_542 = vector.broadcast %broadcast_in_dim3A_541 : vector<128x1xi1> to vector<128x128xi1>
    %select_n3A_543 = arith.select %broadcast_in_dim3A_542, %slice3A_539, %slice3A_540 : vector<128x128xi1>, vector<128x128xf32>
    %slice3A_544 = vector.extract_strided_slice %add3A_69 {offsets = [1536, 0], sizes = [128, 128], strides = [1, 1]} : vector<2048x128xf32> to vector<128x128xf32>
    %slice3A_545 = vector.extract_strided_slice %get3A_15 {offsets = [1536, 0], sizes = [128, 128], strides = [1, 1]} : vector<2048x128xf32> to vector<128x128xf32>
    %broadcast_in_dim3A_546 = vector.shape_cast %gt3A_527 : vector<128x1xi1> to vector<128x1xi1>
    %broadcast_in_dim3A_547 = vector.broadcast %broadcast_in_dim3A_546 : vector<128x1xi1> to vector<128x128xi1>
    %select_n3A_548 = arith.select %broadcast_in_dim3A_547, %slice3A_544, %slice3A_545 : vector<128x128xi1>, vector<128x128xf32>
    %convert_element_type3A_549 = arith.truncf %select_n3A_543 : vector<128x128xf32> to vector<128x128xbf16>
    %bitcast_convert_type3A_550 = tpu.bitcast %convert_element_type3A_549 : vector<128x128xbf16> -> vector<128x128xi16>
    %convert_element_type3A_551 = arith.extui %bitcast_convert_type3A_550 : vector<128x128xi16> to vector<128x128xi32>
    %convert_element_type3A_552 = arith.truncf %select_n3A_548 : vector<128x128xf32> to vector<128x128xbf16>
    %bitcast_convert_type3A_553 = tpu.bitcast %convert_element_type3A_552 : vector<128x128xbf16> -> vector<128x128xi16>
    %convert_element_type3A_554 = arith.extui %bitcast_convert_type3A_553 : vector<128x128xi16> to vector<128x128xi32>
    %shift_left3A_555 = arith.constant 16 : i32
    %shift_left3A_556 = vector.broadcast %shift_left3A_555 : i32 to vector<128x128xi32>
    %shift_left3A_557 = arith.shli %convert_element_type3A_551, %shift_left3A_556 : vector<128x128xi32>
    %or3A_558 = arith.ori %shift_left3A_557, %convert_element_type3A_554 : vector<128x128xi32>
    %swap3A_559 = arith.constant 1536 : index
    %swap3A_560 = arith.constant 0 : index
    %swap3A_561 = vector.load %arg12[%swap3A_559, %swap3A_560] : memref<2048x128xi32, #tpu.memory_space<vmem>>, vector<128x128xi32>
    tpu.vector_store %arg12[%swap3A_559, %swap3A_560], %or3A_558 {strides = array<i32>} : memref<2048x128xi32, #tpu.memory_space<vmem>>, vector<128x128xi32>,
    %slice3A_562 = vector.extract_strided_slice %transpose3A {offsets = [0, 13], sizes = [128, 1], strides = [1, 1]} : vector<128x16xi32> to vector<128x1xi32>
    %gt3A_563 = arith.constant 0 : i32
    %gt3A_564 = vector.broadcast %gt3A_563 : i32 to vector<128x1xi32>
    %gt3A_565 = arith.cmpi sgt, %slice3A_562, %gt3A_564 : vector<128x1xi32>
    %slice3A_566 = vector.extract_strided_slice %get3A_9 {offsets = [1664, 0], sizes = [128, 128], strides = [1, 1]} : vector<2048x128xf32> to vector<128x128xf32>
    %slice3A_567 = vector.extract_strided_slice %mul3A_71 {offsets = [1664, 0], sizes = [128, 128], strides = [1, 1]} : vector<2048x128xf32> to vector<128x128xf32>
    %jit3A_568 = arith.constant 0.000000e+00 : f32
    %broadcast_in_dim3A_569 = vector.shape_cast %gt3A_565 : vector<128x1xi1> to vector<128x1xi1>
    %broadcast_in_dim3A_570 = vector.broadcast %broadcast_in_dim3A_569 : vector<128x1xi1> to vector<128x128xi1>
    %broadcast_in_dim3A_571 = vector.broadcast %jit3A_568 : f32 to vector<128x128xf32>
    %select_n3A_572 = arith.select %broadcast_in_dim3A_570, %slice3A_567, %broadcast_in_dim3A_571 : vector<128x128xi1>, vector<128x128xf32>
    %select_n3A_573 = arith.select %or3A, %slice3A_566, %select_n3A_572 : vector<128x128xf32>
    %swap3A_574 = arith.constant 1664 : index
    %swap3A_575 = arith.constant 0 : index
    %swap3A_576 = vector.load %arg11[%swap3A_574, %swap3A_575] : memref<2048x128xf32, #tpu.memory_space<vmem>>, vector<128x128xf32>
    tpu.vector_store %arg11[%swap3A_574, %swap3A_575], %select_n3A_573 {strides = array<i32>} : memref<2048x128xf32, #tpu.memory_space<vmem>>, vector<128x128xf32>,
    %slice3A_577 = vector.extract_strided_slice %mul3A_71 {offsets = [1664, 0], sizes = [128, 128], strides = [1, 1]} : vector<2048x128xf32> to vector<128x128xf32>
    %slice3A_578 = vector.extract_strided_slice %get3A_12 {offsets = [1664, 0], sizes = [128, 128], strides = [1, 1]} : vector<2048x128xf32> to vector<128x128xf32>
    %broadcast_in_dim3A_579 = vector.shape_cast %gt3A_565 : vector<128x1xi1> to vector<128x1xi1>
    %broadcast_in_dim3A_580 = vector.broadcast %broadcast_in_dim3A_579 : vector<128x1xi1> to vector<128x128xi1>
    %select_n3A_581 = arith.select %broadcast_in_dim3A_580, %slice3A_577, %slice3A_578 : vector<128x128xi1>, vector<128x128xf32>
    %slice3A_582 = vector.extract_strided_slice %add3A_69 {offsets = [1664, 0], sizes = [128, 128], strides = [1, 1]} : vector<2048x128xf32> to vector<128x128xf32>
    %slice3A_583 = vector.extract_strided_slice %get3A_15 {offsets = [1664, 0], sizes = [128, 128], strides = [1, 1]} : vector<2048x128xf32> to vector<128x128xf32>
    %broadcast_in_dim3A_584 = vector.shape_cast %gt3A_565 : vector<128x1xi1> to vector<128x1xi1>
    %broadcast_in_dim3A_585 = vector.broadcast %broadcast_in_dim3A_584 : vector<128x1xi1> to vector<128x128xi1>
    %select_n3A_586 = arith.select %broadcast_in_dim3A_585, %slice3A_582, %slice3A_583 : vector<128x128xi1>, vector<128x128xf32>
    %convert_element_type3A_587 = arith.truncf %select_n3A_581 : vector<128x128xf32> to vector<128x128xbf16>
    %bitcast_convert_type3A_588 = tpu.bitcast %convert_element_type3A_587 : vector<128x128xbf16> -> vector<128x128xi16>
    %convert_element_type3A_589 = arith.extui %bitcast_convert_type3A_588 : vector<128x128xi16> to vector<128x128xi32>
    %convert_element_type3A_590 = arith.truncf %select_n3A_586 : vector<128x128xf32> to vector<128x128xbf16>
    %bitcast_convert_type3A_591 = tpu.bitcast %convert_element_type3A_590 : vector<128x128xbf16> -> vector<128x128xi16>
    %convert_element_type3A_592 = arith.extui %bitcast_convert_type3A_591 : vector<128x128xi16> to vector<128x128xi32>
    %shift_left3A_593 = arith.constant 16 : i32
    %shift_left3A_594 = vector.broadcast %shift_left3A_593 : i32 to vector<128x128xi32>
    %shift_left3A_595 = arith.shli %convert_element_type3A_589, %shift_left3A_594 : vector<128x128xi32>
    %or3A_596 = arith.ori %shift_left3A_595, %convert_element_type3A_592 : vector<128x128xi32>
    %swap3A_597 = arith.constant 1664 : index
    %swap3A_598 = arith.constant 0 : index
    %swap3A_599 = vector.load %arg12[%swap3A_597, %swap3A_598] : memref<2048x128xi32, #tpu.memory_space<vmem>>, vector<128x128xi32>
    tpu.vector_store %arg12[%swap3A_597, %swap3A_598], %or3A_596 {strides = array<i32>} : memref<2048x128xi32, #tpu.memory_space<vmem>>, vector<128x128xi32>,
    %slice3A_600 = vector.extract_strided_slice %transpose3A {offsets = [0, 14], sizes = [128, 1], strides = [1, 1]} : vector<128x16xi32> to vector<128x1xi32>
    %gt3A_601 = arith.constant 0 : i32
    %gt3A_602 = vector.broadcast %gt3A_601 : i32 to vector<128x1xi32>
    %gt3A_603 = arith.cmpi sgt, %slice3A_600, %gt3A_602 : vector<128x1xi32>
    %slice3A_604 = vector.extract_strided_slice %get3A_9 {offsets = [1792, 0], sizes = [128, 128], strides = [1, 1]} : vector<2048x128xf32> to vector<128x128xf32>
    %slice3A_605 = vector.extract_strided_slice %mul3A_71 {offsets = [1792, 0], sizes = [128, 128], strides = [1, 1]} : vector<2048x128xf32> to vector<128x128xf32>
    %jit3A_606 = arith.constant 0.000000e+00 : f32
    %broadcast_in_dim3A_607 = vector.shape_cast %gt3A_603 : vector<128x1xi1> to vector<128x1xi1>
    %broadcast_in_dim3A_608 = vector.broadcast %broadcast_in_dim3A_607 : vector<128x1xi1> to vector<128x128xi1>
    %broadcast_in_dim3A_609 = vector.broadcast %jit3A_606 : f32 to vector<128x128xf32>
    %select_n3A_610 = arith.select %broadcast_in_dim3A_608, %slice3A_605, %broadcast_in_dim3A_609 : vector<128x128xi1>, vector<128x128xf32>
    %select_n3A_611 = arith.select %or3A, %slice3A_604, %select_n3A_610 : vector<128x128xf32>
    %swap3A_612 = arith.constant 1792 : index
    %swap3A_613 = arith.constant 0 : index
    %swap3A_614 = vector.load %arg11[%swap3A_612, %swap3A_613] : memref<2048x128xf32, #tpu.memory_space<vmem>>, vector<128x128xf32>
    tpu.vector_store %arg11[%swap3A_612, %swap3A_613], %select_n3A_611 {strides = array<i32>} : memref<2048x128xf32, #tpu.memory_space<vmem>>, vector<128x128xf32>,
    %slice3A_615 = vector.extract_strided_slice %mul3A_71 {offsets = [1792, 0], sizes = [128, 128], strides = [1, 1]} : vector<2048x128xf32> to vector<128x128xf32>
    %slice3A_616 = vector.extract_strided_slice %get3A_12 {offsets = [1792, 0], sizes = [128, 128], strides = [1, 1]} : vector<2048x128xf32> to vector<128x128xf32>
    %broadcast_in_dim3A_617 = vector.shape_cast %gt3A_603 : vector<128x1xi1> to vector<128x1xi1>
    %broadcast_in_dim3A_618 = vector.broadcast %broadcast_in_dim3A_617 : vector<128x1xi1> to vector<128x128xi1>
    %select_n3A_619 = arith.select %broadcast_in_dim3A_618, %slice3A_615, %slice3A_616 : vector<128x128xi1>, vector<128x128xf32>
    %slice3A_620 = vector.extract_strided_slice %add3A_69 {offsets = [1792, 0], sizes = [128, 128], strides = [1, 1]} : vector<2048x128xf32> to vector<128x128xf32>
    %slice3A_621 = vector.extract_strided_slice %get3A_15 {offsets = [1792, 0], sizes = [128, 128], strides = [1, 1]} : vector<2048x128xf32> to vector<128x128xf32>
    %broadcast_in_dim3A_622 = vector.shape_cast %gt3A_603 : vector<128x1xi1> to vector<128x1xi1>
    %broadcast_in_dim3A_623 = vector.broadcast %broadcast_in_dim3A_622 : vector<128x1xi1> to vector<128x128xi1>
    %select_n3A_624 = arith.select %broadcast_in_dim3A_623, %slice3A_620, %slice3A_621 : vector<128x128xi1>, vector<128x128xf32>
    %convert_element_type3A_625 = arith.truncf %select_n3A_619 : vector<128x128xf32> to vector<128x128xbf16>
    %bitcast_convert_type3A_626 = tpu.bitcast %convert_element_type3A_625 : vector<128x128xbf16> -> vector<128x128xi16>
    %convert_element_type3A_627 = arith.extui %bitcast_convert_type3A_626 : vector<128x128xi16> to vector<128x128xi32>
    %convert_element_type3A_628 = arith.truncf %select_n3A_624 : vector<128x128xf32> to vector<128x128xbf16>
    %bitcast_convert_type3A_629 = tpu.bitcast %convert_element_type3A_628 : vector<128x128xbf16> -> vector<128x128xi16>
    %convert_element_type3A_630 = arith.extui %bitcast_convert_type3A_629 : vector<128x128xi16> to vector<128x128xi32>
    %shift_left3A_631 = arith.constant 16 : i32
    %shift_left3A_632 = vector.broadcast %shift_left3A_631 : i32 to vector<128x128xi32>
    %shift_left3A_633 = arith.shli %convert_element_type3A_627, %shift_left3A_632 : vector<128x128xi32>
    %or3A_634 = arith.ori %shift_left3A_633, %convert_element_type3A_630 : vector<128x128xi32>
    %swap3A_635 = arith.constant 1792 : index
    %swap3A_636 = arith.constant 0 : index
    %swap3A_637 = vector.load %arg12[%swap3A_635, %swap3A_636] : memref<2048x128xi32, #tpu.memory_space<vmem>>, vector<128x128xi32>
    tpu.vector_store %arg12[%swap3A_635, %swap3A_636], %or3A_634 {strides = array<i32>} : memref<2048x128xi32, #tpu.memory_space<vmem>>, vector<128x128xi32>,
    %slice3A_638 = vector.extract_strided_slice %transpose3A {offsets = [0, 15], sizes = [128, 1], strides = [1, 1]} : vector<128x16xi32> to vector<128x1xi32>
    %gt3A_639 = arith.constant 0 : i32
    %gt3A_640 = vector.broadcast %gt3A_639 : i32 to vector<128x1xi32>
    %gt3A_641 = arith.cmpi sgt, %slice3A_638, %gt3A_640 : vector<128x1xi32>
    %slice3A_642 = vector.extract_strided_slice %get3A_9 {offsets = [1920, 0], sizes = [128, 128], strides = [1, 1]} : vector<2048x128xf32> to vector<128x128xf32>
    %slice3A_643 = vector.extract_strided_slice %mul3A_71 {offsets = [1920, 0], sizes = [128, 128], strides = [1, 1]} : vector<2048x128xf32> to vector<128x128xf32>
    %jit3A_644 = arith.constant 0.000000e+00 : f32
    %broadcast_in_dim3A_645 = vector.shape_cast %gt3A_641 : vector<128x1xi1> to vector<128x1xi1>
    %broadcast_in_dim3A_646 = vector.broadcast %broadcast_in_dim3A_645 : vector<128x1xi1> to vector<128x128xi1>
    %broadcast_in_dim3A_647 = vector.broadcast %jit3A_644 : f32 to vector<128x128xf32>
    %select_n3A_648 = arith.select %broadcast_in_dim3A_646, %slice3A_643, %broadcast_in_dim3A_647 : vector<128x128xi1>, vector<128x128xf32>
    %select_n3A_649 = arith.select %or3A, %slice3A_642, %select_n3A_648 : vector<128x128xf32>
    %swap3A_650 = arith.constant 1920 : index
    %swap3A_651 = arith.constant 0 : index
    %swap3A_652 = vector.load %arg11[%swap3A_650, %swap3A_651] : memref<2048x128xf32, #tpu.memory_space<vmem>>, vector<128x128xf32>
    tpu.vector_store %arg11[%swap3A_650, %swap3A_651], %select_n3A_649 {strides = array<i32>} : memref<2048x128xf32, #tpu.memory_space<vmem>>, vector<128x128xf32>,
    %slice3A_653 = vector.extract_strided_slice %mul3A_71 {offsets = [1920, 0], sizes = [128, 128], strides = [1, 1]} : vector<2048x128xf32> to vector<128x128xf32>
    %slice3A_654 = vector.extract_strided_slice %get3A_12 {offsets = [1920, 0], sizes = [128, 128], strides = [1, 1]} : vector<2048x128xf32> to vector<128x128xf32>
    %broadcast_in_dim3A_655 = vector.shape_cast %gt3A_641 : vector<128x1xi1> to vector<128x1xi1>
    %broadcast_in_dim3A_656 = vector.broadcast %broadcast_in_dim3A_655 : vector<128x1xi1> to vector<128x128xi1>
    %select_n3A_657 = arith.select %broadcast_in_dim3A_656, %slice3A_653, %slice3A_654 : vector<128x128xi1>, vector<128x128xf32>
    %slice3A_658 = vector.extract_strided_slice %add3A_69 {offsets = [1920, 0], sizes = [128, 128], strides = [1, 1]} : vector<2048x128xf32> to vector<128x128xf32>
    %slice3A_659 = vector.extract_strided_slice %get3A_15 {offsets = [1920, 0], sizes = [128, 128], strides = [1, 1]} : vector<2048x128xf32> to vector<128x128xf32>
    %broadcast_in_dim3A_660 = vector.shape_cast %gt3A_641 : vector<128x1xi1> to vector<128x1xi1>
    %broadcast_in_dim3A_661 = vector.broadcast %broadcast_in_dim3A_660 : vector<128x1xi1> to vector<128x128xi1>
    %select_n3A_662 = arith.select %broadcast_in_dim3A_661, %slice3A_658, %slice3A_659 : vector<128x128xi1>, vector<128x128xf32>
    %convert_element_type3A_663 = arith.truncf %select_n3A_657 : vector<128x128xf32> to vector<128x128xbf16>
    %bitcast_convert_type3A_664 = tpu.bitcast %convert_element_type3A_663 : vector<128x128xbf16> -> vector<128x128xi16>
    %convert_element_type3A_665 = arith.extui %bitcast_convert_type3A_664 : vector<128x128xi16> to vector<128x128xi32>
    %convert_element_type3A_666 = arith.truncf %select_n3A_662 : vector<128x128xf32> to vector<128x128xbf16>
    %bitcast_convert_type3A_667 = tpu.bitcast %convert_element_type3A_666 : vector<128x128xbf16> -> vector<128x128xi16>
    %convert_element_type3A_668 = arith.extui %bitcast_convert_type3A_667 : vector<128x128xi16> to vector<128x128xi32>
    %shift_left3A_669 = arith.constant 16 : i32
    %shift_left3A_670 = vector.broadcast %shift_left3A_669 : i32 to vector<128x128xi32>
    %shift_left3A_671 = arith.shli %convert_element_type3A_665, %shift_left3A_670 : vector<128x128xi32>
    %or3A_672 = arith.ori %shift_left3A_671, %convert_element_type3A_668 : vector<128x128xi32>
    %swap3A_673 = arith.constant 1920 : index
    %swap3A_674 = arith.constant 0 : index
    %swap3A_675 = vector.load %arg12[%swap3A_673, %swap3A_674] : memref<2048x128xi32, #tpu.memory_space<vmem>>, vector<128x128xi32>
    tpu.vector_store %arg12[%swap3A_673, %swap3A_674], %or3A_672 {strides = array<i32>} : memref<2048x128xi32, #tpu.memory_space<vmem>>, vector<128x128xi32>,
    return
  }
  func.func @transform_0(%arg0: i32) -> (i32, i32) {
    %add3A = arith.constant 0 : i32
    %add3A_0 = arith.addi %arg0, %add3A : i32
    %c0_i32 = arith.constant 0 : i32
    %c0_i32_1 = arith.constant 0 : i32
    return %add3A_0, %c0_i32 : i32, i32
  }
  func.func @transform_1(%arg0: i32) -> (i32, i32) {
    %add3A = arith.constant 0 : i32
    %add3A_0 = arith.addi %arg0, %add3A : i32
    %c0_i32 = arith.constant 0 : i32
    %c0_i32_1 = arith.constant 0 : i32
    return %add3A_0, %c0_i32 : i32, i32
  }
  func.func @transform_2(%arg0: i32) -> (i32, i32) {
    %add3A = arith.constant 0 : i32
    %add3A_0 = arith.addi %arg0, %add3A : i32
    %c0_i32 = arith.constant 0 : i32
    %c0_i32_1 = arith.constant 0 : i32
    return %add3A_0, %c0_i32 : i32, i32
  }
  func.func @transform_3(%arg0: i32) -> (i32, i32) {
    %add3A = arith.constant 0 : i32
    %add3A_0 = arith.addi %arg0, %add3A : i32
    %c0_i32 = arith.constant 0 : i32
    %c0_i32_1 = arith.constant 0 : i32
    return %add3A_0, %c0_i32 : i32, i32
  }
  func.func @transform_4(%arg0: i32) -> (i32, i32) {
    %c0_i32 = arith.constant 0 : i32
    %c0_i32_0 = arith.constant 0 : i32
    %c0_i32_1 = arith.constant 0 : i32
    return %c0_i32, %c0_i32_0 : i32, i32
  }
  func.func @transform_5(%arg0: i32) -> (i32, i32) {
    %c0_i32 = arith.constant 0 : i32
    %c0_i32_0 = arith.constant 0 : i32
    %c0_i32_1 = arith.constant 0 : i32
    return %c0_i32, %c0_i32_0 : i32, i32
  }
  func.func @transform_6(%arg0: i32) -> (i32, i32) {
    %c0_i32 = arith.constant 0 : i32
    %c0_i32_0 = arith.constant 0 : i32
    %c0_i32_1 = arith.constant 0 : i32
    return %c0_i32, %c0_i32_0 : i32, i32
  }
  func.func @transform_7(%arg0: i32) -> (i32, i32) {
    %c0_i32 = arith.constant 0 : i32
    %c0_i32_0 = arith.constant 0 : i32
    %c0_i32_1 = arith.constant 0 : i32
    return %c0_i32, %c0_i32_0 : i32, i32
  }
  func.func @transform_8(%arg0: i32) -> (i32, i32) {
    %c0_i32 = arith.constant 0 : i32
    %c0_i32_0 = arith.constant 0 : i32
    %c0_i32_1 = arith.constant 0 : i32
    return %c0_i32, %c0_i32_0 : i32, i32
  }
  func.func @transform_10(%arg0: i32) -> (i32, i32) {
    %add3A = arith.constant 0 : i32
    %add3A_0 = arith.addi %arg0, %add3A : i32
    %c0_i32 = arith.constant 0 : i32
    %c0_i32_1 = arith.constant 0 : i32
    return %add3A_0, %c0_i32 : i32, i32
  }
  func.func @transform_11(%arg0: i32) -> (i32, i32) {
    %c0_i32 = arith.constant 0 : i32
    %c0_i32_0 = arith.constant 0 : i32
    return %arg0, %c0_i32 : i32, i32
  }
  func.func @transform_12(%arg0: i32) -> (i32, i32) {
    %c0_i32 = arith.constant 0 : i32
    %c0_i32_0 = arith.constant 0 : i32
    %c0_i32_1 = arith.constant 0 : i32
    return %c0_i32, %c0_i32_0 : i32, i32
  }
  func.func @transform_13(%arg0: i32) -> (i32, i32) {
    %c0_i32 = arith.constant 0 : i32
    %c0_i32_0 = arith.constant 0 : i32
    %c0_i32_1 = arith.constant 0 : i32
    return %c0_i32, %c0_i32_0 : i32, i32
  }
}

module attributes {stable_mosaic.version = 14 : i64} {
  func.func @_tc_body_b(%arg0: i32, %arg1: memref<2048x128xf32, #tpu.memory_space<vmem>>, %arg2: memref<2048x128xf32, #tpu.memory_space<vmem>>, %arg3: memref<2048x128xf32, #tpu.memory_space<vmem>>, %arg4: memref<16x128xi32, #tpu.memory_space<vmem>>, %arg5: memref<512x128xf32, #tpu.memory_space<vmem>>, %arg6: memref<512x128xf32, #tpu.memory_space<vmem>>, %arg7: memref<1x512xf32, #tpu.memory_space<vmem>>, %arg8: memref<1x512xf32, #tpu.memory_space<vmem>>, %arg9: memref<1x1xf32, #tpu.memory_space<vmem>>, %arg10: memref<16384x128xf32, #tpu.memory_space<any>>, %arg11: memref<2048x128xf32, #tpu.memory_space<vmem>>, %arg12: memref<2048x128xi32, #tpu.memory_space<vmem>>) attributes {dimension_semantics = [#tpu.dimension_semantics<arbitrary>], iteration_bounds = array<i64: 4>, scalar_prefetch = 0 : i64, scratch_operands = 0 : i64, tpu.core_type = #tpu.core_type<tc>, window_params = [{transform_indices = @transform_0, window_bounds = array<i64: 2048, 128>}, {transform_indices = @transform_1, window_bounds = array<i64: 2048, 128>}, {transform_indices = @transform_2, window_bounds = array<i64: 2048, 128>}, {transform_indices = @transform_3, window_bounds = array<i64: 16, 128>}, {pipeline_mode = #tpu.pipeline_mode<synchronous>, transform_indices = @transform_4, window_bounds = array<i64: 512, 128>}, {pipeline_mode = #tpu.pipeline_mode<synchronous>, transform_indices = @transform_5, window_bounds = array<i64: 512, 128>}, {pipeline_mode = #tpu.pipeline_mode<synchronous>, transform_indices = @transform_6, window_bounds = array<i64: 1, 512>}, {pipeline_mode = #tpu.pipeline_mode<synchronous>, transform_indices = @transform_7, window_bounds = array<i64: 1, 512>}, {pipeline_mode = #tpu.pipeline_mode<synchronous>, transform_indices = @transform_8, window_bounds = array<i64: 1, 1>}, {}, {transform_indices = @transform_10, window_bounds = array<i64: 2048, 128>}, {transform_indices = @transform_11, window_bounds = array<i64: 2048, 128>}]} {
    %get3A = arith.constant 0 : index
    %get3A_0 = arith.constant 0 : index
    %get3A_1 = vector.load %arg9[%get3A, %get3A_0] : memref<1x1xf32, #tpu.memory_space<vmem>>, vector<1x1xf32>
    %eq3A = arith.constant 0.000000e+00 : f32
    %eq3A_2 = vector.broadcast %eq3A : f32 to vector<1x1xf32>
    %eq3A_3 = arith.cmpf oeq, %get3A_1, %eq3A_2 : vector<1x1xf32>
    %eq3A_4 = arith.constant 1.638400e+04 : f32
    %eq3A_5 = vector.broadcast %eq3A_4 : f32 to vector<1x1xf32>
    %eq3A_6 = arith.cmpf oeq, %get3A_1, %eq3A_5 : vector<1x1xf32>
    %or3A = arith.ori %eq3A_3, %eq3A_6 : vector<1x1xi1>
    %get3A_7 = arith.constant 0 : index
    %get3A_8 = arith.constant 0 : index
    %get3A_9 = vector.load %arg1[%get3A_7, %get3A_8] : memref<2048x128xf32, #tpu.memory_space<vmem>>, vector<2048x128xf32>
    %get3A_10 = arith.constant 0 : index
    %get3A_11 = arith.constant 0 : index
    %get3A_12 = vector.load %arg2[%get3A_10, %get3A_11] : memref<2048x128xf32, #tpu.memory_space<vmem>>, vector<2048x128xf32>
    %get3A_13 = arith.constant 0 : index
    %get3A_14 = arith.constant 0 : index
    %get3A_15 = vector.load %arg3[%get3A_13, %get3A_14] : memref<2048x128xf32, #tpu.memory_space<vmem>>, vector<2048x128xf32>
    %get3A_16 = arith.constant 0 : index
    %get3A_17 = arith.constant 0 : index
    %get3A_18 = vector.load %arg5[%get3A_16, %get3A_17] : memref<512x128xf32, #tpu.memory_space<vmem>>, vector<512x128xf32>
    %dot_general3A = arith.constant dense<0.000000e+00> : vector<2048x512xf32>
    %dot_general3A_19 = tpu.matmul %get3A_9, %get3A_18, %dot_general3A {dimension_numbers = #tpu.dot_dimension_numbers<[1], [1], [0], [0], [0, 0, 1, 0], [], []>, transpose_lhs_hint = false} : vector<2048x128xf32>, vector<512x128xf32>, vector<2048x512xf32> -> vector<2048x512xf32>
    %get3A_20 = arith.constant 0 : index
    %get3A_21 = arith.constant 0 : index
    %get3A_22 = vector.load %arg6[%get3A_20, %get3A_21] : memref<512x128xf32, #tpu.memory_space<vmem>>, vector<512x128xf32>
    %dot_general3A_23 = arith.constant dense<0.000000e+00> : vector<2048x512xf32>
    %dot_general3A_24 = tpu.matmul %get3A_12, %get3A_22, %dot_general3A_23 {dimension_numbers = #tpu.dot_dimension_numbers<[1], [1], [0], [0], [0, 0, 1, 0], [], []>, transpose_lhs_hint = false} : vector<2048x128xf32>, vector<512x128xf32>, vector<2048x512xf32> -> vector<2048x512xf32>
    %add3A = arith.addf %dot_general3A_19, %dot_general3A_24 : vector<2048x512xf32>
    %get3A_25 = arith.constant 0 : index
    %get3A_26 = arith.constant 0 : index
    %get3A_27 = vector.load %arg7[%get3A_25, %get3A_26] : memref<1x512xf32, #tpu.memory_space<vmem>>, vector<1x512xf32>
    %add3A_28 = vector.broadcast %get3A_27 : vector<1x512xf32> to vector<2048x512xf32>
    %add3A_29 = arith.addf %add3A, %add3A_28 : vector<2048x512xf32>
    %get3A_30 = arith.constant 0 : index
    %get3A_31 = arith.constant 0 : index
    %get3A_32 = vector.load %arg8[%get3A_30, %get3A_31] : memref<1x512xf32, #tpu.memory_space<vmem>>, vector<1x512xf32>
    %add3A_33 = vector.broadcast %get3A_32 : vector<1x512xf32> to vector<2048x512xf32>
    %add3A_34 = arith.addf %add3A_29, %add3A_33 : vector<2048x512xf32>
    %slice3A = vector.extract_strided_slice %add3A_34 {offsets = [0, 0], sizes = [2048, 128], strides = [1, 1]} : vector<2048x512xf32> to vector<2048x128xf32>
    %mul3A = arith.constant 5.000000e-01 : f32
    %mul3A_35 = vector.broadcast %mul3A : f32 to vector<2048x128xf32>
    %mul3A_36 = arith.mulf %slice3A, %mul3A_35 : vector<2048x128xf32>
    %tanh3A = math.tanh %mul3A_36 : vector<2048x128xf32>
    %mul3A_37 = arith.constant 5.000000e-01 : f32
    %mul3A_38 = vector.broadcast %mul3A_37 : f32 to vector<2048x128xf32>
    %mul3A_39 = arith.mulf %mul3A_38, %tanh3A : vector<2048x128xf32>
    %add3A_40 = arith.constant 5.000000e-01 : f32
    %add3A_41 = vector.broadcast %add3A_40 : f32 to vector<2048x128xf32>
    %add3A_42 = arith.addf %mul3A_39, %add3A_41 : vector<2048x128xf32>
    %slice3A_43 = vector.extract_strided_slice %add3A_34 {offsets = [0, 128], sizes = [2048, 128], strides = [1, 1]} : vector<2048x512xf32> to vector<2048x128xf32>
    %mul3A_44 = arith.constant 5.000000e-01 : f32
    %mul3A_45 = vector.broadcast %mul3A_44 : f32 to vector<2048x128xf32>
    %mul3A_46 = arith.mulf %slice3A_43, %mul3A_45 : vector<2048x128xf32>
    %tanh3A_47 = math.tanh %mul3A_46 : vector<2048x128xf32>
    %mul3A_48 = arith.constant 5.000000e-01 : f32
    %mul3A_49 = vector.broadcast %mul3A_48 : f32 to vector<2048x128xf32>
    %mul3A_50 = arith.mulf %mul3A_49, %tanh3A_47 : vector<2048x128xf32>
    %add3A_51 = arith.constant 5.000000e-01 : f32
    %add3A_52 = vector.broadcast %add3A_51 : f32 to vector<2048x128xf32>
    %add3A_53 = arith.addf %mul3A_50, %add3A_52 : vector<2048x128xf32>
    %slice3A_54 = vector.extract_strided_slice %add3A_34 {offsets = [0, 256], sizes = [2048, 128], strides = [1, 1]} : vector<2048x512xf32> to vector<2048x128xf32>
    %tanh3A_55 = math.tanh %slice3A_54 : vector<2048x128xf32>
    %slice3A_56 = vector.extract_strided_slice %add3A_34 {offsets = [0, 384], sizes = [2048, 128], strides = [1, 1]} : vector<2048x512xf32> to vector<2048x128xf32>
    %mul3A_57 = arith.constant 5.000000e-01 : f32
    %mul3A_58 = vector.broadcast %mul3A_57 : f32 to vector<2048x128xf32>
    %mul3A_59 = arith.mulf %slice3A_56, %mul3A_58 : vector<2048x128xf32>
    %tanh3A_60 = math.tanh %mul3A_59 : vector<2048x128xf32>
    %mul3A_61 = arith.constant 5.000000e-01 : f32
    %mul3A_62 = vector.broadcast %mul3A_61 : f32 to vector<2048x128xf32>
    %mul3A_63 = arith.mulf %mul3A_62, %tanh3A_60 : vector<2048x128xf32>
    %add3A_64 = arith.constant 5.000000e-01 : f32
    %add3A_65 = vector.broadcast %add3A_64 : f32 to vector<2048x128xf32>
    %add3A_66 = arith.addf %mul3A_63, %add3A_65 : vector<2048x128xf32>
    %mul3A_67 = arith.mulf %add3A_53, %get3A_15 : vector<2048x128xf32>
    %mul3A_68 = arith.mulf %add3A_42, %tanh3A_55 : vector<2048x128xf32>
    %add3A_69 = arith.addf %mul3A_67, %mul3A_68 : vector<2048x128xf32>
    %tanh3A_70 = math.tanh %add3A_69 : vector<2048x128xf32>
    %mul3A_71 = arith.mulf %add3A_66, %tanh3A_70 : vector<2048x128xf32>
    %get3A_72 = arith.constant 0 : index
    %get3A_73 = arith.constant 0 : index
    %get3A_74 = vector.load %arg4[%get3A_72, %get3A_73] : memref<16x128xi32, #tpu.memory_space<vmem>>, vector<16x128xi32>
    %transpose3A = tpu.transpose %get3A_74, [1, 0] : vector<16x128xi32> -> vector<128x16xi32>
    %slice3A_75 = vector.extract_strided_slice %transpose3A {offsets = [0, 0], sizes = [128, 1], strides = [1, 1]} : vector<128x16xi32> to vector<128x1xi32>
    %gt3A = arith.constant 0 : i32
    %gt3A_76 = vector.broadcast %gt3A : i32 to vector<128x1xi32>
    %gt3A_77 = arith.cmpi sgt, %slice3A_75, %gt3A_76 : vector<128x1xi32>
    %slice3A_78 = vector.extract_strided_slice %get3A_9 {offsets = [0, 0], sizes = [128, 128], strides = [1, 1]} : vector<2048x128xf32> to vector<128x128xf32>
    %slice3A_79 = vector.extract_strided_slice %mul3A_71 {offsets = [0, 0], sizes = [128, 128], strides = [1, 1]} : vector<2048x128xf32> to vector<128x128xf32>
    %jit3A = arith.constant 0.000000e+00 : f32
    %broadcast_in_dim3A = vector.shape_cast %gt3A_77 : vector<128x1xi1> to vector<128x1xi1>
    %broadcast_in_dim3A_80 = vector.broadcast %broadcast_in_dim3A : vector<128x1xi1> to vector<128x128xi1>
    %broadcast_in_dim3A_81 = vector.broadcast %jit3A : f32 to vector<128x128xf32>
    %select_n3A = arith.select %broadcast_in_dim3A_80, %slice3A_79, %broadcast_in_dim3A_81 : vector<128x128xi1>, vector<128x128xf32>
    %broadcast_in_dim3A_82 = vector.shape_cast %or3A : vector<1x1xi1> to vector<1x1xi1>
    %broadcast_in_dim3A_83 = vector.broadcast %broadcast_in_dim3A_82 : vector<1x1xi1> to vector<128x128xi1>
    %select_n3A_84 = arith.select %broadcast_in_dim3A_83, %slice3A_78, %select_n3A : vector<128x128xi1>, vector<128x128xf32>
    %swap3A = arith.constant 0 : index
    %swap3A_85 = arith.constant 0 : index
    %swap3A_86 = vector.load %arg11[%swap3A, %swap3A_85] : memref<2048x128xf32, #tpu.memory_space<vmem>>, vector<128x128xf32>
    tpu.vector_store %arg11[%swap3A, %swap3A_85], %select_n3A_84 {strides = array<i32>} : memref<2048x128xf32, #tpu.memory_space<vmem>>, vector<128x128xf32>,
    %slice3A_87 = vector.extract_strided_slice %mul3A_71 {offsets = [0, 0], sizes = [128, 128], strides = [1, 1]} : vector<2048x128xf32> to vector<128x128xf32>
    %slice3A_88 = vector.extract_strided_slice %get3A_12 {offsets = [0, 0], sizes = [128, 128], strides = [1, 1]} : vector<2048x128xf32> to vector<128x128xf32>
    %broadcast_in_dim3A_89 = vector.shape_cast %gt3A_77 : vector<128x1xi1> to vector<128x1xi1>
    %broadcast_in_dim3A_90 = vector.broadcast %broadcast_in_dim3A_89 : vector<128x1xi1> to vector<128x128xi1>
    %select_n3A_91 = arith.select %broadcast_in_dim3A_90, %slice3A_87, %slice3A_88 : vector<128x128xi1>, vector<128x128xf32>
    %slice3A_92 = vector.extract_strided_slice %add3A_69 {offsets = [0, 0], sizes = [128, 128], strides = [1, 1]} : vector<2048x128xf32> to vector<128x128xf32>
    %slice3A_93 = vector.extract_strided_slice %get3A_15 {offsets = [0, 0], sizes = [128, 128], strides = [1, 1]} : vector<2048x128xf32> to vector<128x128xf32>
    %broadcast_in_dim3A_94 = vector.shape_cast %gt3A_77 : vector<128x1xi1> to vector<128x1xi1>
    %broadcast_in_dim3A_95 = vector.broadcast %broadcast_in_dim3A_94 : vector<128x1xi1> to vector<128x128xi1>
    %select_n3A_96 = arith.select %broadcast_in_dim3A_95, %slice3A_92, %slice3A_93 : vector<128x128xi1>, vector<128x128xf32>
    %convert_element_type3A = arith.truncf %select_n3A_91 : vector<128x128xf32> to vector<128x128xbf16>
    %bitcast_convert_type3A = tpu.bitcast %convert_element_type3A : vector<128x128xbf16> -> vector<128x128xi16>
    %convert_element_type3A_97 = arith.extui %bitcast_convert_type3A : vector<128x128xi16> to vector<128x128xi32>
    %convert_element_type3A_98 = arith.truncf %select_n3A_96 : vector<128x128xf32> to vector<128x128xbf16>
    %bitcast_convert_type3A_99 = tpu.bitcast %convert_element_type3A_98 : vector<128x128xbf16> -> vector<128x128xi16>
    %convert_element_type3A_100 = arith.extui %bitcast_convert_type3A_99 : vector<128x128xi16> to vector<128x128xi32>
    %shift_left3A = arith.constant 16 : i32
    %shift_left3A_101 = vector.broadcast %shift_left3A : i32 to vector<128x128xi32>
    %shift_left3A_102 = arith.shli %convert_element_type3A_97, %shift_left3A_101 : vector<128x128xi32>
    %or3A_103 = arith.ori %shift_left3A_102, %convert_element_type3A_100 : vector<128x128xi32>
    %swap3A_104 = arith.constant 0 : index
    %swap3A_105 = arith.constant 0 : index
    %swap3A_106 = vector.load %arg12[%swap3A_104, %swap3A_105] : memref<2048x128xi32, #tpu.memory_space<vmem>>, vector<128x128xi32>
    tpu.vector_store %arg12[%swap3A_104, %swap3A_105], %or3A_103 {strides = array<i32>} : memref<2048x128xi32, #tpu.memory_space<vmem>>, vector<128x128xi32>,
    %slice3A_107 = vector.extract_strided_slice %transpose3A {offsets = [0, 1], sizes = [128, 1], strides = [1, 1]} : vector<128x16xi32> to vector<128x1xi32>
    %gt3A_108 = arith.constant 0 : i32
    %gt3A_109 = vector.broadcast %gt3A_108 : i32 to vector<128x1xi32>
    %gt3A_110 = arith.cmpi sgt, %slice3A_107, %gt3A_109 : vector<128x1xi32>
    %slice3A_111 = vector.extract_strided_slice %get3A_9 {offsets = [128, 0], sizes = [128, 128], strides = [1, 1]} : vector<2048x128xf32> to vector<128x128xf32>
    %slice3A_112 = vector.extract_strided_slice %mul3A_71 {offsets = [128, 0], sizes = [128, 128], strides = [1, 1]} : vector<2048x128xf32> to vector<128x128xf32>
    %jit3A_113 = arith.constant 0.000000e+00 : f32
    %broadcast_in_dim3A_114 = vector.shape_cast %gt3A_110 : vector<128x1xi1> to vector<128x1xi1>
    %broadcast_in_dim3A_115 = vector.broadcast %broadcast_in_dim3A_114 : vector<128x1xi1> to vector<128x128xi1>
    %broadcast_in_dim3A_116 = vector.broadcast %jit3A_113 : f32 to vector<128x128xf32>
    %select_n3A_117 = arith.select %broadcast_in_dim3A_115, %slice3A_112, %broadcast_in_dim3A_116 : vector<128x128xi1>, vector<128x128xf32>
    %broadcast_in_dim3A_118 = vector.shape_cast %or3A : vector<1x1xi1> to vector<1x1xi1>
    %broadcast_in_dim3A_119 = vector.broadcast %broadcast_in_dim3A_118 : vector<1x1xi1> to vector<128x128xi1>
    %select_n3A_120 = arith.select %broadcast_in_dim3A_119, %slice3A_111, %select_n3A_117 : vector<128x128xi1>, vector<128x128xf32>
    %swap3A_121 = arith.constant 128 : index
    %swap3A_122 = arith.constant 0 : index
    %swap3A_123 = vector.load %arg11[%swap3A_121, %swap3A_122] : memref<2048x128xf32, #tpu.memory_space<vmem>>, vector<128x128xf32>
    tpu.vector_store %arg11[%swap3A_121, %swap3A_122], %select_n3A_120 {strides = array<i32>} : memref<2048x128xf32, #tpu.memory_space<vmem>>, vector<128x128xf32>,
    %slice3A_124 = vector.extract_strided_slice %mul3A_71 {offsets = [128, 0], sizes = [128, 128], strides = [1, 1]} : vector<2048x128xf32> to vector<128x128xf32>
    %slice3A_125 = vector.extract_strided_slice %get3A_12 {offsets = [128, 0], sizes = [128, 128], strides = [1, 1]} : vector<2048x128xf32> to vector<128x128xf32>
    %broadcast_in_dim3A_126 = vector.shape_cast %gt3A_110 : vector<128x1xi1> to vector<128x1xi1>
    %broadcast_in_dim3A_127 = vector.broadcast %broadcast_in_dim3A_126 : vector<128x1xi1> to vector<128x128xi1>
    %select_n3A_128 = arith.select %broadcast_in_dim3A_127, %slice3A_124, %slice3A_125 : vector<128x128xi1>, vector<128x128xf32>
    %slice3A_129 = vector.extract_strided_slice %add3A_69 {offsets = [128, 0], sizes = [128, 128], strides = [1, 1]} : vector<2048x128xf32> to vector<128x128xf32>
    %slice3A_130 = vector.extract_strided_slice %get3A_15 {offsets = [128, 0], sizes = [128, 128], strides = [1, 1]} : vector<2048x128xf32> to vector<128x128xf32>
    %broadcast_in_dim3A_131 = vector.shape_cast %gt3A_110 : vector<128x1xi1> to vector<128x1xi1>
    %broadcast_in_dim3A_132 = vector.broadcast %broadcast_in_dim3A_131 : vector<128x1xi1> to vector<128x128xi1>
    %select_n3A_133 = arith.select %broadcast_in_dim3A_132, %slice3A_129, %slice3A_130 : vector<128x128xi1>, vector<128x128xf32>
    %convert_element_type3A_134 = arith.truncf %select_n3A_128 : vector<128x128xf32> to vector<128x128xbf16>
    %bitcast_convert_type3A_135 = tpu.bitcast %convert_element_type3A_134 : vector<128x128xbf16> -> vector<128x128xi16>
    %convert_element_type3A_136 = arith.extui %bitcast_convert_type3A_135 : vector<128x128xi16> to vector<128x128xi32>
    %convert_element_type3A_137 = arith.truncf %select_n3A_133 : vector<128x128xf32> to vector<128x128xbf16>
    %bitcast_convert_type3A_138 = tpu.bitcast %convert_element_type3A_137 : vector<128x128xbf16> -> vector<128x128xi16>
    %convert_element_type3A_139 = arith.extui %bitcast_convert_type3A_138 : vector<128x128xi16> to vector<128x128xi32>
    %shift_left3A_140 = arith.constant 16 : i32
    %shift_left3A_141 = vector.broadcast %shift_left3A_140 : i32 to vector<128x128xi32>
    %shift_left3A_142 = arith.shli %convert_element_type3A_136, %shift_left3A_141 : vector<128x128xi32>
    %or3A_143 = arith.ori %shift_left3A_142, %convert_element_type3A_139 : vector<128x128xi32>
    %swap3A_144 = arith.constant 128 : index
    %swap3A_145 = arith.constant 0 : index
    %swap3A_146 = vector.load %arg12[%swap3A_144, %swap3A_145] : memref<2048x128xi32, #tpu.memory_space<vmem>>, vector<128x128xi32>
    tpu.vector_store %arg12[%swap3A_144, %swap3A_145], %or3A_143 {strides = array<i32>} : memref<2048x128xi32, #tpu.memory_space<vmem>>, vector<128x128xi32>,
    %slice3A_147 = vector.extract_strided_slice %transpose3A {offsets = [0, 2], sizes = [128, 1], strides = [1, 1]} : vector<128x16xi32> to vector<128x1xi32>
    %gt3A_148 = arith.constant 0 : i32
    %gt3A_149 = vector.broadcast %gt3A_148 : i32 to vector<128x1xi32>
    %gt3A_150 = arith.cmpi sgt, %slice3A_147, %gt3A_149 : vector<128x1xi32>
    %slice3A_151 = vector.extract_strided_slice %get3A_9 {offsets = [256, 0], sizes = [128, 128], strides = [1, 1]} : vector<2048x128xf32> to vector<128x128xf32>
    %slice3A_152 = vector.extract_strided_slice %mul3A_71 {offsets = [256, 0], sizes = [128, 128], strides = [1, 1]} : vector<2048x128xf32> to vector<128x128xf32>
    %jit3A_153 = arith.constant 0.000000e+00 : f32
    %broadcast_in_dim3A_154 = vector.shape_cast %gt3A_150 : vector<128x1xi1> to vector<128x1xi1>
    %broadcast_in_dim3A_155 = vector.broadcast %broadcast_in_dim3A_154 : vector<128x1xi1> to vector<128x128xi1>
    %broadcast_in_dim3A_156 = vector.broadcast %jit3A_153 : f32 to vector<128x128xf32>
    %select_n3A_157 = arith.select %broadcast_in_dim3A_155, %slice3A_152, %broadcast_in_dim3A_156 : vector<128x128xi1>, vector<128x128xf32>
    %broadcast_in_dim3A_158 = vector.shape_cast %or3A : vector<1x1xi1> to vector<1x1xi1>
    %broadcast_in_dim3A_159 = vector.broadcast %broadcast_in_dim3A_158 : vector<1x1xi1> to vector<128x128xi1>
    %select_n3A_160 = arith.select %broadcast_in_dim3A_159, %slice3A_151, %select_n3A_157 : vector<128x128xi1>, vector<128x128xf32>
    %swap3A_161 = arith.constant 256 : index
    %swap3A_162 = arith.constant 0 : index
    %swap3A_163 = vector.load %arg11[%swap3A_161, %swap3A_162] : memref<2048x128xf32, #tpu.memory_space<vmem>>, vector<128x128xf32>
    tpu.vector_store %arg11[%swap3A_161, %swap3A_162], %select_n3A_160 {strides = array<i32>} : memref<2048x128xf32, #tpu.memory_space<vmem>>, vector<128x128xf32>,
    %slice3A_164 = vector.extract_strided_slice %mul3A_71 {offsets = [256, 0], sizes = [128, 128], strides = [1, 1]} : vector<2048x128xf32> to vector<128x128xf32>
    %slice3A_165 = vector.extract_strided_slice %get3A_12 {offsets = [256, 0], sizes = [128, 128], strides = [1, 1]} : vector<2048x128xf32> to vector<128x128xf32>
    %broadcast_in_dim3A_166 = vector.shape_cast %gt3A_150 : vector<128x1xi1> to vector<128x1xi1>
    %broadcast_in_dim3A_167 = vector.broadcast %broadcast_in_dim3A_166 : vector<128x1xi1> to vector<128x128xi1>
    %select_n3A_168 = arith.select %broadcast_in_dim3A_167, %slice3A_164, %slice3A_165 : vector<128x128xi1>, vector<128x128xf32>
    %slice3A_169 = vector.extract_strided_slice %add3A_69 {offsets = [256, 0], sizes = [128, 128], strides = [1, 1]} : vector<2048x128xf32> to vector<128x128xf32>
    %slice3A_170 = vector.extract_strided_slice %get3A_15 {offsets = [256, 0], sizes = [128, 128], strides = [1, 1]} : vector<2048x128xf32> to vector<128x128xf32>
    %broadcast_in_dim3A_171 = vector.shape_cast %gt3A_150 : vector<128x1xi1> to vector<128x1xi1>
    %broadcast_in_dim3A_172 = vector.broadcast %broadcast_in_dim3A_171 : vector<128x1xi1> to vector<128x128xi1>
    %select_n3A_173 = arith.select %broadcast_in_dim3A_172, %slice3A_169, %slice3A_170 : vector<128x128xi1>, vector<128x128xf32>
    %convert_element_type3A_174 = arith.truncf %select_n3A_168 : vector<128x128xf32> to vector<128x128xbf16>
    %bitcast_convert_type3A_175 = tpu.bitcast %convert_element_type3A_174 : vector<128x128xbf16> -> vector<128x128xi16>
    %convert_element_type3A_176 = arith.extui %bitcast_convert_type3A_175 : vector<128x128xi16> to vector<128x128xi32>
    %convert_element_type3A_177 = arith.truncf %select_n3A_173 : vector<128x128xf32> to vector<128x128xbf16>
    %bitcast_convert_type3A_178 = tpu.bitcast %convert_element_type3A_177 : vector<128x128xbf16> -> vector<128x128xi16>
    %convert_element_type3A_179 = arith.extui %bitcast_convert_type3A_178 : vector<128x128xi16> to vector<128x128xi32>
    %shift_left3A_180 = arith.constant 16 : i32
    %shift_left3A_181 = vector.broadcast %shift_left3A_180 : i32 to vector<128x128xi32>
    %shift_left3A_182 = arith.shli %convert_element_type3A_176, %shift_left3A_181 : vector<128x128xi32>
    %or3A_183 = arith.ori %shift_left3A_182, %convert_element_type3A_179 : vector<128x128xi32>
    %swap3A_184 = arith.constant 256 : index
    %swap3A_185 = arith.constant 0 : index
    %swap3A_186 = vector.load %arg12[%swap3A_184, %swap3A_185] : memref<2048x128xi32, #tpu.memory_space<vmem>>, vector<128x128xi32>
    tpu.vector_store %arg12[%swap3A_184, %swap3A_185], %or3A_183 {strides = array<i32>} : memref<2048x128xi32, #tpu.memory_space<vmem>>, vector<128x128xi32>,
    %slice3A_187 = vector.extract_strided_slice %transpose3A {offsets = [0, 3], sizes = [128, 1], strides = [1, 1]} : vector<128x16xi32> to vector<128x1xi32>
    %gt3A_188 = arith.constant 0 : i32
    %gt3A_189 = vector.broadcast %gt3A_188 : i32 to vector<128x1xi32>
    %gt3A_190 = arith.cmpi sgt, %slice3A_187, %gt3A_189 : vector<128x1xi32>
    %slice3A_191 = vector.extract_strided_slice %get3A_9 {offsets = [384, 0], sizes = [128, 128], strides = [1, 1]} : vector<2048x128xf32> to vector<128x128xf32>
    %slice3A_192 = vector.extract_strided_slice %mul3A_71 {offsets = [384, 0], sizes = [128, 128], strides = [1, 1]} : vector<2048x128xf32> to vector<128x128xf32>
    %jit3A_193 = arith.constant 0.000000e+00 : f32
    %broadcast_in_dim3A_194 = vector.shape_cast %gt3A_190 : vector<128x1xi1> to vector<128x1xi1>
    %broadcast_in_dim3A_195 = vector.broadcast %broadcast_in_dim3A_194 : vector<128x1xi1> to vector<128x128xi1>
    %broadcast_in_dim3A_196 = vector.broadcast %jit3A_193 : f32 to vector<128x128xf32>
    %select_n3A_197 = arith.select %broadcast_in_dim3A_195, %slice3A_192, %broadcast_in_dim3A_196 : vector<128x128xi1>, vector<128x128xf32>
    %broadcast_in_dim3A_198 = vector.shape_cast %or3A : vector<1x1xi1> to vector<1x1xi1>
    %broadcast_in_dim3A_199 = vector.broadcast %broadcast_in_dim3A_198 : vector<1x1xi1> to vector<128x128xi1>
    %select_n3A_200 = arith.select %broadcast_in_dim3A_199, %slice3A_191, %select_n3A_197 : vector<128x128xi1>, vector<128x128xf32>
    %swap3A_201 = arith.constant 384 : index
    %swap3A_202 = arith.constant 0 : index
    %swap3A_203 = vector.load %arg11[%swap3A_201, %swap3A_202] : memref<2048x128xf32, #tpu.memory_space<vmem>>, vector<128x128xf32>
    tpu.vector_store %arg11[%swap3A_201, %swap3A_202], %select_n3A_200 {strides = array<i32>} : memref<2048x128xf32, #tpu.memory_space<vmem>>, vector<128x128xf32>,
    %slice3A_204 = vector.extract_strided_slice %mul3A_71 {offsets = [384, 0], sizes = [128, 128], strides = [1, 1]} : vector<2048x128xf32> to vector<128x128xf32>
    %slice3A_205 = vector.extract_strided_slice %get3A_12 {offsets = [384, 0], sizes = [128, 128], strides = [1, 1]} : vector<2048x128xf32> to vector<128x128xf32>
    %broadcast_in_dim3A_206 = vector.shape_cast %gt3A_190 : vector<128x1xi1> to vector<128x1xi1>
    %broadcast_in_dim3A_207 = vector.broadcast %broadcast_in_dim3A_206 : vector<128x1xi1> to vector<128x128xi1>
    %select_n3A_208 = arith.select %broadcast_in_dim3A_207, %slice3A_204, %slice3A_205 : vector<128x128xi1>, vector<128x128xf32>
    %slice3A_209 = vector.extract_strided_slice %add3A_69 {offsets = [384, 0], sizes = [128, 128], strides = [1, 1]} : vector<2048x128xf32> to vector<128x128xf32>
    %slice3A_210 = vector.extract_strided_slice %get3A_15 {offsets = [384, 0], sizes = [128, 128], strides = [1, 1]} : vector<2048x128xf32> to vector<128x128xf32>
    %broadcast_in_dim3A_211 = vector.shape_cast %gt3A_190 : vector<128x1xi1> to vector<128x1xi1>
    %broadcast_in_dim3A_212 = vector.broadcast %broadcast_in_dim3A_211 : vector<128x1xi1> to vector<128x128xi1>
    %select_n3A_213 = arith.select %broadcast_in_dim3A_212, %slice3A_209, %slice3A_210 : vector<128x128xi1>, vector<128x128xf32>
    %convert_element_type3A_214 = arith.truncf %select_n3A_208 : vector<128x128xf32> to vector<128x128xbf16>
    %bitcast_convert_type3A_215 = tpu.bitcast %convert_element_type3A_214 : vector<128x128xbf16> -> vector<128x128xi16>
    %convert_element_type3A_216 = arith.extui %bitcast_convert_type3A_215 : vector<128x128xi16> to vector<128x128xi32>
    %convert_element_type3A_217 = arith.truncf %select_n3A_213 : vector<128x128xf32> to vector<128x128xbf16>
    %bitcast_convert_type3A_218 = tpu.bitcast %convert_element_type3A_217 : vector<128x128xbf16> -> vector<128x128xi16>
    %convert_element_type3A_219 = arith.extui %bitcast_convert_type3A_218 : vector<128x128xi16> to vector<128x128xi32>
    %shift_left3A_220 = arith.constant 16 : i32
    %shift_left3A_221 = vector.broadcast %shift_left3A_220 : i32 to vector<128x128xi32>
    %shift_left3A_222 = arith.shli %convert_element_type3A_216, %shift_left3A_221 : vector<128x128xi32>
    %or3A_223 = arith.ori %shift_left3A_222, %convert_element_type3A_219 : vector<128x128xi32>
    %swap3A_224 = arith.constant 384 : index
    %swap3A_225 = arith.constant 0 : index
    %swap3A_226 = vector.load %arg12[%swap3A_224, %swap3A_225] : memref<2048x128xi32, #tpu.memory_space<vmem>>, vector<128x128xi32>
    tpu.vector_store %arg12[%swap3A_224, %swap3A_225], %or3A_223 {strides = array<i32>} : memref<2048x128xi32, #tpu.memory_space<vmem>>, vector<128x128xi32>,
    %slice3A_227 = vector.extract_strided_slice %transpose3A {offsets = [0, 4], sizes = [128, 1], strides = [1, 1]} : vector<128x16xi32> to vector<128x1xi32>
    %gt3A_228 = arith.constant 0 : i32
    %gt3A_229 = vector.broadcast %gt3A_228 : i32 to vector<128x1xi32>
    %gt3A_230 = arith.cmpi sgt, %slice3A_227, %gt3A_229 : vector<128x1xi32>
    %slice3A_231 = vector.extract_strided_slice %get3A_9 {offsets = [512, 0], sizes = [128, 128], strides = [1, 1]} : vector<2048x128xf32> to vector<128x128xf32>
    %slice3A_232 = vector.extract_strided_slice %mul3A_71 {offsets = [512, 0], sizes = [128, 128], strides = [1, 1]} : vector<2048x128xf32> to vector<128x128xf32>
    %jit3A_233 = arith.constant 0.000000e+00 : f32
    %broadcast_in_dim3A_234 = vector.shape_cast %gt3A_230 : vector<128x1xi1> to vector<128x1xi1>
    %broadcast_in_dim3A_235 = vector.broadcast %broadcast_in_dim3A_234 : vector<128x1xi1> to vector<128x128xi1>
    %broadcast_in_dim3A_236 = vector.broadcast %jit3A_233 : f32 to vector<128x128xf32>
    %select_n3A_237 = arith.select %broadcast_in_dim3A_235, %slice3A_232, %broadcast_in_dim3A_236 : vector<128x128xi1>, vector<128x128xf32>
    %broadcast_in_dim3A_238 = vector.shape_cast %or3A : vector<1x1xi1> to vector<1x1xi1>
    %broadcast_in_dim3A_239 = vector.broadcast %broadcast_in_dim3A_238 : vector<1x1xi1> to vector<128x128xi1>
    %select_n3A_240 = arith.select %broadcast_in_dim3A_239, %slice3A_231, %select_n3A_237 : vector<128x128xi1>, vector<128x128xf32>
    %swap3A_241 = arith.constant 512 : index
    %swap3A_242 = arith.constant 0 : index
    %swap3A_243 = vector.load %arg11[%swap3A_241, %swap3A_242] : memref<2048x128xf32, #tpu.memory_space<vmem>>, vector<128x128xf32>
    tpu.vector_store %arg11[%swap3A_241, %swap3A_242], %select_n3A_240 {strides = array<i32>} : memref<2048x128xf32, #tpu.memory_space<vmem>>, vector<128x128xf32>,
    %slice3A_244 = vector.extract_strided_slice %mul3A_71 {offsets = [512, 0], sizes = [128, 128], strides = [1, 1]} : vector<2048x128xf32> to vector<128x128xf32>
    %slice3A_245 = vector.extract_strided_slice %get3A_12 {offsets = [512, 0], sizes = [128, 128], strides = [1, 1]} : vector<2048x128xf32> to vector<128x128xf32>
    %broadcast_in_dim3A_246 = vector.shape_cast %gt3A_230 : vector<128x1xi1> to vector<128x1xi1>
    %broadcast_in_dim3A_247 = vector.broadcast %broadcast_in_dim3A_246 : vector<128x1xi1> to vector<128x128xi1>
    %select_n3A_248 = arith.select %broadcast_in_dim3A_247, %slice3A_244, %slice3A_245 : vector<128x128xi1>, vector<128x128xf32>
    %slice3A_249 = vector.extract_strided_slice %add3A_69 {offsets = [512, 0], sizes = [128, 128], strides = [1, 1]} : vector<2048x128xf32> to vector<128x128xf32>
    %slice3A_250 = vector.extract_strided_slice %get3A_15 {offsets = [512, 0], sizes = [128, 128], strides = [1, 1]} : vector<2048x128xf32> to vector<128x128xf32>
    %broadcast_in_dim3A_251 = vector.shape_cast %gt3A_230 : vector<128x1xi1> to vector<128x1xi1>
    %broadcast_in_dim3A_252 = vector.broadcast %broadcast_in_dim3A_251 : vector<128x1xi1> to vector<128x128xi1>
    %select_n3A_253 = arith.select %broadcast_in_dim3A_252, %slice3A_249, %slice3A_250 : vector<128x128xi1>, vector<128x128xf32>
    %convert_element_type3A_254 = arith.truncf %select_n3A_248 : vector<128x128xf32> to vector<128x128xbf16>
    %bitcast_convert_type3A_255 = tpu.bitcast %convert_element_type3A_254 : vector<128x128xbf16> -> vector<128x128xi16>
    %convert_element_type3A_256 = arith.extui %bitcast_convert_type3A_255 : vector<128x128xi16> to vector<128x128xi32>
    %convert_element_type3A_257 = arith.truncf %select_n3A_253 : vector<128x128xf32> to vector<128x128xbf16>
    %bitcast_convert_type3A_258 = tpu.bitcast %convert_element_type3A_257 : vector<128x128xbf16> -> vector<128x128xi16>
    %convert_element_type3A_259 = arith.extui %bitcast_convert_type3A_258 : vector<128x128xi16> to vector<128x128xi32>
    %shift_left3A_260 = arith.constant 16 : i32
    %shift_left3A_261 = vector.broadcast %shift_left3A_260 : i32 to vector<128x128xi32>
    %shift_left3A_262 = arith.shli %convert_element_type3A_256, %shift_left3A_261 : vector<128x128xi32>
    %or3A_263 = arith.ori %shift_left3A_262, %convert_element_type3A_259 : vector<128x128xi32>
    %swap3A_264 = arith.constant 512 : index
    %swap3A_265 = arith.constant 0 : index
    %swap3A_266 = vector.load %arg12[%swap3A_264, %swap3A_265] : memref<2048x128xi32, #tpu.memory_space<vmem>>, vector<128x128xi32>
    tpu.vector_store %arg12[%swap3A_264, %swap3A_265], %or3A_263 {strides = array<i32>} : memref<2048x128xi32, #tpu.memory_space<vmem>>, vector<128x128xi32>,
    %slice3A_267 = vector.extract_strided_slice %transpose3A {offsets = [0, 5], sizes = [128, 1], strides = [1, 1]} : vector<128x16xi32> to vector<128x1xi32>
    %gt3A_268 = arith.constant 0 : i32
    %gt3A_269 = vector.broadcast %gt3A_268 : i32 to vector<128x1xi32>
    %gt3A_270 = arith.cmpi sgt, %slice3A_267, %gt3A_269 : vector<128x1xi32>
    %slice3A_271 = vector.extract_strided_slice %get3A_9 {offsets = [640, 0], sizes = [128, 128], strides = [1, 1]} : vector<2048x128xf32> to vector<128x128xf32>
    %slice3A_272 = vector.extract_strided_slice %mul3A_71 {offsets = [640, 0], sizes = [128, 128], strides = [1, 1]} : vector<2048x128xf32> to vector<128x128xf32>
    %jit3A_273 = arith.constant 0.000000e+00 : f32
    %broadcast_in_dim3A_274 = vector.shape_cast %gt3A_270 : vector<128x1xi1> to vector<128x1xi1>
    %broadcast_in_dim3A_275 = vector.broadcast %broadcast_in_dim3A_274 : vector<128x1xi1> to vector<128x128xi1>
    %broadcast_in_dim3A_276 = vector.broadcast %jit3A_273 : f32 to vector<128x128xf32>
    %select_n3A_277 = arith.select %broadcast_in_dim3A_275, %slice3A_272, %broadcast_in_dim3A_276 : vector<128x128xi1>, vector<128x128xf32>
    %broadcast_in_dim3A_278 = vector.shape_cast %or3A : vector<1x1xi1> to vector<1x1xi1>
    %broadcast_in_dim3A_279 = vector.broadcast %broadcast_in_dim3A_278 : vector<1x1xi1> to vector<128x128xi1>
    %select_n3A_280 = arith.select %broadcast_in_dim3A_279, %slice3A_271, %select_n3A_277 : vector<128x128xi1>, vector<128x128xf32>
    %swap3A_281 = arith.constant 640 : index
    %swap3A_282 = arith.constant 0 : index
    %swap3A_283 = vector.load %arg11[%swap3A_281, %swap3A_282] : memref<2048x128xf32, #tpu.memory_space<vmem>>, vector<128x128xf32>
    tpu.vector_store %arg11[%swap3A_281, %swap3A_282], %select_n3A_280 {strides = array<i32>} : memref<2048x128xf32, #tpu.memory_space<vmem>>, vector<128x128xf32>,
    %slice3A_284 = vector.extract_strided_slice %mul3A_71 {offsets = [640, 0], sizes = [128, 128], strides = [1, 1]} : vector<2048x128xf32> to vector<128x128xf32>
    %slice3A_285 = vector.extract_strided_slice %get3A_12 {offsets = [640, 0], sizes = [128, 128], strides = [1, 1]} : vector<2048x128xf32> to vector<128x128xf32>
    %broadcast_in_dim3A_286 = vector.shape_cast %gt3A_270 : vector<128x1xi1> to vector<128x1xi1>
    %broadcast_in_dim3A_287 = vector.broadcast %broadcast_in_dim3A_286 : vector<128x1xi1> to vector<128x128xi1>
    %select_n3A_288 = arith.select %broadcast_in_dim3A_287, %slice3A_284, %slice3A_285 : vector<128x128xi1>, vector<128x128xf32>
    %slice3A_289 = vector.extract_strided_slice %add3A_69 {offsets = [640, 0], sizes = [128, 128], strides = [1, 1]} : vector<2048x128xf32> to vector<128x128xf32>
    %slice3A_290 = vector.extract_strided_slice %get3A_15 {offsets = [640, 0], sizes = [128, 128], strides = [1, 1]} : vector<2048x128xf32> to vector<128x128xf32>
    %broadcast_in_dim3A_291 = vector.shape_cast %gt3A_270 : vector<128x1xi1> to vector<128x1xi1>
    %broadcast_in_dim3A_292 = vector.broadcast %broadcast_in_dim3A_291 : vector<128x1xi1> to vector<128x128xi1>
    %select_n3A_293 = arith.select %broadcast_in_dim3A_292, %slice3A_289, %slice3A_290 : vector<128x128xi1>, vector<128x128xf32>
    %convert_element_type3A_294 = arith.truncf %select_n3A_288 : vector<128x128xf32> to vector<128x128xbf16>
    %bitcast_convert_type3A_295 = tpu.bitcast %convert_element_type3A_294 : vector<128x128xbf16> -> vector<128x128xi16>
    %convert_element_type3A_296 = arith.extui %bitcast_convert_type3A_295 : vector<128x128xi16> to vector<128x128xi32>
    %convert_element_type3A_297 = arith.truncf %select_n3A_293 : vector<128x128xf32> to vector<128x128xbf16>
    %bitcast_convert_type3A_298 = tpu.bitcast %convert_element_type3A_297 : vector<128x128xbf16> -> vector<128x128xi16>
    %convert_element_type3A_299 = arith.extui %bitcast_convert_type3A_298 : vector<128x128xi16> to vector<128x128xi32>
    %shift_left3A_300 = arith.constant 16 : i32
    %shift_left3A_301 = vector.broadcast %shift_left3A_300 : i32 to vector<128x128xi32>
    %shift_left3A_302 = arith.shli %convert_element_type3A_296, %shift_left3A_301 : vector<128x128xi32>
    %or3A_303 = arith.ori %shift_left3A_302, %convert_element_type3A_299 : vector<128x128xi32>
    %swap3A_304 = arith.constant 640 : index
    %swap3A_305 = arith.constant 0 : index
    %swap3A_306 = vector.load %arg12[%swap3A_304, %swap3A_305] : memref<2048x128xi32, #tpu.memory_space<vmem>>, vector<128x128xi32>
    tpu.vector_store %arg12[%swap3A_304, %swap3A_305], %or3A_303 {strides = array<i32>} : memref<2048x128xi32, #tpu.memory_space<vmem>>, vector<128x128xi32>,
    %slice3A_307 = vector.extract_strided_slice %transpose3A {offsets = [0, 6], sizes = [128, 1], strides = [1, 1]} : vector<128x16xi32> to vector<128x1xi32>
    %gt3A_308 = arith.constant 0 : i32
    %gt3A_309 = vector.broadcast %gt3A_308 : i32 to vector<128x1xi32>
    %gt3A_310 = arith.cmpi sgt, %slice3A_307, %gt3A_309 : vector<128x1xi32>
    %slice3A_311 = vector.extract_strided_slice %get3A_9 {offsets = [768, 0], sizes = [128, 128], strides = [1, 1]} : vector<2048x128xf32> to vector<128x128xf32>
    %slice3A_312 = vector.extract_strided_slice %mul3A_71 {offsets = [768, 0], sizes = [128, 128], strides = [1, 1]} : vector<2048x128xf32> to vector<128x128xf32>
    %jit3A_313 = arith.constant 0.000000e+00 : f32
    %broadcast_in_dim3A_314 = vector.shape_cast %gt3A_310 : vector<128x1xi1> to vector<128x1xi1>
    %broadcast_in_dim3A_315 = vector.broadcast %broadcast_in_dim3A_314 : vector<128x1xi1> to vector<128x128xi1>
    %broadcast_in_dim3A_316 = vector.broadcast %jit3A_313 : f32 to vector<128x128xf32>
    %select_n3A_317 = arith.select %broadcast_in_dim3A_315, %slice3A_312, %broadcast_in_dim3A_316 : vector<128x128xi1>, vector<128x128xf32>
    %broadcast_in_dim3A_318 = vector.shape_cast %or3A : vector<1x1xi1> to vector<1x1xi1>
    %broadcast_in_dim3A_319 = vector.broadcast %broadcast_in_dim3A_318 : vector<1x1xi1> to vector<128x128xi1>
    %select_n3A_320 = arith.select %broadcast_in_dim3A_319, %slice3A_311, %select_n3A_317 : vector<128x128xi1>, vector<128x128xf32>
    %swap3A_321 = arith.constant 768 : index
    %swap3A_322 = arith.constant 0 : index
    %swap3A_323 = vector.load %arg11[%swap3A_321, %swap3A_322] : memref<2048x128xf32, #tpu.memory_space<vmem>>, vector<128x128xf32>
    tpu.vector_store %arg11[%swap3A_321, %swap3A_322], %select_n3A_320 {strides = array<i32>} : memref<2048x128xf32, #tpu.memory_space<vmem>>, vector<128x128xf32>,
    %slice3A_324 = vector.extract_strided_slice %mul3A_71 {offsets = [768, 0], sizes = [128, 128], strides = [1, 1]} : vector<2048x128xf32> to vector<128x128xf32>
    %slice3A_325 = vector.extract_strided_slice %get3A_12 {offsets = [768, 0], sizes = [128, 128], strides = [1, 1]} : vector<2048x128xf32> to vector<128x128xf32>
    %broadcast_in_dim3A_326 = vector.shape_cast %gt3A_310 : vector<128x1xi1> to vector<128x1xi1>
    %broadcast_in_dim3A_327 = vector.broadcast %broadcast_in_dim3A_326 : vector<128x1xi1> to vector<128x128xi1>
    %select_n3A_328 = arith.select %broadcast_in_dim3A_327, %slice3A_324, %slice3A_325 : vector<128x128xi1>, vector<128x128xf32>
    %slice3A_329 = vector.extract_strided_slice %add3A_69 {offsets = [768, 0], sizes = [128, 128], strides = [1, 1]} : vector<2048x128xf32> to vector<128x128xf32>
    %slice3A_330 = vector.extract_strided_slice %get3A_15 {offsets = [768, 0], sizes = [128, 128], strides = [1, 1]} : vector<2048x128xf32> to vector<128x128xf32>
    %broadcast_in_dim3A_331 = vector.shape_cast %gt3A_310 : vector<128x1xi1> to vector<128x1xi1>
    %broadcast_in_dim3A_332 = vector.broadcast %broadcast_in_dim3A_331 : vector<128x1xi1> to vector<128x128xi1>
    %select_n3A_333 = arith.select %broadcast_in_dim3A_332, %slice3A_329, %slice3A_330 : vector<128x128xi1>, vector<128x128xf32>
    %convert_element_type3A_334 = arith.truncf %select_n3A_328 : vector<128x128xf32> to vector<128x128xbf16>
    %bitcast_convert_type3A_335 = tpu.bitcast %convert_element_type3A_334 : vector<128x128xbf16> -> vector<128x128xi16>
    %convert_element_type3A_336 = arith.extui %bitcast_convert_type3A_335 : vector<128x128xi16> to vector<128x128xi32>
    %convert_element_type3A_337 = arith.truncf %select_n3A_333 : vector<128x128xf32> to vector<128x128xbf16>
    %bitcast_convert_type3A_338 = tpu.bitcast %convert_element_type3A_337 : vector<128x128xbf16> -> vector<128x128xi16>
    %convert_element_type3A_339 = arith.extui %bitcast_convert_type3A_338 : vector<128x128xi16> to vector<128x128xi32>
    %shift_left3A_340 = arith.constant 16 : i32
    %shift_left3A_341 = vector.broadcast %shift_left3A_340 : i32 to vector<128x128xi32>
    %shift_left3A_342 = arith.shli %convert_element_type3A_336, %shift_left3A_341 : vector<128x128xi32>
    %or3A_343 = arith.ori %shift_left3A_342, %convert_element_type3A_339 : vector<128x128xi32>
    %swap3A_344 = arith.constant 768 : index
    %swap3A_345 = arith.constant 0 : index
    %swap3A_346 = vector.load %arg12[%swap3A_344, %swap3A_345] : memref<2048x128xi32, #tpu.memory_space<vmem>>, vector<128x128xi32>
    tpu.vector_store %arg12[%swap3A_344, %swap3A_345], %or3A_343 {strides = array<i32>} : memref<2048x128xi32, #tpu.memory_space<vmem>>, vector<128x128xi32>,
    %slice3A_347 = vector.extract_strided_slice %transpose3A {offsets = [0, 7], sizes = [128, 1], strides = [1, 1]} : vector<128x16xi32> to vector<128x1xi32>
    %gt3A_348 = arith.constant 0 : i32
    %gt3A_349 = vector.broadcast %gt3A_348 : i32 to vector<128x1xi32>
    %gt3A_350 = arith.cmpi sgt, %slice3A_347, %gt3A_349 : vector<128x1xi32>
    %slice3A_351 = vector.extract_strided_slice %get3A_9 {offsets = [896, 0], sizes = [128, 128], strides = [1, 1]} : vector<2048x128xf32> to vector<128x128xf32>
    %slice3A_352 = vector.extract_strided_slice %mul3A_71 {offsets = [896, 0], sizes = [128, 128], strides = [1, 1]} : vector<2048x128xf32> to vector<128x128xf32>
    %jit3A_353 = arith.constant 0.000000e+00 : f32
    %broadcast_in_dim3A_354 = vector.shape_cast %gt3A_350 : vector<128x1xi1> to vector<128x1xi1>
    %broadcast_in_dim3A_355 = vector.broadcast %broadcast_in_dim3A_354 : vector<128x1xi1> to vector<128x128xi1>
    %broadcast_in_dim3A_356 = vector.broadcast %jit3A_353 : f32 to vector<128x128xf32>
    %select_n3A_357 = arith.select %broadcast_in_dim3A_355, %slice3A_352, %broadcast_in_dim3A_356 : vector<128x128xi1>, vector<128x128xf32>
    %broadcast_in_dim3A_358 = vector.shape_cast %or3A : vector<1x1xi1> to vector<1x1xi1>
    %broadcast_in_dim3A_359 = vector.broadcast %broadcast_in_dim3A_358 : vector<1x1xi1> to vector<128x128xi1>
    %select_n3A_360 = arith.select %broadcast_in_dim3A_359, %slice3A_351, %select_n3A_357 : vector<128x128xi1>, vector<128x128xf32>
    %swap3A_361 = arith.constant 896 : index
    %swap3A_362 = arith.constant 0 : index
    %swap3A_363 = vector.load %arg11[%swap3A_361, %swap3A_362] : memref<2048x128xf32, #tpu.memory_space<vmem>>, vector<128x128xf32>
    tpu.vector_store %arg11[%swap3A_361, %swap3A_362], %select_n3A_360 {strides = array<i32>} : memref<2048x128xf32, #tpu.memory_space<vmem>>, vector<128x128xf32>,
    %slice3A_364 = vector.extract_strided_slice %mul3A_71 {offsets = [896, 0], sizes = [128, 128], strides = [1, 1]} : vector<2048x128xf32> to vector<128x128xf32>
    %slice3A_365 = vector.extract_strided_slice %get3A_12 {offsets = [896, 0], sizes = [128, 128], strides = [1, 1]} : vector<2048x128xf32> to vector<128x128xf32>
    %broadcast_in_dim3A_366 = vector.shape_cast %gt3A_350 : vector<128x1xi1> to vector<128x1xi1>
    %broadcast_in_dim3A_367 = vector.broadcast %broadcast_in_dim3A_366 : vector<128x1xi1> to vector<128x128xi1>
    %select_n3A_368 = arith.select %broadcast_in_dim3A_367, %slice3A_364, %slice3A_365 : vector<128x128xi1>, vector<128x128xf32>
    %slice3A_369 = vector.extract_strided_slice %add3A_69 {offsets = [896, 0], sizes = [128, 128], strides = [1, 1]} : vector<2048x128xf32> to vector<128x128xf32>
    %slice3A_370 = vector.extract_strided_slice %get3A_15 {offsets = [896, 0], sizes = [128, 128], strides = [1, 1]} : vector<2048x128xf32> to vector<128x128xf32>
    %broadcast_in_dim3A_371 = vector.shape_cast %gt3A_350 : vector<128x1xi1> to vector<128x1xi1>
    %broadcast_in_dim3A_372 = vector.broadcast %broadcast_in_dim3A_371 : vector<128x1xi1> to vector<128x128xi1>
    %select_n3A_373 = arith.select %broadcast_in_dim3A_372, %slice3A_369, %slice3A_370 : vector<128x128xi1>, vector<128x128xf32>
    %convert_element_type3A_374 = arith.truncf %select_n3A_368 : vector<128x128xf32> to vector<128x128xbf16>
    %bitcast_convert_type3A_375 = tpu.bitcast %convert_element_type3A_374 : vector<128x128xbf16> -> vector<128x128xi16>
    %convert_element_type3A_376 = arith.extui %bitcast_convert_type3A_375 : vector<128x128xi16> to vector<128x128xi32>
    %convert_element_type3A_377 = arith.truncf %select_n3A_373 : vector<128x128xf32> to vector<128x128xbf16>
    %bitcast_convert_type3A_378 = tpu.bitcast %convert_element_type3A_377 : vector<128x128xbf16> -> vector<128x128xi16>
    %convert_element_type3A_379 = arith.extui %bitcast_convert_type3A_378 : vector<128x128xi16> to vector<128x128xi32>
    %shift_left3A_380 = arith.constant 16 : i32
    %shift_left3A_381 = vector.broadcast %shift_left3A_380 : i32 to vector<128x128xi32>
    %shift_left3A_382 = arith.shli %convert_element_type3A_376, %shift_left3A_381 : vector<128x128xi32>
    %or3A_383 = arith.ori %shift_left3A_382, %convert_element_type3A_379 : vector<128x128xi32>
    %swap3A_384 = arith.constant 896 : index
    %swap3A_385 = arith.constant 0 : index
    %swap3A_386 = vector.load %arg12[%swap3A_384, %swap3A_385] : memref<2048x128xi32, #tpu.memory_space<vmem>>, vector<128x128xi32>
    tpu.vector_store %arg12[%swap3A_384, %swap3A_385], %or3A_383 {strides = array<i32>} : memref<2048x128xi32, #tpu.memory_space<vmem>>, vector<128x128xi32>,
    %slice3A_387 = vector.extract_strided_slice %transpose3A {offsets = [0, 8], sizes = [128, 1], strides = [1, 1]} : vector<128x16xi32> to vector<128x1xi32>
    %gt3A_388 = arith.constant 0 : i32
    %gt3A_389 = vector.broadcast %gt3A_388 : i32 to vector<128x1xi32>
    %gt3A_390 = arith.cmpi sgt, %slice3A_387, %gt3A_389 : vector<128x1xi32>
    %slice3A_391 = vector.extract_strided_slice %get3A_9 {offsets = [1024, 0], sizes = [128, 128], strides = [1, 1]} : vector<2048x128xf32> to vector<128x128xf32>
    %slice3A_392 = vector.extract_strided_slice %mul3A_71 {offsets = [1024, 0], sizes = [128, 128], strides = [1, 1]} : vector<2048x128xf32> to vector<128x128xf32>
    %jit3A_393 = arith.constant 0.000000e+00 : f32
    %broadcast_in_dim3A_394 = vector.shape_cast %gt3A_390 : vector<128x1xi1> to vector<128x1xi1>
    %broadcast_in_dim3A_395 = vector.broadcast %broadcast_in_dim3A_394 : vector<128x1xi1> to vector<128x128xi1>
    %broadcast_in_dim3A_396 = vector.broadcast %jit3A_393 : f32 to vector<128x128xf32>
    %select_n3A_397 = arith.select %broadcast_in_dim3A_395, %slice3A_392, %broadcast_in_dim3A_396 : vector<128x128xi1>, vector<128x128xf32>
    %broadcast_in_dim3A_398 = vector.shape_cast %or3A : vector<1x1xi1> to vector<1x1xi1>
    %broadcast_in_dim3A_399 = vector.broadcast %broadcast_in_dim3A_398 : vector<1x1xi1> to vector<128x128xi1>
    %select_n3A_400 = arith.select %broadcast_in_dim3A_399, %slice3A_391, %select_n3A_397 : vector<128x128xi1>, vector<128x128xf32>
    %swap3A_401 = arith.constant 1024 : index
    %swap3A_402 = arith.constant 0 : index
    %swap3A_403 = vector.load %arg11[%swap3A_401, %swap3A_402] : memref<2048x128xf32, #tpu.memory_space<vmem>>, vector<128x128xf32>
    tpu.vector_store %arg11[%swap3A_401, %swap3A_402], %select_n3A_400 {strides = array<i32>} : memref<2048x128xf32, #tpu.memory_space<vmem>>, vector<128x128xf32>,
    %slice3A_404 = vector.extract_strided_slice %mul3A_71 {offsets = [1024, 0], sizes = [128, 128], strides = [1, 1]} : vector<2048x128xf32> to vector<128x128xf32>
    %slice3A_405 = vector.extract_strided_slice %get3A_12 {offsets = [1024, 0], sizes = [128, 128], strides = [1, 1]} : vector<2048x128xf32> to vector<128x128xf32>
    %broadcast_in_dim3A_406 = vector.shape_cast %gt3A_390 : vector<128x1xi1> to vector<128x1xi1>
    %broadcast_in_dim3A_407 = vector.broadcast %broadcast_in_dim3A_406 : vector<128x1xi1> to vector<128x128xi1>
    %select_n3A_408 = arith.select %broadcast_in_dim3A_407, %slice3A_404, %slice3A_405 : vector<128x128xi1>, vector<128x128xf32>
    %slice3A_409 = vector.extract_strided_slice %add3A_69 {offsets = [1024, 0], sizes = [128, 128], strides = [1, 1]} : vector<2048x128xf32> to vector<128x128xf32>
    %slice3A_410 = vector.extract_strided_slice %get3A_15 {offsets = [1024, 0], sizes = [128, 128], strides = [1, 1]} : vector<2048x128xf32> to vector<128x128xf32>
    %broadcast_in_dim3A_411 = vector.shape_cast %gt3A_390 : vector<128x1xi1> to vector<128x1xi1>
    %broadcast_in_dim3A_412 = vector.broadcast %broadcast_in_dim3A_411 : vector<128x1xi1> to vector<128x128xi1>
    %select_n3A_413 = arith.select %broadcast_in_dim3A_412, %slice3A_409, %slice3A_410 : vector<128x128xi1>, vector<128x128xf32>
    %convert_element_type3A_414 = arith.truncf %select_n3A_408 : vector<128x128xf32> to vector<128x128xbf16>
    %bitcast_convert_type3A_415 = tpu.bitcast %convert_element_type3A_414 : vector<128x128xbf16> -> vector<128x128xi16>
    %convert_element_type3A_416 = arith.extui %bitcast_convert_type3A_415 : vector<128x128xi16> to vector<128x128xi32>
    %convert_element_type3A_417 = arith.truncf %select_n3A_413 : vector<128x128xf32> to vector<128x128xbf16>
    %bitcast_convert_type3A_418 = tpu.bitcast %convert_element_type3A_417 : vector<128x128xbf16> -> vector<128x128xi16>
    %convert_element_type3A_419 = arith.extui %bitcast_convert_type3A_418 : vector<128x128xi16> to vector<128x128xi32>
    %shift_left3A_420 = arith.constant 16 : i32
    %shift_left3A_421 = vector.broadcast %shift_left3A_420 : i32 to vector<128x128xi32>
    %shift_left3A_422 = arith.shli %convert_element_type3A_416, %shift_left3A_421 : vector<128x128xi32>
    %or3A_423 = arith.ori %shift_left3A_422, %convert_element_type3A_419 : vector<128x128xi32>
    %swap3A_424 = arith.constant 1024 : index
    %swap3A_425 = arith.constant 0 : index
    %swap3A_426 = vector.load %arg12[%swap3A_424, %swap3A_425] : memref<2048x128xi32, #tpu.memory_space<vmem>>, vector<128x128xi32>
    tpu.vector_store %arg12[%swap3A_424, %swap3A_425], %or3A_423 {strides = array<i32>} : memref<2048x128xi32, #tpu.memory_space<vmem>>, vector<128x128xi32>,
    %slice3A_427 = vector.extract_strided_slice %transpose3A {offsets = [0, 9], sizes = [128, 1], strides = [1, 1]} : vector<128x16xi32> to vector<128x1xi32>
    %gt3A_428 = arith.constant 0 : i32
    %gt3A_429 = vector.broadcast %gt3A_428 : i32 to vector<128x1xi32>
    %gt3A_430 = arith.cmpi sgt, %slice3A_427, %gt3A_429 : vector<128x1xi32>
    %slice3A_431 = vector.extract_strided_slice %get3A_9 {offsets = [1152, 0], sizes = [128, 128], strides = [1, 1]} : vector<2048x128xf32> to vector<128x128xf32>
    %slice3A_432 = vector.extract_strided_slice %mul3A_71 {offsets = [1152, 0], sizes = [128, 128], strides = [1, 1]} : vector<2048x128xf32> to vector<128x128xf32>
    %jit3A_433 = arith.constant 0.000000e+00 : f32
    %broadcast_in_dim3A_434 = vector.shape_cast %gt3A_430 : vector<128x1xi1> to vector<128x1xi1>
    %broadcast_in_dim3A_435 = vector.broadcast %broadcast_in_dim3A_434 : vector<128x1xi1> to vector<128x128xi1>
    %broadcast_in_dim3A_436 = vector.broadcast %jit3A_433 : f32 to vector<128x128xf32>
    %select_n3A_437 = arith.select %broadcast_in_dim3A_435, %slice3A_432, %broadcast_in_dim3A_436 : vector<128x128xi1>, vector<128x128xf32>
    %broadcast_in_dim3A_438 = vector.shape_cast %or3A : vector<1x1xi1> to vector<1x1xi1>
    %broadcast_in_dim3A_439 = vector.broadcast %broadcast_in_dim3A_438 : vector<1x1xi1> to vector<128x128xi1>
    %select_n3A_440 = arith.select %broadcast_in_dim3A_439, %slice3A_431, %select_n3A_437 : vector<128x128xi1>, vector<128x128xf32>
    %swap3A_441 = arith.constant 1152 : index
    %swap3A_442 = arith.constant 0 : index
    %swap3A_443 = vector.load %arg11[%swap3A_441, %swap3A_442] : memref<2048x128xf32, #tpu.memory_space<vmem>>, vector<128x128xf32>
    tpu.vector_store %arg11[%swap3A_441, %swap3A_442], %select_n3A_440 {strides = array<i32>} : memref<2048x128xf32, #tpu.memory_space<vmem>>, vector<128x128xf32>,
    %slice3A_444 = vector.extract_strided_slice %mul3A_71 {offsets = [1152, 0], sizes = [128, 128], strides = [1, 1]} : vector<2048x128xf32> to vector<128x128xf32>
    %slice3A_445 = vector.extract_strided_slice %get3A_12 {offsets = [1152, 0], sizes = [128, 128], strides = [1, 1]} : vector<2048x128xf32> to vector<128x128xf32>
    %broadcast_in_dim3A_446 = vector.shape_cast %gt3A_430 : vector<128x1xi1> to vector<128x1xi1>
    %broadcast_in_dim3A_447 = vector.broadcast %broadcast_in_dim3A_446 : vector<128x1xi1> to vector<128x128xi1>
    %select_n3A_448 = arith.select %broadcast_in_dim3A_447, %slice3A_444, %slice3A_445 : vector<128x128xi1>, vector<128x128xf32>
    %slice3A_449 = vector.extract_strided_slice %add3A_69 {offsets = [1152, 0], sizes = [128, 128], strides = [1, 1]} : vector<2048x128xf32> to vector<128x128xf32>
    %slice3A_450 = vector.extract_strided_slice %get3A_15 {offsets = [1152, 0], sizes = [128, 128], strides = [1, 1]} : vector<2048x128xf32> to vector<128x128xf32>
    %broadcast_in_dim3A_451 = vector.shape_cast %gt3A_430 : vector<128x1xi1> to vector<128x1xi1>
    %broadcast_in_dim3A_452 = vector.broadcast %broadcast_in_dim3A_451 : vector<128x1xi1> to vector<128x128xi1>
    %select_n3A_453 = arith.select %broadcast_in_dim3A_452, %slice3A_449, %slice3A_450 : vector<128x128xi1>, vector<128x128xf32>
    %convert_element_type3A_454 = arith.truncf %select_n3A_448 : vector<128x128xf32> to vector<128x128xbf16>
    %bitcast_convert_type3A_455 = tpu.bitcast %convert_element_type3A_454 : vector<128x128xbf16> -> vector<128x128xi16>
    %convert_element_type3A_456 = arith.extui %bitcast_convert_type3A_455 : vector<128x128xi16> to vector<128x128xi32>
    %convert_element_type3A_457 = arith.truncf %select_n3A_453 : vector<128x128xf32> to vector<128x128xbf16>
    %bitcast_convert_type3A_458 = tpu.bitcast %convert_element_type3A_457 : vector<128x128xbf16> -> vector<128x128xi16>
    %convert_element_type3A_459 = arith.extui %bitcast_convert_type3A_458 : vector<128x128xi16> to vector<128x128xi32>
    %shift_left3A_460 = arith.constant 16 : i32
    %shift_left3A_461 = vector.broadcast %shift_left3A_460 : i32 to vector<128x128xi32>
    %shift_left3A_462 = arith.shli %convert_element_type3A_456, %shift_left3A_461 : vector<128x128xi32>
    %or3A_463 = arith.ori %shift_left3A_462, %convert_element_type3A_459 : vector<128x128xi32>
    %swap3A_464 = arith.constant 1152 : index
    %swap3A_465 = arith.constant 0 : index
    %swap3A_466 = vector.load %arg12[%swap3A_464, %swap3A_465] : memref<2048x128xi32, #tpu.memory_space<vmem>>, vector<128x128xi32>
    tpu.vector_store %arg12[%swap3A_464, %swap3A_465], %or3A_463 {strides = array<i32>} : memref<2048x128xi32, #tpu.memory_space<vmem>>, vector<128x128xi32>,
    %slice3A_467 = vector.extract_strided_slice %transpose3A {offsets = [0, 10], sizes = [128, 1], strides = [1, 1]} : vector<128x16xi32> to vector<128x1xi32>
    %gt3A_468 = arith.constant 0 : i32
    %gt3A_469 = vector.broadcast %gt3A_468 : i32 to vector<128x1xi32>
    %gt3A_470 = arith.cmpi sgt, %slice3A_467, %gt3A_469 : vector<128x1xi32>
    %slice3A_471 = vector.extract_strided_slice %get3A_9 {offsets = [1280, 0], sizes = [128, 128], strides = [1, 1]} : vector<2048x128xf32> to vector<128x128xf32>
    %slice3A_472 = vector.extract_strided_slice %mul3A_71 {offsets = [1280, 0], sizes = [128, 128], strides = [1, 1]} : vector<2048x128xf32> to vector<128x128xf32>
    %jit3A_473 = arith.constant 0.000000e+00 : f32
    %broadcast_in_dim3A_474 = vector.shape_cast %gt3A_470 : vector<128x1xi1> to vector<128x1xi1>
    %broadcast_in_dim3A_475 = vector.broadcast %broadcast_in_dim3A_474 : vector<128x1xi1> to vector<128x128xi1>
    %broadcast_in_dim3A_476 = vector.broadcast %jit3A_473 : f32 to vector<128x128xf32>
    %select_n3A_477 = arith.select %broadcast_in_dim3A_475, %slice3A_472, %broadcast_in_dim3A_476 : vector<128x128xi1>, vector<128x128xf32>
    %broadcast_in_dim3A_478 = vector.shape_cast %or3A : vector<1x1xi1> to vector<1x1xi1>
    %broadcast_in_dim3A_479 = vector.broadcast %broadcast_in_dim3A_478 : vector<1x1xi1> to vector<128x128xi1>
    %select_n3A_480 = arith.select %broadcast_in_dim3A_479, %slice3A_471, %select_n3A_477 : vector<128x128xi1>, vector<128x128xf32>
    %swap3A_481 = arith.constant 1280 : index
    %swap3A_482 = arith.constant 0 : index
    %swap3A_483 = vector.load %arg11[%swap3A_481, %swap3A_482] : memref<2048x128xf32, #tpu.memory_space<vmem>>, vector<128x128xf32>
    tpu.vector_store %arg11[%swap3A_481, %swap3A_482], %select_n3A_480 {strides = array<i32>} : memref<2048x128xf32, #tpu.memory_space<vmem>>, vector<128x128xf32>,
    %slice3A_484 = vector.extract_strided_slice %mul3A_71 {offsets = [1280, 0], sizes = [128, 128], strides = [1, 1]} : vector<2048x128xf32> to vector<128x128xf32>
    %slice3A_485 = vector.extract_strided_slice %get3A_12 {offsets = [1280, 0], sizes = [128, 128], strides = [1, 1]} : vector<2048x128xf32> to vector<128x128xf32>
    %broadcast_in_dim3A_486 = vector.shape_cast %gt3A_470 : vector<128x1xi1> to vector<128x1xi1>
    %broadcast_in_dim3A_487 = vector.broadcast %broadcast_in_dim3A_486 : vector<128x1xi1> to vector<128x128xi1>
    %select_n3A_488 = arith.select %broadcast_in_dim3A_487, %slice3A_484, %slice3A_485 : vector<128x128xi1>, vector<128x128xf32>
    %slice3A_489 = vector.extract_strided_slice %add3A_69 {offsets = [1280, 0], sizes = [128, 128], strides = [1, 1]} : vector<2048x128xf32> to vector<128x128xf32>
    %slice3A_490 = vector.extract_strided_slice %get3A_15 {offsets = [1280, 0], sizes = [128, 128], strides = [1, 1]} : vector<2048x128xf32> to vector<128x128xf32>
    %broadcast_in_dim3A_491 = vector.shape_cast %gt3A_470 : vector<128x1xi1> to vector<128x1xi1>
    %broadcast_in_dim3A_492 = vector.broadcast %broadcast_in_dim3A_491 : vector<128x1xi1> to vector<128x128xi1>
    %select_n3A_493 = arith.select %broadcast_in_dim3A_492, %slice3A_489, %slice3A_490 : vector<128x128xi1>, vector<128x128xf32>
    %convert_element_type3A_494 = arith.truncf %select_n3A_488 : vector<128x128xf32> to vector<128x128xbf16>
    %bitcast_convert_type3A_495 = tpu.bitcast %convert_element_type3A_494 : vector<128x128xbf16> -> vector<128x128xi16>
    %convert_element_type3A_496 = arith.extui %bitcast_convert_type3A_495 : vector<128x128xi16> to vector<128x128xi32>
    %convert_element_type3A_497 = arith.truncf %select_n3A_493 : vector<128x128xf32> to vector<128x128xbf16>
    %bitcast_convert_type3A_498 = tpu.bitcast %convert_element_type3A_497 : vector<128x128xbf16> -> vector<128x128xi16>
    %convert_element_type3A_499 = arith.extui %bitcast_convert_type3A_498 : vector<128x128xi16> to vector<128x128xi32>
    %shift_left3A_500 = arith.constant 16 : i32
    %shift_left3A_501 = vector.broadcast %shift_left3A_500 : i32 to vector<128x128xi32>
    %shift_left3A_502 = arith.shli %convert_element_type3A_496, %shift_left3A_501 : vector<128x128xi32>
    %or3A_503 = arith.ori %shift_left3A_502, %convert_element_type3A_499 : vector<128x128xi32>
    %swap3A_504 = arith.constant 1280 : index
    %swap3A_505 = arith.constant 0 : index
    %swap3A_506 = vector.load %arg12[%swap3A_504, %swap3A_505] : memref<2048x128xi32, #tpu.memory_space<vmem>>, vector<128x128xi32>
    tpu.vector_store %arg12[%swap3A_504, %swap3A_505], %or3A_503 {strides = array<i32>} : memref<2048x128xi32, #tpu.memory_space<vmem>>, vector<128x128xi32>,
    %slice3A_507 = vector.extract_strided_slice %transpose3A {offsets = [0, 11], sizes = [128, 1], strides = [1, 1]} : vector<128x16xi32> to vector<128x1xi32>
    %gt3A_508 = arith.constant 0 : i32
    %gt3A_509 = vector.broadcast %gt3A_508 : i32 to vector<128x1xi32>
    %gt3A_510 = arith.cmpi sgt, %slice3A_507, %gt3A_509 : vector<128x1xi32>
    %slice3A_511 = vector.extract_strided_slice %get3A_9 {offsets = [1408, 0], sizes = [128, 128], strides = [1, 1]} : vector<2048x128xf32> to vector<128x128xf32>
    %slice3A_512 = vector.extract_strided_slice %mul3A_71 {offsets = [1408, 0], sizes = [128, 128], strides = [1, 1]} : vector<2048x128xf32> to vector<128x128xf32>
    %jit3A_513 = arith.constant 0.000000e+00 : f32
    %broadcast_in_dim3A_514 = vector.shape_cast %gt3A_510 : vector<128x1xi1> to vector<128x1xi1>
    %broadcast_in_dim3A_515 = vector.broadcast %broadcast_in_dim3A_514 : vector<128x1xi1> to vector<128x128xi1>
    %broadcast_in_dim3A_516 = vector.broadcast %jit3A_513 : f32 to vector<128x128xf32>
    %select_n3A_517 = arith.select %broadcast_in_dim3A_515, %slice3A_512, %broadcast_in_dim3A_516 : vector<128x128xi1>, vector<128x128xf32>
    %broadcast_in_dim3A_518 = vector.shape_cast %or3A : vector<1x1xi1> to vector<1x1xi1>
    %broadcast_in_dim3A_519 = vector.broadcast %broadcast_in_dim3A_518 : vector<1x1xi1> to vector<128x128xi1>
    %select_n3A_520 = arith.select %broadcast_in_dim3A_519, %slice3A_511, %select_n3A_517 : vector<128x128xi1>, vector<128x128xf32>
    %swap3A_521 = arith.constant 1408 : index
    %swap3A_522 = arith.constant 0 : index
    %swap3A_523 = vector.load %arg11[%swap3A_521, %swap3A_522] : memref<2048x128xf32, #tpu.memory_space<vmem>>, vector<128x128xf32>
    tpu.vector_store %arg11[%swap3A_521, %swap3A_522], %select_n3A_520 {strides = array<i32>} : memref<2048x128xf32, #tpu.memory_space<vmem>>, vector<128x128xf32>,
    %slice3A_524 = vector.extract_strided_slice %mul3A_71 {offsets = [1408, 0], sizes = [128, 128], strides = [1, 1]} : vector<2048x128xf32> to vector<128x128xf32>
    %slice3A_525 = vector.extract_strided_slice %get3A_12 {offsets = [1408, 0], sizes = [128, 128], strides = [1, 1]} : vector<2048x128xf32> to vector<128x128xf32>
    %broadcast_in_dim3A_526 = vector.shape_cast %gt3A_510 : vector<128x1xi1> to vector<128x1xi1>
    %broadcast_in_dim3A_527 = vector.broadcast %broadcast_in_dim3A_526 : vector<128x1xi1> to vector<128x128xi1>
    %select_n3A_528 = arith.select %broadcast_in_dim3A_527, %slice3A_524, %slice3A_525 : vector<128x128xi1>, vector<128x128xf32>
    %slice3A_529 = vector.extract_strided_slice %add3A_69 {offsets = [1408, 0], sizes = [128, 128], strides = [1, 1]} : vector<2048x128xf32> to vector<128x128xf32>
    %slice3A_530 = vector.extract_strided_slice %get3A_15 {offsets = [1408, 0], sizes = [128, 128], strides = [1, 1]} : vector<2048x128xf32> to vector<128x128xf32>
    %broadcast_in_dim3A_531 = vector.shape_cast %gt3A_510 : vector<128x1xi1> to vector<128x1xi1>
    %broadcast_in_dim3A_532 = vector.broadcast %broadcast_in_dim3A_531 : vector<128x1xi1> to vector<128x128xi1>
    %select_n3A_533 = arith.select %broadcast_in_dim3A_532, %slice3A_529, %slice3A_530 : vector<128x128xi1>, vector<128x128xf32>
    %convert_element_type3A_534 = arith.truncf %select_n3A_528 : vector<128x128xf32> to vector<128x128xbf16>
    %bitcast_convert_type3A_535 = tpu.bitcast %convert_element_type3A_534 : vector<128x128xbf16> -> vector<128x128xi16>
    %convert_element_type3A_536 = arith.extui %bitcast_convert_type3A_535 : vector<128x128xi16> to vector<128x128xi32>
    %convert_element_type3A_537 = arith.truncf %select_n3A_533 : vector<128x128xf32> to vector<128x128xbf16>
    %bitcast_convert_type3A_538 = tpu.bitcast %convert_element_type3A_537 : vector<128x128xbf16> -> vector<128x128xi16>
    %convert_element_type3A_539 = arith.extui %bitcast_convert_type3A_538 : vector<128x128xi16> to vector<128x128xi32>
    %shift_left3A_540 = arith.constant 16 : i32
    %shift_left3A_541 = vector.broadcast %shift_left3A_540 : i32 to vector<128x128xi32>
    %shift_left3A_542 = arith.shli %convert_element_type3A_536, %shift_left3A_541 : vector<128x128xi32>
    %or3A_543 = arith.ori %shift_left3A_542, %convert_element_type3A_539 : vector<128x128xi32>
    %swap3A_544 = arith.constant 1408 : index
    %swap3A_545 = arith.constant 0 : index
    %swap3A_546 = vector.load %arg12[%swap3A_544, %swap3A_545] : memref<2048x128xi32, #tpu.memory_space<vmem>>, vector<128x128xi32>
    tpu.vector_store %arg12[%swap3A_544, %swap3A_545], %or3A_543 {strides = array<i32>} : memref<2048x128xi32, #tpu.memory_space<vmem>>, vector<128x128xi32>,
    %slice3A_547 = vector.extract_strided_slice %transpose3A {offsets = [0, 12], sizes = [128, 1], strides = [1, 1]} : vector<128x16xi32> to vector<128x1xi32>
    %gt3A_548 = arith.constant 0 : i32
    %gt3A_549 = vector.broadcast %gt3A_548 : i32 to vector<128x1xi32>
    %gt3A_550 = arith.cmpi sgt, %slice3A_547, %gt3A_549 : vector<128x1xi32>
    %slice3A_551 = vector.extract_strided_slice %get3A_9 {offsets = [1536, 0], sizes = [128, 128], strides = [1, 1]} : vector<2048x128xf32> to vector<128x128xf32>
    %slice3A_552 = vector.extract_strided_slice %mul3A_71 {offsets = [1536, 0], sizes = [128, 128], strides = [1, 1]} : vector<2048x128xf32> to vector<128x128xf32>
    %jit3A_553 = arith.constant 0.000000e+00 : f32
    %broadcast_in_dim3A_554 = vector.shape_cast %gt3A_550 : vector<128x1xi1> to vector<128x1xi1>
    %broadcast_in_dim3A_555 = vector.broadcast %broadcast_in_dim3A_554 : vector<128x1xi1> to vector<128x128xi1>
    %broadcast_in_dim3A_556 = vector.broadcast %jit3A_553 : f32 to vector<128x128xf32>
    %select_n3A_557 = arith.select %broadcast_in_dim3A_555, %slice3A_552, %broadcast_in_dim3A_556 : vector<128x128xi1>, vector<128x128xf32>
    %broadcast_in_dim3A_558 = vector.shape_cast %or3A : vector<1x1xi1> to vector<1x1xi1>
    %broadcast_in_dim3A_559 = vector.broadcast %broadcast_in_dim3A_558 : vector<1x1xi1> to vector<128x128xi1>
    %select_n3A_560 = arith.select %broadcast_in_dim3A_559, %slice3A_551, %select_n3A_557 : vector<128x128xi1>, vector<128x128xf32>
    %swap3A_561 = arith.constant 1536 : index
    %swap3A_562 = arith.constant 0 : index
    %swap3A_563 = vector.load %arg11[%swap3A_561, %swap3A_562] : memref<2048x128xf32, #tpu.memory_space<vmem>>, vector<128x128xf32>
    tpu.vector_store %arg11[%swap3A_561, %swap3A_562], %select_n3A_560 {strides = array<i32>} : memref<2048x128xf32, #tpu.memory_space<vmem>>, vector<128x128xf32>,
    %slice3A_564 = vector.extract_strided_slice %mul3A_71 {offsets = [1536, 0], sizes = [128, 128], strides = [1, 1]} : vector<2048x128xf32> to vector<128x128xf32>
    %slice3A_565 = vector.extract_strided_slice %get3A_12 {offsets = [1536, 0], sizes = [128, 128], strides = [1, 1]} : vector<2048x128xf32> to vector<128x128xf32>
    %broadcast_in_dim3A_566 = vector.shape_cast %gt3A_550 : vector<128x1xi1> to vector<128x1xi1>
    %broadcast_in_dim3A_567 = vector.broadcast %broadcast_in_dim3A_566 : vector<128x1xi1> to vector<128x128xi1>
    %select_n3A_568 = arith.select %broadcast_in_dim3A_567, %slice3A_564, %slice3A_565 : vector<128x128xi1>, vector<128x128xf32>
    %slice3A_569 = vector.extract_strided_slice %add3A_69 {offsets = [1536, 0], sizes = [128, 128], strides = [1, 1]} : vector<2048x128xf32> to vector<128x128xf32>
    %slice3A_570 = vector.extract_strided_slice %get3A_15 {offsets = [1536, 0], sizes = [128, 128], strides = [1, 1]} : vector<2048x128xf32> to vector<128x128xf32>
    %broadcast_in_dim3A_571 = vector.shape_cast %gt3A_550 : vector<128x1xi1> to vector<128x1xi1>
    %broadcast_in_dim3A_572 = vector.broadcast %broadcast_in_dim3A_571 : vector<128x1xi1> to vector<128x128xi1>
    %select_n3A_573 = arith.select %broadcast_in_dim3A_572, %slice3A_569, %slice3A_570 : vector<128x128xi1>, vector<128x128xf32>
    %convert_element_type3A_574 = arith.truncf %select_n3A_568 : vector<128x128xf32> to vector<128x128xbf16>
    %bitcast_convert_type3A_575 = tpu.bitcast %convert_element_type3A_574 : vector<128x128xbf16> -> vector<128x128xi16>
    %convert_element_type3A_576 = arith.extui %bitcast_convert_type3A_575 : vector<128x128xi16> to vector<128x128xi32>
    %convert_element_type3A_577 = arith.truncf %select_n3A_573 : vector<128x128xf32> to vector<128x128xbf16>
    %bitcast_convert_type3A_578 = tpu.bitcast %convert_element_type3A_577 : vector<128x128xbf16> -> vector<128x128xi16>
    %convert_element_type3A_579 = arith.extui %bitcast_convert_type3A_578 : vector<128x128xi16> to vector<128x128xi32>
    %shift_left3A_580 = arith.constant 16 : i32
    %shift_left3A_581 = vector.broadcast %shift_left3A_580 : i32 to vector<128x128xi32>
    %shift_left3A_582 = arith.shli %convert_element_type3A_576, %shift_left3A_581 : vector<128x128xi32>
    %or3A_583 = arith.ori %shift_left3A_582, %convert_element_type3A_579 : vector<128x128xi32>
    %swap3A_584 = arith.constant 1536 : index
    %swap3A_585 = arith.constant 0 : index
    %swap3A_586 = vector.load %arg12[%swap3A_584, %swap3A_585] : memref<2048x128xi32, #tpu.memory_space<vmem>>, vector<128x128xi32>
    tpu.vector_store %arg12[%swap3A_584, %swap3A_585], %or3A_583 {strides = array<i32>} : memref<2048x128xi32, #tpu.memory_space<vmem>>, vector<128x128xi32>,
    %slice3A_587 = vector.extract_strided_slice %transpose3A {offsets = [0, 13], sizes = [128, 1], strides = [1, 1]} : vector<128x16xi32> to vector<128x1xi32>
    %gt3A_588 = arith.constant 0 : i32
    %gt3A_589 = vector.broadcast %gt3A_588 : i32 to vector<128x1xi32>
    %gt3A_590 = arith.cmpi sgt, %slice3A_587, %gt3A_589 : vector<128x1xi32>
    %slice3A_591 = vector.extract_strided_slice %get3A_9 {offsets = [1664, 0], sizes = [128, 128], strides = [1, 1]} : vector<2048x128xf32> to vector<128x128xf32>
    %slice3A_592 = vector.extract_strided_slice %mul3A_71 {offsets = [1664, 0], sizes = [128, 128], strides = [1, 1]} : vector<2048x128xf32> to vector<128x128xf32>
    %jit3A_593 = arith.constant 0.000000e+00 : f32
    %broadcast_in_dim3A_594 = vector.shape_cast %gt3A_590 : vector<128x1xi1> to vector<128x1xi1>
    %broadcast_in_dim3A_595 = vector.broadcast %broadcast_in_dim3A_594 : vector<128x1xi1> to vector<128x128xi1>
    %broadcast_in_dim3A_596 = vector.broadcast %jit3A_593 : f32 to vector<128x128xf32>
    %select_n3A_597 = arith.select %broadcast_in_dim3A_595, %slice3A_592, %broadcast_in_dim3A_596 : vector<128x128xi1>, vector<128x128xf32>
    %broadcast_in_dim3A_598 = vector.shape_cast %or3A : vector<1x1xi1> to vector<1x1xi1>
    %broadcast_in_dim3A_599 = vector.broadcast %broadcast_in_dim3A_598 : vector<1x1xi1> to vector<128x128xi1>
    %select_n3A_600 = arith.select %broadcast_in_dim3A_599, %slice3A_591, %select_n3A_597 : vector<128x128xi1>, vector<128x128xf32>
    %swap3A_601 = arith.constant 1664 : index
    %swap3A_602 = arith.constant 0 : index
    %swap3A_603 = vector.load %arg11[%swap3A_601, %swap3A_602] : memref<2048x128xf32, #tpu.memory_space<vmem>>, vector<128x128xf32>
    tpu.vector_store %arg11[%swap3A_601, %swap3A_602], %select_n3A_600 {strides = array<i32>} : memref<2048x128xf32, #tpu.memory_space<vmem>>, vector<128x128xf32>,
    %slice3A_604 = vector.extract_strided_slice %mul3A_71 {offsets = [1664, 0], sizes = [128, 128], strides = [1, 1]} : vector<2048x128xf32> to vector<128x128xf32>
    %slice3A_605 = vector.extract_strided_slice %get3A_12 {offsets = [1664, 0], sizes = [128, 128], strides = [1, 1]} : vector<2048x128xf32> to vector<128x128xf32>
    %broadcast_in_dim3A_606 = vector.shape_cast %gt3A_590 : vector<128x1xi1> to vector<128x1xi1>
    %broadcast_in_dim3A_607 = vector.broadcast %broadcast_in_dim3A_606 : vector<128x1xi1> to vector<128x128xi1>
    %select_n3A_608 = arith.select %broadcast_in_dim3A_607, %slice3A_604, %slice3A_605 : vector<128x128xi1>, vector<128x128xf32>
    %slice3A_609 = vector.extract_strided_slice %add3A_69 {offsets = [1664, 0], sizes = [128, 128], strides = [1, 1]} : vector<2048x128xf32> to vector<128x128xf32>
    %slice3A_610 = vector.extract_strided_slice %get3A_15 {offsets = [1664, 0], sizes = [128, 128], strides = [1, 1]} : vector<2048x128xf32> to vector<128x128xf32>
    %broadcast_in_dim3A_611 = vector.shape_cast %gt3A_590 : vector<128x1xi1> to vector<128x1xi1>
    %broadcast_in_dim3A_612 = vector.broadcast %broadcast_in_dim3A_611 : vector<128x1xi1> to vector<128x128xi1>
    %select_n3A_613 = arith.select %broadcast_in_dim3A_612, %slice3A_609, %slice3A_610 : vector<128x128xi1>, vector<128x128xf32>
    %convert_element_type3A_614 = arith.truncf %select_n3A_608 : vector<128x128xf32> to vector<128x128xbf16>
    %bitcast_convert_type3A_615 = tpu.bitcast %convert_element_type3A_614 : vector<128x128xbf16> -> vector<128x128xi16>
    %convert_element_type3A_616 = arith.extui %bitcast_convert_type3A_615 : vector<128x128xi16> to vector<128x128xi32>
    %convert_element_type3A_617 = arith.truncf %select_n3A_613 : vector<128x128xf32> to vector<128x128xbf16>
    %bitcast_convert_type3A_618 = tpu.bitcast %convert_element_type3A_617 : vector<128x128xbf16> -> vector<128x128xi16>
    %convert_element_type3A_619 = arith.extui %bitcast_convert_type3A_618 : vector<128x128xi16> to vector<128x128xi32>
    %shift_left3A_620 = arith.constant 16 : i32
    %shift_left3A_621 = vector.broadcast %shift_left3A_620 : i32 to vector<128x128xi32>
    %shift_left3A_622 = arith.shli %convert_element_type3A_616, %shift_left3A_621 : vector<128x128xi32>
    %or3A_623 = arith.ori %shift_left3A_622, %convert_element_type3A_619 : vector<128x128xi32>
    %swap3A_624 = arith.constant 1664 : index
    %swap3A_625 = arith.constant 0 : index
    %swap3A_626 = vector.load %arg12[%swap3A_624, %swap3A_625] : memref<2048x128xi32, #tpu.memory_space<vmem>>, vector<128x128xi32>
    tpu.vector_store %arg12[%swap3A_624, %swap3A_625], %or3A_623 {strides = array<i32>} : memref<2048x128xi32, #tpu.memory_space<vmem>>, vector<128x128xi32>,
    %slice3A_627 = vector.extract_strided_slice %transpose3A {offsets = [0, 14], sizes = [128, 1], strides = [1, 1]} : vector<128x16xi32> to vector<128x1xi32>
    %gt3A_628 = arith.constant 0 : i32
    %gt3A_629 = vector.broadcast %gt3A_628 : i32 to vector<128x1xi32>
    %gt3A_630 = arith.cmpi sgt, %slice3A_627, %gt3A_629 : vector<128x1xi32>
    %slice3A_631 = vector.extract_strided_slice %get3A_9 {offsets = [1792, 0], sizes = [128, 128], strides = [1, 1]} : vector<2048x128xf32> to vector<128x128xf32>
    %slice3A_632 = vector.extract_strided_slice %mul3A_71 {offsets = [1792, 0], sizes = [128, 128], strides = [1, 1]} : vector<2048x128xf32> to vector<128x128xf32>
    %jit3A_633 = arith.constant 0.000000e+00 : f32
    %broadcast_in_dim3A_634 = vector.shape_cast %gt3A_630 : vector<128x1xi1> to vector<128x1xi1>
    %broadcast_in_dim3A_635 = vector.broadcast %broadcast_in_dim3A_634 : vector<128x1xi1> to vector<128x128xi1>
    %broadcast_in_dim3A_636 = vector.broadcast %jit3A_633 : f32 to vector<128x128xf32>
    %select_n3A_637 = arith.select %broadcast_in_dim3A_635, %slice3A_632, %broadcast_in_dim3A_636 : vector<128x128xi1>, vector<128x128xf32>
    %broadcast_in_dim3A_638 = vector.shape_cast %or3A : vector<1x1xi1> to vector<1x1xi1>
    %broadcast_in_dim3A_639 = vector.broadcast %broadcast_in_dim3A_638 : vector<1x1xi1> to vector<128x128xi1>
    %select_n3A_640 = arith.select %broadcast_in_dim3A_639, %slice3A_631, %select_n3A_637 : vector<128x128xi1>, vector<128x128xf32>
    %swap3A_641 = arith.constant 1792 : index
    %swap3A_642 = arith.constant 0 : index
    %swap3A_643 = vector.load %arg11[%swap3A_641, %swap3A_642] : memref<2048x128xf32, #tpu.memory_space<vmem>>, vector<128x128xf32>
    tpu.vector_store %arg11[%swap3A_641, %swap3A_642], %select_n3A_640 {strides = array<i32>} : memref<2048x128xf32, #tpu.memory_space<vmem>>, vector<128x128xf32>,
    %slice3A_644 = vector.extract_strided_slice %mul3A_71 {offsets = [1792, 0], sizes = [128, 128], strides = [1, 1]} : vector<2048x128xf32> to vector<128x128xf32>
    %slice3A_645 = vector.extract_strided_slice %get3A_12 {offsets = [1792, 0], sizes = [128, 128], strides = [1, 1]} : vector<2048x128xf32> to vector<128x128xf32>
    %broadcast_in_dim3A_646 = vector.shape_cast %gt3A_630 : vector<128x1xi1> to vector<128x1xi1>
    %broadcast_in_dim3A_647 = vector.broadcast %broadcast_in_dim3A_646 : vector<128x1xi1> to vector<128x128xi1>
    %select_n3A_648 = arith.select %broadcast_in_dim3A_647, %slice3A_644, %slice3A_645 : vector<128x128xi1>, vector<128x128xf32>
    %slice3A_649 = vector.extract_strided_slice %add3A_69 {offsets = [1792, 0], sizes = [128, 128], strides = [1, 1]} : vector<2048x128xf32> to vector<128x128xf32>
    %slice3A_650 = vector.extract_strided_slice %get3A_15 {offsets = [1792, 0], sizes = [128, 128], strides = [1, 1]} : vector<2048x128xf32> to vector<128x128xf32>
    %broadcast_in_dim3A_651 = vector.shape_cast %gt3A_630 : vector<128x1xi1> to vector<128x1xi1>
    %broadcast_in_dim3A_652 = vector.broadcast %broadcast_in_dim3A_651 : vector<128x1xi1> to vector<128x128xi1>
    %select_n3A_653 = arith.select %broadcast_in_dim3A_652, %slice3A_649, %slice3A_650 : vector<128x128xi1>, vector<128x128xf32>
    %convert_element_type3A_654 = arith.truncf %select_n3A_648 : vector<128x128xf32> to vector<128x128xbf16>
    %bitcast_convert_type3A_655 = tpu.bitcast %convert_element_type3A_654 : vector<128x128xbf16> -> vector<128x128xi16>
    %convert_element_type3A_656 = arith.extui %bitcast_convert_type3A_655 : vector<128x128xi16> to vector<128x128xi32>
    %convert_element_type3A_657 = arith.truncf %select_n3A_653 : vector<128x128xf32> to vector<128x128xbf16>
    %bitcast_convert_type3A_658 = tpu.bitcast %convert_element_type3A_657 : vector<128x128xbf16> -> vector<128x128xi16>
    %convert_element_type3A_659 = arith.extui %bitcast_convert_type3A_658 : vector<128x128xi16> to vector<128x128xi32>
    %shift_left3A_660 = arith.constant 16 : i32
    %shift_left3A_661 = vector.broadcast %shift_left3A_660 : i32 to vector<128x128xi32>
    %shift_left3A_662 = arith.shli %convert_element_type3A_656, %shift_left3A_661 : vector<128x128xi32>
    %or3A_663 = arith.ori %shift_left3A_662, %convert_element_type3A_659 : vector<128x128xi32>
    %swap3A_664 = arith.constant 1792 : index
    %swap3A_665 = arith.constant 0 : index
    %swap3A_666 = vector.load %arg12[%swap3A_664, %swap3A_665] : memref<2048x128xi32, #tpu.memory_space<vmem>>, vector<128x128xi32>
    tpu.vector_store %arg12[%swap3A_664, %swap3A_665], %or3A_663 {strides = array<i32>} : memref<2048x128xi32, #tpu.memory_space<vmem>>, vector<128x128xi32>,
    %slice3A_667 = vector.extract_strided_slice %transpose3A {offsets = [0, 15], sizes = [128, 1], strides = [1, 1]} : vector<128x16xi32> to vector<128x1xi32>
    %gt3A_668 = arith.constant 0 : i32
    %gt3A_669 = vector.broadcast %gt3A_668 : i32 to vector<128x1xi32>
    %gt3A_670 = arith.cmpi sgt, %slice3A_667, %gt3A_669 : vector<128x1xi32>
    %slice3A_671 = vector.extract_strided_slice %get3A_9 {offsets = [1920, 0], sizes = [128, 128], strides = [1, 1]} : vector<2048x128xf32> to vector<128x128xf32>
    %slice3A_672 = vector.extract_strided_slice %mul3A_71 {offsets = [1920, 0], sizes = [128, 128], strides = [1, 1]} : vector<2048x128xf32> to vector<128x128xf32>
    %jit3A_673 = arith.constant 0.000000e+00 : f32
    %broadcast_in_dim3A_674 = vector.shape_cast %gt3A_670 : vector<128x1xi1> to vector<128x1xi1>
    %broadcast_in_dim3A_675 = vector.broadcast %broadcast_in_dim3A_674 : vector<128x1xi1> to vector<128x128xi1>
    %broadcast_in_dim3A_676 = vector.broadcast %jit3A_673 : f32 to vector<128x128xf32>
    %select_n3A_677 = arith.select %broadcast_in_dim3A_675, %slice3A_672, %broadcast_in_dim3A_676 : vector<128x128xi1>, vector<128x128xf32>
    %broadcast_in_dim3A_678 = vector.shape_cast %or3A : vector<1x1xi1> to vector<1x1xi1>
    %broadcast_in_dim3A_679 = vector.broadcast %broadcast_in_dim3A_678 : vector<1x1xi1> to vector<128x128xi1>
    %select_n3A_680 = arith.select %broadcast_in_dim3A_679, %slice3A_671, %select_n3A_677 : vector<128x128xi1>, vector<128x128xf32>
    %swap3A_681 = arith.constant 1920 : index
    %swap3A_682 = arith.constant 0 : index
    %swap3A_683 = vector.load %arg11[%swap3A_681, %swap3A_682] : memref<2048x128xf32, #tpu.memory_space<vmem>>, vector<128x128xf32>
    tpu.vector_store %arg11[%swap3A_681, %swap3A_682], %select_n3A_680 {strides = array<i32>} : memref<2048x128xf32, #tpu.memory_space<vmem>>, vector<128x128xf32>,
    %slice3A_684 = vector.extract_strided_slice %mul3A_71 {offsets = [1920, 0], sizes = [128, 128], strides = [1, 1]} : vector<2048x128xf32> to vector<128x128xf32>
    %slice3A_685 = vector.extract_strided_slice %get3A_12 {offsets = [1920, 0], sizes = [128, 128], strides = [1, 1]} : vector<2048x128xf32> to vector<128x128xf32>
    %broadcast_in_dim3A_686 = vector.shape_cast %gt3A_670 : vector<128x1xi1> to vector<128x1xi1>
    %broadcast_in_dim3A_687 = vector.broadcast %broadcast_in_dim3A_686 : vector<128x1xi1> to vector<128x128xi1>
    %select_n3A_688 = arith.select %broadcast_in_dim3A_687, %slice3A_684, %slice3A_685 : vector<128x128xi1>, vector<128x128xf32>
    %slice3A_689 = vector.extract_strided_slice %add3A_69 {offsets = [1920, 0], sizes = [128, 128], strides = [1, 1]} : vector<2048x128xf32> to vector<128x128xf32>
    %slice3A_690 = vector.extract_strided_slice %get3A_15 {offsets = [1920, 0], sizes = [128, 128], strides = [1, 1]} : vector<2048x128xf32> to vector<128x128xf32>
    %broadcast_in_dim3A_691 = vector.shape_cast %gt3A_670 : vector<128x1xi1> to vector<128x1xi1>
    %broadcast_in_dim3A_692 = vector.broadcast %broadcast_in_dim3A_691 : vector<128x1xi1> to vector<128x128xi1>
    %select_n3A_693 = arith.select %broadcast_in_dim3A_692, %slice3A_689, %slice3A_690 : vector<128x128xi1>, vector<128x128xf32>
    %convert_element_type3A_694 = arith.truncf %select_n3A_688 : vector<128x128xf32> to vector<128x128xbf16>
    %bitcast_convert_type3A_695 = tpu.bitcast %convert_element_type3A_694 : vector<128x128xbf16> -> vector<128x128xi16>
    %convert_element_type3A_696 = arith.extui %bitcast_convert_type3A_695 : vector<128x128xi16> to vector<128x128xi32>
    %convert_element_type3A_697 = arith.truncf %select_n3A_693 : vector<128x128xf32> to vector<128x128xbf16>
    %bitcast_convert_type3A_698 = tpu.bitcast %convert_element_type3A_697 : vector<128x128xbf16> -> vector<128x128xi16>
    %convert_element_type3A_699 = arith.extui %bitcast_convert_type3A_698 : vector<128x128xi16> to vector<128x128xi32>
    %shift_left3A_700 = arith.constant 16 : i32
    %shift_left3A_701 = vector.broadcast %shift_left3A_700 : i32 to vector<128x128xi32>
    %shift_left3A_702 = arith.shli %convert_element_type3A_696, %shift_left3A_701 : vector<128x128xi32>
    %or3A_703 = arith.ori %shift_left3A_702, %convert_element_type3A_699 : vector<128x128xi32>
    %swap3A_704 = arith.constant 1920 : index
    %swap3A_705 = arith.constant 0 : index
    %swap3A_706 = vector.load %arg12[%swap3A_704, %swap3A_705] : memref<2048x128xi32, #tpu.memory_space<vmem>>, vector<128x128xi32>
    tpu.vector_store %arg12[%swap3A_704, %swap3A_705], %or3A_703 {strides = array<i32>} : memref<2048x128xi32, #tpu.memory_space<vmem>>, vector<128x128xi32>,
    return
  }
  func.func @transform_0(%arg0: i32) -> (i32, i32) {
    %add3A = arith.constant 4 : i32
    %add3A_0 = arith.addi %arg0, %add3A : i32
    %c0_i32 = arith.constant 0 : i32
    %c0_i32_1 = arith.constant 0 : i32
    return %add3A_0, %c0_i32 : i32, i32
  }
  func.func @transform_1(%arg0: i32) -> (i32, i32) {
    %add3A = arith.constant 4 : i32
    %add3A_0 = arith.addi %arg0, %add3A : i32
    %c0_i32 = arith.constant 0 : i32
    %c0_i32_1 = arith.constant 0 : i32
    return %add3A_0, %c0_i32 : i32, i32
  }
  func.func @transform_2(%arg0: i32) -> (i32, i32) {
    %add3A = arith.constant 4 : i32
    %add3A_0 = arith.addi %arg0, %add3A : i32
    %c0_i32 = arith.constant 0 : i32
    %c0_i32_1 = arith.constant 0 : i32
    return %add3A_0, %c0_i32 : i32, i32
  }
  func.func @transform_3(%arg0: i32) -> (i32, i32) {
    %add3A = arith.constant 4 : i32
    %add3A_0 = arith.addi %arg0, %add3A : i32
    %c0_i32 = arith.constant 0 : i32
    %c0_i32_1 = arith.constant 0 : i32
    return %add3A_0, %c0_i32 : i32, i32
  }
  func.func @transform_4(%arg0: i32) -> (i32, i32) {
    %c0_i32 = arith.constant 0 : i32
    %c0_i32_0 = arith.constant 0 : i32
    %c0_i32_1 = arith.constant 0 : i32
    return %c0_i32, %c0_i32_0 : i32, i32
  }
  func.func @transform_5(%arg0: i32) -> (i32, i32) {
    %c0_i32 = arith.constant 0 : i32
    %c0_i32_0 = arith.constant 0 : i32
    %c0_i32_1 = arith.constant 0 : i32
    return %c0_i32, %c0_i32_0 : i32, i32
  }
  func.func @transform_6(%arg0: i32) -> (i32, i32) {
    %c0_i32 = arith.constant 0 : i32
    %c0_i32_0 = arith.constant 0 : i32
    %c0_i32_1 = arith.constant 0 : i32
    return %c0_i32, %c0_i32_0 : i32, i32
  }
  func.func @transform_7(%arg0: i32) -> (i32, i32) {
    %c0_i32 = arith.constant 0 : i32
    %c0_i32_0 = arith.constant 0 : i32
    %c0_i32_1 = arith.constant 0 : i32
    return %c0_i32, %c0_i32_0 : i32, i32
  }
  func.func @transform_8(%arg0: i32) -> (i32, i32) {
    %c0_i32 = arith.constant 0 : i32
    %c0_i32_0 = arith.constant 0 : i32
    %c0_i32_1 = arith.constant 0 : i32
    return %c0_i32, %c0_i32_0 : i32, i32
  }
  func.func @transform_10(%arg0: i32) -> (i32, i32) {
    %add3A = arith.constant 4 : i32
    %add3A_0 = arith.addi %arg0, %add3A : i32
    %c0_i32 = arith.constant 0 : i32
    %c0_i32_1 = arith.constant 0 : i32
    return %add3A_0, %c0_i32 : i32, i32
  }
  func.func @transform_11(%arg0: i32) -> (i32, i32) {
    %c0_i32 = arith.constant 0 : i32
    %c0_i32_0 = arith.constant 0 : i32
    return %arg0, %c0_i32 : i32, i32
  }
}

</mosaic_0001>

<sc_bundles>
// kernel: kernel.6.cloned.1.call-start
scs
__scs_entry_jumppad:
0x0: {  	(pc) =	sbr.rel $0x88, $3  }
0x1: {  	(tag) =	ssettag $0x0;
	lr =	simm.s32 $0x1  }
0x2: {  	[smem:$0x3F99] =	sst lr;
	_ =	strace $0xD0000000  }
0x3: {  	_ = 	snop  }
0x4: {  	_ = 	snop  }
0x5: {  	_ = 	snop  }
0x6: {  	_ = 	snop  }
0x7: {  	_ = 	snop  }
__scs_overlays_trampoline_lowered:
0x8: {  	[smem:$0x3FA8] =	sst s0  }
0x9: {  	[smem:$0x3FA9] =	sst s1  }
0xa: {  	[smem:$0x3FAA] =	sst s2  }
0xb: {  	[smem:$0x3FAB] =	sst s3  }
0xc: {  	[smem:$0x3FAC] =	sst s4  }
0xd: {  	[smem:$0x3FAD] =	sst s5  }
0xe: {  	[smem:$0x3FAE] =	sst s6  }
0xf: {  	[smem:$0x3FAF] =	sst s7  }
0x10: {  	[smem:$0x3FB0] =	sst s8  }
0x11: {  	[smem:$0x3FB1] =	sst s9;
	s0 =	simm.s32 @!p0 $0x0  }
0x12: {  	s1 =	sld [smem:$0x3F97];
	s0 =	simm.s32 @p0 $0x1  }
0x13: {  	[smem:$0x3FB2] =	sst s0;
	s0 =	simm.s32 @!p1 $0x0  }
0x14: {  	s2 =	sld [smem:$0x3F96];
	s0 =	simm.s32 @p1 $0x1  }
0x15: {  	[smem:$0x3FB3] =	sst s0;
	s0 =	simm.s32 @!p2 $0x0  }
0x16: {  	s3 =	sld [smem:$0x3FDB];
	s0 =	simm.s32 @p2 $0x1  }
0x17: {  	s4 =	simm.s32 $0x1BF5;
	[smem:$0x3FB5] =	sst s0  }
0x18: {  	s0 =	sld [smem:$0x3F98];
	_ =	swait.ge [sflag:s4], $0x0  }
0x19: {  	s7 =	sld [smem:$0x3F99]  }
0x1a: {  	s8 =	sadd.s32 $0xFFFFE003, lr  }
0x1b: {  	s9 =	sadd.s32 $0xFFFFFEF7, lr;
	s5 =	simm.s32 $0xFFFFFFFF;
	p2 =	slt.u32 s8, $0xFFFFF086  }
0x1c: {  	p1 =	slt.u32 s9, $0xF7A;
	s5 =	simm.s32 @!p2 $0x0  }
0x1d: {  	s5 =	simm.s32 @p1 $0x1;
	p0 =	seq.s32 s7, s2  }
0x1e: {  	s7 =	smul.u32 @!p0 $0xF7A, s2;
	p2 =	seq.s32 @!p0 s5, $0x0  }
0x1f: {  	s9 =	smul.u32 $0xF7A, s1;
	s8 =	simm.s32 @!p0 $0x1BF5;
	p2 =	por !p2, p0  }
0x20: {  	[sflag:s8] =	ssyncset.s32 @!p0 $0xFFFFF086;
	s6 =	sadd.s32 @!p0 s3, s7;
	s7 =	simm.s32 @!p0 $0x108  }
0x21: {  	s3 =	sadd.s32 s3, s9;
	s6 =	sadd.s32 @!p0 $0x88, s6;
	s7 =	simm.s32 @p2 $0x1082  }
0x22: {  	[simem:s7], [sflag:s8] =	dma.local @!p0 [hbm:s6], $0xF7A  }
0x23: {  	s9 =	sor.u32 $0xD0000000, s2;
	s6 =	simm.s32 $0x108;
	_ =	swait.ge @!p0 [sflag:s8], $0x0  }
0x24: {  	s3 =	sadd.s32 $0x88, s3;
	s6 =	simm.s32 @!p1 $0x1082;
	[sflag:s4] =	ssyncset.s32 $0xFFFFF086  }
0x25: {  	[simem:s6], [sflag:s4] =	dma.local [hbm:s3], $0xF7A  }
0x26: {  	[smem:$0x3F99] =	sst s1;
	(tag) =	ssettag s2;
	_ =	strace s9  }
0x27: {  	s1 =	sld [smem:$0x3FA9]  }
0x28: {  	s2 =	sld [smem:$0x3FAA]  }
0x29: {  	s4 =	sld [smem:$0x3FAC]  }
0x2a: {  	p0 =	seq.s32 s5, $0x0;
	s5 =	sld [smem:$0x3FAD]  }
0x2b: {  	s6 =	sld [smem:$0x3FAE]  }
0x2c: {  	s7 =	sld [smem:$0x3FAF]  }
0x2d: {  	s3 =	simm.s32 $0x108;
	s8 =	sld [smem:$0x3FB0]  }
0x2e: {  	s3 =	simm.s32 @!p0 $0x1082;
	s9 =	sld [smem:$0x3FB1]  }
0x2f: {  	lr =	sadd.s32 s0, s3;
	s0 =	sld [smem:$0x3FA8]  }
0x30: {  	s3 =	sld [smem:$0x3FAB]  }
0x31: {  	[smem:$0x3FB4] =	sst s10  }
0x32: {  	s10 =	sld [smem:$0x3FB2];
	_ =	sdelay $0x3  }
0x33: {  	p0 =	seq.s32 s10, $0x1;
	s10 =	sld [smem:$0x3FB4];
	_ =	sdelay $0x3  }
0x34: {  	[smem:$0x3FB4] =	sst s10  }
0x35: {  	s10 =	sld [smem:$0x3FB3];
	_ =	sdelay $0x3  }
0x36: {  	p1 =	seq.s32 s10, $0x1;
	s10 =	sld [smem:$0x3FB4];
	_ =	sdelay $0x3  }
0x37: {  	[smem:$0x3FB4] =	sst s10  }
0x38: {  	s10 =	sld [smem:$0x3FB5]  }
0x39: {  	_ = 	snop;
	(pc) =	sbr.ind lr, $3  }
0x3a: {  	_ = 	snop  }
0x3b: {  	_ = 	snop  }
0x3c: {  	p2 =	seq.s32 s10, $0x1;
	s10 =	sld [smem:$0x3FB4]  }
0x3d: {  	_ =	shalt  }
0x3e: {  	_ =	shalt  }
0x3f: {  	_ =	shalt  }
0x40: {  	_ =	shalt  }
0x41: {  	_ =	shalt  }
0x42: {  	_ =	shalt  }
0x43: {  	_ =	shalt  }
0x44: {  	_ =	shalt  }
0x45: {  	_ =	shalt  }
0x46: {  	_ =	shalt  }
0x47: {  	_ =	shalt  }
0x48: {  	_ =	shalt  }
0x49: {  	_ =	shalt  }
0x4a: {  	_ =	shalt  }
0x4b: {  	_ =	shalt  }
0x4c: {  	_ =	shalt  }
0x4d: {  	_ =	shalt  }
0x4e: {  	_ =	shalt  }
0x4f: {  	_ =	shalt  }
0x50: {  	_ =	shalt  }
0x51: {  	_ =	shalt  }
0x52: {  	_ =	shalt  }
0x53: {  	_ =	shalt  }
0x54: {  	_ =	shalt  }
0x55: {  	_ =	shalt  }
0x56: {  	_ =	shalt  }
0x57: {  	_ =	shalt  }
0x58: {  	_ =	shalt  }
0x59: {  	_ =	shalt  }
0x5a: {  	_ =	shalt  }
0x5b: {  	_ =	shalt  }
0x5c: {  	_ =	shalt  }
0x5d: {  	_ =	shalt  }
0x5e: {  	_ =	shalt  }
0x5f: {  	_ =	shalt  }
0x60: {  	_ =	shalt  }
0x61: {  	_ =	shalt  }
0x62: {  	_ =	shalt  }
0x63: {  	_ =	shalt  }
0x64: {  	_ =	shalt  }
0x65: {  	_ =	shalt  }
0x66: {  	_ =	shalt  }
0x67: {  	_ =	shalt  }
0x68: {  	_ =	shalt  }
0x69: {  	_ =	shalt  }
0x6a: {  	_ =	shalt  }
0x6b: {  	_ =	shalt  }
0x6c: {  	_ =	shalt  }
0x6d: {  	_ =	shalt  }
0x6e: {  	_ =	shalt  }
0x6f: {  	_ =	shalt  }
0x70: {  	_ =	shalt  }
0x71: {  	_ =	shalt  }
0x72: {  	_ =	shalt  }
0x73: {  	_ =	shalt  }
0x74: {  	_ =	shalt  }
0x75: {  	_ =	shalt  }
0x76: {  	_ =	shalt  }
0x77: {  	_ =	shalt  }
0x78: {  	_ =	shalt  }
0x79: {  	_ =	shalt  }
0x7a: {  	_ =	shalt  }
0x7b: {  	_ =	shalt  }
0x7c: {  	_ =	shalt  }
0x7d: {  	_ =	shalt  }
0x7e: {  	_ =	shalt  }
0x7f: {  	_ =	shalt  }
0x80: {  	_ =	shalt  }
0x81: {  	_ =	shalt  }
0x82: {  	_ =	shalt  }
0x83: {  	_ =	shalt  }
0x84: {  	_ =	shalt  }
0x85: {  	_ =	shalt  }
0x86: {  	_ =	shalt  }
0x87: {  	_ =	shalt  }
.Lfunc_end0:
.L_simem_size_0:
called_computation_lowered:
.L_overlay_start_0:
0x88: {  	s2 =	sld [smem:$0x3FD9]  }
0x89: {  	s3 =	sld [smem:$0x3FFE];
	_ =	sdelay $0x1  }
0x8a: {  	s1 =	srdreg.scid  }
0x8b: {  	s0 =	sand.u32 $0x1, s1  }
0x8c: {  	s14 =	sshll.u32 s0, $0xA;
	s2 =	sadd.s32 s3, s2  }
0x8d: {  	s2 =	sadd.s32 s2, s14  }
0x8e: {  	[smem:$0x3FC0] =	sst s2  }
0x8f: {  	_ = 	snop  }
0x90: {  	s2 =	sld [smem:$0x3FD0];
	_ =	sdelay $0x2  }
0x91: {  	s15 =	simm.s32 $0xA;
	s4 =	simm.s32 $0x10  }
0x92: {  	[smem:s4], [sflag:s15] =	dma.local [hbm:s2], $0x1  }
0x93: {  	_ =	swait.eq [sflag:s15], $0x1  }
0x94: {  	[sflag:s15] =	ssyncset.done $0x0  }
0x95: {  	s16 =	sld [smem:$0x11];
	[sflag:s15] =	ssyncadd.s32 $0xFFFFFFFF  }
0x96: {  	s17 =	sld [smem:$0x12];
	(tm) =	ssettm $0x1  }
0x97: {  	s18 =	sld [smem:$0x3FFB];
	_ =	sdelay $0x3  }
0x98: {  	_ =	strace s18  }
0x99: {  	s4 =	sld [smem:$0x3FFC];
	_ =	sdelay $0x3  }
0x9a: {  	_ =	strace s4  }
0x9b: {  	s4 =	sld [smem:$0x3FFD];
	_ =	sdelay $0x3  }
0x9c: {  	_ =	strace s4  }
0x9d: {  	_ =	strace $0x8FFFFFFF  }
0x9e: {  	s19 =	sld [smem:$0x3FDB];
	_ =	sdelay $0x1  }
0x9f: {  	s5 =	simm.s32 $_scs_section_size  }
0xa0: {  	s6 =	simm.s32 $_size__tile_overlayer_lowered;
	s7 =	simm.s32 $_tile_overlayer_lowered  }
0xa1: {  	s22 =	simm.s32 $0x1BFF;
	s21 =	sshll.u32 s7, $0x1;
	s4 =	sadd.s32 s5, s19  }
0xa2: {  	s8 =	simm.s32 $0x0;
	s20 =	sshll.u32 s6, $0x1;
	s6 =	sadd.s32 s21, s4  }
0xa3: {  	[timem:s8], [sflag:s22] =	dma.local [hbm:s6], s20  }
0xa4: {  	_ =	swait.ge [sflag:s22], s20  }
0xa5: {  	s5 =	ssub.s32 $0x0, s20;
	[sflag:s22] =	ssyncset.done $0x0  }
0xa6: {  	[sflag:s22] =	ssyncadd.s32 s5;
	_ =	sdelay $0x1  }
0xa7: {  	s23 =	simm.s32 $0x1B8B  }
0xa8: {  	_ =	swait.ge [sflag:s23], $0x1  }
0xa9: {  	[sflag:s23] =	ssyncset.done $0x0  }
0xaa: {  	s25 =	simm.s32 $0x1B8E;
	s24 =	sld [smem:$0x3FFE];
	[sflag:s23] =	ssyncadd.s32 $0xFFFFFFFF  }
0xab: {  	s26 =	simm.s32 $execute0_lowered;
	[smem:$0x3FD2] =	sst s25  }
0xac: {  	s6 =	sshll.u32 s26, $0x1;
	_ =	strace $0x80000046;
	[dreg:$0x1] =	wrdreg $0xFFFFFFFF  }
0xad: {  	s28 =	simm.s32 $_size_execute0_lowered;
	s4 =	sadd.s32 s4, s6;
	[dreg:$0x0] =	wrdreg $0x0  }
0xae: {  	s6 =	sshll.u32 s28, $0x1;
	[dreg:$0x2] =	wrdreg s4  }
0xaf: {  	[dreg:$0x3] =	wrdreg s6  }
0xb0: {  	[dreg:$0x4] =	wrdreg $0xC0  }
0xb1: {  	_ =	task [dreg:s8], $0x5FFFF  }
0xb2: {  	[dreg:$0x1] =	wrdreg $0xFFFFFFFF  }
0xb3: {  	[dreg:$0x0] =	wrdreg $0x60  }
0xb4: {  	[dreg:$0x2] =	wrdreg s24  }
0xb5: {  	[dreg:$0x3] =	wrdreg s16  }
0xb6: {  	[dreg:$0x4] =	wrdreg s17  }
0xb7: {  	[dreg:$0x5] =	wrdreg $0x9  }
0xb8: {  	_ =	task.clear_ibuf [dreg:s8], $0x6FFFF;
	_ =	strace $0x90000046  }
0xb9: {  	s29 =	simm.s32 $0x9;
	_ =	strace $0x80000048  }
0xba: {  	_ =	swait.ge [sflag:s29], $0x1  }
0xbb: {  	[sflag:s29] =	ssyncadd.s32 $0xFFFFFFFF  }
0xbc: {  	_ =	strace $0x90000048  }
0xbd: {  	_ =	sfence  }
0xbe: {  	s30 =	sld [smem:$0x0];
	_ =	sdelay $0x2  }
0xbf: {  	s31 =	sshll.u32 s1, $0xD;
	s1 =	sshrl.u32 s1, $0x2  }
0xc0: {  	s3 =	sand.u32 $0x4000, s31;
	s1 =	sadd.s32 s1, s30  }
0xc1: {  	s0 =	sor.u32 s3, s0;
	s1 =	sshll.u32 s1, $0x11  }
0xc2: {  	s0 =	sor.u32 s1, s0  }
0xc3: {  	s0 =	sadd.s32 $0x8F2B, s0  }
0xc4: {  	[sflag:s0] =	ssyncadd.remote.s32 $0x1  }
0xc5: {  	_ =	sfence.sel $0xFFFF  }
0xc6: {  	[dreg:$0x0] =	wrdreg $0xFFFFFFFF;
	(pc) =	sbr.abs _section_cstart, $3  }
0xc7: {  	[dreg:$0x1] =	wrdreg $0xFFFFFFFF  }
0xc8: {  	_ =	task.clear_ibuf [dreg:s8], $0x2FFFF;
	_ =	strace $0x9FFFFFFF  }
0xc9: {  	(tm) =	ssettm $0x7FFFFFFF  }
tec
execute0_lowered:
.L_overlay_start_1:
0x0: {  	(tag) =	ssettag $0x1  }
0x1: {  	s5 =	rddreg [dreg:$0x0]  }
0x2: {  	s1 =	rddreg [dreg:$0x1]  }
0x3: {  	s3 =	rddreg [dreg:$0x2]  }
0x4: {  	s0 =	rddreg [dreg:$0x3]  }
0x5: {  	s4 =	simm.s32 $0x0;
	s6 =	srdreg.scid;
	s2 =	stileid.u32  }
0x6: {  	s10 =	simm.s32 $0x100;
	s11 =	simm.s32 $0x4100;
	s12 =	simm.s32 $0x1  }
0x7: {  	s13 =	simm.s32 $0x80;
	s14 =	simm.s32 $0x8100;
	s15 =	simm.s32 $0x10100  }
0x8: {  	s16 =	simm.s32 $0xC100;
	s17 =	simm.s32 $0x14100;
	s18 =	simm.s32 $0x2  }
0x9: {  	[smem:$0x7FF] =	sst s4;
	s6 =	sand.u32 $0x1, s6;
	s7 =	sshll.u32 s2, $0x1  }
0xa: {  	s19 =	simm.s32 $0x0;
	_ =	strace $0x80000047;
	s7 =	sor.u32 s6, s7  }
0xb: {  	s6 =	ssub.s32 $0x2, s6;
	s8 =	sshll.u32 s7, $0xC;
	s7 =	sshll.u32 s7, $0x5  }
0xc: {  	s9 =	sshrl.u32 s6, $0x1;
	s8 =	sadd.s32 s8, s5;
	s5 =	sadd.s32 s7, s5  }
0xd: {  	s9 =	ssub.s32 s6, s9;
	s5 =	sadd.s32 $0x23E00, s5;
	s6 =	sadd.s32 $0x3E00, s8  }
0xe: {  	s7 =	sadd.s32 $0x4600, s8;
	s8 =	smax.u32 s9, $0x1;
	s9 =	simm.s32 $0x3  }
.LBB2_1:
0xf: {  	[tilespmem:s4], [sflag:$0x3] =	stream.linear.gather [hbm4b:s5+s4], $0x100, $0x38;
	[tilespmem:$0x18100] =	vst v63  }
0x10: {  	_ =	swait.ge [sflag:s9], $0x100  }
0x11: {  	[sflag:s9] =	ssyncset.done $0x0  }
0x12: {  	[sflag:s9] =	ssyncadd.s32 $0xFFFFFF00  }
0x13: {  	[tilespmem:s10], [sflag:$0x1] =	stream.linear.gather [hbm4b:s6+s4], $0x4000, $0x38;
	[tilespmem:$0x18100] =	vst v63  }
0x14: {  	_ = 	snop  }
0x15: {  	[tilespmem:s11], [sflag:$0x1] =	stream.linear.gather [hbm4b:s7+s4], $0x4000, $0x38;
	[tilespmem:$0x18100] =	vst v63  }
0x16: {  	_ =	swait.ge [sflag:s12], $0x4000  }
0x17: {  	[sflag:s12] =	ssyncset.done $0x0  }
0x18: {  	s20 =	simm.s32 $0x0;
	[sflag:s12] =	ssyncadd.s32 $0xFFFFC000  }
0x19: {  	v0 =	vld [tilespmem:s20+$0x170]  }
0x1a: {  	v1 =	vld [tilespmem:s20+$0x100];
	_ =	sdelay $0x1  }
0x1b: {  	v2 =	vld [tilespmem:s20+$0x110]  }
0x1c: {  	v5 =	vld [tilespmem:s20+$0x140]  }
0x1d: {  	v6 =	vshll.u32 v0, $0x10  }
0x1e: {  	v3 =	vld [tilespmem:s20+$0x120];
	v8 =	vand.u32 $0xFFFF0000, v1;
	[tilespmem:s20+$0x10170] =	vst v6  }
0x1f: {  	v1 =	vshll.u32 v1, $0x10;
	[tilespmem:s20+$0x8100] =	vst v8  }
0x20: {  	v4 =	vld [tilespmem:s20+$0x130];
	v62 =	vand.u32 $0xFFFF0000, v2;
	[tilespmem:s20+$0x10100] =	vst v1  }
0x21: {  	v7 =	vld [tilespmem:s20+$0x150];
	v63 =	vand.u32 $0xFFFF0000, v5;
	[tilespmem:s20+$0x8110] =	vst v62  }
0x22: {  	v6 =	vld [tilespmem:s20+$0x160];
	v1 =	vshll.u32 v2, $0x10;
	[tilespmem:s20+$0x8140] =	vst v63  }
0x23: {  	v2 =	vand.u32 $0xFFFF0000, v3;
	[tilespmem:s20+$0x10110] =	vst v1  }
0x24: {  	v1 =	vshll.u32 v3, $0x10;
	[tilespmem:s20+$0x8120] =	vst v2  }
0x25: {  	v0 =	vand.u32 $0xFFFF0000, v0;
	v2 =	vand.u32 $0xFFFF0000, v4;
	[tilespmem:s20+$0x10120] =	vst v1  }
0x26: {  	v5 =	vshll.u32 v5, $0x10;
	v3 =	vshll.u32 v7, $0x10;
	v1 =	vshll.u32 v4, $0x10;
	[tilespmem:s20+$0x8130] =	vst v2  }
0x27: {  	s21 =	simm.s32 $0x80;
	s22 =	simm.s32 $0x400;
	v4 =	vand.u32 $0xFFFF0000, v7;
	[tilespmem:s20+$0x10130] =	vst v1;
	v2 =	vand.u32 $0xFFFF0000, v6;
	v1 =	vshll.u32 v6, $0x10  }
.LBB2_2:
0x28: {  	p0 =	sne.s32 s22, $0xFE00;
	v6 =	vld [tilespmem:s21+$0x170];
	[tilespmem:s20+$0x10140] =	vst v5  }
0x29: {  	v5 =	vld [tilespmem:s21+$0x100];
	[tilespmem:s20+$0x8150] =	vst v4  }
0x2a: {  	v4 =	vld [tilespmem:s21+$0x110];
	[tilespmem:s20+$0x10150] =	vst v3  }
0x2b: {  	v3 =	vld [tilespmem:s21+$0x120];
	[tilespmem:s20+$0x8160] =	vst v2  }
0x2c: {  	v2 =	vld [tilespmem:s21+$0x130];
	[tilespmem:s20+$0x10160] =	vst v1  }
0x2d: {  	v1 =	vld [tilespmem:s21+$0x140];
	v7 =	vshll.u32 v6, $0x10;
	[tilespmem:s20+$0x8170] =	vst v0;
	v0 =	vand.u32 $0xFFFF0000, v6;
	s20 =	smov.u32 s21  }
0x2e: {  	v6 =	vand.u32 $0xFFFF0000, v5;
	v5 =	vshll.u32 v5, $0x10;
	v8 =	vld [tilespmem:s20+$0x150];
	[tilespmem:s20+$0x10170] =	vst v7  }
0x2f: {  	[tilespmem:s20+$0x8100] =	vst v6;
	v6 =	vand.u32 $0xFFFF0000, v4;
	v4 =	vshll.u32 v4, $0x10;
	v7 =	vld [tilespmem:s20+$0x160]  }
0x30: {  	[tilespmem:s20+$0x10100] =	vst v5;
	v9 =	vand.u32 $0xFFFF0000, v3;
	v10 =	vshll.u32 v3, $0x10  }
0x31: {  	[tilespmem:s20+$0x8110] =	vst v6;
	v6 =	vand.u32 $0xFFFF0000, v2;
	v11 =	vshll.u32 v2, $0x10  }
0x32: {  	[tilespmem:s20+$0x10110] =	vst v4;
	v12 =	vand.u32 $0xFFFF0000, v1;
	v5 =	vshll.u32 v1, $0x10  }
.Ltmp0:
0x33: {  	[tilespmem:s20+$0x8120] =	vst v9;
	v4 =	vand.u32 $0xFFFF0000, v8;
	v3 =	vshll.u32 v8, $0x10;
	(pc) =	sbr.rel @p0 .LBB2_2-.Ltmp0, $4  }
0x34: {  	[tilespmem:s20+$0x10120] =	vst v10;
	v2 =	vand.u32 $0xFFFF0000, v7;
	v1 =	vshll.u32 v7, $0x10  }
0x35: {  	[tilespmem:s20+$0x8130] =	vst v6  }
0x36: {  	[tilespmem:s20+$0x10130] =	vst v11  }
0x37: {  	s21 =	sshra.s32 s22, $0x2;
	s22 =	sadd.s32 $0x200, s22;
	[tilespmem:s20+$0x8140] =	vst v12  }
0x38: {  	v6 =	vld [tilespmem:s21+$0x170];
	[tilespmem:s20+$0x10140] =	vst v5  }
0x39: {  	v5 =	vld [tilespmem:s21+$0x100];
	[tilespmem:s20+$0x8150] =	vst v4  }
0x3a: {  	v4 =	vld [tilespmem:s21+$0x110];
	[tilespmem:s20+$0x10150] =	vst v3  }
0x3b: {  	v3 =	vld [tilespmem:s21+$0x120];
	[tilespmem:s20+$0x8160] =	vst v2  }
0x3c: {  	v2 =	vld [tilespmem:s21+$0x130];
	[tilespmem:s20+$0x10160] =	vst v1  }
0x3d: {  	v1 =	vld [tilespmem:s21+$0x140];
	[tilespmem:s20+$0x8170] =	vst v0;
	v0 =	vshll.u32 v6, $0x10  }
0x3e: {  	v8 =	vand.u32 $0xFFFF0000, v5;
	[tilespmem:s21+$0x10170] =	vst v0  }
0x3f: {  	v0 =	vshll.u32 v5, $0x10;
	[tilespmem:s21+$0x8100] =	vst v8  }
0x40: {  	v60 =	vand.u32 $0xFFFF0000, v4;
	[tilespmem:s21+$0x10100] =	vst v0  }
0x41: {  	v0 =	vshll.u32 v4, $0x10;
	[tilespmem:s21+$0x8110] =	vst v60  }
0x42: {  	v4 =	vand.u32 $0xFFFF0000, v3;
	[tilespmem:s21+$0x10110] =	vst v0  }
0x43: {  	v7 =	vld [tilespmem:s21+$0x150];
	v0 =	vshll.u32 v3, $0x10;
	[tilespmem:s21+$0x8120] =	vst v4  }
0x44: {  	v3 =	vand.u32 $0xFFFF0000, v2;
	[tilespmem:s21+$0x10120] =	vst v0  }
0x45: {  	v5 =	vld [tilespmem:s21+$0x160];
	v0 =	vshll.u32 v2, $0x10;
	[tilespmem:s21+$0x8130] =	vst v3  }
0x46: {  	v2 =	vand.u32 $0xFFFF0000, v1;
	[tilespmem:s21+$0x10130] =	vst v0  }
0x47: {  	v0 =	vshll.u32 v1, $0x10;
	[tilespmem:s21+$0x8140] =	vst v2  }
0x48: {  	v1 =	vand.u32 $0xFFFF0000, v7;
	[tilespmem:s21+$0x10140] =	vst v0  }
0x49: {  	v0 =	vshll.u32 v7, $0x10;
	[tilespmem:s21+$0x8150] =	vst v1  }
0x4a: {  	v1 =	vand.u32 $0xFFFF0000, v5;
	[tilespmem:s21+$0x10150] =	vst v0  }
0x4b: {  	v0 =	vshll.u32 v5, $0x10;
	[tilespmem:s21+$0x8160] =	vst v1  }
0x4c: {  	v1 =	vand.u32 $0xFFFF0000, v6;
	[tilespmem:s21+$0x10160] =	vst v0  }
0x4d: {  	s31 =	simm.s32 $0x0;
	[tilespmem:s21+$0x8170] =	vst v1  }
0x4e: {  	[hbm4b:s1+s13] =	stream.indirect.scatter [tilespmem:s14], [sflag:$0x2], $0x80, s31, s13, $0xb8;
	[tilespmem:$0x18100] =	vst v63  }
0x4f: {  	_ = 	snop  }
0x50: {  	[hbm4b:s3+s13] =	stream.indirect.scatter [tilespmem:s15], [sflag:$0x2], $0x80, s31, s13, $0xb8;
	[tilespmem:$0x18100] =	vst v63  }
0x51: {  	_ =	swait.ge [sflag:s12], $0x4000  }
0x52: {  	[sflag:s12] =	ssyncset.done $0x0  }
0x53: {  	s20 =	simm.s32 $0x0;
	[sflag:s12] =	ssyncadd.s32 $0xFFFFC000  }
0x54: {  	v0 =	vld [tilespmem:s20+$0x4170]  }
0x55: {  	v1 =	vld [tilespmem:s20+$0x4100];
	_ =	sdelay $0x1  }
0x56: {  	v2 =	vld [tilespmem:s20+$0x4110]  }
0x57: {  	v5 =	vld [tilespmem:s20+$0x4140]  }
0x58: {  	v6 =	vshll.u32 v0, $0x10  }
0x59: {  	v3 =	vld [tilespmem:s20+$0x4120];
	v61 =	vand.u32 $0xFFFF0000, v1;
	[tilespmem:s20+$0x14170] =	vst v6  }
0x5a: {  	v1 =	vshll.u32 v1, $0x10;
	[tilespmem:s20+$0xC100] =	vst v61  }
0x5b: {  	v4 =	vld [tilespmem:s20+$0x4130];
	v62 =	vand.u32 $0xFFFF0000, v2;
	[tilespmem:s20+$0x14100] =	vst v1  }
0x5c: {  	v7 =	vld [tilespmem:s20+$0x4150];
	v63 =	vand.u32 $0xFFFF0000, v5;
	[tilespmem:s20+$0xC110] =	vst v62  }
0x5d: {  	v6 =	vld [tilespmem:s20+$0x4160];
	v1 =	vshll.u32 v2, $0x10;
	[tilespmem:s20+$0xC140] =	vst v63  }
0x5e: {  	v2 =	vand.u32 $0xFFFF0000, v3;
	[tilespmem:s20+$0x14110] =	vst v1  }
0x5f: {  	v1 =	vshll.u32 v3, $0x10;
	[tilespmem:s20+$0xC120] =	vst v2  }
0x60: {  	v0 =	vand.u32 $0xFFFF0000, v0;
	v2 =	vand.u32 $0xFFFF0000, v4;
	[tilespmem:s20+$0x14120] =	vst v1  }
0x61: {  	v5 =	vshll.u32 v5, $0x10;
	v3 =	vshll.u32 v7, $0x10;
	v1 =	vshll.u32 v4, $0x10;
	[tilespmem:s20+$0xC130] =	vst v2  }
0x62: {  	s22 =	simm.s32 $0x400;
	s21 =	simm.s32 $0x80;
	v4 =	vand.u32 $0xFFFF0000, v7;
	[tilespmem:s20+$0x14130] =	vst v1;
	v2 =	vand.u32 $0xFFFF0000, v6;
	v1 =	vshll.u32 v6, $0x10  }
.LBB2_4:
0x63: {  	p0 =	sne.s32 s22, $0xFE00;
	v6 =	vld [tilespmem:s21+$0x4170];
	[tilespmem:s20+$0x14140] =	vst v5  }
0x64: {  	v5 =	vld [tilespmem:s21+$0x4100];
	[tilespmem:s20+$0xC150] =	vst v4  }
0x65: {  	v4 =	vld [tilespmem:s21+$0x4110];
	[tilespmem:s20+$0x14150] =	vst v3  }
0x66: {  	v3 =	vld [tilespmem:s21+$0x4120];
	[tilespmem:s20+$0xC160] =	vst v2  }
0x67: {  	v2 =	vld [tilespmem:s21+$0x4130];
	[tilespmem:s20+$0x14160] =	vst v1  }
0x68: {  	v1 =	vld [tilespmem:s21+$0x4140];
	v7 =	vshll.u32 v6, $0x10;
	[tilespmem:s20+$0xC170] =	vst v0;
	v0 =	vand.u32 $0xFFFF0000, v6;
	s20 =	smov.u32 s21  }
0x69: {  	v6 =	vand.u32 $0xFFFF0000, v5;
	v5 =	vshll.u32 v5, $0x10;
	v8 =	vld [tilespmem:s20+$0x4150];
	[tilespmem:s20+$0x14170] =	vst v7  }
0x6a: {  	[tilespmem:s20+$0xC100] =	vst v6;
	v6 =	vand.u32 $0xFFFF0000, v4;
	v4 =	vshll.u32 v4, $0x10;
	v7 =	vld [tilespmem:s20+$0x4160]  }
0x6b: {  	[tilespmem:s20+$0x14100] =	vst v5;
	v9 =	vand.u32 $0xFFFF0000, v3;
	v10 =	vshll.u32 v3, $0x10  }
0x6c: {  	[tilespmem:s20+$0xC110] =	vst v6;
	v6 =	vand.u32 $0xFFFF0000, v2;
	v11 =	vshll.u32 v2, $0x10  }
0x6d: {  	[tilespmem:s20+$0x14110] =	vst v4;
	v12 =	vand.u32 $0xFFFF0000, v1;
	v5 =	vshll.u32 v1, $0x10  }
.Ltmp1:
0x6e: {  	[tilespmem:s20+$0xC120] =	vst v9;
	v4 =	vand.u32 $0xFFFF0000, v8;
	v3 =	vshll.u32 v8, $0x10;
	(pc) =	sbr.rel @p0 .LBB2_4-.Ltmp1, $4  }
0x6f: {  	[tilespmem:s20+$0x14120] =	vst v10;
	v2 =	vand.u32 $0xFFFF0000, v7;
	v1 =	vshll.u32 v7, $0x10  }
0x70: {  	[tilespmem:s20+$0xC130] =	vst v6  }
0x71: {  	[tilespmem:s20+$0x14130] =	vst v11  }
0x72: {  	s21 =	sshra.s32 s22, $0x2;
	s22 =	sadd.s32 $0x200, s22;
	[tilespmem:s20+$0xC140] =	vst v12  }
0x73: {  	v6 =	vld [tilespmem:s21+$0x4170];
	[tilespmem:s20+$0x14140] =	vst v5  }
0x74: {  	v5 =	vld [tilespmem:s21+$0x4100];
	[tilespmem:s20+$0xC150] =	vst v4  }
0x75: {  	v4 =	vld [tilespmem:s21+$0x4110];
	[tilespmem:s20+$0x14150] =	vst v3  }
0x76: {  	v3 =	vld [tilespmem:s21+$0x4120];
	[tilespmem:s20+$0xC160] =	vst v2  }
0x77: {  	v2 =	vld [tilespmem:s21+$0x4130];
	[tilespmem:s20+$0x14160] =	vst v1  }
0x78: {  	v1 =	vld [tilespmem:s21+$0x4140];
	[tilespmem:s20+$0xC170] =	vst v0;
	v48 =	vshll.u32 v6, $0x10  }
0x79: {  	v63 =	vand.u32 $0xFFFF0000, v6;
	[tilespmem:s21+$0x14170] =	vst v48  }
0x7a: {  	v8 =	vand.u32 $0xFFFF0000, v5;
	[tilespmem:s21+$0xC170] =	vst v63  }
0x7b: {  	v49 =	vshll.u32 v5, $0x10;
	[tilespmem:s21+$0xC100] =	vst v8  }
0x7c: {  	v51 =	vand.u32 $0xFFFF0000, v4;
	[tilespmem:s21+$0x14100] =	vst v49  }
0x7d: {  	v52 =	vshll.u32 v4, $0x10;
	[tilespmem:s21+$0xC110] =	vst v51  }
0x7e: {  	v53 =	vand.u32 $0xFFFF0000, v3;
	[tilespmem:s21+$0x14110] =	vst v52  }
0x7f: {  	v7 =	vld [tilespmem:s21+$0x4150];
	v54 =	vshll.u32 v3, $0x10;
	[tilespmem:s21+$0xC120] =	vst v53  }
0x80: {  	v55 =	vand.u32 $0xFFFF0000, v2;
	[tilespmem:s21+$0x14120] =	vst v54  }
0x81: {  	v50 =	vld [tilespmem:s21+$0x4160];
	v56 =	vshll.u32 v2, $0x10;
	[tilespmem:s21+$0xC130] =	vst v55  }
0x82: {  	v57 =	vand.u32 $0xFFFF0000, v1;
	[tilespmem:s21+$0x14130] =	vst v56  }
0x83: {  	v58 =	vshll.u32 v1, $0x10;
	[tilespmem:s21+$0xC140] =	vst v57  }
0x84: {  	v59 =	vand.u32 $0xFFFF0000, v7;
	[tilespmem:s21+$0x14140] =	vst v58  }
0x85: {  	v60 =	vshll.u32 v7, $0x10;
	[tilespmem:s21+$0xC150] =	vst v59  }
0x86: {  	v61 =	vand.u32 $0xFFFF0000, v50;
	[tilespmem:s21+$0x14150] =	vst v60  }
0x87: {  	v62 =	vshll.u32 v50, $0x10;
	[tilespmem:s21+$0xC160] =	vst v61  }
0x88: {  	[tilespmem:s21+$0x14160] =	vst v62  }
0x89: {  	[hbm4b:s1+s13] =	stream.indirect.scatter [tilespmem:s16], [sflag:$0x2], $0x80, s13, s13, $0xb8;
	[tilespmem:$0x18100] =	vst v63  }
0x8a: {  	_ = 	snop  }
0x8b: {  	[hbm4b:s3+s13] =	stream.indirect.scatter [tilespmem:s17], [sflag:$0x2], $0x80, s13, s13, $0xb8;
	[tilespmem:$0x18100] =	vst v63  }
0x8c: {  	_ =	swait.ge [sflag:s18], $0x4000  }
0x8d: {  	[sflag:s18] =	ssyncset.done $0x0  }
0x8e: {  	[sflag:s18] =	ssyncadd.s32 $0xFFFFC000  }
0x8f: {  	_ =	swait.ge [sflag:s18], $0x4000  }
0x90: {  	[sflag:s18] =	ssyncset.done $0x0  }
0x91: {  	s19 =	sadd.s32 $0x1, s19;
	[sflag:s18] =	ssyncadd.s32 $0xFFFFC000  }
0x92: {  	p0 =	sne.s32 s19, s8;
	_ =	swait.ge [sflag:s18], $0x4000  }
.Ltmp2:
0x93: {  	[sflag:s18] =	ssyncset.done $0x0;
	(pc) =	sbr.rel @p0 .LBB2_1-.Ltmp2, $4  }
0x94: {  	[sflag:s18] =	ssyncadd.s32 $0xFFFFC000  }
0x95: {  	_ =	swait.ge [sflag:s18], $0x4000  }
0x96: {  	[sflag:s18] =	ssyncset.done $0x0  }
0x97: {  	[sflag:s18] =	ssyncadd.s32 $0xFFFFC000  }
0x98: {  	_ =	sfence.sel $0x180000  }
0x99: {  	[bflag:$0x0] =	sbarrier.arrive $0xFFFF  }
0x9a: {  	p0 =	sne.s32 s2, $0x0;
	_ =	strace $0x90000047  }
0x9b: {  	s0 =	sadd.s32 @!p0 $0x100000, s0;
	[bflag:$0x2] =	sbarrier.arrive $0xFFFF  }
0x9c: {  	[sflag:s0] =	ssyncadd.tile.s32 @!p0 $0x1;
	_ =	shalt  }
.Lfunc_end2:
_tile_overlayer_lowered:
.L_overlay_start_2:
0x9d: {  	(tag) =	ssettag $0x2  }
0x9e: {  	s0 =	rddreg [dreg:$0x0];
	s2 =	stileid.u32  }
0x9f: {  	s1 =	rddreg [dreg:$0x1];
	p0 =	sne.s32 s2, $0x0  }
0xa0: {  	s3 =	rddreg [dreg:$0x2];
	[bflag:$0x3] =	sbarrier.arrive $0xFFFF;
	s2 =	simm.s32 @!p0 $0x1C03  }
0xa1: {  	[timem:s3], [sflag:s2] =	dma.local @!p0 [hbm:s0], s1  }
0xa2: {  	s0 =	simm.s32 @!p0 $0x3  }
0xa3: {  	_ =	swait.ge @!p0 [sflag:s0], s1  }
0xa4: {  	s1 =	ssub.s32 @!p0 $0x0, s1;
	[sflag:s0] =	ssyncset.done @!p0 $0x0  }
0xa5: {  	[sflag:s0] =	ssyncadd.s32 @!p0 s1  }
0xa6: {  	[bflag:$0x3] =	sbarrier.arrive $0xFFFF  }
0xa7: {  	_ =	shalt  }

// kernel: kernel.9.cloned.1.call-start
scs
__scs_entry_jumppad:
0x0: {  	(pc) =	sbr.rel $0x88, $3  }
0x1: {  	(tag) =	ssettag $0x0;
	lr =	simm.s32 $0x1  }
0x2: {  	[smem:$0x3F99] =	sst lr;
	_ =	strace $0xD0000000  }
0x3: {  	_ = 	snop  }
0x4: {  	_ = 	snop  }
0x5: {  	_ = 	snop  }
0x6: {  	_ = 	snop  }
0x7: {  	_ = 	snop  }
__scs_overlays_trampoline_lowered:
0x8: {  	[smem:$0x3FA8] =	sst s0  }
0x9: {  	[smem:$0x3FA9] =	sst s1  }
0xa: {  	[smem:$0x3FAA] =	sst s2  }
0xb: {  	[smem:$0x3FAB] =	sst s3  }
0xc: {  	[smem:$0x3FAC] =	sst s4  }
0xd: {  	[smem:$0x3FAD] =	sst s5  }
0xe: {  	[smem:$0x3FAE] =	sst s6  }
0xf: {  	[smem:$0x3FAF] =	sst s7  }
0x10: {  	[smem:$0x3FB0] =	sst s8  }
0x11: {  	[smem:$0x3FB1] =	sst s9;
	s0 =	simm.s32 @!p0 $0x0  }
0x12: {  	s1 =	sld [smem:$0x3F97];
	s0 =	simm.s32 @p0 $0x1  }
0x13: {  	[smem:$0x3FB2] =	sst s0;
	s0 =	simm.s32 @!p1 $0x0  }
0x14: {  	s2 =	sld [smem:$0x3F96];
	s0 =	simm.s32 @p1 $0x1  }
0x15: {  	[smem:$0x3FB3] =	sst s0;
	s0 =	simm.s32 @!p2 $0x0  }
0x16: {  	s3 =	sld [smem:$0x3FDB];
	s0 =	simm.s32 @p2 $0x1  }
0x17: {  	s4 =	simm.s32 $0x1BF5;
	[smem:$0x3FB5] =	sst s0  }
0x18: {  	s0 =	sld [smem:$0x3F98];
	_ =	swait.ge [sflag:s4], $0x0  }
0x19: {  	s7 =	sld [smem:$0x3F99]  }
0x1a: {  	s8 =	sadd.s32 $0xFFFFE003, lr  }
0x1b: {  	s9 =	sadd.s32 $0xFFFFFEF7, lr;
	s5 =	simm.s32 $0xFFFFFFFF;
	p2 =	slt.u32 s8, $0xFFFFF086  }
0x1c: {  	p1 =	slt.u32 s9, $0xF7A;
	s5 =	simm.s32 @!p2 $0x0  }
0x1d: {  	s5 =	simm.s32 @p1 $0x1;
	p0 =	seq.s32 s7, s2  }
0x1e: {  	s7 =	smul.u32 @!p0 $0xF7A, s2;
	p2 =	seq.s32 @!p0 s5, $0x0  }
0x1f: {  	s9 =	smul.u32 $0xF7A, s1;
	s8 =	simm.s32 @!p0 $0x1BF5;
	p2 =	por !p2, p0  }
0x20: {  	[sflag:s8] =	ssyncset.s32 @!p0 $0xFFFFF086;
	s6 =	sadd.s32 @!p0 s3, s7;
	s7 =	simm.s32 @!p0 $0x108  }
0x21: {  	s3 =	sadd.s32 s3, s9;
	s6 =	sadd.s32 @!p0 $0x88, s6;
	s7 =	simm.s32 @p2 $0x1082  }
0x22: {  	[simem:s7], [sflag:s8] =	dma.local @!p0 [hbm:s6], $0xF7A  }
0x23: {  	s9 =	sor.u32 $0xD0000000, s2;
	s6 =	simm.s32 $0x108;
	_ =	swait.ge @!p0 [sflag:s8], $0x0  }
0x24: {  	s3 =	sadd.s32 $0x88, s3;
	s6 =	simm.s32 @!p1 $0x1082;
	[sflag:s4] =	ssyncset.s32 $0xFFFFF086  }
0x25: {  	[simem:s6], [sflag:s4] =	dma.local [hbm:s3], $0xF7A  }
0x26: {  	[smem:$0x3F99] =	sst s1;
	(tag) =	ssettag s2;
	_ =	strace s9  }
0x27: {  	s1 =	sld [smem:$0x3FA9]  }
0x28: {  	s2 =	sld [smem:$0x3FAA]  }
0x29: {  	s4 =	sld [smem:$0x3FAC]  }
0x2a: {  	p0 =	seq.s32 s5, $0x0;
	s5 =	sld [smem:$0x3FAD]  }
0x2b: {  	s6 =	sld [smem:$0x3FAE]  }
0x2c: {  	s7 =	sld [smem:$0x3FAF]  }
0x2d: {  	s3 =	simm.s32 $0x108;
	s8 =	sld [smem:$0x3FB0]  }
0x2e: {  	s3 =	simm.s32 @!p0 $0x1082;
	s9 =	sld [smem:$0x3FB1]  }
0x2f: {  	lr =	sadd.s32 s0, s3;
	s0 =	sld [smem:$0x3FA8]  }
0x30: {  	s3 =	sld [smem:$0x3FAB]  }
0x31: {  	[smem:$0x3FB4] =	sst s10  }
0x32: {  	s10 =	sld [smem:$0x3FB2];
	_ =	sdelay $0x3  }
0x33: {  	p0 =	seq.s32 s10, $0x1;
	s10 =	sld [smem:$0x3FB4];
	_ =	sdelay $0x3  }
0x34: {  	[smem:$0x3FB4] =	sst s10  }
0x35: {  	s10 =	sld [smem:$0x3FB3];
	_ =	sdelay $0x3  }
0x36: {  	p1 =	seq.s32 s10, $0x1;
	s10 =	sld [smem:$0x3FB4];
	_ =	sdelay $0x3  }
0x37: {  	[smem:$0x3FB4] =	sst s10  }
0x38: {  	s10 =	sld [smem:$0x3FB5]  }
0x39: {  	_ = 	snop;
	(pc) =	sbr.ind lr, $3  }
0x3a: {  	_ = 	snop  }
0x3b: {  	_ = 	snop  }
0x3c: {  	p2 =	seq.s32 s10, $0x1;
	s10 =	sld [smem:$0x3FB4]  }
0x3d: {  	_ =	shalt  }
0x3e: {  	_ =	shalt  }
0x3f: {  	_ =	shalt  }
0x40: {  	_ =	shalt  }
0x41: {  	_ =	shalt  }
0x42: {  	_ =	shalt  }
0x43: {  	_ =	shalt  }
0x44: {  	_ =	shalt  }
0x45: {  	_ =	shalt  }
0x46: {  	_ =	shalt  }
0x47: {  	_ =	shalt  }
0x48: {  	_ =	shalt  }
0x49: {  	_ =	shalt  }
0x4a: {  	_ =	shalt  }
0x4b: {  	_ =	shalt  }
0x4c: {  	_ =	shalt  }
0x4d: {  	_ =	shalt  }
0x4e: {  	_ =	shalt  }
0x4f: {  	_ =	shalt  }
0x50: {  	_ =	shalt  }
0x51: {  	_ =	shalt  }
0x52: {  	_ =	shalt  }
0x53: {  	_ =	shalt  }
0x54: {  	_ =	shalt  }
0x55: {  	_ =	shalt  }
0x56: {  	_ =	shalt  }
0x57: {  	_ =	shalt  }
0x58: {  	_ =	shalt  }
0x59: {  	_ =	shalt  }
0x5a: {  	_ =	shalt  }
0x5b: {  	_ =	shalt  }
0x5c: {  	_ =	shalt  }
0x5d: {  	_ =	shalt  }
0x5e: {  	_ =	shalt  }
0x5f: {  	_ =	shalt  }
0x60: {  	_ =	shalt  }
0x61: {  	_ =	shalt  }
0x62: {  	_ =	shalt  }
0x63: {  	_ =	shalt  }
0x64: {  	_ =	shalt  }
0x65: {  	_ =	shalt  }
0x66: {  	_ =	shalt  }
0x67: {  	_ =	shalt  }
0x68: {  	_ =	shalt  }
0x69: {  	_ =	shalt  }
0x6a: {  	_ =	shalt  }
0x6b: {  	_ =	shalt  }
0x6c: {  	_ =	shalt  }
0x6d: {  	_ =	shalt  }
0x6e: {  	_ =	shalt  }
0x6f: {  	_ =	shalt  }
0x70: {  	_ =	shalt  }
0x71: {  	_ =	shalt  }
0x72: {  	_ =	shalt  }
0x73: {  	_ =	shalt  }
0x74: {  	_ =	shalt  }
0x75: {  	_ =	shalt  }
0x76: {  	_ =	shalt  }
0x77: {  	_ =	shalt  }
0x78: {  	_ =	shalt  }
0x79: {  	_ =	shalt  }
0x7a: {  	_ =	shalt  }
0x7b: {  	_ =	shalt  }
0x7c: {  	_ =	shalt  }
0x7d: {  	_ =	shalt  }
0x7e: {  	_ =	shalt  }
0x7f: {  	_ =	shalt  }
0x80: {  	_ =	shalt  }
0x81: {  	_ =	shalt  }
0x82: {  	_ =	shalt  }
0x83: {  	_ =	shalt  }
0x84: {  	_ =	shalt  }
0x85: {  	_ =	shalt  }
0x86: {  	_ =	shalt  }
0x87: {  	_ =	shalt  }
.Lfunc_end0:
.L_simem_size_0:
called_computation.1_lowered:
.L_overlay_start_0:
0x88: {  	s2 =	sld [smem:$0x3FD9]  }
0x89: {  	s3 =	sld [smem:$0x3FFE];
	_ =	sdelay $0x1  }
0x8a: {  	s1 =	srdreg.scid  }
0x8b: {  	s0 =	sand.u32 $0x1, s1  }
0x8c: {  	s14 =	sshll.u32 s0, $0xA;
	s2 =	sadd.s32 s3, s2  }
0x8d: {  	s2 =	sadd.s32 s2, s14  }
0x8e: {  	[smem:$0x3FC0] =	sst s2  }
0x8f: {  	_ = 	snop  }
0x90: {  	s2 =	sld [smem:$0x3FD0];
	_ =	sdelay $0x2  }
0x91: {  	s15 =	simm.s32 $0xA;
	s4 =	simm.s32 $0x10  }
0x92: {  	[smem:s4], [sflag:s15] =	dma.local [hbm:s2], $0x1  }
0x93: {  	_ =	swait.eq [sflag:s15], $0x1  }
0x94: {  	[sflag:s15] =	ssyncset.done $0x0  }
0x95: {  	s16 =	sld [smem:$0x11];
	[sflag:s15] =	ssyncadd.s32 $0xFFFFFFFF  }
0x96: {  	s17 =	sld [smem:$0x12];
	(tm) =	ssettm $0x1  }
0x97: {  	s18 =	sld [smem:$0x3FFB];
	_ =	sdelay $0x3  }
0x98: {  	_ =	strace s18  }
0x99: {  	s4 =	sld [smem:$0x3FFC];
	_ =	sdelay $0x3  }
0x9a: {  	_ =	strace s4  }
0x9b: {  	s4 =	sld [smem:$0x3FFD];
	_ =	sdelay $0x3  }
0x9c: {  	_ =	strace s4  }
0x9d: {  	_ =	strace $0x8FFFFFFF  }
0x9e: {  	s19 =	sld [smem:$0x3FDB];
	_ =	sdelay $0x1  }
0x9f: {  	s5 =	simm.s32 $_scs_section_size  }
0xa0: {  	s6 =	simm.s32 $_size__tile_overlayer_lowered;
	s7 =	simm.s32 $_tile_overlayer_lowered  }
0xa1: {  	s22 =	simm.s32 $0x1BFF;
	s21 =	sshll.u32 s7, $0x1;
	s4 =	sadd.s32 s5, s19  }
0xa2: {  	s8 =	simm.s32 $0x0;
	s20 =	sshll.u32 s6, $0x1;
	s6 =	sadd.s32 s21, s4  }
0xa3: {  	[timem:s8], [sflag:s22] =	dma.local [hbm:s6], s20  }
0xa4: {  	_ =	swait.ge [sflag:s22], s20  }
0xa5: {  	s5 =	ssub.s32 $0x0, s20;
	[sflag:s22] =	ssyncset.done $0x0  }
0xa6: {  	[sflag:s22] =	ssyncadd.s32 s5;
	_ =	sdelay $0x1  }
0xa7: {  	s23 =	simm.s32 $0x1B8B  }
0xa8: {  	_ =	swait.ge [sflag:s23], $0x1  }
0xa9: {  	[sflag:s23] =	ssyncset.done $0x0  }
0xaa: {  	s25 =	simm.s32 $0x1B8E;
	s24 =	sld [smem:$0x3FFE];
	[sflag:s23] =	ssyncadd.s32 $0xFFFFFFFF  }
0xab: {  	s26 =	simm.s32 $execute0_lowered;
	[smem:$0x3FD2] =	sst s25  }
0xac: {  	s6 =	sshll.u32 s26, $0x1;
	_ =	strace $0x80000049;
	[dreg:$0x1] =	wrdreg $0xFFFFFFFF  }
0xad: {  	s28 =	simm.s32 $_size_execute0_lowered;
	s4 =	sadd.s32 s4, s6;
	[dreg:$0x0] =	wrdreg $0x0  }
0xae: {  	s6 =	sshll.u32 s28, $0x1;
	[dreg:$0x2] =	wrdreg s4  }
0xaf: {  	[dreg:$0x3] =	wrdreg s6  }
0xb0: {  	[dreg:$0x4] =	wrdreg $0xC0  }
0xb1: {  	_ =	task [dreg:s8], $0x5FFFF  }
0xb2: {  	[dreg:$0x1] =	wrdreg $0xFFFFFFFF  }
0xb3: {  	[dreg:$0x0] =	wrdreg $0x60  }
0xb4: {  	[dreg:$0x2] =	wrdreg s24  }
0xb5: {  	[dreg:$0x3] =	wrdreg s16  }
0xb6: {  	[dreg:$0x4] =	wrdreg s17  }
0xb7: {  	[dreg:$0x5] =	wrdreg $0x9  }
0xb8: {  	_ =	task.clear_ibuf [dreg:s8], $0x6FFFF;
	_ =	strace $0x90000049  }
0xb9: {  	s29 =	simm.s32 $0x9;
	_ =	strace $0x8000004B  }
0xba: {  	_ =	swait.ge [sflag:s29], $0x1  }
0xbb: {  	[sflag:s29] =	ssyncadd.s32 $0xFFFFFFFF  }
0xbc: {  	_ =	strace $0x9000004B  }
0xbd: {  	_ =	sfence  }
0xbe: {  	s30 =	sld [smem:$0x0];
	_ =	sdelay $0x2  }
0xbf: {  	s31 =	sshll.u32 s1, $0xD;
	s1 =	sshrl.u32 s1, $0x2  }
0xc0: {  	s3 =	sand.u32 $0x4000, s31;
	s1 =	sadd.s32 s1, s30  }
0xc1: {  	s0 =	sor.u32 s3, s0;
	s1 =	sshll.u32 s1, $0x11  }
0xc2: {  	s0 =	sor.u32 s1, s0  }
0xc3: {  	s0 =	sadd.s32 $0x8F2B, s0  }
0xc4: {  	[sflag:s0] =	ssyncadd.remote.s32 $0x1  }
0xc5: {  	_ =	sfence.sel $0xFFFF  }
0xc6: {  	[dreg:$0x0] =	wrdreg $0xFFFFFFFF;
	(pc) =	sbr.abs _section_cstart, $3  }
0xc7: {  	[dreg:$0x1] =	wrdreg $0xFFFFFFFF  }
0xc8: {  	_ =	task.clear_ibuf [dreg:s8], $0x2FFFF;
	_ =	strace $0x9FFFFFFF  }
0xc9: {  	(tm) =	ssettm $0x7FFFFFFF  }
tec
execute0_lowered:
.L_overlay_start_1:
0x0: {  	(tag) =	ssettag $0x1  }
0x1: {  	s5 =	rddreg [dreg:$0x0]  }
0x2: {  	s1 =	rddreg [dreg:$0x1]  }
0x3: {  	s3 =	rddreg [dreg:$0x2]  }
0x4: {  	s0 =	rddreg [dreg:$0x3]  }
0x5: {  	s4 =	simm.s32 $0x0;
	s6 =	srdreg.scid;
	s2 =	stileid.u32  }
0x6: {  	s10 =	simm.s32 $0x100;
	s11 =	simm.s32 $0x4100;
	s12 =	simm.s32 $0x1  }
0x7: {  	s13 =	simm.s32 $0x80;
	s14 =	simm.s32 $0x8100;
	s15 =	simm.s32 $0x10100  }
0x8: {  	s16 =	simm.s32 $0xC100;
	s17 =	simm.s32 $0x14100;
	s18 =	simm.s32 $0x2  }
0x9: {  	[smem:$0x7FF] =	sst s4;
	s6 =	sand.u32 $0x1, s6;
	s7 =	sshll.u32 s2, $0x1  }
0xa: {  	s19 =	simm.s32 $0x0;
	_ =	strace $0x8000004A;
	s7 =	sor.u32 s6, s7  }
0xb: {  	s6 =	ssub.s32 $0x2, s6;
	s8 =	sshll.u32 s7, $0xC;
	s7 =	sshll.u32 s7, $0x5  }
0xc: {  	s9 =	sshrl.u32 s6, $0x1;
	s8 =	sadd.s32 s8, s5;
	s5 =	sadd.s32 s7, s5  }
0xd: {  	s9 =	ssub.s32 s6, s9;
	s5 =	sadd.s32 $0x24200, s5;
	s6 =	sadd.s32 $0x24600, s8  }
0xe: {  	s7 =	sadd.s32 $0x24E00, s8;
	s8 =	smax.u32 s9, $0x1;
	s9 =	simm.s32 $0x3  }
.LBB2_1:
0xf: {  	[tilespmem:s4], [sflag:$0x3] =	stream.linear.gather [hbm4b:s5+s4], $0x100, $0x38;
	[tilespmem:$0x18100] =	vst v63  }
0x10: {  	_ =	swait.ge [sflag:s9], $0x100  }
0x11: {  	[sflag:s9] =	ssyncset.done $0x0  }
0x12: {  	[sflag:s9] =	ssyncadd.s32 $0xFFFFFF00  }
0x13: {  	[tilespmem:s10], [sflag:$0x1] =	stream.linear.gather [hbm4b:s6+s4], $0x4000, $0x38;
	[tilespmem:$0x18100] =	vst v63  }
0x14: {  	_ = 	snop  }
0x15: {  	[tilespmem:s11], [sflag:$0x1] =	stream.linear.gather [hbm4b:s7+s4], $0x4000, $0x38;
	[tilespmem:$0x18100] =	vst v63  }
0x16: {  	_ =	swait.ge [sflag:s12], $0x4000  }
0x17: {  	[sflag:s12] =	ssyncset.done $0x0  }
0x18: {  	s20 =	simm.s32 $0x0;
	[sflag:s12] =	ssyncadd.s32 $0xFFFFC000  }
0x19: {  	v0 =	vld [tilespmem:s20+$0x170]  }
0x1a: {  	v1 =	vld [tilespmem:s20+$0x100];
	_ =	sdelay $0x1  }
0x1b: {  	v2 =	vld [tilespmem:s20+$0x110]  }
0x1c: {  	v5 =	vld [tilespmem:s20+$0x140]  }
0x1d: {  	v6 =	vshll.u32 v0, $0x10  }
0x1e: {  	v3 =	vld [tilespmem:s20+$0x120];
	v8 =	vand.u32 $0xFFFF0000, v1;
	[tilespmem:s20+$0x10170] =	vst v6  }
0x1f: {  	v1 =	vshll.u32 v1, $0x10;
	[tilespmem:s20+$0x8100] =	vst v8  }
0x20: {  	v4 =	vld [tilespmem:s20+$0x130];
	v62 =	vand.u32 $0xFFFF0000, v2;
	[tilespmem:s20+$0x10100] =	vst v1  }
0x21: {  	v7 =	vld [tilespmem:s20+$0x150];
	v63 =	vand.u32 $0xFFFF0000, v5;
	[tilespmem:s20+$0x8110] =	vst v62  }
0x22: {  	v6 =	vld [tilespmem:s20+$0x160];
	v1 =	vshll.u32 v2, $0x10;
	[tilespmem:s20+$0x8140] =	vst v63  }
0x23: {  	v2 =	vand.u32 $0xFFFF0000, v3;
	[tilespmem:s20+$0x10110] =	vst v1  }
0x24: {  	v1 =	vshll.u32 v3, $0x10;
	[tilespmem:s20+$0x8120] =	vst v2  }
0x25: {  	v0 =	vand.u32 $0xFFFF0000, v0;
	v2 =	vand.u32 $0xFFFF0000, v4;
	[tilespmem:s20+$0x10120] =	vst v1  }
0x26: {  	v5 =	vshll.u32 v5, $0x10;
	v3 =	vshll.u32 v7, $0x10;
	v1 =	vshll.u32 v4, $0x10;
	[tilespmem:s20+$0x8130] =	vst v2  }
0x27: {  	s21 =	simm.s32 $0x80;
	s22 =	simm.s32 $0x400;
	v4 =	vand.u32 $0xFFFF0000, v7;
	[tilespmem:s20+$0x10130] =	vst v1;
	v2 =	vand.u32 $0xFFFF0000, v6;
	v1 =	vshll.u32 v6, $0x10  }
.LBB2_2:
0x28: {  	p0 =	sne.s32 s22, $0xFE00;
	v6 =	vld [tilespmem:s21+$0x170];
	[tilespmem:s20+$0x10140] =	vst v5  }
0x29: {  	v5 =	vld [tilespmem:s21+$0x100];
	[tilespmem:s20+$0x8150] =	vst v4  }
0x2a: {  	v4 =	vld [tilespmem:s21+$0x110];
	[tilespmem:s20+$0x10150] =	vst v3  }
0x2b: {  	v3 =	vld [tilespmem:s21+$0x120];
	[tilespmem:s20+$0x8160] =	vst v2  }
0x2c: {  	v2 =	vld [tilespmem:s21+$0x130];
	[tilespmem:s20+$0x10160] =	vst v1  }
0x2d: {  	v1 =	vld [tilespmem:s21+$0x140];
	v7 =	vshll.u32 v6, $0x10;
	[tilespmem:s20+$0x8170] =	vst v0;
	v0 =	vand.u32 $0xFFFF0000, v6;
	s20 =	smov.u32 s21  }
0x2e: {  	v6 =	vand.u32 $0xFFFF0000, v5;
	v5 =	vshll.u32 v5, $0x10;
	v8 =	vld [tilespmem:s20+$0x150];
	[tilespmem:s20+$0x10170] =	vst v7  }
0x2f: {  	[tilespmem:s20+$0x8100] =	vst v6;
	v6 =	vand.u32 $0xFFFF0000, v4;
	v4 =	vshll.u32 v4, $0x10;
	v7 =	vld [tilespmem:s20+$0x160]  }
0x30: {  	[tilespmem:s20+$0x10100] =	vst v5;
	v9 =	vand.u32 $0xFFFF0000, v3;
	v10 =	vshll.u32 v3, $0x10  }
0x31: {  	[tilespmem:s20+$0x8110] =	vst v6;
	v6 =	vand.u32 $0xFFFF0000, v2;
	v11 =	vshll.u32 v2, $0x10  }
0x32: {  	[tilespmem:s20+$0x10110] =	vst v4;
	v12 =	vand.u32 $0xFFFF0000, v1;
	v5 =	vshll.u32 v1, $0x10  }
.Ltmp0:
0x33: {  	[tilespmem:s20+$0x8120] =	vst v9;
	v4 =	vand.u32 $0xFFFF0000, v8;
	v3 =	vshll.u32 v8, $0x10;
	(pc) =	sbr.rel @p0 .LBB2_2-.Ltmp0, $4  }
0x34: {  	[tilespmem:s20+$0x10120] =	vst v10;
	v2 =	vand.u32 $0xFFFF0000, v7;
	v1 =	vshll.u32 v7, $0x10  }
0x35: {  	[tilespmem:s20+$0x8130] =	vst v6  }
0x36: {  	[tilespmem:s20+$0x10130] =	vst v11  }
0x37: {  	s21 =	sshra.s32 s22, $0x2;
	s22 =	sadd.s32 $0x200, s22;
	[tilespmem:s20+$0x8140] =	vst v12  }
0x38: {  	v6 =	vld [tilespmem:s21+$0x170];
	[tilespmem:s20+$0x10140] =	vst v5  }
0x39: {  	v5 =	vld [tilespmem:s21+$0x100];
	[tilespmem:s20+$0x8150] =	vst v4  }
0x3a: {  	v4 =	vld [tilespmem:s21+$0x110];
	[tilespmem:s20+$0x10150] =	vst v3  }
0x3b: {  	v3 =	vld [tilespmem:s21+$0x120];
	[tilespmem:s20+$0x8160] =	vst v2  }
0x3c: {  	v2 =	vld [tilespmem:s21+$0x130];
	[tilespmem:s20+$0x10160] =	vst v1  }
0x3d: {  	v1 =	vld [tilespmem:s21+$0x140];
	[tilespmem:s20+$0x8170] =	vst v0;
	v0 =	vshll.u32 v6, $0x10  }
0x3e: {  	v8 =	vand.u32 $0xFFFF0000, v5;
	[tilespmem:s21+$0x10170] =	vst v0  }
0x3f: {  	v0 =	vshll.u32 v5, $0x10;
	[tilespmem:s21+$0x8100] =	vst v8  }
0x40: {  	v60 =	vand.u32 $0xFFFF0000, v4;
	[tilespmem:s21+$0x10100] =	vst v0  }
0x41: {  	v0 =	vshll.u32 v4, $0x10;
	[tilespmem:s21+$0x8110] =	vst v60  }
0x42: {  	v4 =	vand.u32 $0xFFFF0000, v3;
	[tilespmem:s21+$0x10110] =	vst v0  }
0x43: {  	v7 =	vld [tilespmem:s21+$0x150];
	v0 =	vshll.u32 v3, $0x10;
	[tilespmem:s21+$0x8120] =	vst v4  }
0x44: {  	v3 =	vand.u32 $0xFFFF0000, v2;
	[tilespmem:s21+$0x10120] =	vst v0  }
0x45: {  	v5 =	vld [tilespmem:s21+$0x160];
	v0 =	vshll.u32 v2, $0x10;
	[tilespmem:s21+$0x8130] =	vst v3  }
0x46: {  	v2 =	vand.u32 $0xFFFF0000, v1;
	[tilespmem:s21+$0x10130] =	vst v0  }
0x47: {  	v0 =	vshll.u32 v1, $0x10;
	[tilespmem:s21+$0x8140] =	vst v2  }
0x48: {  	v1 =	vand.u32 $0xFFFF0000, v7;
	[tilespmem:s21+$0x10140] =	vst v0  }
0x49: {  	v0 =	vshll.u32 v7, $0x10;
	[tilespmem:s21+$0x8150] =	vst v1  }
0x4a: {  	v1 =	vand.u32 $0xFFFF0000, v5;
	[tilespmem:s21+$0x10150] =	vst v0  }
0x4b: {  	v0 =	vshll.u32 v5, $0x10;
	[tilespmem:s21+$0x8160] =	vst v1  }
0x4c: {  	v1 =	vand.u32 $0xFFFF0000, v6;
	[tilespmem:s21+$0x10160] =	vst v0  }
0x4d: {  	s31 =	simm.s32 $0x0;
	[tilespmem:s21+$0x8170] =	vst v1  }
0x4e: {  	[hbm4b:s1+s13] =	stream.indirect.scatter [tilespmem:s14], [sflag:$0x2], $0x80, s31, s13, $0xb8;
	[tilespmem:$0x18100] =	vst v63  }
0x4f: {  	_ = 	snop  }
0x50: {  	[hbm4b:s3+s13] =	stream.indirect.scatter [tilespmem:s15], [sflag:$0x2], $0x80, s31, s13, $0xb8;
	[tilespmem:$0x18100] =	vst v63  }
0x51: {  	_ =	swait.ge [sflag:s12], $0x4000  }
0x52: {  	[sflag:s12] =	ssyncset.done $0x0  }
0x53: {  	s20 =	simm.s32 $0x0;
	[sflag:s12] =	ssyncadd.s32 $0xFFFFC000  }
0x54: {  	v0 =	vld [tilespmem:s20+$0x4170]  }
0x55: {  	v1 =	vld [tilespmem:s20+$0x4100];
	_ =	sdelay $0x1  }
0x56: {  	v2 =	vld [tilespmem:s20+$0x4110]  }
0x57: {  	v5 =	vld [tilespmem:s20+$0x4140]  }
0x58: {  	v6 =	vshll.u32 v0, $0x10  }
0x59: {  	v3 =	vld [tilespmem:s20+$0x4120];
	v61 =	vand.u32 $0xFFFF0000, v1;
	[tilespmem:s20+$0x14170] =	vst v6  }
0x5a: {  	v1 =	vshll.u32 v1, $0x10;
	[tilespmem:s20+$0xC100] =	vst v61  }
0x5b: {  	v4 =	vld [tilespmem:s20+$0x4130];
	v62 =	vand.u32 $0xFFFF0000, v2;
	[tilespmem:s20+$0x14100] =	vst v1  }
0x5c: {  	v7 =	vld [tilespmem:s20+$0x4150];
	v63 =	vand.u32 $0xFFFF0000, v5;
	[tilespmem:s20+$0xC110] =	vst v62  }
0x5d: {  	v6 =	vld [tilespmem:s20+$0x4160];
	v1 =	vshll.u32 v2, $0x10;
	[tilespmem:s20+$0xC140] =	vst v63  }
0x5e: {  	v2 =	vand.u32 $0xFFFF0000, v3;
	[tilespmem:s20+$0x14110] =	vst v1  }
0x5f: {  	v1 =	vshll.u32 v3, $0x10;
	[tilespmem:s20+$0xC120] =	vst v2  }
0x60: {  	v0 =	vand.u32 $0xFFFF0000, v0;
	v2 =	vand.u32 $0xFFFF0000, v4;
	[tilespmem:s20+$0x14120] =	vst v1  }
0x61: {  	v5 =	vshll.u32 v5, $0x10;
	v3 =	vshll.u32 v7, $0x10;
	v1 =	vshll.u32 v4, $0x10;
	[tilespmem:s20+$0xC130] =	vst v2  }
0x62: {  	s22 =	simm.s32 $0x400;
	s21 =	simm.s32 $0x80;
	v4 =	vand.u32 $0xFFFF0000, v7;
	[tilespmem:s20+$0x14130] =	vst v1;
	v2 =	vand.u32 $0xFFFF0000, v6;
	v1 =	vshll.u32 v6, $0x10  }
.LBB2_4:
0x63: {  	p0 =	sne.s32 s22, $0xFE00;
	v6 =	vld [tilespmem:s21+$0x4170];
	[tilespmem:s20+$0x14140] =	vst v5  }
0x64: {  	v5 =	vld [tilespmem:s21+$0x4100];
	[tilespmem:s20+$0xC150] =	vst v4  }
0x65: {  	v4 =	vld [tilespmem:s21+$0x4110];
	[tilespmem:s20+$0x14150] =	vst v3  }
0x66: {  	v3 =	vld [tilespmem:s21+$0x4120];
	[tilespmem:s20+$0xC160] =	vst v2  }
0x67: {  	v2 =	vld [tilespmem:s21+$0x4130];
	[tilespmem:s20+$0x14160] =	vst v1  }
0x68: {  	v1 =	vld [tilespmem:s21+$0x4140];
	v7 =	vshll.u32 v6, $0x10;
	[tilespmem:s20+$0xC170] =	vst v0;
	v0 =	vand.u32 $0xFFFF0000, v6;
	s20 =	smov.u32 s21  }
0x69: {  	v6 =	vand.u32 $0xFFFF0000, v5;
	v5 =	vshll.u32 v5, $0x10;
	v8 =	vld [tilespmem:s20+$0x4150];
	[tilespmem:s20+$0x14170] =	vst v7  }
0x6a: {  	[tilespmem:s20+$0xC100] =	vst v6;
	v6 =	vand.u32 $0xFFFF0000, v4;
	v4 =	vshll.u32 v4, $0x10;
	v7 =	vld [tilespmem:s20+$0x4160]  }
0x6b: {  	[tilespmem:s20+$0x14100] =	vst v5;
	v9 =	vand.u32 $0xFFFF0000, v3;
	v10 =	vshll.u32 v3, $0x10  }
0x6c: {  	[tilespmem:s20+$0xC110] =	vst v6;
	v6 =	vand.u32 $0xFFFF0000, v2;
	v11 =	vshll.u32 v2, $0x10  }
0x6d: {  	[tilespmem:s20+$0x14110] =	vst v4;
	v12 =	vand.u32 $0xFFFF0000, v1;
	v5 =	vshll.u32 v1, $0x10  }
.Ltmp1:
0x6e: {  	[tilespmem:s20+$0xC120] =	vst v9;
	v4 =	vand.u32 $0xFFFF0000, v8;
	v3 =	vshll.u32 v8, $0x10;
	(pc) =	sbr.rel @p0 .LBB2_4-.Ltmp1, $4  }
0x6f: {  	[tilespmem:s20+$0x14120] =	vst v10;
	v2 =	vand.u32 $0xFFFF0000, v7;
	v1 =	vshll.u32 v7, $0x10  }
0x70: {  	[tilespmem:s20+$0xC130] =	vst v6  }
0x71: {  	[tilespmem:s20+$0x14130] =	vst v11  }
0x72: {  	s21 =	sshra.s32 s22, $0x2;
	s22 =	sadd.s32 $0x200, s22;
	[tilespmem:s20+$0xC140] =	vst v12  }
0x73: {  	v6 =	vld [tilespmem:s21+$0x4170];
	[tilespmem:s20+$0x14140] =	vst v5  }
0x74: {  	v5 =	vld [tilespmem:s21+$0x4100];
	[tilespmem:s20+$0xC150] =	vst v4  }
0x75: {  	v4 =	vld [tilespmem:s21+$0x4110];
	[tilespmem:s20+$0x14150] =	vst v3  }
0x76: {  	v3 =	vld [tilespmem:s21+$0x4120];
	[tilespmem:s20+$0xC160] =	vst v2  }
0x77: {  	v2 =	vld [tilespmem:s21+$0x4130];
	[tilespmem:s20+$0x14160] =	vst v1  }
0x78: {  	v1 =	vld [tilespmem:s21+$0x4140];
	[tilespmem:s20+$0xC170] =	vst v0;
	v48 =	vshll.u32 v6, $0x10  }
0x79: {  	v63 =	vand.u32 $0xFFFF0000, v6;
	[tilespmem:s21+$0x14170] =	vst v48  }
0x7a: {  	v8 =	vand.u32 $0xFFFF0000, v5;
	[tilespmem:s21+$0xC170] =	vst v63  }
0x7b: {  	v49 =	vshll.u32 v5, $0x10;
	[tilespmem:s21+$0xC100] =	vst v8  }
0x7c: {  	v51 =	vand.u32 $0xFFFF0000, v4;
	[tilespmem:s21+$0x14100] =	vst v49  }
0x7d: {  	v52 =	vshll.u32 v4, $0x10;
	[tilespmem:s21+$0xC110] =	vst v51  }
0x7e: {  	v53 =	vand.u32 $0xFFFF0000, v3;
	[tilespmem:s21+$0x14110] =	vst v52  }
0x7f: {  	v7 =	vld [tilespmem:s21+$0x4150];
	v54 =	vshll.u32 v3, $0x10;
	[tilespmem:s21+$0xC120] =	vst v53  }
0x80: {  	v55 =	vand.u32 $0xFFFF0000, v2;
	[tilespmem:s21+$0x14120] =	vst v54  }
0x81: {  	v50 =	vld [tilespmem:s21+$0x4160];
	v56 =	vshll.u32 v2, $0x10;
	[tilespmem:s21+$0xC130] =	vst v55  }
0x82: {  	v57 =	vand.u32 $0xFFFF0000, v1;
	[tilespmem:s21+$0x14130] =	vst v56  }
0x83: {  	v58 =	vshll.u32 v1, $0x10;
	[tilespmem:s21+$0xC140] =	vst v57  }
0x84: {  	v59 =	vand.u32 $0xFFFF0000, v7;
	[tilespmem:s21+$0x14140] =	vst v58  }
0x85: {  	v60 =	vshll.u32 v7, $0x10;
	[tilespmem:s21+$0xC150] =	vst v59  }
0x86: {  	v61 =	vand.u32 $0xFFFF0000, v50;
	[tilespmem:s21+$0x14150] =	vst v60  }
0x87: {  	v62 =	vshll.u32 v50, $0x10;
	[tilespmem:s21+$0xC160] =	vst v61  }
0x88: {  	[tilespmem:s21+$0x14160] =	vst v62  }
0x89: {  	[hbm4b:s1+s13] =	stream.indirect.scatter [tilespmem:s16], [sflag:$0x2], $0x80, s13, s13, $0xb8;
	[tilespmem:$0x18100] =	vst v63  }
0x8a: {  	_ = 	snop  }
0x8b: {  	[hbm4b:s3+s13] =	stream.indirect.scatter [tilespmem:s17], [sflag:$0x2], $0x80, s13, s13, $0xb8;
	[tilespmem:$0x18100] =	vst v63  }
0x8c: {  	_ =	swait.ge [sflag:s18], $0x4000  }
0x8d: {  	[sflag:s18] =	ssyncset.done $0x0  }
0x8e: {  	[sflag:s18] =	ssyncadd.s32 $0xFFFFC000  }
0x8f: {  	_ =	swait.ge [sflag:s18], $0x4000  }
0x90: {  	[sflag:s18] =	ssyncset.done $0x0  }
0x91: {  	s19 =	sadd.s32 $0x1, s19;
	[sflag:s18] =	ssyncadd.s32 $0xFFFFC000  }
0x92: {  	p0 =	sne.s32 s19, s8;
	_ =	swait.ge [sflag:s18], $0x4000  }
.Ltmp2:
0x93: {  	[sflag:s18] =	ssyncset.done $0x0;
	(pc) =	sbr.rel @p0 .LBB2_1-.Ltmp2, $4  }
0x94: {  	[sflag:s18] =	ssyncadd.s32 $0xFFFFC000  }
0x95: {  	_ =	swait.ge [sflag:s18], $0x4000  }
0x96: {  	[sflag:s18] =	ssyncset.done $0x0  }
0x97: {  	[sflag:s18] =	ssyncadd.s32 $0xFFFFC000  }
0x98: {  	_ =	sfence.sel $0x180000  }
0x99: {  	[bflag:$0x0] =	sbarrier.arrive $0xFFFF  }
0x9a: {  	p0 =	sne.s32 s2, $0x0;
	_ =	strace $0x9000004A  }
0x9b: {  	s0 =	sadd.s32 @!p0 $0x100000, s0;
	[bflag:$0x2] =	sbarrier.arrive $0xFFFF  }
0x9c: {  	[sflag:s0] =	ssyncadd.tile.s32 @!p0 $0x1;
	_ =	shalt  }
.Lfunc_end2:
_tile_overlayer_lowered:
.L_overlay_start_2:
0x9d: {  	(tag) =	ssettag $0x2  }
0x9e: {  	s0 =	rddreg [dreg:$0x0];
	s2 =	stileid.u32  }
0x9f: {  	s1 =	rddreg [dreg:$0x1];
	p0 =	sne.s32 s2, $0x0  }
0xa0: {  	s3 =	rddreg [dreg:$0x2];
	[bflag:$0x3] =	sbarrier.arrive $0xFFFF;
	s2 =	simm.s32 @!p0 $0x1C03  }
0xa1: {  	[timem:s3], [sflag:s2] =	dma.local @!p0 [hbm:s0], s1  }
0xa2: {  	s0 =	simm.s32 @!p0 $0x3  }
0xa3: {  	_ =	swait.ge @!p0 [sflag:s0], s1  }
0xa4: {  	s1 =	ssub.s32 @!p0 $0x0, s1;
	[sflag:s0] =	ssyncset.done @!p0 $0x0  }
0xa5: {  	[sflag:s0] =	ssyncadd.s32 @!p0 s1  }
0xa6: {  	[bflag:$0x3] =	sbarrier.arrive $0xFFFF  }
0xa7: {  	_ =	shalt  }

</sc_bundles>
